<compile_context>
chip_gen: v7x
topology: tpu7x:2x2x1
jax: 0.10.2.dev20260603
libtpu: 0.0.44.dev20260713+nightly
codegen_flags: <defaults>
</compile_context>

<pallas_src>
import functools

import jax
import jax.numpy as jnp
from jax import lax
from jax.experimental import pallas as pl
from jax.experimental.pallas import tpu as pltpu
from jax.experimental.pallas import tpu_sc as plsc

N = 10000
E = 320000
R = 16
RP1 = R + 1
D0 = 160
DE = 128
NG = 100

NC, NS, L = 2, 16, 16
NW = NC * NS
CHUNK = 128
EPT = 10240
NCHUNKS = EPT // CHUNK
E_PAD = NW * EPT
NBUF = 2

NACC1 = 10112
DUMMY1 = 10013
ZROWS1 = NACC1 // NS

NACC2 = 3328
DUMMY2 = 3200
ZROWS2 = NACC2 // NS

PADC = 128
COUT = EPT + PADC
CCAP = COUT + PADC + L
CTRASH = COUT + PADC


def _p_body(srcp, etp, dstp, gidx_out, cmp_src, cmp_sidx, counts,
            src_v, et_v, dst_v, csrc_v, csidx_v, cnt_v):
    cid = lax.axis_index("c")
    sid = lax.axis_index("s")
    wid = sid * NC + cid
    base = wid * EPT

    pltpu.sync_copy(srcp.at[pl.ds(base, EPT)], src_v)
    pltpu.sync_copy(etp.at[pl.ds(base, EPT)], et_v)
    pltpu.sync_copy(dstp.at[pl.ds(base, EPT)], dst_v)

    c17 = jnp.full((L,), RP1, jnp.int32)
    c100 = jnp.full((L,), 100, jnp.int32)
    c2 = jnp.full((L,), 2, jnp.int32)
    c200 = jnp.full((L,), 2 * NG, jnp.int32)
    cmagic = jnp.full((L,), 5243, jnp.int32)
    cshift = jnp.full((L,), 19, jnp.int32)
    cone = jnp.full((L,), 1, jnp.int32)
    ctrash = jnp.full((L,), CTRASH, jnp.int32)
    lane = lax.iota(jnp.int32, L)

    def idx_chunk(j, cnt):
        for i in range(CHUNK // L):
            o = pl.ds(j * CHUNK + i * L, L)
            s = src_v[o]
            e = et_v[o]
            d = dst_v[o]
            src_v[o] = s * c17 + e
            slot = jnp.remainder(d, c100)
            g = lax.shift_right_logical(d * cmagic, cshift)
            m = slot < c2
            sidx = e * c200 + g * c2 + slot
            pm = plsc.cumsum(jnp.where(m, cone, cone - cone))
            pos = jnp.where(m, jnp.full((L,), cnt, jnp.int32) + pm - cone,
                            ctrash + lane)
            plsc.store_scatter(csidx_v, [pos], sidx)
            plsc.store_scatter(csrc_v, [pos], s)
            cnt = cnt + pm[L - 1]
        return cnt

    cnt = lax.fori_loop(0, NCHUNKS, idx_chunk, 0)

    zsrc = jnp.zeros((L,), jnp.int32)
    zdum = jnp.full((L,), DUMMY2, jnp.int32)
    for i in range(PADC // L):
        csrc_v[pl.ds(cnt + i * L, L)] = zsrc
        csidx_v[pl.ds(cnt + i * L, L)] = zdum
    cnt_v[pl.ds(0, L)] = jnp.full((L,), cnt, jnp.int32)

    pltpu.sync_copy(src_v, gidx_out.at[pl.ds(base, EPT)])
    pltpu.sync_copy(csrc_v.at[pl.ds(0, COUT)], cmp_src.at[wid])
    pltpu.sync_copy(csidx_v.at[pl.ds(0, COUT)], cmp_sidx.at[wid])
    pltpu.sync_copy(cnt_v, counts.at[wid])


def _run_p(srcp, etp, dstp):
    mesh = plsc.VectorSubcoreMesh(
        core_axis_name="c", subcore_axis_name="s", num_cores=NC, num_subcores=NS)
    f = pl.kernel(
        _p_body,
        out_type=[
            jax.ShapeDtypeStruct((E_PAD,), jnp.int32),
            jax.ShapeDtypeStruct((NW, COUT), jnp.int32),
            jax.ShapeDtypeStruct((NW, COUT), jnp.int32),
            jax.ShapeDtypeStruct((NW, L), jnp.int32),
        ],
        mesh=mesh,
        compiler_params=pltpu.CompilerParams(needs_layout_passes=False),
        scratch_types=[
            pltpu.VMEM((EPT,), jnp.int32),
            pltpu.VMEM((EPT,), jnp.int32),
            pltpu.VMEM((EPT,), jnp.int32),
            pltpu.VMEM((CCAP,), jnp.int32),
            pltpu.VMEM((CCAP,), jnp.int32),
            pltpu.VMEM((L,), jnp.int32),
        ],
    )
    return f(srcp, etp, dstp)


def _a_body(feat_ref, ratio_ref, aug_ref, wcat_ref, out_ref):
    h0 = jnp.concatenate(
        [feat_ref[...],
         jnp.dot(ratio_ref[...], aug_ref[...], preferred_element_type=jnp.float32)],
        axis=1)
    for r in range(RP1):
        out_ref[:, r * DE:(r + 1) * DE] = jnp.dot(
            h0, wcat_ref[r], preferred_element_type=jnp.float32)


def _run_a(feat, ratio, aug, wcat):
    nb = 1000
    return pl.pallas_call(
        _a_body,
        grid=(N // nb,),
        in_specs=[
            pl.BlockSpec((nb, DE), lambda b: (b, 0)),
            pl.BlockSpec((nb, 32), lambda b: (b, 0)),
            pl.BlockSpec((32, 32), lambda b: (0, 0)),
            pl.BlockSpec((RP1, D0, DE), lambda b: (0, 0, 0)),
        ],
        out_specs=pl.BlockSpec((nb, RP1 * DE), lambda b: (b, 0)),
        out_shape=jax.ShapeDtypeStruct((N, RP1 * DE), jnp.float32),
    )(feat, ratio, aug, wcat)


def _b_body(tbl, gidx, dstp2d, agg_out,
            gidx_v, dst2_v, rows_v, acc, gs0, gs1, ds0, ds1):
    cid = lax.axis_index("c")
    sid = lax.axis_index("s")
    wid = sid * NC + cid
    base = wid * EPT
    cbase = wid * NCHUNKS

    fz = jnp.zeros((L,), jnp.float32)

    def zrow(r, carry):
        for i in range(DE // L):
            rows_v[0, r, pl.ds(i * L, L)] = fz
        return carry

    lax.fori_loop(0, CHUNK, zrow, 0)
    for k in range(ZROWS1 // CHUNK):
        pltpu.sync_copy(rows_v.at[0],
                        acc.at[pl.ds(sid * ZROWS1 + k * CHUNK, CHUNK)])
    rem = ZROWS1 % CHUNK
    pltpu.sync_copy(rows_v.at[0].at[pl.ds(0, rem)],
                    acc.at[pl.ds(sid * ZROWS1 + (ZROWS1 // CHUNK) * CHUNK, rem)])
    pltpu.sync_copy(gidx.at[pl.ds(base, EPT)], gidx_v)

    gsems = (gs0, gs1)
    dsems = (ds0, ds1)

    def start_g(j, b):
        pltpu.async_copy(tbl.at[gidx_v.at[pl.ds(j * CHUNK, CHUNK)]],
                         rows_v.at[b], gsems[b])

    def wait_g(j, b):
        pltpu.make_async_copy(tbl.at[gidx_v.at[pl.ds(j * CHUNK, CHUNK)]],
                              rows_v.at[b], gsems[b]).wait()

    def start_d(j, b):
        pltpu.async_copy(dstp2d.at[cbase + j], dst2_v.at[b], dsems[b])

    def wait_d(j, b):
        pltpu.make_async_copy(dstp2d.at[cbase + j], dst2_v.at[b],
                              dsems[b]).wait()

    def scat(j, b):
        pltpu.sync_copy(rows_v.at[b], acc.at[dst2_v.at[b]], add=True)

    for b in range(NBUF):
        start_d(b, b)
        start_g(b, b)
    plsc.subcore_barrier()

    def ring(jj, carry):
        j0 = jj * NBUF
        for b in range(NBUF):
            wait_d(j0 + b, b)
            wait_g(j0 + b, b)
            scat(j0 + b, b)
            start_d(j0 + b + NBUF, b)
            start_g(j0 + b + NBUF, b)
        return carry

    lax.fori_loop(0, NCHUNKS // NBUF - 1, ring, 0)
    for b in range(NBUF):
        j = NCHUNKS - NBUF + b
        wait_d(j, b)
        wait_g(j, b)
        scat(j, b)

    plsc.subcore_barrier()

    pltpu.sync_copy(acc.at[pl.ds(sid * ZROWS1, ZROWS1)],
                    agg_out.at[cid].at[pl.ds(sid * ZROWS1, ZROWS1)])


def _run_b(tbl_flat, gidx, dstp2d):
    mesh = plsc.VectorSubcoreMesh(
        core_axis_name="c", subcore_axis_name="s", num_cores=NC, num_subcores=NS)
    f = pl.kernel(
        _b_body,
        out_type=jax.ShapeDtypeStruct((NC, NACC1, DE), jnp.float32),
        mesh=mesh,
        compiler_params=pltpu.CompilerParams(needs_layout_passes=False),
        scratch_types=[
            pltpu.VMEM((EPT,), jnp.int32),
            pltpu.VMEM((NBUF, CHUNK), jnp.int32),
            pltpu.VMEM((NBUF, CHUNK, DE), jnp.float32),
            pltpu.VMEM_SHARED((NACC1, DE), jnp.float32),
            pltpu.SemaphoreType.DMA,
            pltpu.SemaphoreType.DMA,
            pltpu.SemaphoreType.DMA,
            pltpu.SemaphoreType.DMA,
        ],
    )
    return f(tbl_flat, gidx, dstp2d)


def _d_body(agg_ref, self_ref, b1_ref, h1_ref, h1t_ref):
    h1 = jax.nn.relu(agg_ref[0] + agg_ref[1] + self_ref[...] + b1_ref[...])
    h1_ref[...] = h1
    for i in range(4):
        h1t_ref[i * 2:i * 2 + 2, :] = h1[i * 100:i * 100 + 2, :]


def _run_d(agg, tbl2d, b1):
    nb = 400
    return pl.pallas_call(
        _d_body,
        grid=(N // nb,),
        in_specs=[
            pl.BlockSpec((NC, nb, DE), lambda b: (0, b, 0)),
            pl.BlockSpec((nb, DE), lambda b: (b, R)),
            pl.BlockSpec((1, DE), lambda b: (0, 0)),
        ],
        out_specs=[
            pl.BlockSpec((nb, DE), lambda b: (b, 0)),
            pl.BlockSpec((8, DE), lambda b: (b, 0)),
        ],
        out_shape=[
            jax.ShapeDtypeStruct((N, DE), jnp.float32),
            jax.ShapeDtypeStruct((2 * NG, DE), jnp.float32),
        ],
    )(agg, tbl2d, b1)


def _e_body(h1, cmp_src, cmp_sidx, counts, s2_out,
            gsrc_v, sidx_v, cnt_v, rows_v, acc, sem):
    cid = lax.axis_index("c")
    sid = lax.axis_index("s")
    wid = sid * NC + cid

    fz = jnp.zeros((L,), jnp.float32)

    def zrow(r, carry):
        for i in range(DE // L):
            rows_v[r, pl.ds(i * L, L)] = fz
        return carry

    lax.fori_loop(0, CHUNK, zrow, 0)
    pltpu.sync_copy(rows_v, acc.at[pl.ds(sid * ZROWS2, CHUNK)])
    rem2 = ZROWS2 - CHUNK
    pltpu.sync_copy(rows_v.at[pl.ds(0, rem2)],
                    acc.at[pl.ds(sid * ZROWS2 + CHUNK, rem2)])
    pltpu.sync_copy(counts.at[wid], cnt_v)
    plsc.subcore_barrier()

    cnt = cnt_v[pl.ds(0, L)][0]
    nch = lax.shift_right_logical(cnt + CHUNK - 1, 7)

    def chunk(j, carry):
        off = j * CHUNK
        pltpu.sync_copy(cmp_src.at[wid].at[pl.ds(off, CHUNK)], gsrc_v)
        pltpu.sync_copy(cmp_sidx.at[wid].at[pl.ds(off, CHUNK)], sidx_v)
        pltpu.async_copy(h1.at[gsrc_v], rows_v, sem).wait()
        pltpu.sync_copy(rows_v, acc.at[sidx_v], add=True)
        return carry

    lax.fori_loop(0, nch, chunk, 0)
    plsc.subcore_barrier()

    pltpu.sync_copy(acc.at[pl.ds(sid * ZROWS2, ZROWS2)],
                    s2_out.at[cid].at[pl.ds(sid * ZROWS2, ZROWS2)])


def _run_e(h1, cmp_src, cmp_sidx, counts):
    mesh = plsc.VectorSubcoreMesh(
        core_axis_name="c", subcore_axis_name="s", num_cores=NC, num_subcores=NS)
    f = pl.kernel(
        _e_body,
        out_type=jax.ShapeDtypeStruct((NC, NACC2, DE), jnp.float32),
        mesh=mesh,
        compiler_params=pltpu.CompilerParams(needs_layout_passes=False),
        scratch_types=[
            pltpu.VMEM((CHUNK,), jnp.int32),
            pltpu.VMEM((CHUNK,), jnp.int32),
            pltpu.VMEM((L,), jnp.int32),
            pltpu.VMEM((CHUNK, DE), jnp.float32),
            pltpu.VMEM_SHARED((NACC2, DE), jnp.float32),
            pltpu.SemaphoreType.DMA,
        ],
    )
    return f(h1, cmp_src, cmp_sidx, counts)


def _f_body(s2_ref, h1t_ref, w2_ref, ws2_ref, b2_ref, oh_ref, emb_ref,
            se_ref, so_ref, fcw_ref, fcb_ref, ow_ref, ob_ref, out_ref):
    s2 = s2_ref[0] + s2_ref[1]
    agg2 = jnp.zeros((2 * NG, DE), jnp.float32)
    for r in range(R):
        agg2 = agg2 + jnp.dot(s2[r * 2 * NG:(r + 1) * 2 * NG], w2_ref[r],
                              preferred_element_type=jnp.float32)
    x1 = h1t_ref[...]
    h2t = jax.nn.relu(
        agg2 + jnp.dot(x1, ws2_ref[...], preferred_element_type=jnp.float32)
        + b2_ref[...])
    x = jnp.concatenate([x1, h2t], axis=1)
    heads = jnp.dot(se_ref[...], x, preferred_element_type=jnp.float32)
    tails = jnp.dot(so_ref[...], x, preferred_element_type=jnp.float32)
    relv = jnp.dot(oh_ref[...], emb_ref[...], preferred_element_type=jnp.float32)
    g = jnp.concatenate([heads, tails, relv], axis=1)
    hfc = jax.nn.relu(
        jnp.dot(g, fcw_ref[...], preferred_element_type=jnp.float32)
        + fcb_ref[...])
    out_ref[...] = (jnp.dot(hfc, ow_ref[...], preferred_element_type=jnp.float32)
                    + ob_ref[...])


def _run_f(s2, h1t, w_rel2, w_self2, b2, onehot, rel_emb, se, so,
           fc_w, fc_b, out_w, out_b):
    return pl.pallas_call(
        _f_body,
        out_shape=jax.ShapeDtypeStruct((NG, 1), jnp.float32),
    )(s2, h1t, w_rel2, w_self2, b2, onehot, rel_emb, se, so,
      fc_w, fc_b, out_w, out_b)


def kernel(feat, ratio, edge_index, edge_type, head_ids, tail_ids, rel_labels,
           aug_rel_weight, rel_emb_table, W_rel1, W_self1, b1, W_rel2, W_self2,
           b2, fc_w, fc_b, out_w, out_b):
    src = edge_index[0]
    dst = edge_index[1]
    pad = E_PAD - E
    srcp = jnp.concatenate([src, jnp.zeros((pad,), jnp.int32)])
    dstp = jnp.concatenate([dst, jnp.full((pad,), DUMMY1, jnp.int32)])
    etp = jnp.concatenate([edge_type, jnp.zeros((pad,), jnp.int32)])
    dstp2d = dstp.reshape(NW * NCHUNKS, CHUNK)

    gidx, cmp_src, cmp_sidx, counts = _run_p(srcp, etp, dstp)

    wcat = jnp.concatenate([W_rel1, W_self1[None]], axis=0)
    tbl2d = _run_a(feat, ratio, aug_rel_weight, wcat)
    tbl_flat = tbl2d.reshape(N * RP1, DE)

    agg1 = _run_b(tbl_flat, gidx, dstp2d)

    h1, h1t = _run_d(agg1, tbl2d, b1.reshape(1, DE))

    s2 = _run_e(h1, cmp_src, cmp_sidx, counts)

    onehot = (rel_labels[:, None] == jnp.arange(R, dtype=jnp.int32)[None, :]
              ).astype(jnp.float32)
    gsel = jnp.arange(NG, dtype=jnp.int32)
    rsel = jnp.arange(2 * NG, dtype=jnp.int32)
    se = (rsel[None, :] == 2 * gsel[:, None]).astype(jnp.float32)
    so = (rsel[None, :] == 2 * gsel[:, None] + 1).astype(jnp.float32)

    return _run_f(s2, h1t, W_rel2, W_self2, b2.reshape(1, DE), onehot,
                  rel_emb_table, se, so, fc_w, fc_b.reshape(1, 16),
                  out_w, out_b.reshape(1, 1))

# --- scband reference (transcript-rebuilt; emitter-appended) ---
"""Pipeline reference for scband-graph-classifier-12773232739011 (READ-ONLY COPY).

The authoritative reference and input builder live on the scoring server;
editing this copy changes nothing except your own understanding.
"""

import jax, jax.numpy as jnp
import numpy as np

N_NODES = 10000
N_EDGES = 320000
D_FEAT = 128
NUM_RELS = 16
AUG_NUM_RELS = 32
REL_EMB_DIM = 32
EMB_DIM = 128
NUM_LAYERS = 2
N_GRAPHS = 100
NODES_PER_GRAPH = 100
INP_DIM = D_FEAT + REL_EMB_DIM  # 160, feat concat ratio@aug_rel_weight
PARAM_SET_DIM = EMB_DIM * NUM_LAYERS  # 256


def setup_inputs(seed: int = 0) -> dict:
    key = jax.random.key(seed)
    ks = jax.random.split(key, 16)
    feat = jax.random.normal(ks[0], (N_NODES, D_FEAT), dtype=jnp.float32)
    ratio = jax.random.uniform(ks[1], (N_NODES, AUG_NUM_RELS), dtype=jnp.float32)
    edge_index = jax.random.randint(ks[2], (2, N_EDGES), 0, N_NODES, dtype=jnp.int32)
    edge_type = jax.random.randint(ks[3], (N_EDGES,), 0, NUM_RELS, dtype=jnp.int32)
    # one head (id==1) and one tail (id==2) node per batched subgraph
    head_ids = jnp.arange(N_GRAPHS, dtype=jnp.int32) * NODES_PER_GRAPH
    tail_ids = head_ids + 1
    rel_labels = jax.random.randint(ks[4], (N_GRAPHS,), 0, NUM_RELS, dtype=jnp.int32)
    aug_rel_weight = jax.random.normal(ks[5], (AUG_NUM_RELS, REL_EMB_DIM), dtype=jnp.float32) * 0.05
    rel_emb_table = jax.random.normal(ks[6], (NUM_RELS, REL_EMB_DIM), dtype=jnp.float32) * 0.05
    W_rel1 = jax.random.normal(ks[7], (NUM_RELS, INP_DIM, EMB_DIM), dtype=jnp.float32) * 0.05
    W_self1 = jax.random.normal(ks[8], (INP_DIM, EMB_DIM), dtype=jnp.float32) * 0.05
    b1 = jnp.zeros((EMB_DIM,), dtype=jnp.float32)
    W_rel2 = jax.random.normal(ks[9], (NUM_RELS, EMB_DIM, EMB_DIM), dtype=jnp.float32) * 0.05
    W_self2 = jax.random.normal(ks[10], (EMB_DIM, EMB_DIM), dtype=jnp.float32) * 0.05
    b2 = jnp.zeros((EMB_DIM,), dtype=jnp.float32)
    fc_w = jax.random.normal(ks[11], (2 * PARAM_SET_DIM + REL_EMB_DIM, 16), dtype=jnp.float32) * 0.05
    fc_b = jnp.zeros((16,), dtype=jnp.float32)
    out_w = jax.random.normal(ks[12], (16, 1), dtype=jnp.float32) * 0.05
    out_b = jnp.zeros((1,), dtype=jnp.float32)
    return {
        'feat': feat, 'ratio': ratio, 'edge_index': edge_index, 'edge_type': edge_type,
        'head_ids': head_ids, 'tail_ids': tail_ids, 'rel_labels': rel_labels,
        'aug_rel_weight': aug_rel_weight, 'rel_emb_table': rel_emb_table,
        'W_rel1': W_rel1, 'W_self1': W_self1, 'b1': b1,
        'W_rel2': W_rel2, 'W_self2': W_self2, 'b2': b2,
        'fc_w': fc_w, 'fc_b': fc_b, 'out_w': out_w, 'out_b': out_b,
    }


def _rgcn_layer(h, src, dst, edge_type, W_rel, W_self, b):
    # per-relation transform of all node features, then gather per edge by (rel, src)
    h_all = jnp.einsum('nd,rde->rne', h, W_rel)  # [R, N, out]
    msgs = h_all[edge_type, src]                 # [E, out] gather
    agg = jax.ops.segment_sum(msgs, dst, num_segments=N_NODES)  # scatter-add
    return jax.nn.relu(agg + h @ W_self + b)


def reference(feat, ratio, edge_index, edge_type, head_ids, tail_ids, rel_labels,
              aug_rel_weight, rel_emb_table, W_rel1, W_self1, b1, W_rel2, W_self2, b2,
              fc_w, fc_b, out_w, out_b):
    # use_neighbor_feature: g.ndata['feat'] = cat(feat, ratio @ aug_rel_weight)
    h = jnp.concatenate([feat, ratio @ aug_rel_weight], axis=1)  # [N, 160]
    src = edge_index[0]
    dst = edge_index[1]
    # RGCN stack; 'repr' stacks per-layer embeddings
    h1 = _rgcn_layer(h, src, dst, edge_type, W_rel1, W_self1, b1)
    h2 = _rgcn_layer(h1, src, dst, edge_type, W_rel2, W_self2, b2)
    repr_ = jnp.stack([h1, h2], axis=1)  # [N, L, emb]
    # add_ht_emb: gather head/tail node representations
    head_embs = repr_[head_ids].reshape(-1, PARAM_SET_DIM)
    tail_embs = repr_[tail_ids].reshape(-1, PARAM_SET_DIM)
    g_rep = jnp.concatenate([head_embs, tail_embs], axis=1)
    g_rep = jnp.concatenate([g_rep, rel_emb_table[rel_labels]], axis=1)
    out = g_rep @ fc_w + fc_b
    out = jax.nn.relu(out)
    out = out @ out_w + out_b
    return out

if __name__ == "__main__":
    import jax
    _d = setup_inputs()
    print(jax.jit(kernel)(*tuple(_d.values())))

</pallas_src>

<mosaic_0001>
#map = affine_map<(d0, d1) -> (0, 0)>
#map1 = affine_map<(d0, d1) -> (0)>
#map2 = affine_map<(d0, d1) -> (0, 0, 0)>
module attributes {stable_mosaic.version = 14 : i64} {
  func.func @_b_body(%arg0: i32, %arg1: i32, %arg2: memref<170000x128xf32, #tpu.memory_space<hbm>>, %arg3: memref<327680xi32, #tpu.memory_space<hbm>>, %arg4: memref<2560x128xi32, #tpu.memory_space<hbm>>, %arg5: memref<2x10112x128xf32, #tpu.memory_space<hbm>>, %arg6: memref<10240xi32, #tpu.memory_space<vmem>>, %arg7: memref<2x128xi32, #tpu.memory_space<vmem>>, %arg8: memref<2x128x128xf32, #tpu.memory_space<vmem>>, %arg9: memref<10112x128xf32, #tpu.memory_space<vmem_shared>>, %arg10: memref<!tpu.dma_semaphore, #tpu.memory_space<semaphore_mem>>, %arg11: memref<!tpu.dma_semaphore, #tpu.memory_space<semaphore_mem>>, %arg12: memref<!tpu.dma_semaphore, #tpu.memory_space<semaphore_mem>>, %arg13: memref<!tpu.dma_semaphore, #tpu.memory_space<semaphore_mem>>) attributes {dimension_semantics = [#tpu.dimension_semantics<core_parallel>, #tpu.dimension_semantics<subcore_parallel>], iteration_bounds = array<i64: 2, 16>, scalar_prefetch = 0 : i64, scratch_operands = 8 : i64, tpu.core_type = #tpu.core_type<sc_vector_subcore>, window_params = [{transform_indices = #map}, {transform_indices = #map1}, {transform_indices = #map}, {transform_indices = #map2}]} {
    %mul3A = arith.constant 2 : i32
    %mul3A_0 = arith.muli %arg1, %mul3A : i32
    %add3A = arith.addi %mul3A_0, %arg0 : i32
    %mul3A_1 = arith.constant 10240 : i32
    %mul3A_2 = arith.muli %add3A, %mul3A_1 : i32
    %mul3A_3 = arith.constant 80 : i32
    %mul3A_4 = arith.muli %add3A, %mul3A_3 : i32
    %broadcast_in_dim3A = arith.constant 0.000000e+00 : f32
    %broadcast_in_dim3A_5 = vector.broadcast %broadcast_in_dim3A : f32 to vector<16xf32>
    %scan3A = arith.constant 0 : i32
    %scan3A_6 = arith.constant 0 : i32
    %scan3A_7 = arith.constant 128 : i32
    %scan3A_8 = arith.addi %scan3A_6, %scan3A_7 : i32
    %scan3A_9 = arith.constant 1 : i32
    scf.for %scan3A_148 = %scan3A_6 to %scan3A_8 step %scan3A_9  : i32 {
      %swap3A = arith.constant 0 : i32
      %swap3A_149 = arith.index_cast %swap3A : i32 to index
      %swap3A_150 = arith.index_cast %scan3A_148 : i32 to index
      %swap3A_151 = arith.constant 0 : index
      %swap3A_152 = tpu.vector_load %arg8[%swap3A_149, %swap3A_150, %swap3A_151] {strides = array<i32>} : memref<2x128x128xf32, #tpu.memory_space<vmem>>, vector<16xf32>,
      tpu.vector_store %arg8[%swap3A_149, %swap3A_150, %swap3A_151], %broadcast_in_dim3A_5 {strides = array<i32>} : memref<2x128x128xf32, #tpu.memory_space<vmem>>, vector<16xf32>,
      %swap3A_153 = arith.constant 0 : i32
      %swap3A_154 = arith.index_cast %swap3A_153 : i32 to index
      %swap3A_155 = arith.index_cast %scan3A_148 : i32 to index
      %swap3A_156 = arith.constant 16 : index
      %swap3A_157 = tpu.vector_load %arg8[%swap3A_154, %swap3A_155, %swap3A_156] {strides = array<i32>} : memref<2x128x128xf32, #tpu.memory_space<vmem>>, vector<16xf32>,
      tpu.vector_store %arg8[%swap3A_154, %swap3A_155, %swap3A_156], %broadcast_in_dim3A_5 {strides = array<i32>} : memref<2x128x128xf32, #tpu.memory_space<vmem>>, vector<16xf32>,
      %swap3A_158 = arith.constant 0 : i32
      %swap3A_159 = arith.index_cast %swap3A_158 : i32 to index
      %swap3A_160 = arith.index_cast %scan3A_148 : i32 to index
      %swap3A_161 = arith.constant 32 : index
      %swap3A_162 = tpu.vector_load %arg8[%swap3A_159, %swap3A_160, %swap3A_161] {strides = array<i32>} : memref<2x128x128xf32, #tpu.memory_space<vmem>>, vector<16xf32>,
      tpu.vector_store %arg8[%swap3A_159, %swap3A_160, %swap3A_161], %broadcast_in_dim3A_5 {strides = array<i32>} : memref<2x128x128xf32, #tpu.memory_space<vmem>>, vector<16xf32>,
      %swap3A_163 = arith.constant 0 : i32
      %swap3A_164 = arith.index_cast %swap3A_163 : i32 to index
      %swap3A_165 = arith.index_cast %scan3A_148 : i32 to index
      %swap3A_166 = arith.constant 48 : index
      %swap3A_167 = tpu.vector_load %arg8[%swap3A_164, %swap3A_165, %swap3A_166] {strides = array<i32>} : memref<2x128x128xf32, #tpu.memory_space<vmem>>, vector<16xf32>,
      tpu.vector_store %arg8[%swap3A_164, %swap3A_165, %swap3A_166], %broadcast_in_dim3A_5 {strides = array<i32>} : memref<2x128x128xf32, #tpu.memory_space<vmem>>, vector<16xf32>,
      %swap3A_168 = arith.constant 0 : i32
      %swap3A_169 = arith.index_cast %swap3A_168 : i32 to index
      %swap3A_170 = arith.index_cast %scan3A_148 : i32 to index
      %swap3A_171 = arith.constant 64 : index
      %swap3A_172 = tpu.vector_load %arg8[%swap3A_169, %swap3A_170, %swap3A_171] {strides = array<i32>} : memref<2x128x128xf32, #tpu.memory_space<vmem>>, vector<16xf32>,
      tpu.vector_store %arg8[%swap3A_169, %swap3A_170, %swap3A_171], %broadcast_in_dim3A_5 {strides = array<i32>} : memref<2x128x128xf32, #tpu.memory_space<vmem>>, vector<16xf32>,
      %swap3A_173 = arith.constant 0 : i32
      %swap3A_174 = arith.index_cast %swap3A_173 : i32 to index
      %swap3A_175 = arith.index_cast %scan3A_148 : i32 to index
      %swap3A_176 = arith.constant 80 : index
      %swap3A_177 = tpu.vector_load %arg8[%swap3A_174, %swap3A_175, %swap3A_176] {strides = array<i32>} : memref<2x128x128xf32, #tpu.memory_space<vmem>>, vector<16xf32>,
      tpu.vector_store %arg8[%swap3A_174, %swap3A_175, %swap3A_176], %broadcast_in_dim3A_5 {strides = array<i32>} : memref<2x128x128xf32, #tpu.memory_space<vmem>>, vector<16xf32>,
      %swap3A_178 = arith.constant 0 : i32
      %swap3A_179 = arith.index_cast %swap3A_178 : i32 to index
      %swap3A_180 = arith.index_cast %scan3A_148 : i32 to index
      %swap3A_181 = arith.constant 96 : index
      %swap3A_182 = tpu.vector_load %arg8[%swap3A_179, %swap3A_180, %swap3A_181] {strides = array<i32>} : memref<2x128x128xf32, #tpu.memory_space<vmem>>, vector<16xf32>,
      tpu.vector_store %arg8[%swap3A_179, %swap3A_180, %swap3A_181], %broadcast_in_dim3A_5 {strides = array<i32>} : memref<2x128x128xf32, #tpu.memory_space<vmem>>, vector<16xf32>,
      %swap3A_183 = arith.constant 0 : i32
      %swap3A_184 = arith.index_cast %swap3A_183 : i32 to index
      %swap3A_185 = arith.index_cast %scan3A_148 : i32 to index
      %swap3A_186 = arith.constant 112 : index
      %swap3A_187 = tpu.vector_load %arg8[%swap3A_184, %swap3A_185, %swap3A_186] {strides = array<i32>} : memref<2x128x128xf32, #tpu.memory_space<vmem>>, vector<16xf32>,
      tpu.vector_store %arg8[%swap3A_184, %swap3A_185, %swap3A_186], %broadcast_in_dim3A_5 {strides = array<i32>} : memref<2x128x128xf32, #tpu.memory_space<vmem>>, vector<16xf32>,
    }
    %scan3A_10 = arith.constant 128 : i32
    %mul3A_11 = arith.constant 632 : i32
    %mul3A_12 = arith.muli %arg1, %mul3A_11 : i32
    %add3A_13 = arith.constant 0 : i32
    %add3A_14 = arith.addi %mul3A_12, %add3A_13 : i32
    %run_scoped3A = arith.constant 0 : i32
    "tpu.region"() ({
      %run_scoped3A_148 = tpu.sem_alloc : memref<!tpu.dma_semaphore, #tpu.memory_space<semaphore_mem>>
      %dma_start3A_149 = arith.constant 0 : i32
      %dma_start3A_150 = arith.constant 0 : i32
      %dma_start3A_151 = tpu.memref_slice %arg8[%run_scoped3A, %dma_start3A_149, %dma_start3A_150] : memref<2x128x128xf32, #tpu.memory_space<vmem>> -> memref<1x128x128xf32, #tpu.memory_space<vmem>>
      %dma_start3A_152 = tpu.memref_squeeze %dma_start3A_151 : memref<1x128x128xf32, #tpu.memory_space<vmem>> -> memref<128x128xf32, #tpu.memory_space<vmem>>
      %dma_start3A_153 = arith.constant 0 : i32
      %dma_start3A_154 = tpu.memref_slice %arg9[%add3A_14, %dma_start3A_153] : memref<10112x128xf32, #tpu.memory_space<vmem_shared>> -> memref<128x128xf32, #tpu.memory_space<vmem_shared>>
      %dma_start3A_155 = arith.constant 0 : i32
      %dma_start3A_156 = tpu.memref_slice %arg9[%add3A_14, %dma_start3A_155] : memref<10112x128xf32, #tpu.memory_space<vmem_shared>> -> memref<128x128xf32, #tpu.memory_space<vmem_shared>>
      %dma_start3A_157 = arith.constant 0 : i32
      %dma_start3A_158 = arith.constant 0 : i32
      %dma_start3A_159 = tpu.memref_slice %arg8[%run_scoped3A, %dma_start3A_157, %dma_start3A_158] : memref<2x128x128xf32, #tpu.memory_space<vmem>> -> memref<1x128x128xf32, #tpu.memory_space<vmem>>
      %dma_start3A_160 = tpu.memref_squeeze %dma_start3A_159 : memref<1x128x128xf32, #tpu.memory_space<vmem>> -> memref<128x128xf32, #tpu.memory_space<vmem>>
      tpu.enqueue_dma source(%dma_start3A_160 : memref<128x128xf32, #tpu.memory_space<vmem>>) target(%dma_start3A_156 : memref<128x128xf32, #tpu.memory_space<vmem_shared>>) target_semaphore(%run_scoped3A_148 : memref<!tpu.dma_semaphore, #tpu.memory_space<semaphore_mem>>)
      %dma_wait3A_161 = arith.constant 0 : i32
      %dma_wait3A_162 = arith.constant 0 : i32
      %dma_wait3A_163 = tpu.memref_slice %arg8[%run_scoped3A, %dma_wait3A_161, %dma_wait3A_162] : memref<2x128x128xf32, #tpu.memory_space<vmem>> -> memref<1x128x128xf32, #tpu.memory_space<vmem>>
      %dma_wait3A_164 = tpu.memref_squeeze %dma_wait3A_163 : memref<1x128x128xf32, #tpu.memory_space<vmem>> -> memref<128x128xf32, #tpu.memory_space<vmem>>
      %dma_wait3A_165 = arith.constant 0 : i32
      %dma_wait3A_166 = tpu.memref_slice %arg9[%add3A_14, %dma_wait3A_165] : memref<10112x128xf32, #tpu.memory_space<vmem_shared>> -> memref<128x128xf32, #tpu.memory_space<vmem_shared>>
      %dma_wait3A_167 = arith.constant 0 : i32
      %dma_wait3A_168 = tpu.memref_slice %arg9[%add3A_14, %dma_wait3A_167] : memref<10112x128xf32, #tpu.memory_space<vmem_shared>> -> memref<128x128xf32, #tpu.memory_space<vmem_shared>>
      %dma_wait3A_169 = arith.constant 0 : i32
      %dma_wait3A_170 = arith.constant 0 : i32
      %dma_wait3A_171 = tpu.memref_slice %arg8[%run_scoped3A, %dma_wait3A_169, %dma_wait3A_170] : memref<2x128x128xf32, #tpu.memory_space<vmem>> -> memref<1x128x128xf32, #tpu.memory_space<vmem>>
      %dma_wait3A_172 = tpu.memref_squeeze %dma_wait3A_171 : memref<1x128x128xf32, #tpu.memory_space<vmem>> -> memref<128x128xf32, #tpu.memory_space<vmem>>
      tpu.wait_dma2 semaphore(%run_scoped3A_148 : memref<!tpu.dma_semaphore, #tpu.memory_space<semaphore_mem>>) src(%dma_wait3A_172 : memref<128x128xf32, #tpu.memory_space<vmem>>) dst(%dma_wait3A_168 : memref<128x128xf32, #tpu.memory_space<vmem_shared>>)
      tpu.yield
    }) : () -> ()
    %mul3A_15 = arith.constant 632 : i32
    %mul3A_16 = arith.muli %arg1, %mul3A_15 : i32
    %add3A_17 = arith.constant 128 : i32
    %add3A_18 = arith.addi %mul3A_16, %add3A_17 : i32
    %run_scoped3A_19 = arith.constant 0 : i32
    "tpu.region"() ({
      %run_scoped3A_148 = tpu.sem_alloc : memref<!tpu.dma_semaphore, #tpu.memory_space<semaphore_mem>>
      %dma_start3A_149 = arith.constant 0 : i32
      %dma_start3A_150 = arith.constant 0 : i32
      %dma_start3A_151 = tpu.memref_slice %arg8[%run_scoped3A_19, %dma_start3A_149, %dma_start3A_150] : memref<2x128x128xf32, #tpu.memory_space<vmem>> -> memref<1x128x128xf32, #tpu.memory_space<vmem>>
      %dma_start3A_152 = tpu.memref_squeeze %dma_start3A_151 : memref<1x128x128xf32, #tpu.memory_space<vmem>> -> memref<128x128xf32, #tpu.memory_space<vmem>>
      %dma_start3A_153 = arith.constant 0 : i32
      %dma_start3A_154 = tpu.memref_slice %arg9[%add3A_18, %dma_start3A_153] : memref<10112x128xf32, #tpu.memory_space<vmem_shared>> -> memref<128x128xf32, #tpu.memory_space<vmem_shared>>
      %dma_start3A_155 = arith.constant 0 : i32
      %dma_start3A_156 = tpu.memref_slice %arg9[%add3A_18, %dma_start3A_155] : memref<10112x128xf32, #tpu.memory_space<vmem_shared>> -> memref<128x128xf32, #tpu.memory_space<vmem_shared>>
      %dma_start3A_157 = arith.constant 0 : i32
      %dma_start3A_158 = arith.constant 0 : i32
      %dma_start3A_159 = tpu.memref_slice %arg8[%run_scoped3A_19, %dma_start3A_157, %dma_start3A_158] : memref<2x128x128xf32, #tpu.memory_space<vmem>> -> memref<1x128x128xf32, #tpu.memory_space<vmem>>
      %dma_start3A_160 = tpu.memref_squeeze %dma_start3A_159 : memref<1x128x128xf32, #tpu.memory_space<vmem>> -> memref<128x128xf32, #tpu.memory_space<vmem>>
      tpu.enqueue_dma source(%dma_start3A_160 : memref<128x128xf32, #tpu.memory_space<vmem>>) target(%dma_start3A_156 : memref<128x128xf32, #tpu.memory_space<vmem_shared>>) target_semaphore(%run_scoped3A_148 : memref<!tpu.dma_semaphore, #tpu.memory_space<semaphore_mem>>)
      %dma_wait3A_161 = arith.constant 0 : i32
      %dma_wait3A_162 = arith.constant 0 : i32
      %dma_wait3A_163 = tpu.memref_slice %arg8[%run_scoped3A_19, %dma_wait3A_161, %dma_wait3A_162] : memref<2x128x128xf32, #tpu.memory_space<vmem>> -> memref<1x128x128xf32, #tpu.memory_space<vmem>>
      %dma_wait3A_164 = tpu.memref_squeeze %dma_wait3A_163 : memref<1x128x128xf32, #tpu.memory_space<vmem>> -> memref<128x128xf32, #tpu.memory_space<vmem>>
      %dma_wait3A_165 = arith.constant 0 : i32
      %dma_wait3A_166 = tpu.memref_slice %arg9[%add3A_18, %dma_wait3A_165] : memref<10112x128xf32, #tpu.memory_space<vmem_shared>> -> memref<128x128xf32, #tpu.memory_space<vmem_shared>>
      %dma_wait3A_167 = arith.constant 0 : i32
      %dma_wait3A_168 = tpu.memref_slice %arg9[%add3A_18, %dma_wait3A_167] : memref<10112x128xf32, #tpu.memory_space<vmem_shared>> -> memref<128x128xf32, #tpu.memory_space<vmem_shared>>
      %dma_wait3A_169 = arith.constant 0 : i32
      %dma_wait3A_170 = arith.constant 0 : i32
      %dma_wait3A_171 = tpu.memref_slice %arg8[%run_scoped3A_19, %dma_wait3A_169, %dma_wait3A_170] : memref<2x128x128xf32, #tpu.memory_space<vmem>> -> memref<1x128x128xf32, #tpu.memory_space<vmem>>
      %dma_wait3A_172 = tpu.memref_squeeze %dma_wait3A_171 : memref<1x128x128xf32, #tpu.memory_space<vmem>> -> memref<128x128xf32, #tpu.memory_space<vmem>>
      tpu.wait_dma2 semaphore(%run_scoped3A_148 : memref<!tpu.dma_semaphore, #tpu.memory_space<semaphore_mem>>) src(%dma_wait3A_172 : memref<128x128xf32, #tpu.memory_space<vmem>>) dst(%dma_wait3A_168 : memref<128x128xf32, #tpu.memory_space<vmem_shared>>)
      tpu.yield
    }) : () -> ()
    %mul3A_20 = arith.constant 632 : i32
    %mul3A_21 = arith.muli %arg1, %mul3A_20 : i32
    %add3A_22 = arith.constant 256 : i32
    %add3A_23 = arith.addi %mul3A_21, %add3A_22 : i32
    %run_scoped3A_24 = arith.constant 0 : i32
    "tpu.region"() ({
      %run_scoped3A_148 = tpu.sem_alloc : memref<!tpu.dma_semaphore, #tpu.memory_space<semaphore_mem>>
      %dma_start3A_149 = arith.constant 0 : i32
      %dma_start3A_150 = arith.constant 0 : i32
      %dma_start3A_151 = tpu.memref_slice %arg8[%run_scoped3A_24, %dma_start3A_149, %dma_start3A_150] : memref<2x128x128xf32, #tpu.memory_space<vmem>> -> memref<1x128x128xf32, #tpu.memory_space<vmem>>
      %dma_start3A_152 = tpu.memref_squeeze %dma_start3A_151 : memref<1x128x128xf32, #tpu.memory_space<vmem>> -> memref<128x128xf32, #tpu.memory_space<vmem>>
      %dma_start3A_153 = arith.constant 0 : i32
      %dma_start3A_154 = tpu.memref_slice %arg9[%add3A_23, %dma_start3A_153] : memref<10112x128xf32, #tpu.memory_space<vmem_shared>> -> memref<128x128xf32, #tpu.memory_space<vmem_shared>>
      %dma_start3A_155 = arith.constant 0 : i32
      %dma_start3A_156 = tpu.memref_slice %arg9[%add3A_23, %dma_start3A_155] : memref<10112x128xf32, #tpu.memory_space<vmem_shared>> -> memref<128x128xf32, #tpu.memory_space<vmem_shared>>
      %dma_start3A_157 = arith.constant 0 : i32
      %dma_start3A_158 = arith.constant 0 : i32
      %dma_start3A_159 = tpu.memref_slice %arg8[%run_scoped3A_24, %dma_start3A_157, %dma_start3A_158] : memref<2x128x128xf32, #tpu.memory_space<vmem>> -> memref<1x128x128xf32, #tpu.memory_space<vmem>>
      %dma_start3A_160 = tpu.memref_squeeze %dma_start3A_159 : memref<1x128x128xf32, #tpu.memory_space<vmem>> -> memref<128x128xf32, #tpu.memory_space<vmem>>
      tpu.enqueue_dma source(%dma_start3A_160 : memref<128x128xf32, #tpu.memory_space<vmem>>) target(%dma_start3A_156 : memref<128x128xf32, #tpu.memory_space<vmem_shared>>) target_semaphore(%run_scoped3A_148 : memref<!tpu.dma_semaphore, #tpu.memory_space<semaphore_mem>>)
      %dma_wait3A_161 = arith.constant 0 : i32
      %dma_wait3A_162 = arith.constant 0 : i32
      %dma_wait3A_163 = tpu.memref_slice %arg8[%run_scoped3A_24, %dma_wait3A_161, %dma_wait3A_162] : memref<2x128x128xf32, #tpu.memory_space<vmem>> -> memref<1x128x128xf32, #tpu.memory_space<vmem>>
      %dma_wait3A_164 = tpu.memref_squeeze %dma_wait3A_163 : memref<1x128x128xf32, #tpu.memory_space<vmem>> -> memref<128x128xf32, #tpu.memory_space<vmem>>
      %dma_wait3A_165 = arith.constant 0 : i32
      %dma_wait3A_166 = tpu.memref_slice %arg9[%add3A_23, %dma_wait3A_165] : memref<10112x128xf32, #tpu.memory_space<vmem_shared>> -> memref<128x128xf32, #tpu.memory_space<vmem_shared>>
      %dma_wait3A_167 = arith.constant 0 : i32
      %dma_wait3A_168 = tpu.memref_slice %arg9[%add3A_23, %dma_wait3A_167] : memref<10112x128xf32, #tpu.memory_space<vmem_shared>> -> memref<128x128xf32, #tpu.memory_space<vmem_shared>>
      %dma_wait3A_169 = arith.constant 0 : i32
      %dma_wait3A_170 = arith.constant 0 : i32
      %dma_wait3A_171 = tpu.memref_slice %arg8[%run_scoped3A_24, %dma_wait3A_169, %dma_wait3A_170] : memref<2x128x128xf32, #tpu.memory_space<vmem>> -> memref<1x128x128xf32, #tpu.memory_space<vmem>>
      %dma_wait3A_172 = tpu.memref_squeeze %dma_wait3A_171 : memref<1x128x128xf32, #tpu.memory_space<vmem>> -> memref<128x128xf32, #tpu.memory_space<vmem>>
      tpu.wait_dma2 semaphore(%run_scoped3A_148 : memref<!tpu.dma_semaphore, #tpu.memory_space<semaphore_mem>>) src(%dma_wait3A_172 : memref<128x128xf32, #tpu.memory_space<vmem>>) dst(%dma_wait3A_168 : memref<128x128xf32, #tpu.memory_space<vmem_shared>>)
      tpu.yield
    }) : () -> ()
    %mul3A_25 = arith.constant 632 : i32
    %mul3A_26 = arith.muli %arg1, %mul3A_25 : i32
    %add3A_27 = arith.constant 384 : i32
    %add3A_28 = arith.addi %mul3A_26, %add3A_27 : i32
    %run_scoped3A_29 = arith.constant 0 : i32
    "tpu.region"() ({
      %run_scoped3A_148 = tpu.sem_alloc : memref<!tpu.dma_semaphore, #tpu.memory_space<semaphore_mem>>
      %dma_start3A_149 = arith.constant 0 : i32
      %dma_start3A_150 = arith.constant 0 : i32
      %dma_start3A_151 = tpu.memref_slice %arg8[%run_scoped3A_29, %dma_start3A_149, %dma_start3A_150] : memref<2x128x128xf32, #tpu.memory_space<vmem>> -> memref<1x128x128xf32, #tpu.memory_space<vmem>>
      %dma_start3A_152 = tpu.memref_squeeze %dma_start3A_151 : memref<1x128x128xf32, #tpu.memory_space<vmem>> -> memref<128x128xf32, #tpu.memory_space<vmem>>
      %dma_start3A_153 = arith.constant 0 : i32
      %dma_start3A_154 = tpu.memref_slice %arg9[%add3A_28, %dma_start3A_153] : memref<10112x128xf32, #tpu.memory_space<vmem_shared>> -> memref<128x128xf32, #tpu.memory_space<vmem_shared>>
      %dma_start3A_155 = arith.constant 0 : i32
      %dma_start3A_156 = tpu.memref_slice %arg9[%add3A_28, %dma_start3A_155] : memref<10112x128xf32, #tpu.memory_space<vmem_shared>> -> memref<128x128xf32, #tpu.memory_space<vmem_shared>>
      %dma_start3A_157 = arith.constant 0 : i32
      %dma_start3A_158 = arith.constant 0 : i32
      %dma_start3A_159 = tpu.memref_slice %arg8[%run_scoped3A_29, %dma_start3A_157, %dma_start3A_158] : memref<2x128x128xf32, #tpu.memory_space<vmem>> -> memref<1x128x128xf32, #tpu.memory_space<vmem>>
      %dma_start3A_160 = tpu.memref_squeeze %dma_start3A_159 : memref<1x128x128xf32, #tpu.memory_space<vmem>> -> memref<128x128xf32, #tpu.memory_space<vmem>>
      tpu.enqueue_dma source(%dma_start3A_160 : memref<128x128xf32, #tpu.memory_space<vmem>>) target(%dma_start3A_156 : memref<128x128xf32, #tpu.memory_space<vmem_shared>>) target_semaphore(%run_scoped3A_148 : memref<!tpu.dma_semaphore, #tpu.memory_space<semaphore_mem>>)
      %dma_wait3A_161 = arith.constant 0 : i32
      %dma_wait3A_162 = arith.constant 0 : i32
      %dma_wait3A_163 = tpu.memref_slice %arg8[%run_scoped3A_29, %dma_wait3A_161, %dma_wait3A_162] : memref<2x128x128xf32, #tpu.memory_space<vmem>> -> memref<1x128x128xf32, #tpu.memory_space<vmem>>
      %dma_wait3A_164 = tpu.memref_squeeze %dma_wait3A_163 : memref<1x128x128xf32, #tpu.memory_space<vmem>> -> memref<128x128xf32, #tpu.memory_space<vmem>>
      %dma_wait3A_165 = arith.constant 0 : i32
      %dma_wait3A_166 = tpu.memref_slice %arg9[%add3A_28, %dma_wait3A_165] : memref<10112x128xf32, #tpu.memory_space<vmem_shared>> -> memref<128x128xf32, #tpu.memory_space<vmem_shared>>
      %dma_wait3A_167 = arith.constant 0 : i32
      %dma_wait3A_168 = tpu.memref_slice %arg9[%add3A_28, %dma_wait3A_167] : memref<10112x128xf32, #tpu.memory_space<vmem_shared>> -> memref<128x128xf32, #tpu.memory_space<vmem_shared>>
      %dma_wait3A_169 = arith.constant 0 : i32
      %dma_wait3A_170 = arith.constant 0 : i32
      %dma_wait3A_171 = tpu.memref_slice %arg8[%run_scoped3A_29, %dma_wait3A_169, %dma_wait3A_170] : memref<2x128x128xf32, #tpu.memory_space<vmem>> -> memref<1x128x128xf32, #tpu.memory_space<vmem>>
      %dma_wait3A_172 = tpu.memref_squeeze %dma_wait3A_171 : memref<1x128x128xf32, #tpu.memory_space<vmem>> -> memref<128x128xf32, #tpu.memory_space<vmem>>
      tpu.wait_dma2 semaphore(%run_scoped3A_148 : memref<!tpu.dma_semaphore, #tpu.memory_space<semaphore_mem>>) src(%dma_wait3A_172 : memref<128x128xf32, #tpu.memory_space<vmem>>) dst(%dma_wait3A_168 : memref<128x128xf32, #tpu.memory_space<vmem_shared>>)
      tpu.yield
    }) : () -> ()
    %mul3A_30 = arith.constant 632 : i32
    %mul3A_31 = arith.muli %arg1, %mul3A_30 : i32
    %add3A_32 = arith.constant 512 : i32
    %add3A_33 = arith.addi %mul3A_31, %add3A_32 : i32
    %run_scoped3A_34 = arith.constant 0 : i32
    "tpu.region"() ({
      %run_scoped3A_148 = tpu.sem_alloc : memref<!tpu.dma_semaphore, #tpu.memory_space<semaphore_mem>>
      %dma_start3A_149 = arith.constant 0 : i32
      %dma_start3A_150 = arith.constant 0 : i32
      %dma_start3A_151 = tpu.memref_slice %arg8[%run_scoped3A_34, %dma_start3A_149, %dma_start3A_150] : memref<2x128x128xf32, #tpu.memory_space<vmem>> -> memref<1x128x128xf32, #tpu.memory_space<vmem>>
      %dma_start3A_152 = tpu.memref_squeeze %dma_start3A_151 : memref<1x128x128xf32, #tpu.memory_space<vmem>> -> memref<128x128xf32, #tpu.memory_space<vmem>>
      %dma_start3A_153 = arith.constant 0 : i32
      %dma_start3A_154 = arith.constant 0 : i32
      %dma_start3A_155 = tpu.memref_slice %dma_start3A_152[%dma_start3A_153, %dma_start3A_154] : memref<128x128xf32, #tpu.memory_space<vmem>> -> memref<120x128xf32, #tpu.memory_space<vmem>>
      %dma_start3A_156 = arith.constant 0 : i32
      %dma_start3A_157 = tpu.memref_slice %arg9[%add3A_33, %dma_start3A_156] : memref<10112x128xf32, #tpu.memory_space<vmem_shared>> -> memref<120x128xf32, #tpu.memory_space<vmem_shared>>
      %dma_start3A_158 = arith.constant 0 : i32
      %dma_start3A_159 = tpu.memref_slice %arg9[%add3A_33, %dma_start3A_158] : memref<10112x128xf32, #tpu.memory_space<vmem_shared>> -> memref<120x128xf32, #tpu.memory_space<vmem_shared>>
      %dma_start3A_160 = arith.constant 0 : i32
      %dma_start3A_161 = arith.constant 0 : i32
      %dma_start3A_162 = tpu.memref_slice %arg8[%run_scoped3A_34, %dma_start3A_160, %dma_start3A_161] : memref<2x128x128xf32, #tpu.memory_space<vmem>> -> memref<1x128x128xf32, #tpu.memory_space<vmem>>
      %dma_start3A_163 = tpu.memref_squeeze %dma_start3A_162 : memref<1x128x128xf32, #tpu.memory_space<vmem>> -> memref<128x128xf32, #tpu.memory_space<vmem>>
      %dma_start3A_164 = arith.constant 0 : i32
      %dma_start3A_165 = arith.constant 0 : i32
      %dma_start3A_166 = tpu.memref_slice %dma_start3A_163[%dma_start3A_164, %dma_start3A_165] : memref<128x128xf32, #tpu.memory_space<vmem>> -> memref<120x128xf32, #tpu.memory_space<vmem>>
      tpu.enqueue_dma source(%dma_start3A_166 : memref<120x128xf32, #tpu.memory_space<vmem>>) target(%dma_start3A_159 : memref<120x128xf32, #tpu.memory_space<vmem_shared>>) target_semaphore(%run_scoped3A_148 : memref<!tpu.dma_semaphore, #tpu.memory_space<semaphore_mem>>)
      %dma_wait3A_167 = arith.constant 0 : i32
      %dma_wait3A_168 = arith.constant 0 : i32
      %dma_wait3A_169 = tpu.memref_slice %arg8[%run_scoped3A_34, %dma_wait3A_167, %dma_wait3A_168] : memref<2x128x128xf32, #tpu.memory_space<vmem>> -> memref<1x128x128xf32, #tpu.memory_space<vmem>>
      %dma_wait3A_170 = tpu.memref_squeeze %dma_wait3A_169 : memref<1x128x128xf32, #tpu.memory_space<vmem>> -> memref<128x128xf32, #tpu.memory_space<vmem>>
      %dma_wait3A_171 = arith.constant 0 : i32
      %dma_wait3A_172 = arith.constant 0 : i32
      %dma_wait3A_173 = tpu.memref_slice %dma_wait3A_170[%dma_wait3A_171, %dma_wait3A_172] : memref<128x128xf32, #tpu.memory_space<vmem>> -> memref<120x128xf32, #tpu.memory_space<vmem>>
      %dma_wait3A_174 = arith.constant 0 : i32
      %dma_wait3A_175 = tpu.memref_slice %arg9[%add3A_33, %dma_wait3A_174] : memref<10112x128xf32, #tpu.memory_space<vmem_shared>> -> memref<120x128xf32, #tpu.memory_space<vmem_shared>>
      %dma_wait3A_176 = arith.constant 0 : i32
      %dma_wait3A_177 = tpu.memref_slice %arg9[%add3A_33, %dma_wait3A_176] : memref<10112x128xf32, #tpu.memory_space<vmem_shared>> -> memref<120x128xf32, #tpu.memory_space<vmem_shared>>
      %dma_wait3A_178 = arith.constant 0 : i32
      %dma_wait3A_179 = arith.constant 0 : i32
      %dma_wait3A_180 = tpu.memref_slice %arg8[%run_scoped3A_34, %dma_wait3A_178, %dma_wait3A_179] : memref<2x128x128xf32, #tpu.memory_space<vmem>> -> memref<1x128x128xf32, #tpu.memory_space<vmem>>
      %dma_wait3A_181 = tpu.memref_squeeze %dma_wait3A_180 : memref<1x128x128xf32, #tpu.memory_space<vmem>> -> memref<128x128xf32, #tpu.memory_space<vmem>>
      %dma_wait3A_182 = arith.constant 0 : i32
      %dma_wait3A_183 = arith.constant 0 : i32
      %dma_wait3A_184 = tpu.memref_slice %dma_wait3A_181[%dma_wait3A_182, %dma_wait3A_183] : memref<128x128xf32, #tpu.memory_space<vmem>> -> memref<120x128xf32, #tpu.memory_space<vmem>>
      tpu.wait_dma2 semaphore(%run_scoped3A_148 : memref<!tpu.dma_semaphore, #tpu.memory_space<semaphore_mem>>) src(%dma_wait3A_184 : memref<120x128xf32, #tpu.memory_space<vmem>>) dst(%dma_wait3A_177 : memref<120x128xf32, #tpu.memory_space<vmem_shared>>)
      tpu.yield
    }) : () -> ()
    "tpu.region"() ({
      %run_scoped3A_148 = tpu.sem_alloc : memref<!tpu.dma_semaphore, #tpu.memory_space<semaphore_mem>>
      %dma_start3A_149 = tpu.memref_slice %arg3[%mul3A_2] : memref<327680xi32, #tpu.memory_space<hbm>> -> memref<10240xi32, #tpu.memory_space<hbm>>
      %dma_start3A_150 = tpu.memref_slice %arg3[%mul3A_2] : memref<327680xi32, #tpu.memory_space<hbm>> -> memref<10240xi32, #tpu.memory_space<hbm>>
      tpu.enqueue_dma source(%dma_start3A_150 : memref<10240xi32, #tpu.memory_space<hbm>>) target(%arg6 : memref<10240xi32, #tpu.memory_space<vmem>>) target_semaphore(%run_scoped3A_148 : memref<!tpu.dma_semaphore, #tpu.memory_space<semaphore_mem>>)
      %dma_wait3A_151 = tpu.memref_slice %arg3[%mul3A_2] : memref<327680xi32, #tpu.memory_space<hbm>> -> memref<10240xi32, #tpu.memory_space<hbm>>
      %dma_wait3A_152 = tpu.memref_slice %arg3[%mul3A_2] : memref<327680xi32, #tpu.memory_space<hbm>> -> memref<10240xi32, #tpu.memory_space<hbm>>
      tpu.wait_dma2 semaphore(%run_scoped3A_148 : memref<!tpu.dma_semaphore, #tpu.memory_space<semaphore_mem>>) src(%dma_wait3A_152 : memref<10240xi32, #tpu.memory_space<hbm>>) dst(%arg6 : memref<10240xi32, #tpu.memory_space<vmem>>)
      tpu.yield
    }) : () -> ()
    %add3A_35 = arith.constant 0 : i32
    %add3A_36 = arith.addi %mul3A_4, %add3A_35 : i32
    %dma_start3A = arith.constant 0 : i32
    %dma_start3A_37 = arith.constant 0 : i32
    %dma_start3A_38 = tpu.memref_slice %arg7[%dma_start3A, %dma_start3A_37] : memref<2x128xi32, #tpu.memory_space<vmem>> -> memref<1x128xi32, #tpu.memory_space<vmem>>
    %dma_start3A_39 = tpu.memref_squeeze %dma_start3A_38 : memref<1x128xi32, #tpu.memory_space<vmem>> -> memref<128xi32, #tpu.memory_space<vmem>>
    %dma_start3A_40 = arith.constant 0 : i32
    %dma_start3A_41 = tpu.memref_slice %arg4[%add3A_36, %dma_start3A_40] : memref<2560x128xi32, #tpu.memory_space<hbm>> -> memref<1x128xi32, #tpu.memory_space<hbm>>
    %dma_start3A_42 = tpu.memref_squeeze %dma_start3A_41 : memref<1x128xi32, #tpu.memory_space<hbm>> -> memref<128xi32, #tpu.memory_space<hbm>>
    %dma_start3A_43 = arith.constant 0 : i32
    %dma_start3A_44 = tpu.memref_slice %arg7[%dma_start3A, %dma_start3A_43] : memref<2x128xi32, #tpu.memory_space<vmem>> -> memref<1x128xi32, #tpu.memory_space<vmem>>
    %dma_start3A_45 = tpu.memref_squeeze %dma_start3A_44 : memref<1x128xi32, #tpu.memory_space<vmem>> -> memref<128xi32, #tpu.memory_space<vmem>>
    %dma_start3A_46 = arith.constant 0 : i32
    %dma_start3A_47 = tpu.memref_slice %arg4[%add3A_36, %dma_start3A_46] : memref<2560x128xi32, #tpu.memory_space<hbm>> -> memref<1x128xi32, #tpu.memory_space<hbm>>
    %dma_start3A_48 = tpu.memref_squeeze %dma_start3A_47 : memref<1x128xi32, #tpu.memory_space<hbm>> -> memref<128xi32, #tpu.memory_space<hbm>>
    tpu.enqueue_dma source(%dma_start3A_48 : memref<128xi32, #tpu.memory_space<hbm>>) target(%dma_start3A_45 : memref<128xi32, #tpu.memory_space<vmem>>) target_semaphore(%arg12 : memref<!tpu.dma_semaphore, #tpu.memory_space<semaphore_mem>>)
    %dma_start3A_49 = arith.constant 0 : i32
    %dma_start3A_50 = arith.constant 0 : i32
    %dma_start3A_51 = arith.constant 0 : i32
    %dma_start3A_52 = tpu.memref_slice %arg8[%dma_start3A_49, %dma_start3A_50, %dma_start3A_51] : memref<2x128x128xf32, #tpu.memory_space<vmem>> -> memref<1x128x128xf32, #tpu.memory_space<vmem>>
    %dma_start3A_53 = tpu.memref_squeeze %dma_start3A_52 : memref<1x128x128xf32, #tpu.memory_space<vmem>> -> memref<128x128xf32, #tpu.memory_space<vmem>>
    %dma_start3A_54 = arith.constant 0 : i32
    %dma_start3A_55 = tpu.memref_slice %arg6[%dma_start3A_54] : memref<10240xi32, #tpu.memory_space<vmem>> -> memref<128xi32, #tpu.memory_space<vmem>>
    %dma_start3A_56 = arith.constant 0 : i32
    %dma_start3A_57 = arith.constant 0 : i32
    %dma_start3A_58 = tpu.memref_slice %arg2[%dma_start3A_56, %dma_start3A_57] : memref<170000x128xf32, #tpu.memory_space<hbm>> -> memref<170000x128xf32, #tpu.memory_space<hbm>>
    tpu.enqueue_indirect_dma source(%dma_start3A_58 : memref<170000x128xf32, #tpu.memory_space<hbm>>) target(%dma_start3A_53 : memref<128x128xf32, #tpu.memory_space<vmem>>) offsets(%dma_start3A_55 : memref<128xi32, #tpu.memory_space<vmem>>) semaphore(%arg10 : memref<!tpu.dma_semaphore, #tpu.memory_space<semaphore_mem>>)
    %add3A_59 = arith.constant 1 : i32
    %add3A_60 = arith.addi %mul3A_4, %add3A_59 : i32
    %dma_start3A_61 = arith.constant 1 : i32
    %dma_start3A_62 = arith.constant 0 : i32
    %dma_start3A_63 = tpu.memref_slice %arg7[%dma_start3A_61, %dma_start3A_62] : memref<2x128xi32, #tpu.memory_space<vmem>> -> memref<1x128xi32, #tpu.memory_space<vmem>>
    %dma_start3A_64 = tpu.memref_squeeze %dma_start3A_63 : memref<1x128xi32, #tpu.memory_space<vmem>> -> memref<128xi32, #tpu.memory_space<vmem>>
    %dma_start3A_65 = arith.constant 0 : i32
    %dma_start3A_66 = tpu.memref_slice %arg4[%add3A_60, %dma_start3A_65] : memref<2560x128xi32, #tpu.memory_space<hbm>> -> memref<1x128xi32, #tpu.memory_space<hbm>>
    %dma_start3A_67 = tpu.memref_squeeze %dma_start3A_66 : memref<1x128xi32, #tpu.memory_space<hbm>> -> memref<128xi32, #tpu.memory_space<hbm>>
    %dma_start3A_68 = arith.constant 0 : i32
    %dma_start3A_69 = tpu.memref_slice %arg7[%dma_start3A_61, %dma_start3A_68] : memref<2x128xi32, #tpu.memory_space<vmem>> -> memref<1x128xi32, #tpu.memory_space<vmem>>
    %dma_start3A_70 = tpu.memref_squeeze %dma_start3A_69 : memref<1x128xi32, #tpu.memory_space<vmem>> -> memref<128xi32, #tpu.memory_space<vmem>>
    %dma_start3A_71 = arith.constant 0 : i32
    %dma_start3A_72 = tpu.memref_slice %arg4[%add3A_60, %dma_start3A_71] : memref<2560x128xi32, #tpu.memory_space<hbm>> -> memref<1x128xi32, #tpu.memory_space<hbm>>
    %dma_start3A_73 = tpu.memref_squeeze %dma_start3A_72 : memref<1x128xi32, #tpu.memory_space<hbm>> -> memref<128xi32, #tpu.memory_space<hbm>>
    tpu.enqueue_dma source(%dma_start3A_73 : memref<128xi32, #tpu.memory_space<hbm>>) target(%dma_start3A_70 : memref<128xi32, #tpu.memory_space<vmem>>) target_semaphore(%arg13 : memref<!tpu.dma_semaphore, #tpu.memory_space<semaphore_mem>>)
    %dma_start3A_74 = arith.constant 1 : i32
    %dma_start3A_75 = arith.constant 0 : i32
    %dma_start3A_76 = arith.constant 0 : i32
    %dma_start3A_77 = tpu.memref_slice %arg8[%dma_start3A_74, %dma_start3A_75, %dma_start3A_76] : memref<2x128x128xf32, #tpu.memory_space<vmem>> -> memref<1x128x128xf32, #tpu.memory_space<vmem>>
    %dma_start3A_78 = tpu.memref_squeeze %dma_start3A_77 : memref<1x128x128xf32, #tpu.memory_space<vmem>> -> memref<128x128xf32, #tpu.memory_space<vmem>>
    %dma_start3A_79 = arith.constant 128 : i32
    %dma_start3A_80 = tpu.memref_slice %arg6[%dma_start3A_79] : memref<10240xi32, #tpu.memory_space<vmem>> -> memref<128xi32, #tpu.memory_space<vmem>>
    %dma_start3A_81 = arith.constant 0 : i32
    %dma_start3A_82 = arith.constant 0 : i32
    %dma_start3A_83 = tpu.memref_slice %arg2[%dma_start3A_81, %dma_start3A_82] : memref<170000x128xf32, #tpu.memory_space<hbm>> -> memref<170000x128xf32, #tpu.memory_space<hbm>>
    tpu.enqueue_indirect_dma source(%dma_start3A_83 : memref<170000x128xf32, #tpu.memory_space<hbm>>) target(%dma_start3A_78 : memref<128x128xf32, #tpu.memory_space<vmem>>) offsets(%dma_start3A_80 : memref<128xi32, #tpu.memory_space<vmem>>) semaphore(%arg11 : memref<!tpu.dma_semaphore, #tpu.memory_space<semaphore_mem>>)
    %barrier3A = arith.constant 0 : index
    tpu.barrier barrier_id(%barrier3A)
    %scan3A_84 = arith.constant 0 : i32
    %scan3A_85 = arith.constant 0 : i32
    %scan3A_86 = arith.constant 39 : i32
    %scan3A_87 = arith.addi %scan3A_85, %scan3A_86 : i32
    %scan3A_88 = arith.constant 1 : i32
    scf.for %scan3A_148 = %scan3A_85 to %scan3A_87 step %scan3A_88  : i32 {
      %mul3A_149 = arith.constant 2 : i32
      %mul3A_150 = arith.muli %scan3A_148, %mul3A_149 : i32
      %add3A_151 = arith.constant 0 : i32
      %add3A_152 = arith.addi %mul3A_150, %add3A_151 : i32
      %add3A_153 = arith.addi %mul3A_4, %add3A_152 : i32
      %dma_wait3A_154 = arith.constant 0 : i32
      %dma_wait3A_155 = arith.constant 0 : i32
      %dma_wait3A_156 = tpu.memref_slice %arg7[%dma_wait3A_154, %dma_wait3A_155] : memref<2x128xi32, #tpu.memory_space<vmem>> -> memref<1x128xi32, #tpu.memory_space<vmem>>
      %dma_wait3A_157 = tpu.memref_squeeze %dma_wait3A_156 : memref<1x128xi32, #tpu.memory_space<vmem>> -> memref<128xi32, #tpu.memory_space<vmem>>
      %dma_wait3A_158 = arith.constant 0 : i32
      %dma_wait3A_159 = tpu.memref_slice %arg4[%add3A_153, %dma_wait3A_158] : memref<2560x128xi32, #tpu.memory_space<hbm>> -> memref<1x128xi32, #tpu.memory_space<hbm>>
      %dma_wait3A_160 = tpu.memref_squeeze %dma_wait3A_159 : memref<1x128xi32, #tpu.memory_space<hbm>> -> memref<128xi32, #tpu.memory_space<hbm>>
      %dma_wait3A_161 = arith.constant 0 : i32
      %dma_wait3A_162 = tpu.memref_slice %arg7[%dma_wait3A_154, %dma_wait3A_161] : memref<2x128xi32, #tpu.memory_space<vmem>> -> memref<1x128xi32, #tpu.memory_space<vmem>>
      %dma_wait3A_163 = tpu.memref_squeeze %dma_wait3A_162 : memref<1x128xi32, #tpu.memory_space<vmem>> -> memref<128xi32, #tpu.memory_space<vmem>>
      %dma_wait3A_164 = arith.constant 0 : i32
      %dma_wait3A_165 = tpu.memref_slice %arg4[%add3A_153, %dma_wait3A_164] : memref<2560x128xi32, #tpu.memory_space<hbm>> -> memref<1x128xi32, #tpu.memory_space<hbm>>
      %dma_wait3A_166 = tpu.memref_squeeze %dma_wait3A_165 : memref<1x128xi32, #tpu.memory_space<hbm>> -> memref<128xi32, #tpu.memory_space<hbm>>
      tpu.wait_dma2 semaphore(%arg12 : memref<!tpu.dma_semaphore, #tpu.memory_space<semaphore_mem>>) src(%dma_wait3A_166 : memref<128xi32, #tpu.memory_space<hbm>>) dst(%dma_wait3A_163 : memref<128xi32, #tpu.memory_space<vmem>>)
      %add3A_167 = arith.constant 0 : i32
      %add3A_168 = arith.addi %mul3A_150, %add3A_167 : i32
      %mul3A_169 = arith.constant 128 : i32
      %mul3A_170 = arith.muli %add3A_168, %mul3A_169 : i32
      %dma_wait3A_171 = arith.constant 0 : i32
      %dma_wait3A_172 = arith.constant 0 : i32
      %dma_wait3A_173 = arith.constant 0 : i32
      %dma_wait3A_174 = tpu.memref_slice %arg8[%dma_wait3A_171, %dma_wait3A_172, %dma_wait3A_173] : memref<2x128x128xf32, #tpu.memory_space<vmem>> -> memref<1x128x128xf32, #tpu.memory_space<vmem>>
      %dma_wait3A_175 = tpu.memref_squeeze %dma_wait3A_174 : memref<1x128x128xf32, #tpu.memory_space<vmem>> -> memref<128x128xf32, #tpu.memory_space<vmem>>
      %dma_wait3A_176 = tpu.memref_slice %arg6[%mul3A_170] : memref<10240xi32, #tpu.memory_space<vmem>> -> memref<128xi32, #tpu.memory_space<vmem>>
      %dma_wait3A_177 = arith.constant 0 : i32
      %dma_wait3A_178 = arith.constant 0 : i32
      %dma_wait3A_179 = tpu.memref_slice %arg2[%dma_wait3A_177, %dma_wait3A_178] : memref<170000x128xf32, #tpu.memory_space<hbm>> -> memref<170000x128xf32, #tpu.memory_space<hbm>>
      tpu.wait_indirect_dma semaphore(%arg10 : memref<!tpu.dma_semaphore, #tpu.memory_space<semaphore_mem>>) src(%dma_wait3A_179 : memref<170000x128xf32, #tpu.memory_space<hbm>>) dst(%dma_wait3A_175 : memref<128x128xf32, #tpu.memory_space<vmem>>)
      %add3A_180 = arith.constant 0 : i32
      %add3A_181 = arith.addi %mul3A_150, %add3A_180 : i32
      %run_scoped3A_182 = arith.constant 0 : i32
      %run_scoped3A_183 = arith.constant 0 : i32
      "tpu.region"() ({
        %run_scoped3A_283 = tpu.sem_alloc : memref<!tpu.dma_semaphore, #tpu.memory_space<semaphore_mem>>
        %dma_start3A_284 = arith.constant 0 : i32
        %dma_start3A_285 = arith.constant 0 : i32
        %dma_start3A_286 = tpu.memref_slice %arg8[%run_scoped3A_182, %dma_start3A_284, %dma_start3A_285] : memref<2x128x128xf32, #tpu.memory_space<vmem>> -> memref<1x128x128xf32, #tpu.memory_space<vmem>>
        %dma_start3A_287 = tpu.memref_squeeze %dma_start3A_286 : memref<1x128x128xf32, #tpu.memory_space<vmem>> -> memref<128x128xf32, #tpu.memory_space<vmem>>
        %dma_start3A_288 = arith.constant 0 : i32
        %dma_start3A_289 = tpu.memref_slice %arg7[%run_scoped3A_183, %dma_start3A_288] : memref<2x128xi32, #tpu.memory_space<vmem>> -> memref<1x128xi32, #tpu.memory_space<vmem>>
        %dma_start3A_290 = tpu.memref_squeeze %dma_start3A_289 : memref<1x128xi32, #tpu.memory_space<vmem>> -> memref<128xi32, #tpu.memory_space<vmem>>
        %dma_start3A_291 = arith.constant 0 : i32
        %dma_start3A_292 = arith.constant 0 : i32
        %dma_start3A_293 = tpu.memref_slice %arg9[%dma_start3A_291, %dma_start3A_292] : memref<10112x128xf32, #tpu.memory_space<vmem_shared>> -> memref<10112x128xf32, #tpu.memory_space<vmem_shared>>
        tpu.enqueue_indirect_dma source(%dma_start3A_287 : memref<128x128xf32, #tpu.memory_space<vmem>>) target(%dma_start3A_293 : memref<10112x128xf32, #tpu.memory_space<vmem_shared>>) offsets(%dma_start3A_290 : memref<128xi32, #tpu.memory_space<vmem>>) semaphore(%run_scoped3A_283 : memref<!tpu.dma_semaphore, #tpu.memory_space<semaphore_mem>>) {add = true}
        %dma_wait3A_294 = arith.constant 0 : i32
        %dma_wait3A_295 = arith.constant 0 : i32
        %dma_wait3A_296 = tpu.memref_slice %arg8[%run_scoped3A_182, %dma_wait3A_294, %dma_wait3A_295] : memref<2x128x128xf32, #tpu.memory_space<vmem>> -> memref<1x128x128xf32, #tpu.memory_space<vmem>>
        %dma_wait3A_297 = tpu.memref_squeeze %dma_wait3A_296 : memref<1x128x128xf32, #tpu.memory_space<vmem>> -> memref<128x128xf32, #tpu.memory_space<vmem>>
        %dma_wait3A_298 = arith.constant 0 : i32
        %dma_wait3A_299 = tpu.memref_slice %arg7[%run_scoped3A_183, %dma_wait3A_298] : memref<2x128xi32, #tpu.memory_space<vmem>> -> memref<1x128xi32, #tpu.memory_space<vmem>>
        %dma_wait3A_300 = tpu.memref_squeeze %dma_wait3A_299 : memref<1x128xi32, #tpu.memory_space<vmem>> -> memref<128xi32, #tpu.memory_space<vmem>>
        %dma_wait3A_301 = arith.constant 0 : i32
        %dma_wait3A_302 = arith.constant 0 : i32
        %dma_wait3A_303 = tpu.memref_slice %arg9[%dma_wait3A_301, %dma_wait3A_302] : memref<10112x128xf32, #tpu.memory_space<vmem_shared>> -> memref<10112x128xf32, #tpu.memory_space<vmem_shared>>
        tpu.wait_indirect_dma semaphore(%run_scoped3A_283 : memref<!tpu.dma_semaphore, #tpu.memory_space<semaphore_mem>>) src(%dma_wait3A_297 : memref<128x128xf32, #tpu.memory_space<vmem>>) dst(%dma_wait3A_303 : memref<10112x128xf32, #tpu.memory_space<vmem_shared>>)
        tpu.yield
      }) : () -> ()
      %add3A_184 = arith.constant 0 : i32
      %add3A_185 = arith.addi %mul3A_150, %add3A_184 : i32
      %add3A_186 = arith.constant 2 : i32
      %add3A_187 = arith.addi %add3A_185, %add3A_186 : i32
      %add3A_188 = arith.addi %mul3A_4, %add3A_187 : i32
      %dma_start3A_189 = arith.constant 0 : i32
      %dma_start3A_190 = arith.constant 0 : i32
      %dma_start3A_191 = tpu.memref_slice %arg7[%dma_start3A_189, %dma_start3A_190] : memref<2x128xi32, #tpu.memory_space<vmem>> -> memref<1x128xi32, #tpu.memory_space<vmem>>
      %dma_start3A_192 = tpu.memref_squeeze %dma_start3A_191 : memref<1x128xi32, #tpu.memory_space<vmem>> -> memref<128xi32, #tpu.memory_space<vmem>>
      %dma_start3A_193 = arith.constant 0 : i32
      %dma_start3A_194 = tpu.memref_slice %arg4[%add3A_188, %dma_start3A_193] : memref<2560x128xi32, #tpu.memory_space<hbm>> -> memref<1x128xi32, #tpu.memory_space<hbm>>
      %dma_start3A_195 = tpu.memref_squeeze %dma_start3A_194 : memref<1x128xi32, #tpu.memory_space<hbm>> -> memref<128xi32, #tpu.memory_space<hbm>>
      %dma_start3A_196 = arith.constant 0 : i32
      %dma_start3A_197 = tpu.memref_slice %arg7[%dma_start3A_189, %dma_start3A_196] : memref<2x128xi32, #tpu.memory_space<vmem>> -> memref<1x128xi32, #tpu.memory_space<vmem>>
      %dma_start3A_198 = tpu.memref_squeeze %dma_start3A_197 : memref<1x128xi32, #tpu.memory_space<vmem>> -> memref<128xi32, #tpu.memory_space<vmem>>
      %dma_start3A_199 = arith.constant 0 : i32
      %dma_start3A_200 = tpu.memref_slice %arg4[%add3A_188, %dma_start3A_199] : memref<2560x128xi32, #tpu.memory_space<hbm>> -> memref<1x128xi32, #tpu.memory_space<hbm>>
      %dma_start3A_201 = tpu.memref_squeeze %dma_start3A_200 : memref<1x128xi32, #tpu.memory_space<hbm>> -> memref<128xi32, #tpu.memory_space<hbm>>
      tpu.enqueue_dma source(%dma_start3A_201 : memref<128xi32, #tpu.memory_space<hbm>>) target(%dma_start3A_198 : memref<128xi32, #tpu.memory_space<vmem>>) target_semaphore(%arg12 : memref<!tpu.dma_semaphore, #tpu.memory_space<semaphore_mem>>)
      %add3A_202 = arith.constant 0 : i32
      %add3A_203 = arith.addi %mul3A_150, %add3A_202 : i32
      %add3A_204 = arith.constant 2 : i32
      %add3A_205 = arith.addi %add3A_203, %add3A_204 : i32
      %mul3A_206 = arith.constant 128 : i32
      %mul3A_207 = arith.muli %add3A_205, %mul3A_206 : i32
      %dma_start3A_208 = arith.constant 0 : i32
      %dma_start3A_209 = arith.constant 0 : i32
      %dma_start3A_210 = arith.constant 0 : i32
      %dma_start3A_211 = tpu.memref_slice %arg8[%dma_start3A_208, %dma_start3A_209, %dma_start3A_210] : memref<2x128x128xf32, #tpu.memory_space<vmem>> -> memref<1x128x128xf32, #tpu.memory_space<vmem>>
      %dma_start3A_212 = tpu.memref_squeeze %dma_start3A_211 : memref<1x128x128xf32, #tpu.memory_space<vmem>> -> memref<128x128xf32, #tpu.memory_space<vmem>>
      %dma_start3A_213 = tpu.memref_slice %arg6[%mul3A_207] : memref<10240xi32, #tpu.memory_space<vmem>> -> memref<128xi32, #tpu.memory_space<vmem>>
      %dma_start3A_214 = arith.constant 0 : i32
      %dma_start3A_215 = arith.constant 0 : i32
      %dma_start3A_216 = tpu.memref_slice %arg2[%dma_start3A_214, %dma_start3A_215] : memref<170000x128xf32, #tpu.memory_space<hbm>> -> memref<170000x128xf32, #tpu.memory_space<hbm>>
      tpu.enqueue_indirect_dma source(%dma_start3A_216 : memref<170000x128xf32, #tpu.memory_space<hbm>>) target(%dma_start3A_212 : memref<128x128xf32, #tpu.memory_space<vmem>>) offsets(%dma_start3A_213 : memref<128xi32, #tpu.memory_space<vmem>>) semaphore(%arg10 : memref<!tpu.dma_semaphore, #tpu.memory_space<semaphore_mem>>)
      %add3A_217 = arith.constant 1 : i32
      %add3A_218 = arith.addi %mul3A_150, %add3A_217 : i32
      %add3A_219 = arith.addi %mul3A_4, %add3A_218 : i32
      %dma_wait3A_220 = arith.constant 1 : i32
      %dma_wait3A_221 = arith.constant 0 : i32
      %dma_wait3A_222 = tpu.memref_slice %arg7[%dma_wait3A_220, %dma_wait3A_221] : memref<2x128xi32, #tpu.memory_space<vmem>> -> memref<1x128xi32, #tpu.memory_space<vmem>>
      %dma_wait3A_223 = tpu.memref_squeeze %dma_wait3A_222 : memref<1x128xi32, #tpu.memory_space<vmem>> -> memref<128xi32, #tpu.memory_space<vmem>>
      %dma_wait3A_224 = arith.constant 0 : i32
      %dma_wait3A_225 = tpu.memref_slice %arg4[%add3A_219, %dma_wait3A_224] : memref<2560x128xi32, #tpu.memory_space<hbm>> -> memref<1x128xi32, #tpu.memory_space<hbm>>
      %dma_wait3A_226 = tpu.memref_squeeze %dma_wait3A_225 : memref<1x128xi32, #tpu.memory_space<hbm>> -> memref<128xi32, #tpu.memory_space<hbm>>
      %dma_wait3A_227 = arith.constant 0 : i32
      %dma_wait3A_228 = tpu.memref_slice %arg7[%dma_wait3A_220, %dma_wait3A_227] : memref<2x128xi32, #tpu.memory_space<vmem>> -> memref<1x128xi32, #tpu.memory_space<vmem>>
      %dma_wait3A_229 = tpu.memref_squeeze %dma_wait3A_228 : memref<1x128xi32, #tpu.memory_space<vmem>> -> memref<128xi32, #tpu.memory_space<vmem>>
      %dma_wait3A_230 = arith.constant 0 : i32
      %dma_wait3A_231 = tpu.memref_slice %arg4[%add3A_219, %dma_wait3A_230] : memref<2560x128xi32, #tpu.memory_space<hbm>> -> memref<1x128xi32, #tpu.memory_space<hbm>>
      %dma_wait3A_232 = tpu.memref_squeeze %dma_wait3A_231 : memref<1x128xi32, #tpu.memory_space<hbm>> -> memref<128xi32, #tpu.memory_space<hbm>>
      tpu.wait_dma2 semaphore(%arg13 : memref<!tpu.dma_semaphore, #tpu.memory_space<semaphore_mem>>) src(%dma_wait3A_232 : memref<128xi32, #tpu.memory_space<hbm>>) dst(%dma_wait3A_229 : memref<128xi32, #tpu.memory_space<vmem>>)
      %add3A_233 = arith.constant 1 : i32
      %add3A_234 = arith.addi %mul3A_150, %add3A_233 : i32
      %mul3A_235 = arith.constant 128 : i32
      %mul3A_236 = arith.muli %add3A_234, %mul3A_235 : i32
      %dma_wait3A_237 = arith.constant 1 : i32
      %dma_wait3A_238 = arith.constant 0 : i32
      %dma_wait3A_239 = arith.constant 0 : i32
      %dma_wait3A_240 = tpu.memref_slice %arg8[%dma_wait3A_237, %dma_wait3A_238, %dma_wait3A_239] : memref<2x128x128xf32, #tpu.memory_space<vmem>> -> memref<1x128x128xf32, #tpu.memory_space<vmem>>
      %dma_wait3A_241 = tpu.memref_squeeze %dma_wait3A_240 : memref<1x128x128xf32, #tpu.memory_space<vmem>> -> memref<128x128xf32, #tpu.memory_space<vmem>>
      %dma_wait3A_242 = tpu.memref_slice %arg6[%mul3A_236] : memref<10240xi32, #tpu.memory_space<vmem>> -> memref<128xi32, #tpu.memory_space<vmem>>
      %dma_wait3A_243 = arith.constant 0 : i32
      %dma_wait3A_244 = arith.constant 0 : i32
      %dma_wait3A_245 = tpu.memref_slice %arg2[%dma_wait3A_243, %dma_wait3A_244] : memref<170000x128xf32, #tpu.memory_space<hbm>> -> memref<170000x128xf32, #tpu.memory_space<hbm>>
      tpu.wait_indirect_dma semaphore(%arg11 : memref<!tpu.dma_semaphore, #tpu.memory_space<semaphore_mem>>) src(%dma_wait3A_245 : memref<170000x128xf32, #tpu.memory_space<hbm>>) dst(%dma_wait3A_241 : memref<128x128xf32, #tpu.memory_space<vmem>>)
      %add3A_246 = arith.constant 1 : i32
      %add3A_247 = arith.addi %mul3A_150, %add3A_246 : i32
      %run_scoped3A_248 = arith.constant 1 : i32
      %run_scoped3A_249 = arith.constant 1 : i32
      "tpu.region"() ({
        %run_scoped3A_283 = tpu.sem_alloc : memref<!tpu.dma_semaphore, #tpu.memory_space<semaphore_mem>>
        %dma_start3A_284 = arith.constant 0 : i32
        %dma_start3A_285 = arith.constant 0 : i32
        %dma_start3A_286 = tpu.memref_slice %arg8[%run_scoped3A_248, %dma_start3A_284, %dma_start3A_285] : memref<2x128x128xf32, #tpu.memory_space<vmem>> -> memref<1x128x128xf32, #tpu.memory_space<vmem>>
        %dma_start3A_287 = tpu.memref_squeeze %dma_start3A_286 : memref<1x128x128xf32, #tpu.memory_space<vmem>> -> memref<128x128xf32, #tpu.memory_space<vmem>>
        %dma_start3A_288 = arith.constant 0 : i32
        %dma_start3A_289 = tpu.memref_slice %arg7[%run_scoped3A_249, %dma_start3A_288] : memref<2x128xi32, #tpu.memory_space<vmem>> -> memref<1x128xi32, #tpu.memory_space<vmem>>
        %dma_start3A_290 = tpu.memref_squeeze %dma_start3A_289 : memref<1x128xi32, #tpu.memory_space<vmem>> -> memref<128xi32, #tpu.memory_space<vmem>>
        %dma_start3A_291 = arith.constant 0 : i32
        %dma_start3A_292 = arith.constant 0 : i32
        %dma_start3A_293 = tpu.memref_slice %arg9[%dma_start3A_291, %dma_start3A_292] : memref<10112x128xf32, #tpu.memory_space<vmem_shared>> -> memref<10112x128xf32, #tpu.memory_space<vmem_shared>>
        tpu.enqueue_indirect_dma source(%dma_start3A_287 : memref<128x128xf32, #tpu.memory_space<vmem>>) target(%dma_start3A_293 : memref<10112x128xf32, #tpu.memory_space<vmem_shared>>) offsets(%dma_start3A_290 : memref<128xi32, #tpu.memory_space<vmem>>) semaphore(%run_scoped3A_283 : memref<!tpu.dma_semaphore, #tpu.memory_space<semaphore_mem>>) {add = true}
        %dma_wait3A_294 = arith.constant 0 : i32
        %dma_wait3A_295 = arith.constant 0 : i32
        %dma_wait3A_296 = tpu.memref_slice %arg8[%run_scoped3A_248, %dma_wait3A_294, %dma_wait3A_295] : memref<2x128x128xf32, #tpu.memory_space<vmem>> -> memref<1x128x128xf32, #tpu.memory_space<vmem>>
        %dma_wait3A_297 = tpu.memref_squeeze %dma_wait3A_296 : memref<1x128x128xf32, #tpu.memory_space<vmem>> -> memref<128x128xf32, #tpu.memory_space<vmem>>
        %dma_wait3A_298 = arith.constant 0 : i32
        %dma_wait3A_299 = tpu.memref_slice %arg7[%run_scoped3A_249, %dma_wait3A_298] : memref<2x128xi32, #tpu.memory_space<vmem>> -> memref<1x128xi32, #tpu.memory_space<vmem>>
        %dma_wait3A_300 = tpu.memref_squeeze %dma_wait3A_299 : memref<1x128xi32, #tpu.memory_space<vmem>> -> memref<128xi32, #tpu.memory_space<vmem>>
        %dma_wait3A_301 = arith.constant 0 : i32
        %dma_wait3A_302 = arith.constant 0 : i32
        %dma_wait3A_303 = tpu.memref_slice %arg9[%dma_wait3A_301, %dma_wait3A_302] : memref<10112x128xf32, #tpu.memory_space<vmem_shared>> -> memref<10112x128xf32, #tpu.memory_space<vmem_shared>>
        tpu.wait_indirect_dma semaphore(%run_scoped3A_283 : memref<!tpu.dma_semaphore, #tpu.memory_space<semaphore_mem>>) src(%dma_wait3A_297 : memref<128x128xf32, #tpu.memory_space<vmem>>) dst(%dma_wait3A_303 : memref<10112x128xf32, #tpu.memory_space<vmem_shared>>)
        tpu.yield
      }) : () -> ()
      %add3A_250 = arith.constant 1 : i32
      %add3A_251 = arith.addi %mul3A_150, %add3A_250 : i32
      %add3A_252 = arith.constant 2 : i32
      %add3A_253 = arith.addi %add3A_251, %add3A_252 : i32
      %add3A_254 = arith.addi %mul3A_4, %add3A_253 : i32
      %dma_start3A_255 = arith.constant 1 : i32
      %dma_start3A_256 = arith.constant 0 : i32
      %dma_start3A_257 = tpu.memref_slice %arg7[%dma_start3A_255, %dma_start3A_256] : memref<2x128xi32, #tpu.memory_space<vmem>> -> memref<1x128xi32, #tpu.memory_space<vmem>>
      %dma_start3A_258 = tpu.memref_squeeze %dma_start3A_257 : memref<1x128xi32, #tpu.memory_space<vmem>> -> memref<128xi32, #tpu.memory_space<vmem>>
      %dma_start3A_259 = arith.constant 0 : i32
      %dma_start3A_260 = tpu.memref_slice %arg4[%add3A_254, %dma_start3A_259] : memref<2560x128xi32, #tpu.memory_space<hbm>> -> memref<1x128xi32, #tpu.memory_space<hbm>>
      %dma_start3A_261 = tpu.memref_squeeze %dma_start3A_260 : memref<1x128xi32, #tpu.memory_space<hbm>> -> memref<128xi32, #tpu.memory_space<hbm>>
      %dma_start3A_262 = arith.constant 0 : i32
      %dma_start3A_263 = tpu.memref_slice %arg7[%dma_start3A_255, %dma_start3A_262] : memref<2x128xi32, #tpu.memory_space<vmem>> -> memref<1x128xi32, #tpu.memory_space<vmem>>
      %dma_start3A_264 = tpu.memref_squeeze %dma_start3A_263 : memref<1x128xi32, #tpu.memory_space<vmem>> -> memref<128xi32, #tpu.memory_space<vmem>>
      %dma_start3A_265 = arith.constant 0 : i32
      %dma_start3A_266 = tpu.memref_slice %arg4[%add3A_254, %dma_start3A_265] : memref<2560x128xi32, #tpu.memory_space<hbm>> -> memref<1x128xi32, #tpu.memory_space<hbm>>
      %dma_start3A_267 = tpu.memref_squeeze %dma_start3A_266 : memref<1x128xi32, #tpu.memory_space<hbm>> -> memref<128xi32, #tpu.memory_space<hbm>>
      tpu.enqueue_dma source(%dma_start3A_267 : memref<128xi32, #tpu.memory_space<hbm>>) target(%dma_start3A_264 : memref<128xi32, #tpu.memory_space<vmem>>) target_semaphore(%arg13 : memref<!tpu.dma_semaphore, #tpu.memory_space<semaphore_mem>>)
      %add3A_268 = arith.constant 1 : i32
      %add3A_269 = arith.addi %mul3A_150, %add3A_268 : i32
      %add3A_270 = arith.constant 2 : i32
      %add3A_271 = arith.addi %add3A_269, %add3A_270 : i32
      %mul3A_272 = arith.constant 128 : i32
      %mul3A_273 = arith.muli %add3A_271, %mul3A_272 : i32
      %dma_start3A_274 = arith.constant 1 : i32
      %dma_start3A_275 = arith.constant 0 : i32
      %dma_start3A_276 = arith.constant 0 : i32
      %dma_start3A_277 = tpu.memref_slice %arg8[%dma_start3A_274, %dma_start3A_275, %dma_start3A_276] : memref<2x128x128xf32, #tpu.memory_space<vmem>> -> memref<1x128x128xf32, #tpu.memory_space<vmem>>
      %dma_start3A_278 = tpu.memref_squeeze %dma_start3A_277 : memref<1x128x128xf32, #tpu.memory_space<vmem>> -> memref<128x128xf32, #tpu.memory_space<vmem>>
      %dma_start3A_279 = tpu.memref_slice %arg6[%mul3A_273] : memref<10240xi32, #tpu.memory_space<vmem>> -> memref<128xi32, #tpu.memory_space<vmem>>
      %dma_start3A_280 = arith.constant 0 : i32
      %dma_start3A_281 = arith.constant 0 : i32
      %dma_start3A_282 = tpu.memref_slice %arg2[%dma_start3A_280, %dma_start3A_281] : memref<170000x128xf32, #tpu.memory_space<hbm>> -> memref<170000x128xf32, #tpu.memory_space<hbm>>
      tpu.enqueue_indirect_dma source(%dma_start3A_282 : memref<170000x128xf32, #tpu.memory_space<hbm>>) target(%dma_start3A_278 : memref<128x128xf32, #tpu.memory_space<vmem>>) offsets(%dma_start3A_279 : memref<128xi32, #tpu.memory_space<vmem>>) semaphore(%arg11 : memref<!tpu.dma_semaphore, #tpu.memory_space<semaphore_mem>>)
    }
    %scan3A_89 = arith.constant 39 : i32
    %add3A_90 = arith.constant 78 : i32
    %add3A_91 = arith.addi %mul3A_4, %add3A_90 : i32
    %dma_wait3A = arith.constant 0 : i32
    %dma_wait3A_92 = arith.constant 0 : i32
    %dma_wait3A_93 = tpu.memref_slice %arg7[%dma_wait3A, %dma_wait3A_92] : memref<2x128xi32, #tpu.memory_space<vmem>> -> memref<1x128xi32, #tpu.memory_space<vmem>>
    %dma_wait3A_94 = tpu.memref_squeeze %dma_wait3A_93 : memref<1x128xi32, #tpu.memory_space<vmem>> -> memref<128xi32, #tpu.memory_space<vmem>>
    %dma_wait3A_95 = arith.constant 0 : i32
    %dma_wait3A_96 = tpu.memref_slice %arg4[%add3A_91, %dma_wait3A_95] : memref<2560x128xi32, #tpu.memory_space<hbm>> -> memref<1x128xi32, #tpu.memory_space<hbm>>
    %dma_wait3A_97 = tpu.memref_squeeze %dma_wait3A_96 : memref<1x128xi32, #tpu.memory_space<hbm>> -> memref<128xi32, #tpu.memory_space<hbm>>
    %dma_wait3A_98 = arith.constant 0 : i32
    %dma_wait3A_99 = tpu.memref_slice %arg7[%dma_wait3A, %dma_wait3A_98] : memref<2x128xi32, #tpu.memory_space<vmem>> -> memref<1x128xi32, #tpu.memory_space<vmem>>
    %dma_wait3A_100 = tpu.memref_squeeze %dma_wait3A_99 : memref<1x128xi32, #tpu.memory_space<vmem>> -> memref<128xi32, #tpu.memory_space<vmem>>
    %dma_wait3A_101 = arith.constant 0 : i32
    %dma_wait3A_102 = tpu.memref_slice %arg4[%add3A_91, %dma_wait3A_101] : memref<2560x128xi32, #tpu.memory_space<hbm>> -> memref<1x128xi32, #tpu.memory_space<hbm>>
    %dma_wait3A_103 = tpu.memref_squeeze %dma_wait3A_102 : memref<1x128xi32, #tpu.memory_space<hbm>> -> memref<128xi32, #tpu.memory_space<hbm>>
    tpu.wait_dma2 semaphore(%arg12 : memref<!tpu.dma_semaphore, #tpu.memory_space<semaphore_mem>>) src(%dma_wait3A_103 : memref<128xi32, #tpu.memory_space<hbm>>) dst(%dma_wait3A_100 : memref<128xi32, #tpu.memory_space<vmem>>)
    %dma_wait3A_104 = arith.constant 0 : i32
    %dma_wait3A_105 = arith.constant 0 : i32
    %dma_wait3A_106 = arith.constant 0 : i32
    %dma_wait3A_107 = tpu.memref_slice %arg8[%dma_wait3A_104, %dma_wait3A_105, %dma_wait3A_106] : memref<2x128x128xf32, #tpu.memory_space<vmem>> -> memref<1x128x128xf32, #tpu.memory_space<vmem>>
    %dma_wait3A_108 = tpu.memref_squeeze %dma_wait3A_107 : memref<1x128x128xf32, #tpu.memory_space<vmem>> -> memref<128x128xf32, #tpu.memory_space<vmem>>
    %dma_wait3A_109 = arith.constant 9984 : i32
    %dma_wait3A_110 = tpu.memref_slice %arg6[%dma_wait3A_109] : memref<10240xi32, #tpu.memory_space<vmem>> -> memref<128xi32, #tpu.memory_space<vmem>>
    %dma_wait3A_111 = arith.constant 0 : i32
    %dma_wait3A_112 = arith.constant 0 : i32
    %dma_wait3A_113 = tpu.memref_slice %arg2[%dma_wait3A_111, %dma_wait3A_112] : memref<170000x128xf32, #tpu.memory_space<hbm>> -> memref<170000x128xf32, #tpu.memory_space<hbm>>
    tpu.wait_indirect_dma semaphore(%arg10 : memref<!tpu.dma_semaphore, #tpu.memory_space<semaphore_mem>>) src(%dma_wait3A_113 : memref<170000x128xf32, #tpu.memory_space<hbm>>) dst(%dma_wait3A_108 : memref<128x128xf32, #tpu.memory_space<vmem>>)
    %run_scoped3A_114 = arith.constant 0 : i32
    %run_scoped3A_115 = arith.constant 0 : i32
    "tpu.region"() ({
      %run_scoped3A_148 = tpu.sem_alloc : memref<!tpu.dma_semaphore, #tpu.memory_space<semaphore_mem>>
      %dma_start3A_149 = arith.constant 0 : i32
      %dma_start3A_150 = arith.constant 0 : i32
      %dma_start3A_151 = tpu.memref_slice %arg8[%run_scoped3A_114, %dma_start3A_149, %dma_start3A_150] : memref<2x128x128xf32, #tpu.memory_space<vmem>> -> memref<1x128x128xf32, #tpu.memory_space<vmem>>
      %dma_start3A_152 = tpu.memref_squeeze %dma_start3A_151 : memref<1x128x128xf32, #tpu.memory_space<vmem>> -> memref<128x128xf32, #tpu.memory_space<vmem>>
      %dma_start3A_153 = arith.constant 0 : i32
      %dma_start3A_154 = tpu.memref_slice %arg7[%run_scoped3A_115, %dma_start3A_153] : memref<2x128xi32, #tpu.memory_space<vmem>> -> memref<1x128xi32, #tpu.memory_space<vmem>>
      %dma_start3A_155 = tpu.memref_squeeze %dma_start3A_154 : memref<1x128xi32, #tpu.memory_space<vmem>> -> memref<128xi32, #tpu.memory_space<vmem>>
      %dma_start3A_156 = arith.constant 0 : i32
      %dma_start3A_157 = arith.constant 0 : i32
      %dma_start3A_158 = tpu.memref_slice %arg9[%dma_start3A_156, %dma_start3A_157] : memref<10112x128xf32, #tpu.memory_space<vmem_shared>> -> memref<10112x128xf32, #tpu.memory_space<vmem_shared>>
      tpu.enqueue_indirect_dma source(%dma_start3A_152 : memref<128x128xf32, #tpu.memory_space<vmem>>) target(%dma_start3A_158 : memref<10112x128xf32, #tpu.memory_space<vmem_shared>>) offsets(%dma_start3A_155 : memref<128xi32, #tpu.memory_space<vmem>>) semaphore(%run_scoped3A_148 : memref<!tpu.dma_semaphore, #tpu.memory_space<semaphore_mem>>) {add = true}
      %dma_wait3A_159 = arith.constant 0 : i32
      %dma_wait3A_160 = arith.constant 0 : i32
      %dma_wait3A_161 = tpu.memref_slice %arg8[%run_scoped3A_114, %dma_wait3A_159, %dma_wait3A_160] : memref<2x128x128xf32, #tpu.memory_space<vmem>> -> memref<1x128x128xf32, #tpu.memory_space<vmem>>
      %dma_wait3A_162 = tpu.memref_squeeze %dma_wait3A_161 : memref<1x128x128xf32, #tpu.memory_space<vmem>> -> memref<128x128xf32, #tpu.memory_space<vmem>>
      %dma_wait3A_163 = arith.constant 0 : i32
      %dma_wait3A_164 = tpu.memref_slice %arg7[%run_scoped3A_115, %dma_wait3A_163] : memref<2x128xi32, #tpu.memory_space<vmem>> -> memref<1x128xi32, #tpu.memory_space<vmem>>
      %dma_wait3A_165 = tpu.memref_squeeze %dma_wait3A_164 : memref<1x128xi32, #tpu.memory_space<vmem>> -> memref<128xi32, #tpu.memory_space<vmem>>
      %dma_wait3A_166 = arith.constant 0 : i32
      %dma_wait3A_167 = arith.constant 0 : i32
      %dma_wait3A_168 = tpu.memref_slice %arg9[%dma_wait3A_166, %dma_wait3A_167] : memref<10112x128xf32, #tpu.memory_space<vmem_shared>> -> memref<10112x128xf32, #tpu.memory_space<vmem_shared>>
      tpu.wait_indirect_dma semaphore(%run_scoped3A_148 : memref<!tpu.dma_semaphore, #tpu.memory_space<semaphore_mem>>) src(%dma_wait3A_162 : memref<128x128xf32, #tpu.memory_space<vmem>>) dst(%dma_wait3A_168 : memref<10112x128xf32, #tpu.memory_space<vmem_shared>>)
      tpu.yield
    }) : () -> ()
    %add3A_116 = arith.constant 79 : i32
    %add3A_117 = arith.addi %mul3A_4, %add3A_116 : i32
    %dma_wait3A_118 = arith.constant 1 : i32
    %dma_wait3A_119 = arith.constant 0 : i32
    %dma_wait3A_120 = tpu.memref_slice %arg7[%dma_wait3A_118, %dma_wait3A_119] : memref<2x128xi32, #tpu.memory_space<vmem>> -> memref<1x128xi32, #tpu.memory_space<vmem>>
    %dma_wait3A_121 = tpu.memref_squeeze %dma_wait3A_120 : memref<1x128xi32, #tpu.memory_space<vmem>> -> memref<128xi32, #tpu.memory_space<vmem>>
    %dma_wait3A_122 = arith.constant 0 : i32
    %dma_wait3A_123 = tpu.memref_slice %arg4[%add3A_117, %dma_wait3A_122] : memref<2560x128xi32, #tpu.memory_space<hbm>> -> memref<1x128xi32, #tpu.memory_space<hbm>>
    %dma_wait3A_124 = tpu.memref_squeeze %dma_wait3A_123 : memref<1x128xi32, #tpu.memory_space<hbm>> -> memref<128xi32, #tpu.memory_space<hbm>>
    %dma_wait3A_125 = arith.constant 0 : i32
    %dma_wait3A_126 = tpu.memref_slice %arg7[%dma_wait3A_118, %dma_wait3A_125] : memref<2x128xi32, #tpu.memory_space<vmem>> -> memref<1x128xi32, #tpu.memory_space<vmem>>
    %dma_wait3A_127 = tpu.memref_squeeze %dma_wait3A_126 : memref<1x128xi32, #tpu.memory_space<vmem>> -> memref<128xi32, #tpu.memory_space<vmem>>
    %dma_wait3A_128 = arith.constant 0 : i32
    %dma_wait3A_129 = tpu.memref_slice %arg4[%add3A_117, %dma_wait3A_128] : memref<2560x128xi32, #tpu.memory_space<hbm>> -> memref<1x128xi32, #tpu.memory_space<hbm>>
    %dma_wait3A_130 = tpu.memref_squeeze %dma_wait3A_129 : memref<1x128xi32, #tpu.memory_space<hbm>> -> memref<128xi32, #tpu.memory_space<hbm>>
    tpu.wait_dma2 semaphore(%arg13 : memref<!tpu.dma_semaphore, #tpu.memory_space<semaphore_mem>>) src(%dma_wait3A_130 : memref<128xi32, #tpu.memory_space<hbm>>) dst(%dma_wait3A_127 : memref<128xi32, #tpu.memory_space<vmem>>)
    %dma_wait3A_131 = arith.constant 1 : i32
    %dma_wait3A_132 = arith.constant 0 : i32
    %dma_wait3A_133 = arith.constant 0 : i32
    %dma_wait3A_134 = tpu.memref_slice %arg8[%dma_wait3A_131, %dma_wait3A_132, %dma_wait3A_133] : memref<2x128x128xf32, #tpu.memory_space<vmem>> -> memref<1x128x128xf32, #tpu.memory_space<vmem>>
    %dma_wait3A_135 = tpu.memref_squeeze %dma_wait3A_134 : memref<1x128x128xf32, #tpu.memory_space<vmem>> -> memref<128x128xf32, #tpu.memory_space<vmem>>
    %dma_wait3A_136 = arith.constant 10112 : i32
    %dma_wait3A_137 = tpu.memref_slice %arg6[%dma_wait3A_136] : memref<10240xi32, #tpu.memory_space<vmem>> -> memref<128xi32, #tpu.memory_space<vmem>>
    %dma_wait3A_138 = arith.constant 0 : i32
    %dma_wait3A_139 = arith.constant 0 : i32
    %dma_wait3A_140 = tpu.memref_slice %arg2[%dma_wait3A_138, %dma_wait3A_139] : memref<170000x128xf32, #tpu.memory_space<hbm>> -> memref<170000x128xf32, #tpu.memory_space<hbm>>
    tpu.wait_indirect_dma semaphore(%arg11 : memref<!tpu.dma_semaphore, #tpu.memory_space<semaphore_mem>>) src(%dma_wait3A_140 : memref<170000x128xf32, #tpu.memory_space<hbm>>) dst(%dma_wait3A_135 : memref<128x128xf32, #tpu.memory_space<vmem>>)
    %run_scoped3A_141 = arith.constant 1 : i32
    %run_scoped3A_142 = arith.constant 1 : i32
    "tpu.region"() ({
      %run_scoped3A_148 = tpu.sem_alloc : memref<!tpu.dma_semaphore, #tpu.memory_space<semaphore_mem>>
      %dma_start3A_149 = arith.constant 0 : i32
      %dma_start3A_150 = arith.constant 0 : i32
      %dma_start3A_151 = tpu.memref_slice %arg8[%run_scoped3A_141, %dma_start3A_149, %dma_start3A_150] : memref<2x128x128xf32, #tpu.memory_space<vmem>> -> memref<1x128x128xf32, #tpu.memory_space<vmem>>
      %dma_start3A_152 = tpu.memref_squeeze %dma_start3A_151 : memref<1x128x128xf32, #tpu.memory_space<vmem>> -> memref<128x128xf32, #tpu.memory_space<vmem>>
      %dma_start3A_153 = arith.constant 0 : i32
      %dma_start3A_154 = tpu.memref_slice %arg7[%run_scoped3A_142, %dma_start3A_153] : memref<2x128xi32, #tpu.memory_space<vmem>> -> memref<1x128xi32, #tpu.memory_space<vmem>>
      %dma_start3A_155 = tpu.memref_squeeze %dma_start3A_154 : memref<1x128xi32, #tpu.memory_space<vmem>> -> memref<128xi32, #tpu.memory_space<vmem>>
      %dma_start3A_156 = arith.constant 0 : i32
      %dma_start3A_157 = arith.constant 0 : i32
      %dma_start3A_158 = tpu.memref_slice %arg9[%dma_start3A_156, %dma_start3A_157] : memref<10112x128xf32, #tpu.memory_space<vmem_shared>> -> memref<10112x128xf32, #tpu.memory_space<vmem_shared>>
      tpu.enqueue_indirect_dma source(%dma_start3A_152 : memref<128x128xf32, #tpu.memory_space<vmem>>) target(%dma_start3A_158 : memref<10112x128xf32, #tpu.memory_space<vmem_shared>>) offsets(%dma_start3A_155 : memref<128xi32, #tpu.memory_space<vmem>>) semaphore(%run_scoped3A_148 : memref<!tpu.dma_semaphore, #tpu.memory_space<semaphore_mem>>) {add = true}
      %dma_wait3A_159 = arith.constant 0 : i32
      %dma_wait3A_160 = arith.constant 0 : i32
      %dma_wait3A_161 = tpu.memref_slice %arg8[%run_scoped3A_141, %dma_wait3A_159, %dma_wait3A_160] : memref<2x128x128xf32, #tpu.memory_space<vmem>> -> memref<1x128x128xf32, #tpu.memory_space<vmem>>
      %dma_wait3A_162 = tpu.memref_squeeze %dma_wait3A_161 : memref<1x128x128xf32, #tpu.memory_space<vmem>> -> memref<128x128xf32, #tpu.memory_space<vmem>>
      %dma_wait3A_163 = arith.constant 0 : i32
      %dma_wait3A_164 = tpu.memref_slice %arg7[%run_scoped3A_142, %dma_wait3A_163] : memref<2x128xi32, #tpu.memory_space<vmem>> -> memref<1x128xi32, #tpu.memory_space<vmem>>
      %dma_wait3A_165 = tpu.memref_squeeze %dma_wait3A_164 : memref<1x128xi32, #tpu.memory_space<vmem>> -> memref<128xi32, #tpu.memory_space<vmem>>
      %dma_wait3A_166 = arith.constant 0 : i32
      %dma_wait3A_167 = arith.constant 0 : i32
      %dma_wait3A_168 = tpu.memref_slice %arg9[%dma_wait3A_166, %dma_wait3A_167] : memref<10112x128xf32, #tpu.memory_space<vmem_shared>> -> memref<10112x128xf32, #tpu.memory_space<vmem_shared>>
      tpu.wait_indirect_dma semaphore(%run_scoped3A_148 : memref<!tpu.dma_semaphore, #tpu.memory_space<semaphore_mem>>) src(%dma_wait3A_162 : memref<128x128xf32, #tpu.memory_space<vmem>>) dst(%dma_wait3A_168 : memref<10112x128xf32, #tpu.memory_space<vmem_shared>>)
      tpu.yield
    }) : () -> ()
    %barrier3A_143 = arith.constant 0 : index
    tpu.barrier barrier_id(%barrier3A_143)
    %mul3A_144 = arith.constant 632 : i32
    %mul3A_145 = arith.muli %arg1, %mul3A_144 : i32
    %mul3A_146 = arith.constant 632 : i32
    %mul3A_147 = arith.muli %arg1, %mul3A_146 : i32
    "tpu.region"() ({
      %run_scoped3A_148 = tpu.sem_alloc : memref<!tpu.dma_semaphore, #tpu.memory_space<semaphore_mem>>
      %dma_start3A_149 = arith.constant 0 : i32
      %dma_start3A_150 = arith.constant 0 : i32
      %dma_start3A_151 = tpu.memref_slice %arg5[%arg0, %dma_start3A_149, %dma_start3A_150] : memref<2x10112x128xf32, #tpu.memory_space<hbm>> -> memref<1x10112x128xf32, #tpu.memory_space<hbm>>
      %dma_start3A_152 = tpu.memref_squeeze %dma_start3A_151 : memref<1x10112x128xf32, #tpu.memory_space<hbm>> -> memref<10112x128xf32, #tpu.memory_space<hbm>>
      %dma_start3A_153 = arith.constant 0 : i32
      %dma_start3A_154 = tpu.memref_slice %dma_start3A_152[%mul3A_147, %dma_start3A_153] : memref<10112x128xf32, #tpu.memory_space<hbm>> -> memref<632x128xf32, #tpu.memory_space<hbm>>
      %dma_start3A_155 = arith.constant 0 : i32
      %dma_start3A_156 = tpu.memref_slice %arg9[%mul3A_145, %dma_start3A_155] : memref<10112x128xf32, #tpu.memory_space<vmem_shared>> -> memref<632x128xf32, #tpu.memory_space<vmem_shared>>
      tpu.enqueue_dma source(%dma_start3A_156 : memref<632x128xf32, #tpu.memory_space<vmem_shared>>) target(%dma_start3A_154 : memref<632x128xf32, #tpu.memory_space<hbm>>) target_semaphore(%run_scoped3A_148 : memref<!tpu.dma_semaphore, #tpu.memory_space<semaphore_mem>>)
      %dma_wait3A_157 = arith.constant 0 : i32
      %dma_wait3A_158 = arith.constant 0 : i32
      %dma_wait3A_159 = tpu.memref_slice %arg5[%arg0, %dma_wait3A_157, %dma_wait3A_158] : memref<2x10112x128xf32, #tpu.memory_space<hbm>> -> memref<1x10112x128xf32, #tpu.memory_space<hbm>>
      %dma_wait3A_160 = tpu.memref_squeeze %dma_wait3A_159 : memref<1x10112x128xf32, #tpu.memory_space<hbm>> -> memref<10112x128xf32, #tpu.memory_space<hbm>>
      %dma_wait3A_161 = arith.constant 0 : i32
      %dma_wait3A_162 = tpu.memref_slice %dma_wait3A_160[%mul3A_147, %dma_wait3A_161] : memref<10112x128xf32, #tpu.memory_space<hbm>> -> memref<632x128xf32, #tpu.memory_space<hbm>>
      %dma_wait3A_163 = arith.constant 0 : i32
      %dma_wait3A_164 = tpu.memref_slice %arg9[%mul3A_145, %dma_wait3A_163] : memref<10112x128xf32, #tpu.memory_space<vmem_shared>> -> memref<632x128xf32, #tpu.memory_space<vmem_shared>>
      tpu.wait_dma2 semaphore(%run_scoped3A_148 : memref<!tpu.dma_semaphore, #tpu.memory_space<semaphore_mem>>) src(%dma_wait3A_164 : memref<632x128xf32, #tpu.memory_space<vmem_shared>>) dst(%dma_wait3A_162 : memref<632x128xf32, #tpu.memory_space<hbm>>)
      tpu.yield
    }) : () -> ()
    return
  }
}

#map = affine_map<(d0, d1) -> (0)>
#map1 = affine_map<(d0, d1) -> (0, 0)>
module attributes {stable_mosaic.version = 14 : i64} {
  func.func @_p_body(%arg0: i32, %arg1: i32, %arg2: memref<327680xi32, #tpu.memory_space<hbm>>, %arg3: memref<327680xi32, #tpu.memory_space<hbm>>, %arg4: memref<327680xi32, #tpu.memory_space<hbm>>, %arg5: memref<327680xi32, #tpu.memory_space<hbm>>, %arg6: memref<32x10368xi32, #tpu.memory_space<hbm>>, %arg7: memref<32x10368xi32, #tpu.memory_space<hbm>>, %arg8: memref<32x16xi32, #tpu.memory_space<hbm>>, %arg9: memref<10240xi32, #tpu.memory_space<vmem>>, %arg10: memref<10240xi32, #tpu.memory_space<vmem>>, %arg11: memref<10240xi32, #tpu.memory_space<vmem>>, %arg12: memref<10512xi32, #tpu.memory_space<vmem>>, %arg13: memref<10512xi32, #tpu.memory_space<vmem>>, %arg14: memref<16xi32, #tpu.memory_space<vmem>>) attributes {dimension_semantics = [#tpu.dimension_semantics<core_parallel>, #tpu.dimension_semantics<subcore_parallel>], iteration_bounds = array<i64: 2, 16>, scalar_prefetch = 0 : i64, scratch_operands = 6 : i64, tpu.core_type = #tpu.core_type<sc_vector_subcore>, window_params = [{transform_indices = #map}, {transform_indices = #map}, {transform_indices = #map}, {transform_indices = #map}, {transform_indices = #map1}, {transform_indices = #map1}, {transform_indices = #map1}]} {
    %mul3A = arith.constant 2 : i32
    %mul3A_0 = arith.muli %arg1, %mul3A : i32
    %add3A = arith.addi %mul3A_0, %arg0 : i32
    %mul3A_1 = arith.constant 10240 : i32
    %mul3A_2 = arith.muli %add3A, %mul3A_1 : i32
    "tpu.region"() ({
      %run_scoped3A = tpu.sem_alloc : memref<!tpu.dma_semaphore, #tpu.memory_space<semaphore_mem>>
      %dma_start3A = tpu.memref_slice %arg2[%mul3A_2] : memref<327680xi32, #tpu.memory_space<hbm>> -> memref<10240xi32, #tpu.memory_space<hbm>>
      %dma_start3A_94 = tpu.memref_slice %arg2[%mul3A_2] : memref<327680xi32, #tpu.memory_space<hbm>> -> memref<10240xi32, #tpu.memory_space<hbm>>
      tpu.enqueue_dma source(%dma_start3A_94 : memref<10240xi32, #tpu.memory_space<hbm>>) target(%arg9 : memref<10240xi32, #tpu.memory_space<vmem>>) target_semaphore(%run_scoped3A : memref<!tpu.dma_semaphore, #tpu.memory_space<semaphore_mem>>)
      %dma_wait3A = tpu.memref_slice %arg2[%mul3A_2] : memref<327680xi32, #tpu.memory_space<hbm>> -> memref<10240xi32, #tpu.memory_space<hbm>>
      %dma_wait3A_95 = tpu.memref_slice %arg2[%mul3A_2] : memref<327680xi32, #tpu.memory_space<hbm>> -> memref<10240xi32, #tpu.memory_space<hbm>>
      tpu.wait_dma2 semaphore(%run_scoped3A : memref<!tpu.dma_semaphore, #tpu.memory_space<semaphore_mem>>) src(%dma_wait3A_95 : memref<10240xi32, #tpu.memory_space<hbm>>) dst(%arg9 : memref<10240xi32, #tpu.memory_space<vmem>>)
      tpu.yield
    }) : () -> ()
    "tpu.region"() ({
      %run_scoped3A = tpu.sem_alloc : memref<!tpu.dma_semaphore, #tpu.memory_space<semaphore_mem>>
      %dma_start3A = tpu.memref_slice %arg3[%mul3A_2] : memref<327680xi32, #tpu.memory_space<hbm>> -> memref<10240xi32, #tpu.memory_space<hbm>>
      %dma_start3A_94 = tpu.memref_slice %arg3[%mul3A_2] : memref<327680xi32, #tpu.memory_space<hbm>> -> memref<10240xi32, #tpu.memory_space<hbm>>
      tpu.enqueue_dma source(%dma_start3A_94 : memref<10240xi32, #tpu.memory_space<hbm>>) target(%arg10 : memref<10240xi32, #tpu.memory_space<vmem>>) target_semaphore(%run_scoped3A : memref<!tpu.dma_semaphore, #tpu.memory_space<semaphore_mem>>)
      %dma_wait3A = tpu.memref_slice %arg3[%mul3A_2] : memref<327680xi32, #tpu.memory_space<hbm>> -> memref<10240xi32, #tpu.memory_space<hbm>>
      %dma_wait3A_95 = tpu.memref_slice %arg3[%mul3A_2] : memref<327680xi32, #tpu.memory_space<hbm>> -> memref<10240xi32, #tpu.memory_space<hbm>>
      tpu.wait_dma2 semaphore(%run_scoped3A : memref<!tpu.dma_semaphore, #tpu.memory_space<semaphore_mem>>) src(%dma_wait3A_95 : memref<10240xi32, #tpu.memory_space<hbm>>) dst(%arg10 : memref<10240xi32, #tpu.memory_space<vmem>>)
      tpu.yield
    }) : () -> ()
    "tpu.region"() ({
      %run_scoped3A = tpu.sem_alloc : memref<!tpu.dma_semaphore, #tpu.memory_space<semaphore_mem>>
      %dma_start3A = tpu.memref_slice %arg4[%mul3A_2] : memref<327680xi32, #tpu.memory_space<hbm>> -> memref<10240xi32, #tpu.memory_space<hbm>>
      %dma_start3A_94 = tpu.memref_slice %arg4[%mul3A_2] : memref<327680xi32, #tpu.memory_space<hbm>> -> memref<10240xi32, #tpu.memory_space<hbm>>
      tpu.enqueue_dma source(%dma_start3A_94 : memref<10240xi32, #tpu.memory_space<hbm>>) target(%arg11 : memref<10240xi32, #tpu.memory_space<vmem>>) target_semaphore(%run_scoped3A : memref<!tpu.dma_semaphore, #tpu.memory_space<semaphore_mem>>)
      %dma_wait3A = tpu.memref_slice %arg4[%mul3A_2] : memref<327680xi32, #tpu.memory_space<hbm>> -> memref<10240xi32, #tpu.memory_space<hbm>>
      %dma_wait3A_95 = tpu.memref_slice %arg4[%mul3A_2] : memref<327680xi32, #tpu.memory_space<hbm>> -> memref<10240xi32, #tpu.memory_space<hbm>>
      tpu.wait_dma2 semaphore(%run_scoped3A : memref<!tpu.dma_semaphore, #tpu.memory_space<semaphore_mem>>) src(%dma_wait3A_95 : memref<10240xi32, #tpu.memory_space<hbm>>) dst(%arg11 : memref<10240xi32, #tpu.memory_space<vmem>>)
      tpu.yield
    }) : () -> ()
    %broadcast_in_dim3A = arith.constant 17 : i32
    %broadcast_in_dim3A_3 = vector.broadcast %broadcast_in_dim3A : i32 to vector<16xi32>
    %broadcast_in_dim3A_4 = arith.constant 100 : i32
    %broadcast_in_dim3A_5 = vector.broadcast %broadcast_in_dim3A_4 : i32 to vector<16xi32>
    %broadcast_in_dim3A_6 = arith.constant 2 : i32
    %broadcast_in_dim3A_7 = vector.broadcast %broadcast_in_dim3A_6 : i32 to vector<16xi32>
    %broadcast_in_dim3A_8 = arith.constant 200 : i32
    %broadcast_in_dim3A_9 = vector.broadcast %broadcast_in_dim3A_8 : i32 to vector<16xi32>
    %broadcast_in_dim3A_10 = arith.constant 5243 : i32
    %broadcast_in_dim3A_11 = vector.broadcast %broadcast_in_dim3A_10 : i32 to vector<16xi32>
    %broadcast_in_dim3A_12 = arith.constant 19 : i32
    %broadcast_in_dim3A_13 = vector.broadcast %broadcast_in_dim3A_12 : i32 to vector<16xi32>
    %broadcast_in_dim3A_14 = arith.constant 1 : i32
    %broadcast_in_dim3A_15 = vector.broadcast %broadcast_in_dim3A_14 : i32 to vector<16xi32>
    %broadcast_in_dim3A_16 = arith.constant 10496 : i32
    %broadcast_in_dim3A_17 = vector.broadcast %broadcast_in_dim3A_16 : i32 to vector<16xi32>
    %iota3A = tpu.iota {dimensions = array<i32: 0>} : vector<16xi32>
    %scan3A = arith.constant 0 : i32
    %scan3A_18 = arith.constant 0 : i32
    %scan3A_19 = arith.constant 80 : i32
    %scan3A_20 = arith.addi %scan3A_18, %scan3A_19 : i32
    %scan3A_21 = arith.constant 1 : i32
    %scan3A_22 = scf.for %scan3A_94 = %scan3A_18 to %scan3A_20 step %scan3A_21 iter_args(%scan3A_95 = %scan3A) -> (i32)  : i32 {
      %mul3A_96 = arith.constant 128 : i32
      %mul3A_97 = arith.muli %scan3A_94, %mul3A_96 : i32
      %add3A_98 = arith.constant 0 : i32
      %add3A_99 = arith.addi %mul3A_97, %add3A_98 : i32
      %get3A = arith.index_cast %add3A_99 : i32 to index
      %get3A_100 = tpu.vector_load %arg9[%get3A] {strides = array<i32>} : memref<10240xi32, #tpu.memory_space<vmem>>, vector<16xi32>,
      %get3A_101 = arith.index_cast %add3A_99 : i32 to index
      %get3A_102 = tpu.vector_load %arg10[%get3A_101] {strides = array<i32>} : memref<10240xi32, #tpu.memory_space<vmem>>, vector<16xi32>,
      %get3A_103 = arith.index_cast %add3A_99 : i32 to index
      %get3A_104 = tpu.vector_load %arg11[%get3A_103] {strides = array<i32>} : memref<10240xi32, #tpu.memory_space<vmem>>, vector<16xi32>,
      %mul3A_105 = arith.muli %get3A_100, %broadcast_in_dim3A_3 : vector<16xi32>
      %add3A_106 = arith.addi %mul3A_105, %get3A_102 : vector<16xi32>
      %swap3A_107 = arith.index_cast %add3A_99 : i32 to index
      %swap3A_108 = tpu.vector_load %arg9[%swap3A_107] {strides = array<i32>} : memref<10240xi32, #tpu.memory_space<vmem>>, vector<16xi32>,
      tpu.vector_store %arg9[%swap3A_107], %add3A_106 {strides = array<i32>} : memref<10240xi32, #tpu.memory_space<vmem>>, vector<16xi32>,
      %eq3A = arith.constant 0 : i32
      %eq3A_109 = vector.broadcast %eq3A : i32 to vector<16xi32>
      %eq3A_110 = arith.cmpi eq, %broadcast_in_dim3A_5, %eq3A_109 : vector<16xi32>
      %broadcast_in_dim3A_111 = arith.constant 1 : i32
      %broadcast_in_dim3A_112 = vector.broadcast %broadcast_in_dim3A_111 : i32 to vector<16xi32>
      %select_n3A = arith.select %eq3A_110, %broadcast_in_dim3A_112, %broadcast_in_dim3A_5 : vector<16xi1>, vector<16xi32>
      %rem3A = arith.remsi %get3A_104, %select_n3A : vector<16xi32>
      %ne3A = arith.constant 0 : i32
      %ne3A_113 = vector.broadcast %ne3A : i32 to vector<16xi32>
      %ne3A_114 = arith.cmpi ne, %rem3A, %ne3A_113 : vector<16xi32>
      %lt3A = arith.constant 0 : i32
      %lt3A_115 = vector.broadcast %lt3A : i32 to vector<16xi32>
      %lt3A_116 = arith.cmpi slt, %rem3A, %lt3A_115 : vector<16xi32>
      %lt3A_117 = arith.constant 0 : i32
      %lt3A_118 = vector.broadcast %lt3A_117 : i32 to vector<16xi32>
      %lt3A_119 = arith.cmpi slt, %select_n3A, %lt3A_118 : vector<16xi32>
      %ne3A_120 = arith.xori %lt3A_116, %lt3A_119 : vector<16xi1>
      %and3A = arith.andi %ne3A_120, %ne3A_114 : vector<16xi1>
      %add3A_121 = arith.addi %rem3A, %select_n3A : vector<16xi32>
      %select_n3A_122 = arith.select %and3A, %add3A_121, %rem3A : vector<16xi1>, vector<16xi32>
      %mul3A_123 = arith.muli %get3A_104, %broadcast_in_dim3A_11 : vector<16xi32>
      %shift_right_logical3A = arith.shrui %mul3A_123, %broadcast_in_dim3A_13 : vector<16xi32>
      %lt3A_124 = arith.cmpi slt, %select_n3A_122, %broadcast_in_dim3A_7 : vector<16xi32>
      %mul3A_125 = arith.muli %get3A_102, %broadcast_in_dim3A_9 : vector<16xi32>
      %mul3A_126 = arith.muli %shift_right_logical3A, %broadcast_in_dim3A_7 : vector<16xi32>
      %add3A_127 = arith.addi %mul3A_125, %mul3A_126 : vector<16xi32>
      %add3A_128 = arith.addi %add3A_127, %select_n3A_122 : vector<16xi32>
      %sub3A = arith.subi %broadcast_in_dim3A_15, %broadcast_in_dim3A_15 : vector<16xi32>
      %select_n3A_129 = arith.select %lt3A_124, %broadcast_in_dim3A_15, %sub3A : vector<16xi1>, vector<16xi32>
      %broadcast_in_dim3A_130 = arith.constant true
      %broadcast_in_dim3A_131 = vector.broadcast %broadcast_in_dim3A_130 : i1 to vector<16xi1>
      %masked_cumsum3A = tpu.scan <sum>, %select_n3A_129 masked %broadcast_in_dim3A_131 : vector<16xi32>, vector<16xi1> -> vector<16xi32>
      %broadcast_in_dim3A_132 = vector.broadcast %scan3A_95 : i32 to vector<16xi32>
      %add3A_133 = arith.addi %broadcast_in_dim3A_132, %masked_cumsum3A : vector<16xi32>
      %sub3A_134 = arith.subi %add3A_133, %broadcast_in_dim3A_15 : vector<16xi32>
      %add3A_135 = arith.addi %broadcast_in_dim3A_17, %iota3A : vector<16xi32>
      %select_n3A_136 = arith.select %lt3A_124, %sub3A_134, %add3A_135 : vector<16xi1>, vector<16xi32>
      tpu.vector_store_idx %arg13[%select_n3A_136], %add3A_128 : memref<10512xi32, #tpu.memory_space<vmem>>[vector<16xi32>], vector<16xi32>,
      tpu.vector_store_idx %arg12[%select_n3A_136], %get3A_100 : memref<10512xi32, #tpu.memory_space<vmem>>[vector<16xi32>], vector<16xi32>,
      %slice3A = vector.extract_strided_slice %masked_cumsum3A {offsets = [15], sizes = [1], strides = [1]} : vector<16xi32> to vector<1xi32>
      %squeeze3A = vector.extract %slice3A[0] : i32 from vector<1xi32>
      %add3A_137 = arith.addi %scan3A_95, %squeeze3A : i32
      %mul3A_138 = arith.constant 128 : i32
      %mul3A_139 = arith.muli %scan3A_94, %mul3A_138 : i32
      %add3A_140 = arith.constant 16 : i32
      %add3A_141 = arith.addi %mul3A_139, %add3A_140 : i32
      %get3A_142 = arith.index_cast %add3A_141 : i32 to index
      %get3A_143 = tpu.vector_load %arg9[%get3A_142] {strides = array<i32>} : memref<10240xi32, #tpu.memory_space<vmem>>, vector<16xi32>,
      %get3A_144 = arith.index_cast %add3A_141 : i32 to index
      %get3A_145 = tpu.vector_load %arg10[%get3A_144] {strides = array<i32>} : memref<10240xi32, #tpu.memory_space<vmem>>, vector<16xi32>,
      %get3A_146 = arith.index_cast %add3A_141 : i32 to index
      %get3A_147 = tpu.vector_load %arg11[%get3A_146] {strides = array<i32>} : memref<10240xi32, #tpu.memory_space<vmem>>, vector<16xi32>,
      %mul3A_148 = arith.muli %get3A_143, %broadcast_in_dim3A_3 : vector<16xi32>
      %add3A_149 = arith.addi %mul3A_148, %get3A_145 : vector<16xi32>
      %swap3A_150 = arith.index_cast %add3A_141 : i32 to index
      %swap3A_151 = tpu.vector_load %arg9[%swap3A_150] {strides = array<i32>} : memref<10240xi32, #tpu.memory_space<vmem>>, vector<16xi32>,
      tpu.vector_store %arg9[%swap3A_150], %add3A_149 {strides = array<i32>} : memref<10240xi32, #tpu.memory_space<vmem>>, vector<16xi32>,
      %eq3A_152 = arith.constant 0 : i32
      %eq3A_153 = vector.broadcast %eq3A_152 : i32 to vector<16xi32>
      %eq3A_154 = arith.cmpi eq, %broadcast_in_dim3A_5, %eq3A_153 : vector<16xi32>
      %broadcast_in_dim3A_155 = arith.constant 1 : i32
      %broadcast_in_dim3A_156 = vector.broadcast %broadcast_in_dim3A_155 : i32 to vector<16xi32>
      %select_n3A_157 = arith.select %eq3A_154, %broadcast_in_dim3A_156, %broadcast_in_dim3A_5 : vector<16xi1>, vector<16xi32>
      %rem3A_158 = arith.remsi %get3A_147, %select_n3A_157 : vector<16xi32>
      %ne3A_159 = arith.constant 0 : i32
      %ne3A_160 = vector.broadcast %ne3A_159 : i32 to vector<16xi32>
      %ne3A_161 = arith.cmpi ne, %rem3A_158, %ne3A_160 : vector<16xi32>
      %lt3A_162 = arith.constant 0 : i32
      %lt3A_163 = vector.broadcast %lt3A_162 : i32 to vector<16xi32>
      %lt3A_164 = arith.cmpi slt, %rem3A_158, %lt3A_163 : vector<16xi32>
      %lt3A_165 = arith.constant 0 : i32
      %lt3A_166 = vector.broadcast %lt3A_165 : i32 to vector<16xi32>
      %lt3A_167 = arith.cmpi slt, %select_n3A_157, %lt3A_166 : vector<16xi32>
      %ne3A_168 = arith.xori %lt3A_164, %lt3A_167 : vector<16xi1>
      %and3A_169 = arith.andi %ne3A_168, %ne3A_161 : vector<16xi1>
      %add3A_170 = arith.addi %rem3A_158, %select_n3A_157 : vector<16xi32>
      %select_n3A_171 = arith.select %and3A_169, %add3A_170, %rem3A_158 : vector<16xi1>, vector<16xi32>
      %mul3A_172 = arith.muli %get3A_147, %broadcast_in_dim3A_11 : vector<16xi32>
      %shift_right_logical3A_173 = arith.shrui %mul3A_172, %broadcast_in_dim3A_13 : vector<16xi32>
      %lt3A_174 = arith.cmpi slt, %select_n3A_171, %broadcast_in_dim3A_7 : vector<16xi32>
      %mul3A_175 = arith.muli %get3A_145, %broadcast_in_dim3A_9 : vector<16xi32>
      %mul3A_176 = arith.muli %shift_right_logical3A_173, %broadcast_in_dim3A_7 : vector<16xi32>
      %add3A_177 = arith.addi %mul3A_175, %mul3A_176 : vector<16xi32>
      %add3A_178 = arith.addi %add3A_177, %select_n3A_171 : vector<16xi32>
      %sub3A_179 = arith.subi %broadcast_in_dim3A_15, %broadcast_in_dim3A_15 : vector<16xi32>
      %select_n3A_180 = arith.select %lt3A_174, %broadcast_in_dim3A_15, %sub3A_179 : vector<16xi1>, vector<16xi32>
      %broadcast_in_dim3A_181 = arith.constant true
      %broadcast_in_dim3A_182 = vector.broadcast %broadcast_in_dim3A_181 : i1 to vector<16xi1>
      %masked_cumsum3A_183 = tpu.scan <sum>, %select_n3A_180 masked %broadcast_in_dim3A_182 : vector<16xi32>, vector<16xi1> -> vector<16xi32>
      %broadcast_in_dim3A_184 = vector.broadcast %add3A_137 : i32 to vector<16xi32>
      %add3A_185 = arith.addi %broadcast_in_dim3A_184, %masked_cumsum3A_183 : vector<16xi32>
      %sub3A_186 = arith.subi %add3A_185, %broadcast_in_dim3A_15 : vector<16xi32>
      %add3A_187 = arith.addi %broadcast_in_dim3A_17, %iota3A : vector<16xi32>
      %select_n3A_188 = arith.select %lt3A_174, %sub3A_186, %add3A_187 : vector<16xi1>, vector<16xi32>
      tpu.vector_store_idx %arg13[%select_n3A_188], %add3A_178 : memref<10512xi32, #tpu.memory_space<vmem>>[vector<16xi32>], vector<16xi32>,
      tpu.vector_store_idx %arg12[%select_n3A_188], %get3A_143 : memref<10512xi32, #tpu.memory_space<vmem>>[vector<16xi32>], vector<16xi32>,
      %slice3A_189 = vector.extract_strided_slice %masked_cumsum3A_183 {offsets = [15], sizes = [1], strides = [1]} : vector<16xi32> to vector<1xi32>
      %squeeze3A_190 = vector.extract %slice3A_189[0] : i32 from vector<1xi32>
      %add3A_191 = arith.addi %add3A_137, %squeeze3A_190 : i32
      %mul3A_192 = arith.constant 128 : i32
      %mul3A_193 = arith.muli %scan3A_94, %mul3A_192 : i32
      %add3A_194 = arith.constant 32 : i32
      %add3A_195 = arith.addi %mul3A_193, %add3A_194 : i32
      %get3A_196 = arith.index_cast %add3A_195 : i32 to index
      %get3A_197 = tpu.vector_load %arg9[%get3A_196] {strides = array<i32>} : memref<10240xi32, #tpu.memory_space<vmem>>, vector<16xi32>,
      %get3A_198 = arith.index_cast %add3A_195 : i32 to index
      %get3A_199 = tpu.vector_load %arg10[%get3A_198] {strides = array<i32>} : memref<10240xi32, #tpu.memory_space<vmem>>, vector<16xi32>,
      %get3A_200 = arith.index_cast %add3A_195 : i32 to index
      %get3A_201 = tpu.vector_load %arg11[%get3A_200] {strides = array<i32>} : memref<10240xi32, #tpu.memory_space<vmem>>, vector<16xi32>,
      %mul3A_202 = arith.muli %get3A_197, %broadcast_in_dim3A_3 : vector<16xi32>
      %add3A_203 = arith.addi %mul3A_202, %get3A_199 : vector<16xi32>
      %swap3A_204 = arith.index_cast %add3A_195 : i32 to index
      %swap3A_205 = tpu.vector_load %arg9[%swap3A_204] {strides = array<i32>} : memref<10240xi32, #tpu.memory_space<vmem>>, vector<16xi32>,
      tpu.vector_store %arg9[%swap3A_204], %add3A_203 {strides = array<i32>} : memref<10240xi32, #tpu.memory_space<vmem>>, vector<16xi32>,
      %eq3A_206 = arith.constant 0 : i32
      %eq3A_207 = vector.broadcast %eq3A_206 : i32 to vector<16xi32>
      %eq3A_208 = arith.cmpi eq, %broadcast_in_dim3A_5, %eq3A_207 : vector<16xi32>
      %broadcast_in_dim3A_209 = arith.constant 1 : i32
      %broadcast_in_dim3A_210 = vector.broadcast %broadcast_in_dim3A_209 : i32 to vector<16xi32>
      %select_n3A_211 = arith.select %eq3A_208, %broadcast_in_dim3A_210, %broadcast_in_dim3A_5 : vector<16xi1>, vector<16xi32>
      %rem3A_212 = arith.remsi %get3A_201, %select_n3A_211 : vector<16xi32>
      %ne3A_213 = arith.constant 0 : i32
      %ne3A_214 = vector.broadcast %ne3A_213 : i32 to vector<16xi32>
      %ne3A_215 = arith.cmpi ne, %rem3A_212, %ne3A_214 : vector<16xi32>
      %lt3A_216 = arith.constant 0 : i32
      %lt3A_217 = vector.broadcast %lt3A_216 : i32 to vector<16xi32>
      %lt3A_218 = arith.cmpi slt, %rem3A_212, %lt3A_217 : vector<16xi32>
      %lt3A_219 = arith.constant 0 : i32
      %lt3A_220 = vector.broadcast %lt3A_219 : i32 to vector<16xi32>
      %lt3A_221 = arith.cmpi slt, %select_n3A_211, %lt3A_220 : vector<16xi32>
      %ne3A_222 = arith.xori %lt3A_218, %lt3A_221 : vector<16xi1>
      %and3A_223 = arith.andi %ne3A_222, %ne3A_215 : vector<16xi1>
      %add3A_224 = arith.addi %rem3A_212, %select_n3A_211 : vector<16xi32>
      %select_n3A_225 = arith.select %and3A_223, %add3A_224, %rem3A_212 : vector<16xi1>, vector<16xi32>
      %mul3A_226 = arith.muli %get3A_201, %broadcast_in_dim3A_11 : vector<16xi32>
      %shift_right_logical3A_227 = arith.shrui %mul3A_226, %broadcast_in_dim3A_13 : vector<16xi32>
      %lt3A_228 = arith.cmpi slt, %select_n3A_225, %broadcast_in_dim3A_7 : vector<16xi32>
      %mul3A_229 = arith.muli %get3A_199, %broadcast_in_dim3A_9 : vector<16xi32>
      %mul3A_230 = arith.muli %shift_right_logical3A_227, %broadcast_in_dim3A_7 : vector<16xi32>
      %add3A_231 = arith.addi %mul3A_229, %mul3A_230 : vector<16xi32>
      %add3A_232 = arith.addi %add3A_231, %select_n3A_225 : vector<16xi32>
      %sub3A_233 = arith.subi %broadcast_in_dim3A_15, %broadcast_in_dim3A_15 : vector<16xi32>
      %select_n3A_234 = arith.select %lt3A_228, %broadcast_in_dim3A_15, %sub3A_233 : vector<16xi1>, vector<16xi32>
      %broadcast_in_dim3A_235 = arith.constant true
      %broadcast_in_dim3A_236 = vector.broadcast %broadcast_in_dim3A_235 : i1 to vector<16xi1>
      %masked_cumsum3A_237 = tpu.scan <sum>, %select_n3A_234 masked %broadcast_in_dim3A_236 : vector<16xi32>, vector<16xi1> -> vector<16xi32>
      %broadcast_in_dim3A_238 = vector.broadcast %add3A_191 : i32 to vector<16xi32>
      %add3A_239 = arith.addi %broadcast_in_dim3A_238, %masked_cumsum3A_237 : vector<16xi32>
      %sub3A_240 = arith.subi %add3A_239, %broadcast_in_dim3A_15 : vector<16xi32>
      %add3A_241 = arith.addi %broadcast_in_dim3A_17, %iota3A : vector<16xi32>
      %select_n3A_242 = arith.select %lt3A_228, %sub3A_240, %add3A_241 : vector<16xi1>, vector<16xi32>
      tpu.vector_store_idx %arg13[%select_n3A_242], %add3A_232 : memref<10512xi32, #tpu.memory_space<vmem>>[vector<16xi32>], vector<16xi32>,
      tpu.vector_store_idx %arg12[%select_n3A_242], %get3A_197 : memref<10512xi32, #tpu.memory_space<vmem>>[vector<16xi32>], vector<16xi32>,
      %slice3A_243 = vector.extract_strided_slice %masked_cumsum3A_237 {offsets = [15], sizes = [1], strides = [1]} : vector<16xi32> to vector<1xi32>
      %squeeze3A_244 = vector.extract %slice3A_243[0] : i32 from vector<1xi32>
      %add3A_245 = arith.addi %add3A_191, %squeeze3A_244 : i32
      %mul3A_246 = arith.constant 128 : i32
      %mul3A_247 = arith.muli %scan3A_94, %mul3A_246 : i32
      %add3A_248 = arith.constant 48 : i32
      %add3A_249 = arith.addi %mul3A_247, %add3A_248 : i32
      %get3A_250 = arith.index_cast %add3A_249 : i32 to index
      %get3A_251 = tpu.vector_load %arg9[%get3A_250] {strides = array<i32>} : memref<10240xi32, #tpu.memory_space<vmem>>, vector<16xi32>,
      %get3A_252 = arith.index_cast %add3A_249 : i32 to index
      %get3A_253 = tpu.vector_load %arg10[%get3A_252] {strides = array<i32>} : memref<10240xi32, #tpu.memory_space<vmem>>, vector<16xi32>,
      %get3A_254 = arith.index_cast %add3A_249 : i32 to index
      %get3A_255 = tpu.vector_load %arg11[%get3A_254] {strides = array<i32>} : memref<10240xi32, #tpu.memory_space<vmem>>, vector<16xi32>,
      %mul3A_256 = arith.muli %get3A_251, %broadcast_in_dim3A_3 : vector<16xi32>
      %add3A_257 = arith.addi %mul3A_256, %get3A_253 : vector<16xi32>
      %swap3A_258 = arith.index_cast %add3A_249 : i32 to index
      %swap3A_259 = tpu.vector_load %arg9[%swap3A_258] {strides = array<i32>} : memref<10240xi32, #tpu.memory_space<vmem>>, vector<16xi32>,
      tpu.vector_store %arg9[%swap3A_258], %add3A_257 {strides = array<i32>} : memref<10240xi32, #tpu.memory_space<vmem>>, vector<16xi32>,
      %eq3A_260 = arith.constant 0 : i32
      %eq3A_261 = vector.broadcast %eq3A_260 : i32 to vector<16xi32>
      %eq3A_262 = arith.cmpi eq, %broadcast_in_dim3A_5, %eq3A_261 : vector<16xi32>
      %broadcast_in_dim3A_263 = arith.constant 1 : i32
      %broadcast_in_dim3A_264 = vector.broadcast %broadcast_in_dim3A_263 : i32 to vector<16xi32>
      %select_n3A_265 = arith.select %eq3A_262, %broadcast_in_dim3A_264, %broadcast_in_dim3A_5 : vector<16xi1>, vector<16xi32>
      %rem3A_266 = arith.remsi %get3A_255, %select_n3A_265 : vector<16xi32>
      %ne3A_267 = arith.constant 0 : i32
      %ne3A_268 = vector.broadcast %ne3A_267 : i32 to vector<16xi32>
      %ne3A_269 = arith.cmpi ne, %rem3A_266, %ne3A_268 : vector<16xi32>
      %lt3A_270 = arith.constant 0 : i32
      %lt3A_271 = vector.broadcast %lt3A_270 : i32 to vector<16xi32>
      %lt3A_272 = arith.cmpi slt, %rem3A_266, %lt3A_271 : vector<16xi32>
      %lt3A_273 = arith.constant 0 : i32
      %lt3A_274 = vector.broadcast %lt3A_273 : i32 to vector<16xi32>
      %lt3A_275 = arith.cmpi slt, %select_n3A_265, %lt3A_274 : vector<16xi32>
      %ne3A_276 = arith.xori %lt3A_272, %lt3A_275 : vector<16xi1>
      %and3A_277 = arith.andi %ne3A_276, %ne3A_269 : vector<16xi1>
      %add3A_278 = arith.addi %rem3A_266, %select_n3A_265 : vector<16xi32>
      %select_n3A_279 = arith.select %and3A_277, %add3A_278, %rem3A_266 : vector<16xi1>, vector<16xi32>
      %mul3A_280 = arith.muli %get3A_255, %broadcast_in_dim3A_11 : vector<16xi32>
      %shift_right_logical3A_281 = arith.shrui %mul3A_280, %broadcast_in_dim3A_13 : vector<16xi32>
      %lt3A_282 = arith.cmpi slt, %select_n3A_279, %broadcast_in_dim3A_7 : vector<16xi32>
      %mul3A_283 = arith.muli %get3A_253, %broadcast_in_dim3A_9 : vector<16xi32>
      %mul3A_284 = arith.muli %shift_right_logical3A_281, %broadcast_in_dim3A_7 : vector<16xi32>
      %add3A_285 = arith.addi %mul3A_283, %mul3A_284 : vector<16xi32>
      %add3A_286 = arith.addi %add3A_285, %select_n3A_279 : vector<16xi32>
      %sub3A_287 = arith.subi %broadcast_in_dim3A_15, %broadcast_in_dim3A_15 : vector<16xi32>
      %select_n3A_288 = arith.select %lt3A_282, %broadcast_in_dim3A_15, %sub3A_287 : vector<16xi1>, vector<16xi32>
      %broadcast_in_dim3A_289 = arith.constant true
      %broadcast_in_dim3A_290 = vector.broadcast %broadcast_in_dim3A_289 : i1 to vector<16xi1>
      %masked_cumsum3A_291 = tpu.scan <sum>, %select_n3A_288 masked %broadcast_in_dim3A_290 : vector<16xi32>, vector<16xi1> -> vector<16xi32>
      %broadcast_in_dim3A_292 = vector.broadcast %add3A_245 : i32 to vector<16xi32>
      %add3A_293 = arith.addi %broadcast_in_dim3A_292, %masked_cumsum3A_291 : vector<16xi32>
      %sub3A_294 = arith.subi %add3A_293, %broadcast_in_dim3A_15 : vector<16xi32>
      %add3A_295 = arith.addi %broadcast_in_dim3A_17, %iota3A : vector<16xi32>
      %select_n3A_296 = arith.select %lt3A_282, %sub3A_294, %add3A_295 : vector<16xi1>, vector<16xi32>
      tpu.vector_store_idx %arg13[%select_n3A_296], %add3A_286 : memref<10512xi32, #tpu.memory_space<vmem>>[vector<16xi32>], vector<16xi32>,
      tpu.vector_store_idx %arg12[%select_n3A_296], %get3A_251 : memref<10512xi32, #tpu.memory_space<vmem>>[vector<16xi32>], vector<16xi32>,
      %slice3A_297 = vector.extract_strided_slice %masked_cumsum3A_291 {offsets = [15], sizes = [1], strides = [1]} : vector<16xi32> to vector<1xi32>
      %squeeze3A_298 = vector.extract %slice3A_297[0] : i32 from vector<1xi32>
      %add3A_299 = arith.addi %add3A_245, %squeeze3A_298 : i32
      %mul3A_300 = arith.constant 128 : i32
      %mul3A_301 = arith.muli %scan3A_94, %mul3A_300 : i32
      %add3A_302 = arith.constant 64 : i32
      %add3A_303 = arith.addi %mul3A_301, %add3A_302 : i32
      %get3A_304 = arith.index_cast %add3A_303 : i32 to index
      %get3A_305 = tpu.vector_load %arg9[%get3A_304] {strides = array<i32>} : memref<10240xi32, #tpu.memory_space<vmem>>, vector<16xi32>,
      %get3A_306 = arith.index_cast %add3A_303 : i32 to index
      %get3A_307 = tpu.vector_load %arg10[%get3A_306] {strides = array<i32>} : memref<10240xi32, #tpu.memory_space<vmem>>, vector<16xi32>,
      %get3A_308 = arith.index_cast %add3A_303 : i32 to index
      %get3A_309 = tpu.vector_load %arg11[%get3A_308] {strides = array<i32>} : memref<10240xi32, #tpu.memory_space<vmem>>, vector<16xi32>,
      %mul3A_310 = arith.muli %get3A_305, %broadcast_in_dim3A_3 : vector<16xi32>
      %add3A_311 = arith.addi %mul3A_310, %get3A_307 : vector<16xi32>
      %swap3A_312 = arith.index_cast %add3A_303 : i32 to index
      %swap3A_313 = tpu.vector_load %arg9[%swap3A_312] {strides = array<i32>} : memref<10240xi32, #tpu.memory_space<vmem>>, vector<16xi32>,
      tpu.vector_store %arg9[%swap3A_312], %add3A_311 {strides = array<i32>} : memref<10240xi32, #tpu.memory_space<vmem>>, vector<16xi32>,
      %eq3A_314 = arith.constant 0 : i32
      %eq3A_315 = vector.broadcast %eq3A_314 : i32 to vector<16xi32>
      %eq3A_316 = arith.cmpi eq, %broadcast_in_dim3A_5, %eq3A_315 : vector<16xi32>
      %broadcast_in_dim3A_317 = arith.constant 1 : i32
      %broadcast_in_dim3A_318 = vector.broadcast %broadcast_in_dim3A_317 : i32 to vector<16xi32>
      %select_n3A_319 = arith.select %eq3A_316, %broadcast_in_dim3A_318, %broadcast_in_dim3A_5 : vector<16xi1>, vector<16xi32>
      %rem3A_320 = arith.remsi %get3A_309, %select_n3A_319 : vector<16xi32>
      %ne3A_321 = arith.constant 0 : i32
      %ne3A_322 = vector.broadcast %ne3A_321 : i32 to vector<16xi32>
      %ne3A_323 = arith.cmpi ne, %rem3A_320, %ne3A_322 : vector<16xi32>
      %lt3A_324 = arith.constant 0 : i32
      %lt3A_325 = vector.broadcast %lt3A_324 : i32 to vector<16xi32>
      %lt3A_326 = arith.cmpi slt, %rem3A_320, %lt3A_325 : vector<16xi32>
      %lt3A_327 = arith.constant 0 : i32
      %lt3A_328 = vector.broadcast %lt3A_327 : i32 to vector<16xi32>
      %lt3A_329 = arith.cmpi slt, %select_n3A_319, %lt3A_328 : vector<16xi32>
      %ne3A_330 = arith.xori %lt3A_326, %lt3A_329 : vector<16xi1>
      %and3A_331 = arith.andi %ne3A_330, %ne3A_323 : vector<16xi1>
      %add3A_332 = arith.addi %rem3A_320, %select_n3A_319 : vector<16xi32>
      %select_n3A_333 = arith.select %and3A_331, %add3A_332, %rem3A_320 : vector<16xi1>, vector<16xi32>
      %mul3A_334 = arith.muli %get3A_309, %broadcast_in_dim3A_11 : vector<16xi32>
      %shift_right_logical3A_335 = arith.shrui %mul3A_334, %broadcast_in_dim3A_13 : vector<16xi32>
      %lt3A_336 = arith.cmpi slt, %select_n3A_333, %broadcast_in_dim3A_7 : vector<16xi32>
      %mul3A_337 = arith.muli %get3A_307, %broadcast_in_dim3A_9 : vector<16xi32>
      %mul3A_338 = arith.muli %shift_right_logical3A_335, %broadcast_in_dim3A_7 : vector<16xi32>
      %add3A_339 = arith.addi %mul3A_337, %mul3A_338 : vector<16xi32>
      %add3A_340 = arith.addi %add3A_339, %select_n3A_333 : vector<16xi32>
      %sub3A_341 = arith.subi %broadcast_in_dim3A_15, %broadcast_in_dim3A_15 : vector<16xi32>
      %select_n3A_342 = arith.select %lt3A_336, %broadcast_in_dim3A_15, %sub3A_341 : vector<16xi1>, vector<16xi32>
      %broadcast_in_dim3A_343 = arith.constant true
      %broadcast_in_dim3A_344 = vector.broadcast %broadcast_in_dim3A_343 : i1 to vector<16xi1>
      %masked_cumsum3A_345 = tpu.scan <sum>, %select_n3A_342 masked %broadcast_in_dim3A_344 : vector<16xi32>, vector<16xi1> -> vector<16xi32>
      %broadcast_in_dim3A_346 = vector.broadcast %add3A_299 : i32 to vector<16xi32>
      %add3A_347 = arith.addi %broadcast_in_dim3A_346, %masked_cumsum3A_345 : vector<16xi32>
      %sub3A_348 = arith.subi %add3A_347, %broadcast_in_dim3A_15 : vector<16xi32>
      %add3A_349 = arith.addi %broadcast_in_dim3A_17, %iota3A : vector<16xi32>
      %select_n3A_350 = arith.select %lt3A_336, %sub3A_348, %add3A_349 : vector<16xi1>, vector<16xi32>
      tpu.vector_store_idx %arg13[%select_n3A_350], %add3A_340 : memref<10512xi32, #tpu.memory_space<vmem>>[vector<16xi32>], vector<16xi32>,
      tpu.vector_store_idx %arg12[%select_n3A_350], %get3A_305 : memref<10512xi32, #tpu.memory_space<vmem>>[vector<16xi32>], vector<16xi32>,
      %slice3A_351 = vector.extract_strided_slice %masked_cumsum3A_345 {offsets = [15], sizes = [1], strides = [1]} : vector<16xi32> to vector<1xi32>
      %squeeze3A_352 = vector.extract %slice3A_351[0] : i32 from vector<1xi32>
      %add3A_353 = arith.addi %add3A_299, %squeeze3A_352 : i32
      %mul3A_354 = arith.constant 128 : i32
      %mul3A_355 = arith.muli %scan3A_94, %mul3A_354 : i32
      %add3A_356 = arith.constant 80 : i32
      %add3A_357 = arith.addi %mul3A_355, %add3A_356 : i32
      %get3A_358 = arith.index_cast %add3A_357 : i32 to index
      %get3A_359 = tpu.vector_load %arg9[%get3A_358] {strides = array<i32>} : memref<10240xi32, #tpu.memory_space<vmem>>, vector<16xi32>,
      %get3A_360 = arith.index_cast %add3A_357 : i32 to index
      %get3A_361 = tpu.vector_load %arg10[%get3A_360] {strides = array<i32>} : memref<10240xi32, #tpu.memory_space<vmem>>, vector<16xi32>,
      %get3A_362 = arith.index_cast %add3A_357 : i32 to index
      %get3A_363 = tpu.vector_load %arg11[%get3A_362] {strides = array<i32>} : memref<10240xi32, #tpu.memory_space<vmem>>, vector<16xi32>,
      %mul3A_364 = arith.muli %get3A_359, %broadcast_in_dim3A_3 : vector<16xi32>
      %add3A_365 = arith.addi %mul3A_364, %get3A_361 : vector<16xi32>
      %swap3A_366 = arith.index_cast %add3A_357 : i32 to index
      %swap3A_367 = tpu.vector_load %arg9[%swap3A_366] {strides = array<i32>} : memref<10240xi32, #tpu.memory_space<vmem>>, vector<16xi32>,
      tpu.vector_store %arg9[%swap3A_366], %add3A_365 {strides = array<i32>} : memref<10240xi32, #tpu.memory_space<vmem>>, vector<16xi32>,
      %eq3A_368 = arith.constant 0 : i32
      %eq3A_369 = vector.broadcast %eq3A_368 : i32 to vector<16xi32>
      %eq3A_370 = arith.cmpi eq, %broadcast_in_dim3A_5, %eq3A_369 : vector<16xi32>
      %broadcast_in_dim3A_371 = arith.constant 1 : i32
      %broadcast_in_dim3A_372 = vector.broadcast %broadcast_in_dim3A_371 : i32 to vector<16xi32>
      %select_n3A_373 = arith.select %eq3A_370, %broadcast_in_dim3A_372, %broadcast_in_dim3A_5 : vector<16xi1>, vector<16xi32>
      %rem3A_374 = arith.remsi %get3A_363, %select_n3A_373 : vector<16xi32>
      %ne3A_375 = arith.constant 0 : i32
      %ne3A_376 = vector.broadcast %ne3A_375 : i32 to vector<16xi32>
      %ne3A_377 = arith.cmpi ne, %rem3A_374, %ne3A_376 : vector<16xi32>
      %lt3A_378 = arith.constant 0 : i32
      %lt3A_379 = vector.broadcast %lt3A_378 : i32 to vector<16xi32>
      %lt3A_380 = arith.cmpi slt, %rem3A_374, %lt3A_379 : vector<16xi32>
      %lt3A_381 = arith.constant 0 : i32
      %lt3A_382 = vector.broadcast %lt3A_381 : i32 to vector<16xi32>
      %lt3A_383 = arith.cmpi slt, %select_n3A_373, %lt3A_382 : vector<16xi32>
      %ne3A_384 = arith.xori %lt3A_380, %lt3A_383 : vector<16xi1>
      %and3A_385 = arith.andi %ne3A_384, %ne3A_377 : vector<16xi1>
      %add3A_386 = arith.addi %rem3A_374, %select_n3A_373 : vector<16xi32>
      %select_n3A_387 = arith.select %and3A_385, %add3A_386, %rem3A_374 : vector<16xi1>, vector<16xi32>
      %mul3A_388 = arith.muli %get3A_363, %broadcast_in_dim3A_11 : vector<16xi32>
      %shift_right_logical3A_389 = arith.shrui %mul3A_388, %broadcast_in_dim3A_13 : vector<16xi32>
      %lt3A_390 = arith.cmpi slt, %select_n3A_387, %broadcast_in_dim3A_7 : vector<16xi32>
      %mul3A_391 = arith.muli %get3A_361, %broadcast_in_dim3A_9 : vector<16xi32>
      %mul3A_392 = arith.muli %shift_right_logical3A_389, %broadcast_in_dim3A_7 : vector<16xi32>
      %add3A_393 = arith.addi %mul3A_391, %mul3A_392 : vector<16xi32>
      %add3A_394 = arith.addi %add3A_393, %select_n3A_387 : vector<16xi32>
      %sub3A_395 = arith.subi %broadcast_in_dim3A_15, %broadcast_in_dim3A_15 : vector<16xi32>
      %select_n3A_396 = arith.select %lt3A_390, %broadcast_in_dim3A_15, %sub3A_395 : vector<16xi1>, vector<16xi32>
      %broadcast_in_dim3A_397 = arith.constant true
      %broadcast_in_dim3A_398 = vector.broadcast %broadcast_in_dim3A_397 : i1 to vector<16xi1>
      %masked_cumsum3A_399 = tpu.scan <sum>, %select_n3A_396 masked %broadcast_in_dim3A_398 : vector<16xi32>, vector<16xi1> -> vector<16xi32>
      %broadcast_in_dim3A_400 = vector.broadcast %add3A_353 : i32 to vector<16xi32>
      %add3A_401 = arith.addi %broadcast_in_dim3A_400, %masked_cumsum3A_399 : vector<16xi32>
      %sub3A_402 = arith.subi %add3A_401, %broadcast_in_dim3A_15 : vector<16xi32>
      %add3A_403 = arith.addi %broadcast_in_dim3A_17, %iota3A : vector<16xi32>
      %select_n3A_404 = arith.select %lt3A_390, %sub3A_402, %add3A_403 : vector<16xi1>, vector<16xi32>
      tpu.vector_store_idx %arg13[%select_n3A_404], %add3A_394 : memref<10512xi32, #tpu.memory_space<vmem>>[vector<16xi32>], vector<16xi32>,
      tpu.vector_store_idx %arg12[%select_n3A_404], %get3A_359 : memref<10512xi32, #tpu.memory_space<vmem>>[vector<16xi32>], vector<16xi32>,
      %slice3A_405 = vector.extract_strided_slice %masked_cumsum3A_399 {offsets = [15], sizes = [1], strides = [1]} : vector<16xi32> to vector<1xi32>
      %squeeze3A_406 = vector.extract %slice3A_405[0] : i32 from vector<1xi32>
      %add3A_407 = arith.addi %add3A_353, %squeeze3A_406 : i32
      %mul3A_408 = arith.constant 128 : i32
      %mul3A_409 = arith.muli %scan3A_94, %mul3A_408 : i32
      %add3A_410 = arith.constant 96 : i32
      %add3A_411 = arith.addi %mul3A_409, %add3A_410 : i32
      %get3A_412 = arith.index_cast %add3A_411 : i32 to index
      %get3A_413 = tpu.vector_load %arg9[%get3A_412] {strides = array<i32>} : memref<10240xi32, #tpu.memory_space<vmem>>, vector<16xi32>,
      %get3A_414 = arith.index_cast %add3A_411 : i32 to index
      %get3A_415 = tpu.vector_load %arg10[%get3A_414] {strides = array<i32>} : memref<10240xi32, #tpu.memory_space<vmem>>, vector<16xi32>,
      %get3A_416 = arith.index_cast %add3A_411 : i32 to index
      %get3A_417 = tpu.vector_load %arg11[%get3A_416] {strides = array<i32>} : memref<10240xi32, #tpu.memory_space<vmem>>, vector<16xi32>,
      %mul3A_418 = arith.muli %get3A_413, %broadcast_in_dim3A_3 : vector<16xi32>
      %add3A_419 = arith.addi %mul3A_418, %get3A_415 : vector<16xi32>
      %swap3A_420 = arith.index_cast %add3A_411 : i32 to index
      %swap3A_421 = tpu.vector_load %arg9[%swap3A_420] {strides = array<i32>} : memref<10240xi32, #tpu.memory_space<vmem>>, vector<16xi32>,
      tpu.vector_store %arg9[%swap3A_420], %add3A_419 {strides = array<i32>} : memref<10240xi32, #tpu.memory_space<vmem>>, vector<16xi32>,
      %eq3A_422 = arith.constant 0 : i32
      %eq3A_423 = vector.broadcast %eq3A_422 : i32 to vector<16xi32>
      %eq3A_424 = arith.cmpi eq, %broadcast_in_dim3A_5, %eq3A_423 : vector<16xi32>
      %broadcast_in_dim3A_425 = arith.constant 1 : i32
      %broadcast_in_dim3A_426 = vector.broadcast %broadcast_in_dim3A_425 : i32 to vector<16xi32>
      %select_n3A_427 = arith.select %eq3A_424, %broadcast_in_dim3A_426, %broadcast_in_dim3A_5 : vector<16xi1>, vector<16xi32>
      %rem3A_428 = arith.remsi %get3A_417, %select_n3A_427 : vector<16xi32>
      %ne3A_429 = arith.constant 0 : i32
      %ne3A_430 = vector.broadcast %ne3A_429 : i32 to vector<16xi32>
      %ne3A_431 = arith.cmpi ne, %rem3A_428, %ne3A_430 : vector<16xi32>
      %lt3A_432 = arith.constant 0 : i32
      %lt3A_433 = vector.broadcast %lt3A_432 : i32 to vector<16xi32>
      %lt3A_434 = arith.cmpi slt, %rem3A_428, %lt3A_433 : vector<16xi32>
      %lt3A_435 = arith.constant 0 : i32
      %lt3A_436 = vector.broadcast %lt3A_435 : i32 to vector<16xi32>
      %lt3A_437 = arith.cmpi slt, %select_n3A_427, %lt3A_436 : vector<16xi32>
      %ne3A_438 = arith.xori %lt3A_434, %lt3A_437 : vector<16xi1>
      %and3A_439 = arith.andi %ne3A_438, %ne3A_431 : vector<16xi1>
      %add3A_440 = arith.addi %rem3A_428, %select_n3A_427 : vector<16xi32>
      %select_n3A_441 = arith.select %and3A_439, %add3A_440, %rem3A_428 : vector<16xi1>, vector<16xi32>
      %mul3A_442 = arith.muli %get3A_417, %broadcast_in_dim3A_11 : vector<16xi32>
      %shift_right_logical3A_443 = arith.shrui %mul3A_442, %broadcast_in_dim3A_13 : vector<16xi32>
      %lt3A_444 = arith.cmpi slt, %select_n3A_441, %broadcast_in_dim3A_7 : vector<16xi32>
      %mul3A_445 = arith.muli %get3A_415, %broadcast_in_dim3A_9 : vector<16xi32>
      %mul3A_446 = arith.muli %shift_right_logical3A_443, %broadcast_in_dim3A_7 : vector<16xi32>
      %add3A_447 = arith.addi %mul3A_445, %mul3A_446 : vector<16xi32>
      %add3A_448 = arith.addi %add3A_447, %select_n3A_441 : vector<16xi32>
      %sub3A_449 = arith.subi %broadcast_in_dim3A_15, %broadcast_in_dim3A_15 : vector<16xi32>
      %select_n3A_450 = arith.select %lt3A_444, %broadcast_in_dim3A_15, %sub3A_449 : vector<16xi1>, vector<16xi32>
      %broadcast_in_dim3A_451 = arith.constant true
      %broadcast_in_dim3A_452 = vector.broadcast %broadcast_in_dim3A_451 : i1 to vector<16xi1>
      %masked_cumsum3A_453 = tpu.scan <sum>, %select_n3A_450 masked %broadcast_in_dim3A_452 : vector<16xi32>, vector<16xi1> -> vector<16xi32>
      %broadcast_in_dim3A_454 = vector.broadcast %add3A_407 : i32 to vector<16xi32>
      %add3A_455 = arith.addi %broadcast_in_dim3A_454, %masked_cumsum3A_453 : vector<16xi32>
      %sub3A_456 = arith.subi %add3A_455, %broadcast_in_dim3A_15 : vector<16xi32>
      %add3A_457 = arith.addi %broadcast_in_dim3A_17, %iota3A : vector<16xi32>
      %select_n3A_458 = arith.select %lt3A_444, %sub3A_456, %add3A_457 : vector<16xi1>, vector<16xi32>
      tpu.vector_store_idx %arg13[%select_n3A_458], %add3A_448 : memref<10512xi32, #tpu.memory_space<vmem>>[vector<16xi32>], vector<16xi32>,
      tpu.vector_store_idx %arg12[%select_n3A_458], %get3A_413 : memref<10512xi32, #tpu.memory_space<vmem>>[vector<16xi32>], vector<16xi32>,
      %slice3A_459 = vector.extract_strided_slice %masked_cumsum3A_453 {offsets = [15], sizes = [1], strides = [1]} : vector<16xi32> to vector<1xi32>
      %squeeze3A_460 = vector.extract %slice3A_459[0] : i32 from vector<1xi32>
      %add3A_461 = arith.addi %add3A_407, %squeeze3A_460 : i32
      %mul3A_462 = arith.constant 128 : i32
      %mul3A_463 = arith.muli %scan3A_94, %mul3A_462 : i32
      %add3A_464 = arith.constant 112 : i32
      %add3A_465 = arith.addi %mul3A_463, %add3A_464 : i32
      %get3A_466 = arith.index_cast %add3A_465 : i32 to index
      %get3A_467 = tpu.vector_load %arg9[%get3A_466] {strides = array<i32>} : memref<10240xi32, #tpu.memory_space<vmem>>, vector<16xi32>,
      %get3A_468 = arith.index_cast %add3A_465 : i32 to index
      %get3A_469 = tpu.vector_load %arg10[%get3A_468] {strides = array<i32>} : memref<10240xi32, #tpu.memory_space<vmem>>, vector<16xi32>,
      %get3A_470 = arith.index_cast %add3A_465 : i32 to index
      %get3A_471 = tpu.vector_load %arg11[%get3A_470] {strides = array<i32>} : memref<10240xi32, #tpu.memory_space<vmem>>, vector<16xi32>,
      %mul3A_472 = arith.muli %get3A_467, %broadcast_in_dim3A_3 : vector<16xi32>
      %add3A_473 = arith.addi %mul3A_472, %get3A_469 : vector<16xi32>
      %swap3A_474 = arith.index_cast %add3A_465 : i32 to index
      %swap3A_475 = tpu.vector_load %arg9[%swap3A_474] {strides = array<i32>} : memref<10240xi32, #tpu.memory_space<vmem>>, vector<16xi32>,
      tpu.vector_store %arg9[%swap3A_474], %add3A_473 {strides = array<i32>} : memref<10240xi32, #tpu.memory_space<vmem>>, vector<16xi32>,
      %eq3A_476 = arith.constant 0 : i32
      %eq3A_477 = vector.broadcast %eq3A_476 : i32 to vector<16xi32>
      %eq3A_478 = arith.cmpi eq, %broadcast_in_dim3A_5, %eq3A_477 : vector<16xi32>
      %broadcast_in_dim3A_479 = arith.constant 1 : i32
      %broadcast_in_dim3A_480 = vector.broadcast %broadcast_in_dim3A_479 : i32 to vector<16xi32>
      %select_n3A_481 = arith.select %eq3A_478, %broadcast_in_dim3A_480, %broadcast_in_dim3A_5 : vector<16xi1>, vector<16xi32>
      %rem3A_482 = arith.remsi %get3A_471, %select_n3A_481 : vector<16xi32>
      %ne3A_483 = arith.constant 0 : i32
      %ne3A_484 = vector.broadcast %ne3A_483 : i32 to vector<16xi32>
      %ne3A_485 = arith.cmpi ne, %rem3A_482, %ne3A_484 : vector<16xi32>
      %lt3A_486 = arith.constant 0 : i32
      %lt3A_487 = vector.broadcast %lt3A_486 : i32 to vector<16xi32>
      %lt3A_488 = arith.cmpi slt, %rem3A_482, %lt3A_487 : vector<16xi32>
      %lt3A_489 = arith.constant 0 : i32
      %lt3A_490 = vector.broadcast %lt3A_489 : i32 to vector<16xi32>
      %lt3A_491 = arith.cmpi slt, %select_n3A_481, %lt3A_490 : vector<16xi32>
      %ne3A_492 = arith.xori %lt3A_488, %lt3A_491 : vector<16xi1>
      %and3A_493 = arith.andi %ne3A_492, %ne3A_485 : vector<16xi1>
      %add3A_494 = arith.addi %rem3A_482, %select_n3A_481 : vector<16xi32>
      %select_n3A_495 = arith.select %and3A_493, %add3A_494, %rem3A_482 : vector<16xi1>, vector<16xi32>
      %mul3A_496 = arith.muli %get3A_471, %broadcast_in_dim3A_11 : vector<16xi32>
      %shift_right_logical3A_497 = arith.shrui %mul3A_496, %broadcast_in_dim3A_13 : vector<16xi32>
      %lt3A_498 = arith.cmpi slt, %select_n3A_495, %broadcast_in_dim3A_7 : vector<16xi32>
      %mul3A_499 = arith.muli %get3A_469, %broadcast_in_dim3A_9 : vector<16xi32>
      %mul3A_500 = arith.muli %shift_right_logical3A_497, %broadcast_in_dim3A_7 : vector<16xi32>
      %add3A_501 = arith.addi %mul3A_499, %mul3A_500 : vector<16xi32>
      %add3A_502 = arith.addi %add3A_501, %select_n3A_495 : vector<16xi32>
      %sub3A_503 = arith.subi %broadcast_in_dim3A_15, %broadcast_in_dim3A_15 : vector<16xi32>
      %select_n3A_504 = arith.select %lt3A_498, %broadcast_in_dim3A_15, %sub3A_503 : vector<16xi1>, vector<16xi32>
      %broadcast_in_dim3A_505 = arith.constant true
      %broadcast_in_dim3A_506 = vector.broadcast %broadcast_in_dim3A_505 : i1 to vector<16xi1>
      %masked_cumsum3A_507 = tpu.scan <sum>, %select_n3A_504 masked %broadcast_in_dim3A_506 : vector<16xi32>, vector<16xi1> -> vector<16xi32>
      %broadcast_in_dim3A_508 = vector.broadcast %add3A_461 : i32 to vector<16xi32>
      %add3A_509 = arith.addi %broadcast_in_dim3A_508, %masked_cumsum3A_507 : vector<16xi32>
      %sub3A_510 = arith.subi %add3A_509, %broadcast_in_dim3A_15 : vector<16xi32>
      %add3A_511 = arith.addi %broadcast_in_dim3A_17, %iota3A : vector<16xi32>
      %select_n3A_512 = arith.select %lt3A_498, %sub3A_510, %add3A_511 : vector<16xi1>, vector<16xi32>
      tpu.vector_store_idx %arg13[%select_n3A_512], %add3A_502 : memref<10512xi32, #tpu.memory_space<vmem>>[vector<16xi32>], vector<16xi32>,
      tpu.vector_store_idx %arg12[%select_n3A_512], %get3A_467 : memref<10512xi32, #tpu.memory_space<vmem>>[vector<16xi32>], vector<16xi32>,
      %slice3A_513 = vector.extract_strided_slice %masked_cumsum3A_507 {offsets = [15], sizes = [1], strides = [1]} : vector<16xi32> to vector<1xi32>
      %squeeze3A_514 = vector.extract %slice3A_513[0] : i32 from vector<1xi32>
      %add3A_515 = arith.addi %add3A_461, %squeeze3A_514 : i32
      scf.yield %add3A_515 : i32
    }
    %scan3A_23 = arith.constant 80 : i32
    %broadcast_in_dim3A_24 = arith.constant 0 : i32
    %broadcast_in_dim3A_25 = vector.broadcast %broadcast_in_dim3A_24 : i32 to vector<16xi32>
    %broadcast_in_dim3A_26 = arith.constant 3200 : i32
    %broadcast_in_dim3A_27 = vector.broadcast %broadcast_in_dim3A_26 : i32 to vector<16xi32>
    %add3A_28 = arith.constant 0 : i32
    %add3A_29 = arith.addi %scan3A_22, %add3A_28 : i32
    %swap3A = arith.index_cast %add3A_29 : i32 to index
    %swap3A_30 = tpu.vector_load %arg12[%swap3A] {strides = array<i32>} : memref<10512xi32, #tpu.memory_space<vmem>>, vector<16xi32>,
    tpu.vector_store %arg12[%swap3A], %broadcast_in_dim3A_25 {strides = array<i32>} : memref<10512xi32, #tpu.memory_space<vmem>>, vector<16xi32>,
    %add3A_31 = arith.constant 0 : i32
    %add3A_32 = arith.addi %scan3A_22, %add3A_31 : i32
    %swap3A_33 = arith.index_cast %add3A_32 : i32 to index
    %swap3A_34 = tpu.vector_load %arg13[%swap3A_33] {strides = array<i32>} : memref<10512xi32, #tpu.memory_space<vmem>>, vector<16xi32>,
    tpu.vector_store %arg13[%swap3A_33], %broadcast_in_dim3A_27 {strides = array<i32>} : memref<10512xi32, #tpu.memory_space<vmem>>, vector<16xi32>,
    %add3A_35 = arith.constant 16 : i32
    %add3A_36 = arith.addi %scan3A_22, %add3A_35 : i32
    %swap3A_37 = arith.index_cast %add3A_36 : i32 to index
    %swap3A_38 = tpu.vector_load %arg12[%swap3A_37] {strides = array<i32>} : memref<10512xi32, #tpu.memory_space<vmem>>, vector<16xi32>,
    tpu.vector_store %arg12[%swap3A_37], %broadcast_in_dim3A_25 {strides = array<i32>} : memref<10512xi32, #tpu.memory_space<vmem>>, vector<16xi32>,
    %add3A_39 = arith.constant 16 : i32
    %add3A_40 = arith.addi %scan3A_22, %add3A_39 : i32
    %swap3A_41 = arith.index_cast %add3A_40 : i32 to index
    %swap3A_42 = tpu.vector_load %arg13[%swap3A_41] {strides = array<i32>} : memref<10512xi32, #tpu.memory_space<vmem>>, vector<16xi32>,
    tpu.vector_store %arg13[%swap3A_41], %broadcast_in_dim3A_27 {strides = array<i32>} : memref<10512xi32, #tpu.memory_space<vmem>>, vector<16xi32>,
    %add3A_43 = arith.constant 32 : i32
    %add3A_44 = arith.addi %scan3A_22, %add3A_43 : i32
    %swap3A_45 = arith.index_cast %add3A_44 : i32 to index
    %swap3A_46 = tpu.vector_load %arg12[%swap3A_45] {strides = array<i32>} : memref<10512xi32, #tpu.memory_space<vmem>>, vector<16xi32>,
    tpu.vector_store %arg12[%swap3A_45], %broadcast_in_dim3A_25 {strides = array<i32>} : memref<10512xi32, #tpu.memory_space<vmem>>, vector<16xi32>,
    %add3A_47 = arith.constant 32 : i32
    %add3A_48 = arith.addi %scan3A_22, %add3A_47 : i32
    %swap3A_49 = arith.index_cast %add3A_48 : i32 to index
    %swap3A_50 = tpu.vector_load %arg13[%swap3A_49] {strides = array<i32>} : memref<10512xi32, #tpu.memory_space<vmem>>, vector<16xi32>,
    tpu.vector_store %arg13[%swap3A_49], %broadcast_in_dim3A_27 {strides = array<i32>} : memref<10512xi32, #tpu.memory_space<vmem>>, vector<16xi32>,
    %add3A_51 = arith.constant 48 : i32
    %add3A_52 = arith.addi %scan3A_22, %add3A_51 : i32
    %swap3A_53 = arith.index_cast %add3A_52 : i32 to index
    %swap3A_54 = tpu.vector_load %arg12[%swap3A_53] {strides = array<i32>} : memref<10512xi32, #tpu.memory_space<vmem>>, vector<16xi32>,
    tpu.vector_store %arg12[%swap3A_53], %broadcast_in_dim3A_25 {strides = array<i32>} : memref<10512xi32, #tpu.memory_space<vmem>>, vector<16xi32>,
    %add3A_55 = arith.constant 48 : i32
    %add3A_56 = arith.addi %scan3A_22, %add3A_55 : i32
    %swap3A_57 = arith.index_cast %add3A_56 : i32 to index
    %swap3A_58 = tpu.vector_load %arg13[%swap3A_57] {strides = array<i32>} : memref<10512xi32, #tpu.memory_space<vmem>>, vector<16xi32>,
    tpu.vector_store %arg13[%swap3A_57], %broadcast_in_dim3A_27 {strides = array<i32>} : memref<10512xi32, #tpu.memory_space<vmem>>, vector<16xi32>,
    %add3A_59 = arith.constant 64 : i32
    %add3A_60 = arith.addi %scan3A_22, %add3A_59 : i32
    %swap3A_61 = arith.index_cast %add3A_60 : i32 to index
    %swap3A_62 = tpu.vector_load %arg12[%swap3A_61] {strides = array<i32>} : memref<10512xi32, #tpu.memory_space<vmem>>, vector<16xi32>,
    tpu.vector_store %arg12[%swap3A_61], %broadcast_in_dim3A_25 {strides = array<i32>} : memref<10512xi32, #tpu.memory_space<vmem>>, vector<16xi32>,
    %add3A_63 = arith.constant 64 : i32
    %add3A_64 = arith.addi %scan3A_22, %add3A_63 : i32
    %swap3A_65 = arith.index_cast %add3A_64 : i32 to index
    %swap3A_66 = tpu.vector_load %arg13[%swap3A_65] {strides = array<i32>} : memref<10512xi32, #tpu.memory_space<vmem>>, vector<16xi32>,
    tpu.vector_store %arg13[%swap3A_65], %broadcast_in_dim3A_27 {strides = array<i32>} : memref<10512xi32, #tpu.memory_space<vmem>>, vector<16xi32>,
    %add3A_67 = arith.constant 80 : i32
    %add3A_68 = arith.addi %scan3A_22, %add3A_67 : i32
    %swap3A_69 = arith.index_cast %add3A_68 : i32 to index
    %swap3A_70 = tpu.vector_load %arg12[%swap3A_69] {strides = array<i32>} : memref<10512xi32, #tpu.memory_space<vmem>>, vector<16xi32>,
    tpu.vector_store %arg12[%swap3A_69], %broadcast_in_dim3A_25 {strides = array<i32>} : memref<10512xi32, #tpu.memory_space<vmem>>, vector<16xi32>,
    %add3A_71 = arith.constant 80 : i32
    %add3A_72 = arith.addi %scan3A_22, %add3A_71 : i32
    %swap3A_73 = arith.index_cast %add3A_72 : i32 to index
    %swap3A_74 = tpu.vector_load %arg13[%swap3A_73] {strides = array<i32>} : memref<10512xi32, #tpu.memory_space<vmem>>, vector<16xi32>,
    tpu.vector_store %arg13[%swap3A_73], %broadcast_in_dim3A_27 {strides = array<i32>} : memref<10512xi32, #tpu.memory_space<vmem>>, vector<16xi32>,
    %add3A_75 = arith.constant 96 : i32
    %add3A_76 = arith.addi %scan3A_22, %add3A_75 : i32
    %swap3A_77 = arith.index_cast %add3A_76 : i32 to index
    %swap3A_78 = tpu.vector_load %arg12[%swap3A_77] {strides = array<i32>} : memref<10512xi32, #tpu.memory_space<vmem>>, vector<16xi32>,
    tpu.vector_store %arg12[%swap3A_77], %broadcast_in_dim3A_25 {strides = array<i32>} : memref<10512xi32, #tpu.memory_space<vmem>>, vector<16xi32>,
    %add3A_79 = arith.constant 96 : i32
    %add3A_80 = arith.addi %scan3A_22, %add3A_79 : i32
    %swap3A_81 = arith.index_cast %add3A_80 : i32 to index
    %swap3A_82 = tpu.vector_load %arg13[%swap3A_81] {strides = array<i32>} : memref<10512xi32, #tpu.memory_space<vmem>>, vector<16xi32>,
    tpu.vector_store %arg13[%swap3A_81], %broadcast_in_dim3A_27 {strides = array<i32>} : memref<10512xi32, #tpu.memory_space<vmem>>, vector<16xi32>,
    %add3A_83 = arith.constant 112 : i32
    %add3A_84 = arith.addi %scan3A_22, %add3A_83 : i32
    %swap3A_85 = arith.index_cast %add3A_84 : i32 to index
    %swap3A_86 = tpu.vector_load %arg12[%swap3A_85] {strides = array<i32>} : memref<10512xi32, #tpu.memory_space<vmem>>, vector<16xi32>,
    tpu.vector_store %arg12[%swap3A_85], %broadcast_in_dim3A_25 {strides = array<i32>} : memref<10512xi32, #tpu.memory_space<vmem>>, vector<16xi32>,
    %add3A_87 = arith.constant 112 : i32
    %add3A_88 = arith.addi %scan3A_22, %add3A_87 : i32
    %swap3A_89 = arith.index_cast %add3A_88 : i32 to index
    %swap3A_90 = tpu.vector_load %arg13[%swap3A_89] {strides = array<i32>} : memref<10512xi32, #tpu.memory_space<vmem>>, vector<16xi32>,
    tpu.vector_store %arg13[%swap3A_89], %broadcast_in_dim3A_27 {strides = array<i32>} : memref<10512xi32, #tpu.memory_space<vmem>>, vector<16xi32>,
    %broadcast_in_dim3A_91 = vector.broadcast %scan3A_22 : i32 to vector<16xi32>
    %swap3A_92 = arith.constant 0 : index
    %swap3A_93 = tpu.vector_load %arg14[%swap3A_92] {strides = array<i32>} : memref<16xi32, #tpu.memory_space<vmem>>, vector<16xi32>,
    tpu.vector_store %arg14[%swap3A_92], %broadcast_in_dim3A_91 {strides = array<i32>} : memref<16xi32, #tpu.memory_space<vmem>>, vector<16xi32>,
    "tpu.region"() ({
      %run_scoped3A = tpu.sem_alloc : memref<!tpu.dma_semaphore, #tpu.memory_space<semaphore_mem>>
      %dma_start3A = tpu.memref_slice %arg5[%mul3A_2] : memref<327680xi32, #tpu.memory_space<hbm>> -> memref<10240xi32, #tpu.memory_space<hbm>>
      %dma_start3A_94 = tpu.memref_slice %arg5[%mul3A_2] : memref<327680xi32, #tpu.memory_space<hbm>> -> memref<10240xi32, #tpu.memory_space<hbm>>
      tpu.enqueue_dma source(%arg9 : memref<10240xi32, #tpu.memory_space<vmem>>) target(%dma_start3A_94 : memref<10240xi32, #tpu.memory_space<hbm>>) target_semaphore(%run_scoped3A : memref<!tpu.dma_semaphore, #tpu.memory_space<semaphore_mem>>)
      %dma_wait3A = tpu.memref_slice %arg5[%mul3A_2] : memref<327680xi32, #tpu.memory_space<hbm>> -> memref<10240xi32, #tpu.memory_space<hbm>>
      %dma_wait3A_95 = tpu.memref_slice %arg5[%mul3A_2] : memref<327680xi32, #tpu.memory_space<hbm>> -> memref<10240xi32, #tpu.memory_space<hbm>>
      tpu.wait_dma2 semaphore(%run_scoped3A : memref<!tpu.dma_semaphore, #tpu.memory_space<semaphore_mem>>) src(%arg9 : memref<10240xi32, #tpu.memory_space<vmem>>) dst(%dma_wait3A_95 : memref<10240xi32, #tpu.memory_space<hbm>>)
      tpu.yield
    }) : () -> ()
    "tpu.region"() ({
      %run_scoped3A = tpu.sem_alloc : memref<!tpu.dma_semaphore, #tpu.memory_space<semaphore_mem>>
      %dma_start3A = arith.constant 0 : i32
      %dma_start3A_94 = tpu.memref_slice %arg12[%dma_start3A] : memref<10512xi32, #tpu.memory_space<vmem>> -> memref<10368xi32, #tpu.memory_space<vmem>>
      %dma_start3A_95 = arith.constant 0 : i32
      %dma_start3A_96 = tpu.memref_slice %arg6[%add3A, %dma_start3A_95] : memref<32x10368xi32, #tpu.memory_space<hbm>> -> memref<1x10368xi32, #tpu.memory_space<hbm>>
      %dma_start3A_97 = tpu.memref_squeeze %dma_start3A_96 : memref<1x10368xi32, #tpu.memory_space<hbm>> -> memref<10368xi32, #tpu.memory_space<hbm>>
      %dma_start3A_98 = arith.constant 0 : i32
      %dma_start3A_99 = tpu.memref_slice %arg6[%add3A, %dma_start3A_98] : memref<32x10368xi32, #tpu.memory_space<hbm>> -> memref<1x10368xi32, #tpu.memory_space<hbm>>
      %dma_start3A_100 = tpu.memref_squeeze %dma_start3A_99 : memref<1x10368xi32, #tpu.memory_space<hbm>> -> memref<10368xi32, #tpu.memory_space<hbm>>
      %dma_start3A_101 = arith.constant 0 : i32
      %dma_start3A_102 = tpu.memref_slice %arg12[%dma_start3A_101] : memref<10512xi32, #tpu.memory_space<vmem>> -> memref<10368xi32, #tpu.memory_space<vmem>>
      tpu.enqueue_dma source(%dma_start3A_102 : memref<10368xi32, #tpu.memory_space<vmem>>) target(%dma_start3A_100 : memref<10368xi32, #tpu.memory_space<hbm>>) target_semaphore(%run_scoped3A : memref<!tpu.dma_semaphore, #tpu.memory_space<semaphore_mem>>)
      %dma_wait3A = arith.constant 0 : i32
      %dma_wait3A_103 = tpu.memref_slice %arg12[%dma_wait3A] : memref<10512xi32, #tpu.memory_space<vmem>> -> memref<10368xi32, #tpu.memory_space<vmem>>
      %dma_wait3A_104 = arith.constant 0 : i32
      %dma_wait3A_105 = tpu.memref_slice %arg6[%add3A, %dma_wait3A_104] : memref<32x10368xi32, #tpu.memory_space<hbm>> -> memref<1x10368xi32, #tpu.memory_space<hbm>>
      %dma_wait3A_106 = tpu.memref_squeeze %dma_wait3A_105 : memref<1x10368xi32, #tpu.memory_space<hbm>> -> memref<10368xi32, #tpu.memory_space<hbm>>
      %dma_wait3A_107 = arith.constant 0 : i32
      %dma_wait3A_108 = tpu.memref_slice %arg6[%add3A, %dma_wait3A_107] : memref<32x10368xi32, #tpu.memory_space<hbm>> -> memref<1x10368xi32, #tpu.memory_space<hbm>>
      %dma_wait3A_109 = tpu.memref_squeeze %dma_wait3A_108 : memref<1x10368xi32, #tpu.memory_space<hbm>> -> memref<10368xi32, #tpu.memory_space<hbm>>
      %dma_wait3A_110 = arith.constant 0 : i32
      %dma_wait3A_111 = tpu.memref_slice %arg12[%dma_wait3A_110] : memref<10512xi32, #tpu.memory_space<vmem>> -> memref<10368xi32, #tpu.memory_space<vmem>>
      tpu.wait_dma2 semaphore(%run_scoped3A : memref<!tpu.dma_semaphore, #tpu.memory_space<semaphore_mem>>) src(%dma_wait3A_111 : memref<10368xi32, #tpu.memory_space<vmem>>) dst(%dma_wait3A_109 : memref<10368xi32, #tpu.memory_space<hbm>>)
      tpu.yield
    }) : () -> ()
    "tpu.region"() ({
      %run_scoped3A = tpu.sem_alloc : memref<!tpu.dma_semaphore, #tpu.memory_space<semaphore_mem>>
      %dma_start3A = arith.constant 0 : i32
      %dma_start3A_94 = tpu.memref_slice %arg13[%dma_start3A] : memref<10512xi32, #tpu.memory_space<vmem>> -> memref<10368xi32, #tpu.memory_space<vmem>>
      %dma_start3A_95 = arith.constant 0 : i32
      %dma_start3A_96 = tpu.memref_slice %arg7[%add3A, %dma_start3A_95] : memref<32x10368xi32, #tpu.memory_space<hbm>> -> memref<1x10368xi32, #tpu.memory_space<hbm>>
      %dma_start3A_97 = tpu.memref_squeeze %dma_start3A_96 : memref<1x10368xi32, #tpu.memory_space<hbm>> -> memref<10368xi32, #tpu.memory_space<hbm>>
      %dma_start3A_98 = arith.constant 0 : i32
      %dma_start3A_99 = tpu.memref_slice %arg7[%add3A, %dma_start3A_98] : memref<32x10368xi32, #tpu.memory_space<hbm>> -> memref<1x10368xi32, #tpu.memory_space<hbm>>
      %dma_start3A_100 = tpu.memref_squeeze %dma_start3A_99 : memref<1x10368xi32, #tpu.memory_space<hbm>> -> memref<10368xi32, #tpu.memory_space<hbm>>
      %dma_start3A_101 = arith.constant 0 : i32
      %dma_start3A_102 = tpu.memref_slice %arg13[%dma_start3A_101] : memref<10512xi32, #tpu.memory_space<vmem>> -> memref<10368xi32, #tpu.memory_space<vmem>>
      tpu.enqueue_dma source(%dma_start3A_102 : memref<10368xi32, #tpu.memory_space<vmem>>) target(%dma_start3A_100 : memref<10368xi32, #tpu.memory_space<hbm>>) target_semaphore(%run_scoped3A : memref<!tpu.dma_semaphore, #tpu.memory_space<semaphore_mem>>)
      %dma_wait3A = arith.constant 0 : i32
      %dma_wait3A_103 = tpu.memref_slice %arg13[%dma_wait3A] : memref<10512xi32, #tpu.memory_space<vmem>> -> memref<10368xi32, #tpu.memory_space<vmem>>
      %dma_wait3A_104 = arith.constant 0 : i32
      %dma_wait3A_105 = tpu.memref_slice %arg7[%add3A, %dma_wait3A_104] : memref<32x10368xi32, #tpu.memory_space<hbm>> -> memref<1x10368xi32, #tpu.memory_space<hbm>>
      %dma_wait3A_106 = tpu.memref_squeeze %dma_wait3A_105 : memref<1x10368xi32, #tpu.memory_space<hbm>> -> memref<10368xi32, #tpu.memory_space<hbm>>
      %dma_wait3A_107 = arith.constant 0 : i32
      %dma_wait3A_108 = tpu.memref_slice %arg7[%add3A, %dma_wait3A_107] : memref<32x10368xi32, #tpu.memory_space<hbm>> -> memref<1x10368xi32, #tpu.memory_space<hbm>>
      %dma_wait3A_109 = tpu.memref_squeeze %dma_wait3A_108 : memref<1x10368xi32, #tpu.memory_space<hbm>> -> memref<10368xi32, #tpu.memory_space<hbm>>
      %dma_wait3A_110 = arith.constant 0 : i32
      %dma_wait3A_111 = tpu.memref_slice %arg13[%dma_wait3A_110] : memref<10512xi32, #tpu.memory_space<vmem>> -> memref<10368xi32, #tpu.memory_space<vmem>>
      tpu.wait_dma2 semaphore(%run_scoped3A : memref<!tpu.dma_semaphore, #tpu.memory_space<semaphore_mem>>) src(%dma_wait3A_111 : memref<10368xi32, #tpu.memory_space<vmem>>) dst(%dma_wait3A_109 : memref<10368xi32, #tpu.memory_space<hbm>>)
      tpu.yield
    }) : () -> ()
    "tpu.region"() ({
      %run_scoped3A = tpu.sem_alloc : memref<!tpu.dma_semaphore, #tpu.memory_space<semaphore_mem>>
      %dma_start3A = arith.constant 0 : i32
      %dma_start3A_94 = tpu.memref_slice %arg8[%add3A, %dma_start3A] : memref<32x16xi32, #tpu.memory_space<hbm>> -> memref<1x16xi32, #tpu.memory_space<hbm>>
      %dma_start3A_95 = tpu.memref_squeeze %dma_start3A_94 : memref<1x16xi32, #tpu.memory_space<hbm>> -> memref<16xi32, #tpu.memory_space<hbm>>
      %dma_start3A_96 = arith.constant 0 : i32
      %dma_start3A_97 = tpu.memref_slice %arg8[%add3A, %dma_start3A_96] : memref<32x16xi32, #tpu.memory_space<hbm>> -> memref<1x16xi32, #tpu.memory_space<hbm>>
      %dma_start3A_98 = tpu.memref_squeeze %dma_start3A_97 : memref<1x16xi32, #tpu.memory_space<hbm>> -> memref<16xi32, #tpu.memory_space<hbm>>
      tpu.enqueue_dma source(%arg14 : memref<16xi32, #tpu.memory_space<vmem>>) target(%dma_start3A_98 : memref<16xi32, #tpu.memory_space<hbm>>) target_semaphore(%run_scoped3A : memref<!tpu.dma_semaphore, #tpu.memory_space<semaphore_mem>>)
      %dma_wait3A = arith.constant 0 : i32
      %dma_wait3A_99 = tpu.memref_slice %arg8[%add3A, %dma_wait3A] : memref<32x16xi32, #tpu.memory_space<hbm>> -> memref<1x16xi32, #tpu.memory_space<hbm>>
      %dma_wait3A_100 = tpu.memref_squeeze %dma_wait3A_99 : memref<1x16xi32, #tpu.memory_space<hbm>> -> memref<16xi32, #tpu.memory_space<hbm>>
      %dma_wait3A_101 = arith.constant 0 : i32
      %dma_wait3A_102 = tpu.memref_slice %arg8[%add3A, %dma_wait3A_101] : memref<32x16xi32, #tpu.memory_space<hbm>> -> memref<1x16xi32, #tpu.memory_space<hbm>>
      %dma_wait3A_103 = tpu.memref_squeeze %dma_wait3A_102 : memref<1x16xi32, #tpu.memory_space<hbm>> -> memref<16xi32, #tpu.memory_space<hbm>>
      tpu.wait_dma2 semaphore(%run_scoped3A : memref<!tpu.dma_semaphore, #tpu.memory_space<semaphore_mem>>) src(%arg14 : memref<16xi32, #tpu.memory_space<vmem>>) dst(%dma_wait3A_103 : memref<16xi32, #tpu.memory_space<hbm>>)
      tpu.yield
    }) : () -> ()
    return
  }
}

#map = affine_map<(d0, d1) -> (0, 0)>
#map1 = affine_map<(d0, d1) -> (0, 0, 0)>
module attributes {stable_mosaic.version = 14 : i64} {
  func.func @_e_body(%arg0: i32, %arg1: i32, %arg2: memref<10000x128xf32, #tpu.memory_space<hbm>>, %arg3: memref<32x10368xi32, #tpu.memory_space<hbm>>, %arg4: memref<32x10368xi32, #tpu.memory_space<hbm>>, %arg5: memref<32x16xi32, #tpu.memory_space<hbm>>, %arg6: memref<2x3328x128xf32, #tpu.memory_space<hbm>>, %arg7: memref<128xi32, #tpu.memory_space<vmem>>, %arg8: memref<128xi32, #tpu.memory_space<vmem>>, %arg9: memref<16xi32, #tpu.memory_space<vmem>>, %arg10: memref<128x128xf32, #tpu.memory_space<vmem>>, %arg11: memref<3328x128xf32, #tpu.memory_space<vmem_shared>>, %arg12: memref<!tpu.dma_semaphore, #tpu.memory_space<semaphore_mem>>) attributes {dimension_semantics = [#tpu.dimension_semantics<core_parallel>, #tpu.dimension_semantics<subcore_parallel>], iteration_bounds = array<i64: 2, 16>, scalar_prefetch = 0 : i64, scratch_operands = 6 : i64, tpu.core_type = #tpu.core_type<sc_vector_subcore>, window_params = [{transform_indices = #map}, {transform_indices = #map}, {transform_indices = #map}, {transform_indices = #map}, {transform_indices = #map1}]} {
    %mul3A = arith.constant 2 : i32
    %mul3A_0 = arith.muli %arg1, %mul3A : i32
    %add3A = arith.addi %mul3A_0, %arg0 : i32
    %broadcast_in_dim3A = arith.constant 0.000000e+00 : f32
    %broadcast_in_dim3A_1 = vector.broadcast %broadcast_in_dim3A : f32 to vector<16xf32>
    %scan3A = arith.constant 0 : i32
    %scan3A_2 = arith.constant 0 : i32
    %scan3A_3 = arith.constant 128 : i32
    %scan3A_4 = arith.addi %scan3A_2, %scan3A_3 : i32
    %scan3A_5 = arith.constant 1 : i32
    scf.for %scan3A_32 = %scan3A_2 to %scan3A_4 step %scan3A_5  : i32 {
      %swap3A = arith.index_cast %scan3A_32 : i32 to index
      %swap3A_33 = arith.constant 0 : index
      %swap3A_34 = tpu.vector_load %arg10[%swap3A, %swap3A_33] {strides = array<i32>} : memref<128x128xf32, #tpu.memory_space<vmem>>, vector<16xf32>,
      tpu.vector_store %arg10[%swap3A, %swap3A_33], %broadcast_in_dim3A_1 {strides = array<i32>} : memref<128x128xf32, #tpu.memory_space<vmem>>, vector<16xf32>,
      %swap3A_35 = arith.index_cast %scan3A_32 : i32 to index
      %swap3A_36 = arith.constant 16 : index
      %swap3A_37 = tpu.vector_load %arg10[%swap3A_35, %swap3A_36] {strides = array<i32>} : memref<128x128xf32, #tpu.memory_space<vmem>>, vector<16xf32>,
      tpu.vector_store %arg10[%swap3A_35, %swap3A_36], %broadcast_in_dim3A_1 {strides = array<i32>} : memref<128x128xf32, #tpu.memory_space<vmem>>, vector<16xf32>,
      %swap3A_38 = arith.index_cast %scan3A_32 : i32 to index
      %swap3A_39 = arith.constant 32 : index
      %swap3A_40 = tpu.vector_load %arg10[%swap3A_38, %swap3A_39] {strides = array<i32>} : memref<128x128xf32, #tpu.memory_space<vmem>>, vector<16xf32>,
      tpu.vector_store %arg10[%swap3A_38, %swap3A_39], %broadcast_in_dim3A_1 {strides = array<i32>} : memref<128x128xf32, #tpu.memory_space<vmem>>, vector<16xf32>,
      %swap3A_41 = arith.index_cast %scan3A_32 : i32 to index
      %swap3A_42 = arith.constant 48 : index
      %swap3A_43 = tpu.vector_load %arg10[%swap3A_41, %swap3A_42] {strides = array<i32>} : memref<128x128xf32, #tpu.memory_space<vmem>>, vector<16xf32>,
      tpu.vector_store %arg10[%swap3A_41, %swap3A_42], %broadcast_in_dim3A_1 {strides = array<i32>} : memref<128x128xf32, #tpu.memory_space<vmem>>, vector<16xf32>,
      %swap3A_44 = arith.index_cast %scan3A_32 : i32 to index
      %swap3A_45 = arith.constant 64 : index
      %swap3A_46 = tpu.vector_load %arg10[%swap3A_44, %swap3A_45] {strides = array<i32>} : memref<128x128xf32, #tpu.memory_space<vmem>>, vector<16xf32>,
      tpu.vector_store %arg10[%swap3A_44, %swap3A_45], %broadcast_in_dim3A_1 {strides = array<i32>} : memref<128x128xf32, #tpu.memory_space<vmem>>, vector<16xf32>,
      %swap3A_47 = arith.index_cast %scan3A_32 : i32 to index
      %swap3A_48 = arith.constant 80 : index
      %swap3A_49 = tpu.vector_load %arg10[%swap3A_47, %swap3A_48] {strides = array<i32>} : memref<128x128xf32, #tpu.memory_space<vmem>>, vector<16xf32>,
      tpu.vector_store %arg10[%swap3A_47, %swap3A_48], %broadcast_in_dim3A_1 {strides = array<i32>} : memref<128x128xf32, #tpu.memory_space<vmem>>, vector<16xf32>,
      %swap3A_50 = arith.index_cast %scan3A_32 : i32 to index
      %swap3A_51 = arith.constant 96 : index
      %swap3A_52 = tpu.vector_load %arg10[%swap3A_50, %swap3A_51] {strides = array<i32>} : memref<128x128xf32, #tpu.memory_space<vmem>>, vector<16xf32>,
      tpu.vector_store %arg10[%swap3A_50, %swap3A_51], %broadcast_in_dim3A_1 {strides = array<i32>} : memref<128x128xf32, #tpu.memory_space<vmem>>, vector<16xf32>,
      %swap3A_53 = arith.index_cast %scan3A_32 : i32 to index
      %swap3A_54 = arith.constant 112 : index
      %swap3A_55 = tpu.vector_load %arg10[%swap3A_53, %swap3A_54] {strides = array<i32>} : memref<128x128xf32, #tpu.memory_space<vmem>>, vector<16xf32>,
      tpu.vector_store %arg10[%swap3A_53, %swap3A_54], %broadcast_in_dim3A_1 {strides = array<i32>} : memref<128x128xf32, #tpu.memory_space<vmem>>, vector<16xf32>,
    }
    %scan3A_6 = arith.constant 128 : i32
    %mul3A_7 = arith.constant 208 : i32
    %mul3A_8 = arith.muli %arg1, %mul3A_7 : i32
    "tpu.region"() ({
      %run_scoped3A = tpu.sem_alloc : memref<!tpu.dma_semaphore, #tpu.memory_space<semaphore_mem>>
      %dma_start3A = arith.constant 0 : i32
      %dma_start3A_32 = tpu.memref_slice %arg11[%mul3A_8, %dma_start3A] : memref<3328x128xf32, #tpu.memory_space<vmem_shared>> -> memref<128x128xf32, #tpu.memory_space<vmem_shared>>
      %dma_start3A_33 = arith.constant 0 : i32
      %dma_start3A_34 = tpu.memref_slice %arg11[%mul3A_8, %dma_start3A_33] : memref<3328x128xf32, #tpu.memory_space<vmem_shared>> -> memref<128x128xf32, #tpu.memory_space<vmem_shared>>
      tpu.enqueue_dma source(%arg10 : memref<128x128xf32, #tpu.memory_space<vmem>>) target(%dma_start3A_34 : memref<128x128xf32, #tpu.memory_space<vmem_shared>>) target_semaphore(%run_scoped3A : memref<!tpu.dma_semaphore, #tpu.memory_space<semaphore_mem>>)
      %dma_wait3A = arith.constant 0 : i32
      %dma_wait3A_35 = tpu.memref_slice %arg11[%mul3A_8, %dma_wait3A] : memref<3328x128xf32, #tpu.memory_space<vmem_shared>> -> memref<128x128xf32, #tpu.memory_space<vmem_shared>>
      %dma_wait3A_36 = arith.constant 0 : i32
      %dma_wait3A_37 = tpu.memref_slice %arg11[%mul3A_8, %dma_wait3A_36] : memref<3328x128xf32, #tpu.memory_space<vmem_shared>> -> memref<128x128xf32, #tpu.memory_space<vmem_shared>>
      tpu.wait_dma2 semaphore(%run_scoped3A : memref<!tpu.dma_semaphore, #tpu.memory_space<semaphore_mem>>) src(%arg10 : memref<128x128xf32, #tpu.memory_space<vmem>>) dst(%dma_wait3A_37 : memref<128x128xf32, #tpu.memory_space<vmem_shared>>)
      tpu.yield
    }) : () -> ()
    %mul3A_9 = arith.constant 208 : i32
    %mul3A_10 = arith.muli %arg1, %mul3A_9 : i32
    %add3A_11 = arith.constant 128 : i32
    %add3A_12 = arith.addi %mul3A_10, %add3A_11 : i32
    "tpu.region"() ({
      %run_scoped3A = tpu.sem_alloc : memref<!tpu.dma_semaphore, #tpu.memory_space<semaphore_mem>>
      %dma_start3A = arith.constant 0 : i32
      %dma_start3A_32 = arith.constant 0 : i32
      %dma_start3A_33 = tpu.memref_slice %arg10[%dma_start3A, %dma_start3A_32] : memref<128x128xf32, #tpu.memory_space<vmem>> -> memref<80x128xf32, #tpu.memory_space<vmem>>
      %dma_start3A_34 = arith.constant 0 : i32
      %dma_start3A_35 = tpu.memref_slice %arg11[%add3A_12, %dma_start3A_34] : memref<3328x128xf32, #tpu.memory_space<vmem_shared>> -> memref<80x128xf32, #tpu.memory_space<vmem_shared>>
      %dma_start3A_36 = arith.constant 0 : i32
      %dma_start3A_37 = tpu.memref_slice %arg11[%add3A_12, %dma_start3A_36] : memref<3328x128xf32, #tpu.memory_space<vmem_shared>> -> memref<80x128xf32, #tpu.memory_space<vmem_shared>>
      %dma_start3A_38 = arith.constant 0 : i32
      %dma_start3A_39 = arith.constant 0 : i32
      %dma_start3A_40 = tpu.memref_slice %arg10[%dma_start3A_38, %dma_start3A_39] : memref<128x128xf32, #tpu.memory_space<vmem>> -> memref<80x128xf32, #tpu.memory_space<vmem>>
      tpu.enqueue_dma source(%dma_start3A_40 : memref<80x128xf32, #tpu.memory_space<vmem>>) target(%dma_start3A_37 : memref<80x128xf32, #tpu.memory_space<vmem_shared>>) target_semaphore(%run_scoped3A : memref<!tpu.dma_semaphore, #tpu.memory_space<semaphore_mem>>)
      %dma_wait3A = arith.constant 0 : i32
      %dma_wait3A_41 = arith.constant 0 : i32
      %dma_wait3A_42 = tpu.memref_slice %arg10[%dma_wait3A, %dma_wait3A_41] : memref<128x128xf32, #tpu.memory_space<vmem>> -> memref<80x128xf32, #tpu.memory_space<vmem>>
      %dma_wait3A_43 = arith.constant 0 : i32
      %dma_wait3A_44 = tpu.memref_slice %arg11[%add3A_12, %dma_wait3A_43] : memref<3328x128xf32, #tpu.memory_space<vmem_shared>> -> memref<80x128xf32, #tpu.memory_space<vmem_shared>>
      %dma_wait3A_45 = arith.constant 0 : i32
      %dma_wait3A_46 = tpu.memref_slice %arg11[%add3A_12, %dma_wait3A_45] : memref<3328x128xf32, #tpu.memory_space<vmem_shared>> -> memref<80x128xf32, #tpu.memory_space<vmem_shared>>
      %dma_wait3A_47 = arith.constant 0 : i32
      %dma_wait3A_48 = arith.constant 0 : i32
      %dma_wait3A_49 = tpu.memref_slice %arg10[%dma_wait3A_47, %dma_wait3A_48] : memref<128x128xf32, #tpu.memory_space<vmem>> -> memref<80x128xf32, #tpu.memory_space<vmem>>
      tpu.wait_dma2 semaphore(%run_scoped3A : memref<!tpu.dma_semaphore, #tpu.memory_space<semaphore_mem>>) src(%dma_wait3A_49 : memref<80x128xf32, #tpu.memory_space<vmem>>) dst(%dma_wait3A_46 : memref<80x128xf32, #tpu.memory_space<vmem_shared>>)
      tpu.yield
    }) : () -> ()
    "tpu.region"() ({
      %run_scoped3A = tpu.sem_alloc : memref<!tpu.dma_semaphore, #tpu.memory_space<semaphore_mem>>
      %dma_start3A = arith.constant 0 : i32
      %dma_start3A_32 = tpu.memref_slice %arg5[%add3A, %dma_start3A] : memref<32x16xi32, #tpu.memory_space<hbm>> -> memref<1x16xi32, #tpu.memory_space<hbm>>
      %dma_start3A_33 = tpu.memref_squeeze %dma_start3A_32 : memref<1x16xi32, #tpu.memory_space<hbm>> -> memref<16xi32, #tpu.memory_space<hbm>>
      %dma_start3A_34 = arith.constant 0 : i32
      %dma_start3A_35 = tpu.memref_slice %arg5[%add3A, %dma_start3A_34] : memref<32x16xi32, #tpu.memory_space<hbm>> -> memref<1x16xi32, #tpu.memory_space<hbm>>
      %dma_start3A_36 = tpu.memref_squeeze %dma_start3A_35 : memref<1x16xi32, #tpu.memory_space<hbm>> -> memref<16xi32, #tpu.memory_space<hbm>>
      tpu.enqueue_dma source(%dma_start3A_36 : memref<16xi32, #tpu.memory_space<hbm>>) target(%arg9 : memref<16xi32, #tpu.memory_space<vmem>>) target_semaphore(%run_scoped3A : memref<!tpu.dma_semaphore, #tpu.memory_space<semaphore_mem>>)
      %dma_wait3A = arith.constant 0 : i32
      %dma_wait3A_37 = tpu.memref_slice %arg5[%add3A, %dma_wait3A] : memref<32x16xi32, #tpu.memory_space<hbm>> -> memref<1x16xi32, #tpu.memory_space<hbm>>
      %dma_wait3A_38 = tpu.memref_squeeze %dma_wait3A_37 : memref<1x16xi32, #tpu.memory_space<hbm>> -> memref<16xi32, #tpu.memory_space<hbm>>
      %dma_wait3A_39 = arith.constant 0 : i32
      %dma_wait3A_40 = tpu.memref_slice %arg5[%add3A, %dma_wait3A_39] : memref<32x16xi32, #tpu.memory_space<hbm>> -> memref<1x16xi32, #tpu.memory_space<hbm>>
      %dma_wait3A_41 = tpu.memref_squeeze %dma_wait3A_40 : memref<1x16xi32, #tpu.memory_space<hbm>> -> memref<16xi32, #tpu.memory_space<hbm>>
      tpu.wait_dma2 semaphore(%run_scoped3A : memref<!tpu.dma_semaphore, #tpu.memory_space<semaphore_mem>>) src(%dma_wait3A_41 : memref<16xi32, #tpu.memory_space<hbm>>) dst(%arg9 : memref<16xi32, #tpu.memory_space<vmem>>)
      tpu.yield
    }) : () -> ()
    %barrier3A = arith.constant 0 : index
    tpu.barrier barrier_id(%barrier3A)
    %get3A = arith.constant 0 : index
    %get3A_13 = tpu.vector_load %arg9[%get3A] {strides = array<i32>} : memref<16xi32, #tpu.memory_space<vmem>>, vector<16xi32>,
    %slice3A = vector.extract_strided_slice %get3A_13 {offsets = [0], sizes = [1], strides = [1]} : vector<16xi32> to vector<1xi32>
    %squeeze3A = vector.extract %slice3A[0] : i32 from vector<1xi32>
    %add3A_14 = arith.constant 128 : i32
    %add3A_15 = arith.addi %squeeze3A, %add3A_14 : i32
    %sub3A = arith.constant 1 : i32
    %sub3A_16 = arith.subi %add3A_15, %sub3A : i32
    %shift_right_logical3A = arith.constant 7 : i32
    %shift_right_logical3A_17 = arith.shrui %sub3A_16, %shift_right_logical3A : i32
    %while3A = arith.constant 0 : i32
    %while3A_18 = arith.constant 0 : i32
    %while3A_19 = arith.subi %shift_right_logical3A_17, %while3A_18 : i32
    %while3A_20 = arith.addi %while3A_18, %while3A_19 : i32
    %while3A_21 = arith.constant 1 : i32
    %while3A_22 = arith.divsi %while3A_19, %while3A_21 : i32
    %while3A_23 = arith.muli %while3A_22, %while3A_21 : i32
    %while3A_24 = arith.addi %while3A_18, %while3A_23 : i32
    %while3A_25 = arith.constant 1 : i32
    scf.for %while3A_32 = %while3A_18 to %while3A_24 step %while3A_25  : i32 {
      %mul3A_33 = arith.constant 128 : i32
      %mul3A_34 = arith.muli %while3A_32, %mul3A_33 : i32
      "tpu.region"() ({
        %run_scoped3A = tpu.sem_alloc : memref<!tpu.dma_semaphore, #tpu.memory_space<semaphore_mem>>
        %dma_start3A_39 = arith.constant 0 : i32
        %dma_start3A_40 = tpu.memref_slice %arg3[%add3A, %dma_start3A_39] : memref<32x10368xi32, #tpu.memory_space<hbm>> -> memref<1x10368xi32, #tpu.memory_space<hbm>>
        %dma_start3A_41 = tpu.memref_squeeze %dma_start3A_40 : memref<1x10368xi32, #tpu.memory_space<hbm>> -> memref<10368xi32, #tpu.memory_space<hbm>>
        %dma_start3A_42 = tpu.memref_slice %dma_start3A_41[%mul3A_34] : memref<10368xi32, #tpu.memory_space<hbm>> -> memref<128xi32, #tpu.memory_space<hbm>>
        %dma_start3A_43 = arith.constant 0 : i32
        %dma_start3A_44 = tpu.memref_slice %arg3[%add3A, %dma_start3A_43] : memref<32x10368xi32, #tpu.memory_space<hbm>> -> memref<1x10368xi32, #tpu.memory_space<hbm>>
        %dma_start3A_45 = tpu.memref_squeeze %dma_start3A_44 : memref<1x10368xi32, #tpu.memory_space<hbm>> -> memref<10368xi32, #tpu.memory_space<hbm>>
        %dma_start3A_46 = tpu.memref_slice %dma_start3A_45[%mul3A_34] : memref<10368xi32, #tpu.memory_space<hbm>> -> memref<128xi32, #tpu.memory_space<hbm>>
        tpu.enqueue_dma source(%dma_start3A_46 : memref<128xi32, #tpu.memory_space<hbm>>) target(%arg7 : memref<128xi32, #tpu.memory_space<vmem>>) target_semaphore(%run_scoped3A : memref<!tpu.dma_semaphore, #tpu.memory_space<semaphore_mem>>)
        %dma_wait3A_47 = arith.constant 0 : i32
        %dma_wait3A_48 = tpu.memref_slice %arg3[%add3A, %dma_wait3A_47] : memref<32x10368xi32, #tpu.memory_space<hbm>> -> memref<1x10368xi32, #tpu.memory_space<hbm>>
        %dma_wait3A_49 = tpu.memref_squeeze %dma_wait3A_48 : memref<1x10368xi32, #tpu.memory_space<hbm>> -> memref<10368xi32, #tpu.memory_space<hbm>>
        %dma_wait3A_50 = tpu.memref_slice %dma_wait3A_49[%mul3A_34] : memref<10368xi32, #tpu.memory_space<hbm>> -> memref<128xi32, #tpu.memory_space<hbm>>
        %dma_wait3A_51 = arith.constant 0 : i32
        %dma_wait3A_52 = tpu.memref_slice %arg3[%add3A, %dma_wait3A_51] : memref<32x10368xi32, #tpu.memory_space<hbm>> -> memref<1x10368xi32, #tpu.memory_space<hbm>>
        %dma_wait3A_53 = tpu.memref_squeeze %dma_wait3A_52 : memref<1x10368xi32, #tpu.memory_space<hbm>> -> memref<10368xi32, #tpu.memory_space<hbm>>
        %dma_wait3A_54 = tpu.memref_slice %dma_wait3A_53[%mul3A_34] : memref<10368xi32, #tpu.memory_space<hbm>> -> memref<128xi32, #tpu.memory_space<hbm>>
        tpu.wait_dma2 semaphore(%run_scoped3A : memref<!tpu.dma_semaphore, #tpu.memory_space<semaphore_mem>>) src(%dma_wait3A_54 : memref<128xi32, #tpu.memory_space<hbm>>) dst(%arg7 : memref<128xi32, #tpu.memory_space<vmem>>)
        tpu.yield
      }) : () -> ()
      "tpu.region"() ({
        %run_scoped3A = tpu.sem_alloc : memref<!tpu.dma_semaphore, #tpu.memory_space<semaphore_mem>>
        %dma_start3A_39 = arith.constant 0 : i32
        %dma_start3A_40 = tpu.memref_slice %arg4[%add3A, %dma_start3A_39] : memref<32x10368xi32, #tpu.memory_space<hbm>> -> memref<1x10368xi32, #tpu.memory_space<hbm>>
        %dma_start3A_41 = tpu.memref_squeeze %dma_start3A_40 : memref<1x10368xi32, #tpu.memory_space<hbm>> -> memref<10368xi32, #tpu.memory_space<hbm>>
        %dma_start3A_42 = tpu.memref_slice %dma_start3A_41[%mul3A_34] : memref<10368xi32, #tpu.memory_space<hbm>> -> memref<128xi32, #tpu.memory_space<hbm>>
        %dma_start3A_43 = arith.constant 0 : i32
        %dma_start3A_44 = tpu.memref_slice %arg4[%add3A, %dma_start3A_43] : memref<32x10368xi32, #tpu.memory_space<hbm>> -> memref<1x10368xi32, #tpu.memory_space<hbm>>
        %dma_start3A_45 = tpu.memref_squeeze %dma_start3A_44 : memref<1x10368xi32, #tpu.memory_space<hbm>> -> memref<10368xi32, #tpu.memory_space<hbm>>
        %dma_start3A_46 = tpu.memref_slice %dma_start3A_45[%mul3A_34] : memref<10368xi32, #tpu.memory_space<hbm>> -> memref<128xi32, #tpu.memory_space<hbm>>
        tpu.enqueue_dma source(%dma_start3A_46 : memref<128xi32, #tpu.memory_space<hbm>>) target(%arg8 : memref<128xi32, #tpu.memory_space<vmem>>) target_semaphore(%run_scoped3A : memref<!tpu.dma_semaphore, #tpu.memory_space<semaphore_mem>>)
        %dma_wait3A_47 = arith.constant 0 : i32
        %dma_wait3A_48 = tpu.memref_slice %arg4[%add3A, %dma_wait3A_47] : memref<32x10368xi32, #tpu.memory_space<hbm>> -> memref<1x10368xi32, #tpu.memory_space<hbm>>
        %dma_wait3A_49 = tpu.memref_squeeze %dma_wait3A_48 : memref<1x10368xi32, #tpu.memory_space<hbm>> -> memref<10368xi32, #tpu.memory_space<hbm>>
        %dma_wait3A_50 = tpu.memref_slice %dma_wait3A_49[%mul3A_34] : memref<10368xi32, #tpu.memory_space<hbm>> -> memref<128xi32, #tpu.memory_space<hbm>>
        %dma_wait3A_51 = arith.constant 0 : i32
        %dma_wait3A_52 = tpu.memref_slice %arg4[%add3A, %dma_wait3A_51] : memref<32x10368xi32, #tpu.memory_space<hbm>> -> memref<1x10368xi32, #tpu.memory_space<hbm>>
        %dma_wait3A_53 = tpu.memref_squeeze %dma_wait3A_52 : memref<1x10368xi32, #tpu.memory_space<hbm>> -> memref<10368xi32, #tpu.memory_space<hbm>>
        %dma_wait3A_54 = tpu.memref_slice %dma_wait3A_53[%mul3A_34] : memref<10368xi32, #tpu.memory_space<hbm>> -> memref<128xi32, #tpu.memory_space<hbm>>
        tpu.wait_dma2 semaphore(%run_scoped3A : memref<!tpu.dma_semaphore, #tpu.memory_space<semaphore_mem>>) src(%dma_wait3A_54 : memref<128xi32, #tpu.memory_space<hbm>>) dst(%arg8 : memref<128xi32, #tpu.memory_space<vmem>>)
        tpu.yield
      }) : () -> ()
      %dma_start3A = arith.constant 0 : i32
      %dma_start3A_35 = arith.constant 0 : i32
      %dma_start3A_36 = tpu.memref_slice %arg2[%dma_start3A, %dma_start3A_35] : memref<10000x128xf32, #tpu.memory_space<hbm>> -> memref<10000x128xf32, #tpu.memory_space<hbm>>
      tpu.enqueue_indirect_dma source(%dma_start3A_36 : memref<10000x128xf32, #tpu.memory_space<hbm>>) target(%arg10 : memref<128x128xf32, #tpu.memory_space<vmem>>) offsets(%arg7 : memref<128xi32, #tpu.memory_space<vmem>>) semaphore(%arg12 : memref<!tpu.dma_semaphore, #tpu.memory_space<semaphore_mem>>)
      %dma_wait3A = arith.constant 0 : i32
      %dma_wait3A_37 = arith.constant 0 : i32
      %dma_wait3A_38 = tpu.memref_slice %arg2[%dma_wait3A, %dma_wait3A_37] : memref<10000x128xf32, #tpu.memory_space<hbm>> -> memref<10000x128xf32, #tpu.memory_space<hbm>>
      tpu.wait_indirect_dma semaphore(%arg12 : memref<!tpu.dma_semaphore, #tpu.memory_space<semaphore_mem>>) src(%dma_wait3A_38 : memref<10000x128xf32, #tpu.memory_space<hbm>>) dst(%arg10 : memref<128x128xf32, #tpu.memory_space<vmem>>)
      "tpu.region"() ({
        %run_scoped3A = tpu.sem_alloc : memref<!tpu.dma_semaphore, #tpu.memory_space<semaphore_mem>>
        %dma_start3A_39 = arith.constant 0 : i32
        %dma_start3A_40 = arith.constant 0 : i32
        %dma_start3A_41 = tpu.memref_slice %arg11[%dma_start3A_39, %dma_start3A_40] : memref<3328x128xf32, #tpu.memory_space<vmem_shared>> -> memref<3328x128xf32, #tpu.memory_space<vmem_shared>>
        tpu.enqueue_indirect_dma source(%arg10 : memref<128x128xf32, #tpu.memory_space<vmem>>) target(%dma_start3A_41 : memref<3328x128xf32, #tpu.memory_space<vmem_shared>>) offsets(%arg8 : memref<128xi32, #tpu.memory_space<vmem>>) semaphore(%run_scoped3A : memref<!tpu.dma_semaphore, #tpu.memory_space<semaphore_mem>>) {add = true}
        %dma_wait3A_42 = arith.constant 0 : i32
        %dma_wait3A_43 = arith.constant 0 : i32
        %dma_wait3A_44 = tpu.memref_slice %arg11[%dma_wait3A_42, %dma_wait3A_43] : memref<3328x128xf32, #tpu.memory_space<vmem_shared>> -> memref<3328x128xf32, #tpu.memory_space<vmem_shared>>
        tpu.wait_indirect_dma semaphore(%run_scoped3A : memref<!tpu.dma_semaphore, #tpu.memory_space<semaphore_mem>>) src(%arg10 : memref<128x128xf32, #tpu.memory_space<vmem>>) dst(%dma_wait3A_44 : memref<3328x128xf32, #tpu.memory_space<vmem_shared>>)
        tpu.yield
      }) : () -> ()
    }
    %while3A_26 = arith.constant 1 : i32
    scf.for %while3A_32 = %while3A_24 to %while3A_20 step %while3A_26  : i32 {
      %mul3A_33 = arith.constant 128 : i32
      %mul3A_34 = arith.muli %while3A_32, %mul3A_33 : i32
      "tpu.region"() ({
        %run_scoped3A = tpu.sem_alloc : memref<!tpu.dma_semaphore, #tpu.memory_space<semaphore_mem>>
        %dma_start3A_39 = arith.constant 0 : i32
        %dma_start3A_40 = tpu.memref_slice %arg3[%add3A, %dma_start3A_39] : memref<32x10368xi32, #tpu.memory_space<hbm>> -> memref<1x10368xi32, #tpu.memory_space<hbm>>
        %dma_start3A_41 = tpu.memref_squeeze %dma_start3A_40 : memref<1x10368xi32, #tpu.memory_space<hbm>> -> memref<10368xi32, #tpu.memory_space<hbm>>
        %dma_start3A_42 = tpu.memref_slice %dma_start3A_41[%mul3A_34] : memref<10368xi32, #tpu.memory_space<hbm>> -> memref<128xi32, #tpu.memory_space<hbm>>
        %dma_start3A_43 = arith.constant 0 : i32
        %dma_start3A_44 = tpu.memref_slice %arg3[%add3A, %dma_start3A_43] : memref<32x10368xi32, #tpu.memory_space<hbm>> -> memref<1x10368xi32, #tpu.memory_space<hbm>>
        %dma_start3A_45 = tpu.memref_squeeze %dma_start3A_44 : memref<1x10368xi32, #tpu.memory_space<hbm>> -> memref<10368xi32, #tpu.memory_space<hbm>>
        %dma_start3A_46 = tpu.memref_slice %dma_start3A_45[%mul3A_34] : memref<10368xi32, #tpu.memory_space<hbm>> -> memref<128xi32, #tpu.memory_space<hbm>>
        tpu.enqueue_dma source(%dma_start3A_46 : memref<128xi32, #tpu.memory_space<hbm>>) target(%arg7 : memref<128xi32, #tpu.memory_space<vmem>>) target_semaphore(%run_scoped3A : memref<!tpu.dma_semaphore, #tpu.memory_space<semaphore_mem>>)
        %dma_wait3A_47 = arith.constant 0 : i32
        %dma_wait3A_48 = tpu.memref_slice %arg3[%add3A, %dma_wait3A_47] : memref<32x10368xi32, #tpu.memory_space<hbm>> -> memref<1x10368xi32, #tpu.memory_space<hbm>>
        %dma_wait3A_49 = tpu.memref_squeeze %dma_wait3A_48 : memref<1x10368xi32, #tpu.memory_space<hbm>> -> memref<10368xi32, #tpu.memory_space<hbm>>
        %dma_wait3A_50 = tpu.memref_slice %dma_wait3A_49[%mul3A_34] : memref<10368xi32, #tpu.memory_space<hbm>> -> memref<128xi32, #tpu.memory_space<hbm>>
        %dma_wait3A_51 = arith.constant 0 : i32
        %dma_wait3A_52 = tpu.memref_slice %arg3[%add3A, %dma_wait3A_51] : memref<32x10368xi32, #tpu.memory_space<hbm>> -> memref<1x10368xi32, #tpu.memory_space<hbm>>
        %dma_wait3A_53 = tpu.memref_squeeze %dma_wait3A_52 : memref<1x10368xi32, #tpu.memory_space<hbm>> -> memref<10368xi32, #tpu.memory_space<hbm>>
        %dma_wait3A_54 = tpu.memref_slice %dma_wait3A_53[%mul3A_34] : memref<10368xi32, #tpu.memory_space<hbm>> -> memref<128xi32, #tpu.memory_space<hbm>>
        tpu.wait_dma2 semaphore(%run_scoped3A : memref<!tpu.dma_semaphore, #tpu.memory_space<semaphore_mem>>) src(%dma_wait3A_54 : memref<128xi32, #tpu.memory_space<hbm>>) dst(%arg7 : memref<128xi32, #tpu.memory_space<vmem>>)
        tpu.yield
      }) : () -> ()
      "tpu.region"() ({
        %run_scoped3A = tpu.sem_alloc : memref<!tpu.dma_semaphore, #tpu.memory_space<semaphore_mem>>
        %dma_start3A_39 = arith.constant 0 : i32
        %dma_start3A_40 = tpu.memref_slice %arg4[%add3A, %dma_start3A_39] : memref<32x10368xi32, #tpu.memory_space<hbm>> -> memref<1x10368xi32, #tpu.memory_space<hbm>>
        %dma_start3A_41 = tpu.memref_squeeze %dma_start3A_40 : memref<1x10368xi32, #tpu.memory_space<hbm>> -> memref<10368xi32, #tpu.memory_space<hbm>>
        %dma_start3A_42 = tpu.memref_slice %dma_start3A_41[%mul3A_34] : memref<10368xi32, #tpu.memory_space<hbm>> -> memref<128xi32, #tpu.memory_space<hbm>>
        %dma_start3A_43 = arith.constant 0 : i32
        %dma_start3A_44 = tpu.memref_slice %arg4[%add3A, %dma_start3A_43] : memref<32x10368xi32, #tpu.memory_space<hbm>> -> memref<1x10368xi32, #tpu.memory_space<hbm>>
        %dma_start3A_45 = tpu.memref_squeeze %dma_start3A_44 : memref<1x10368xi32, #tpu.memory_space<hbm>> -> memref<10368xi32, #tpu.memory_space<hbm>>
        %dma_start3A_46 = tpu.memref_slice %dma_start3A_45[%mul3A_34] : memref<10368xi32, #tpu.memory_space<hbm>> -> memref<128xi32, #tpu.memory_space<hbm>>
        tpu.enqueue_dma source(%dma_start3A_46 : memref<128xi32, #tpu.memory_space<hbm>>) target(%arg8 : memref<128xi32, #tpu.memory_space<vmem>>) target_semaphore(%run_scoped3A : memref<!tpu.dma_semaphore, #tpu.memory_space<semaphore_mem>>)
        %dma_wait3A_47 = arith.constant 0 : i32
        %dma_wait3A_48 = tpu.memref_slice %arg4[%add3A, %dma_wait3A_47] : memref<32x10368xi32, #tpu.memory_space<hbm>> -> memref<1x10368xi32, #tpu.memory_space<hbm>>
        %dma_wait3A_49 = tpu.memref_squeeze %dma_wait3A_48 : memref<1x10368xi32, #tpu.memory_space<hbm>> -> memref<10368xi32, #tpu.memory_space<hbm>>
        %dma_wait3A_50 = tpu.memref_slice %dma_wait3A_49[%mul3A_34] : memref<10368xi32, #tpu.memory_space<hbm>> -> memref<128xi32, #tpu.memory_space<hbm>>
        %dma_wait3A_51 = arith.constant 0 : i32
        %dma_wait3A_52 = tpu.memref_slice %arg4[%add3A, %dma_wait3A_51] : memref<32x10368xi32, #tpu.memory_space<hbm>> -> memref<1x10368xi32, #tpu.memory_space<hbm>>
        %dma_wait3A_53 = tpu.memref_squeeze %dma_wait3A_52 : memref<1x10368xi32, #tpu.memory_space<hbm>> -> memref<10368xi32, #tpu.memory_space<hbm>>
        %dma_wait3A_54 = tpu.memref_slice %dma_wait3A_53[%mul3A_34] : memref<10368xi32, #tpu.memory_space<hbm>> -> memref<128xi32, #tpu.memory_space<hbm>>
        tpu.wait_dma2 semaphore(%run_scoped3A : memref<!tpu.dma_semaphore, #tpu.memory_space<semaphore_mem>>) src(%dma_wait3A_54 : memref<128xi32, #tpu.memory_space<hbm>>) dst(%arg8 : memref<128xi32, #tpu.memory_space<vmem>>)
        tpu.yield
      }) : () -> ()
      %dma_start3A = arith.constant 0 : i32
      %dma_start3A_35 = arith.constant 0 : i32
      %dma_start3A_36 = tpu.memref_slice %arg2[%dma_start3A, %dma_start3A_35] : memref<10000x128xf32, #tpu.memory_space<hbm>> -> memref<10000x128xf32, #tpu.memory_space<hbm>>
      tpu.enqueue_indirect_dma source(%dma_start3A_36 : memref<10000x128xf32, #tpu.memory_space<hbm>>) target(%arg10 : memref<128x128xf32, #tpu.memory_space<vmem>>) offsets(%arg7 : memref<128xi32, #tpu.memory_space<vmem>>) semaphore(%arg12 : memref<!tpu.dma_semaphore, #tpu.memory_space<semaphore_mem>>)
      %dma_wait3A = arith.constant 0 : i32
      %dma_wait3A_37 = arith.constant 0 : i32
      %dma_wait3A_38 = tpu.memref_slice %arg2[%dma_wait3A, %dma_wait3A_37] : memref<10000x128xf32, #tpu.memory_space<hbm>> -> memref<10000x128xf32, #tpu.memory_space<hbm>>
      tpu.wait_indirect_dma semaphore(%arg12 : memref<!tpu.dma_semaphore, #tpu.memory_space<semaphore_mem>>) src(%dma_wait3A_38 : memref<10000x128xf32, #tpu.memory_space<hbm>>) dst(%arg10 : memref<128x128xf32, #tpu.memory_space<vmem>>)
      "tpu.region"() ({
        %run_scoped3A = tpu.sem_alloc : memref<!tpu.dma_semaphore, #tpu.memory_space<semaphore_mem>>
        %dma_start3A_39 = arith.constant 0 : i32
        %dma_start3A_40 = arith.constant 0 : i32
        %dma_start3A_41 = tpu.memref_slice %arg11[%dma_start3A_39, %dma_start3A_40] : memref<3328x128xf32, #tpu.memory_space<vmem_shared>> -> memref<3328x128xf32, #tpu.memory_space<vmem_shared>>
        tpu.enqueue_indirect_dma source(%arg10 : memref<128x128xf32, #tpu.memory_space<vmem>>) target(%dma_start3A_41 : memref<3328x128xf32, #tpu.memory_space<vmem_shared>>) offsets(%arg8 : memref<128xi32, #tpu.memory_space<vmem>>) semaphore(%run_scoped3A : memref<!tpu.dma_semaphore, #tpu.memory_space<semaphore_mem>>) {add = true}
        %dma_wait3A_42 = arith.constant 0 : i32
        %dma_wait3A_43 = arith.constant 0 : i32
        %dma_wait3A_44 = tpu.memref_slice %arg11[%dma_wait3A_42, %dma_wait3A_43] : memref<3328x128xf32, #tpu.memory_space<vmem_shared>> -> memref<3328x128xf32, #tpu.memory_space<vmem_shared>>
        tpu.wait_indirect_dma semaphore(%run_scoped3A : memref<!tpu.dma_semaphore, #tpu.memory_space<semaphore_mem>>) src(%arg10 : memref<128x128xf32, #tpu.memory_space<vmem>>) dst(%dma_wait3A_44 : memref<3328x128xf32, #tpu.memory_space<vmem_shared>>)
        tpu.yield
      }) : () -> ()
    }
    %barrier3A_27 = arith.constant 0 : index
    tpu.barrier barrier_id(%barrier3A_27)
    %mul3A_28 = arith.constant 208 : i32
    %mul3A_29 = arith.muli %arg1, %mul3A_28 : i32
    %mul3A_30 = arith.constant 208 : i32
    %mul3A_31 = arith.muli %arg1, %mul3A_30 : i32
    "tpu.region"() ({
      %run_scoped3A = tpu.sem_alloc : memref<!tpu.dma_semaphore, #tpu.memory_space<semaphore_mem>>
      %dma_start3A = arith.constant 0 : i32
      %dma_start3A_32 = arith.constant 0 : i32
      %dma_start3A_33 = tpu.memref_slice %arg6[%arg0, %dma_start3A, %dma_start3A_32] : memref<2x3328x128xf32, #tpu.memory_space<hbm>> -> memref<1x3328x128xf32, #tpu.memory_space<hbm>>
      %dma_start3A_34 = tpu.memref_squeeze %dma_start3A_33 : memref<1x3328x128xf32, #tpu.memory_space<hbm>> -> memref<3328x128xf32, #tpu.memory_space<hbm>>
      %dma_start3A_35 = arith.constant 0 : i32
      %dma_start3A_36 = tpu.memref_slice %dma_start3A_34[%mul3A_31, %dma_start3A_35] : memref<3328x128xf32, #tpu.memory_space<hbm>> -> memref<208x128xf32, #tpu.memory_space<hbm>>
      %dma_start3A_37 = arith.constant 0 : i32
      %dma_start3A_38 = tpu.memref_slice %arg11[%mul3A_29, %dma_start3A_37] : memref<3328x128xf32, #tpu.memory_space<vmem_shared>> -> memref<208x128xf32, #tpu.memory_space<vmem_shared>>
      tpu.enqueue_dma source(%dma_start3A_38 : memref<208x128xf32, #tpu.memory_space<vmem_shared>>) target(%dma_start3A_36 : memref<208x128xf32, #tpu.memory_space<hbm>>) target_semaphore(%run_scoped3A : memref<!tpu.dma_semaphore, #tpu.memory_space<semaphore_mem>>)
      %dma_wait3A = arith.constant 0 : i32
      %dma_wait3A_39 = arith.constant 0 : i32
      %dma_wait3A_40 = tpu.memref_slice %arg6[%arg0, %dma_wait3A, %dma_wait3A_39] : memref<2x3328x128xf32, #tpu.memory_space<hbm>> -> memref<1x3328x128xf32, #tpu.memory_space<hbm>>
      %dma_wait3A_41 = tpu.memref_squeeze %dma_wait3A_40 : memref<1x3328x128xf32, #tpu.memory_space<hbm>> -> memref<3328x128xf32, #tpu.memory_space<hbm>>
      %dma_wait3A_42 = arith.constant 0 : i32
      %dma_wait3A_43 = tpu.memref_slice %dma_wait3A_41[%mul3A_31, %dma_wait3A_42] : memref<3328x128xf32, #tpu.memory_space<hbm>> -> memref<208x128xf32, #tpu.memory_space<hbm>>
      %dma_wait3A_44 = arith.constant 0 : i32
      %dma_wait3A_45 = tpu.memref_slice %arg11[%mul3A_29, %dma_wait3A_44] : memref<3328x128xf32, #tpu.memory_space<vmem_shared>> -> memref<208x128xf32, #tpu.memory_space<vmem_shared>>
      tpu.wait_dma2 semaphore(%run_scoped3A : memref<!tpu.dma_semaphore, #tpu.memory_space<semaphore_mem>>) src(%dma_wait3A_45 : memref<208x128xf32, #tpu.memory_space<vmem_shared>>) dst(%dma_wait3A_43 : memref<208x128xf32, #tpu.memory_space<hbm>>)
      tpu.yield
    }) : () -> ()
    return
  }
}

module attributes {stable_mosaic.version = 14 : i64} {
  func.func @_a_body(%arg0: i32, %arg1: memref<1000x128xf32, #tpu.memory_space<vmem>>, %arg2: memref<1000x32xf32, #tpu.memory_space<vmem>>, %arg3: memref<32x32xf32, #tpu.memory_space<vmem>>, %arg4: memref<17x160x128xf32, #tpu.memory_space<vmem>>, %arg5: memref<1000x2176xf32, #tpu.memory_space<vmem>>) attributes {dimension_semantics = [#tpu.dimension_semantics<arbitrary>], iteration_bounds = array<i64: 10>, scalar_prefetch = 0 : i64, scratch_operands = 0 : i64, tpu.core_type = #tpu.core_type<tc>, window_params = [{transform_indices = @transform_0, window_bounds = array<i64: 1000, 128>}, {transform_indices = @transform_1, window_bounds = array<i64: 1000, 32>}, {pipeline_mode = #tpu.pipeline_mode<synchronous>, transform_indices = @transform_2, window_bounds = array<i64: 32, 32>}, {pipeline_mode = #tpu.pipeline_mode<synchronous>, transform_indices = @transform_3, window_bounds = array<i64: 17, 160, 128>}, {transform_indices = @transform_4, window_bounds = array<i64: 1000, 2176>}]} {
    %get3A = arith.constant 0 : index
    %get3A_0 = arith.constant 0 : index
    %get3A_1 = vector.load %arg1[%get3A, %get3A_0] : memref<1000x128xf32, #tpu.memory_space<vmem>>, vector<1000x128xf32>
    %get3A_2 = arith.constant 0 : index
    %get3A_3 = arith.constant 0 : index
    %get3A_4 = vector.load %arg2[%get3A_2, %get3A_3] : memref<1000x32xf32, #tpu.memory_space<vmem>>, vector<1000x32xf32>
    %get3A_5 = arith.constant 0 : index
    %get3A_6 = arith.constant 0 : index
    %get3A_7 = vector.load %arg3[%get3A_5, %get3A_6] : memref<32x32xf32, #tpu.memory_space<vmem>>, vector<32x32xf32>
    %dot_general3A = arith.constant dense<0.000000e+00> : vector<1000x32xf32>
    %dot_general3A_8 = tpu.matmul %get3A_4, %get3A_7, %dot_general3A {dimension_numbers = #tpu.dot_dimension_numbers<[1], [0], [0], [1], [0, 0, 1, 1], [], []>, transpose_lhs_hint = false} : vector<1000x32xf32>, vector<32x32xf32>, vector<1000x32xf32> -> vector<1000x32xf32>
    %concatenate3A = tpu.concatenate %get3A_1, %dot_general3A_8 in 1 : vector<1000x128xf32>, vector<1000x32xf32> -> vector<1000x160xf32>
    %get3A_9 = arith.constant 0 : index
    %get3A_10 = arith.constant 0 : index
    %get3A_11 = arith.constant 0 : index
    %get3A_12 = vector.load %arg4[%get3A_9, %get3A_10, %get3A_11] : memref<17x160x128xf32, #tpu.memory_space<vmem>>, vector<1x160x128xf32>
    %get3A_13 = vector.shape_cast %get3A_12 : vector<1x160x128xf32> to vector<160x128xf32>
    %dot_general3A_14 = arith.constant dense<0.000000e+00> : vector<1000x128xf32>
    %dot_general3A_15 = tpu.matmul %concatenate3A, %get3A_13, %dot_general3A_14 {dimension_numbers = #tpu.dot_dimension_numbers<[1], [0], [0], [1], [0, 0, 1, 1], [], []>, transpose_lhs_hint = false} : vector<1000x160xf32>, vector<160x128xf32>, vector<1000x128xf32> -> vector<1000x128xf32>
    %swap3A = arith.constant 0 : index
    %swap3A_16 = arith.constant 0 : index
    %swap3A_17 = vector.load %arg5[%swap3A, %swap3A_16] : memref<1000x2176xf32, #tpu.memory_space<vmem>>, vector<1000x128xf32>
    tpu.vector_store %arg5[%swap3A, %swap3A_16], %dot_general3A_15 {strides = array<i32>} : memref<1000x2176xf32, #tpu.memory_space<vmem>>, vector<1000x128xf32>,
    %get3A_18 = arith.constant 1 : index
    %get3A_19 = arith.constant 0 : index
    %get3A_20 = arith.constant 0 : index
    %get3A_21 = vector.load %arg4[%get3A_18, %get3A_19, %get3A_20] : memref<17x160x128xf32, #tpu.memory_space<vmem>>, vector<1x160x128xf32>
    %get3A_22 = vector.shape_cast %get3A_21 : vector<1x160x128xf32> to vector<160x128xf32>
    %dot_general3A_23 = arith.constant dense<0.000000e+00> : vector<1000x128xf32>
    %dot_general3A_24 = tpu.matmul %concatenate3A, %get3A_22, %dot_general3A_23 {dimension_numbers = #tpu.dot_dimension_numbers<[1], [0], [0], [1], [0, 0, 1, 1], [], []>, transpose_lhs_hint = false} : vector<1000x160xf32>, vector<160x128xf32>, vector<1000x128xf32> -> vector<1000x128xf32>
    %swap3A_25 = arith.constant 0 : index
    %swap3A_26 = arith.constant 128 : index
    %swap3A_27 = vector.load %arg5[%swap3A_25, %swap3A_26] : memref<1000x2176xf32, #tpu.memory_space<vmem>>, vector<1000x128xf32>
    tpu.vector_store %arg5[%swap3A_25, %swap3A_26], %dot_general3A_24 {strides = array<i32>} : memref<1000x2176xf32, #tpu.memory_space<vmem>>, vector<1000x128xf32>,
    %get3A_28 = arith.constant 2 : index
    %get3A_29 = arith.constant 0 : index
    %get3A_30 = arith.constant 0 : index
    %get3A_31 = vector.load %arg4[%get3A_28, %get3A_29, %get3A_30] : memref<17x160x128xf32, #tpu.memory_space<vmem>>, vector<1x160x128xf32>
    %get3A_32 = vector.shape_cast %get3A_31 : vector<1x160x128xf32> to vector<160x128xf32>
    %dot_general3A_33 = arith.constant dense<0.000000e+00> : vector<1000x128xf32>
    %dot_general3A_34 = tpu.matmul %concatenate3A, %get3A_32, %dot_general3A_33 {dimension_numbers = #tpu.dot_dimension_numbers<[1], [0], [0], [1], [0, 0, 1, 1], [], []>, transpose_lhs_hint = false} : vector<1000x160xf32>, vector<160x128xf32>, vector<1000x128xf32> -> vector<1000x128xf32>
    %swap3A_35 = arith.constant 0 : index
    %swap3A_36 = arith.constant 256 : index
    %swap3A_37 = vector.load %arg5[%swap3A_35, %swap3A_36] : memref<1000x2176xf32, #tpu.memory_space<vmem>>, vector<1000x128xf32>
    tpu.vector_store %arg5[%swap3A_35, %swap3A_36], %dot_general3A_34 {strides = array<i32>} : memref<1000x2176xf32, #tpu.memory_space<vmem>>, vector<1000x128xf32>,
    %get3A_38 = arith.constant 3 : index
    %get3A_39 = arith.constant 0 : index
    %get3A_40 = arith.constant 0 : index
    %get3A_41 = vector.load %arg4[%get3A_38, %get3A_39, %get3A_40] : memref<17x160x128xf32, #tpu.memory_space<vmem>>, vector<1x160x128xf32>
    %get3A_42 = vector.shape_cast %get3A_41 : vector<1x160x128xf32> to vector<160x128xf32>
    %dot_general3A_43 = arith.constant dense<0.000000e+00> : vector<1000x128xf32>
    %dot_general3A_44 = tpu.matmul %concatenate3A, %get3A_42, %dot_general3A_43 {dimension_numbers = #tpu.dot_dimension_numbers<[1], [0], [0], [1], [0, 0, 1, 1], [], []>, transpose_lhs_hint = false} : vector<1000x160xf32>, vector<160x128xf32>, vector<1000x128xf32> -> vector<1000x128xf32>
    %swap3A_45 = arith.constant 0 : index
    %swap3A_46 = arith.constant 384 : index
    %swap3A_47 = vector.load %arg5[%swap3A_45, %swap3A_46] : memref<1000x2176xf32, #tpu.memory_space<vmem>>, vector<1000x128xf32>
    tpu.vector_store %arg5[%swap3A_45, %swap3A_46], %dot_general3A_44 {strides = array<i32>} : memref<1000x2176xf32, #tpu.memory_space<vmem>>, vector<1000x128xf32>,
    %get3A_48 = arith.constant 4 : index
    %get3A_49 = arith.constant 0 : index
    %get3A_50 = arith.constant 0 : index
    %get3A_51 = vector.load %arg4[%get3A_48, %get3A_49, %get3A_50] : memref<17x160x128xf32, #tpu.memory_space<vmem>>, vector<1x160x128xf32>
    %get3A_52 = vector.shape_cast %get3A_51 : vector<1x160x128xf32> to vector<160x128xf32>
    %dot_general3A_53 = arith.constant dense<0.000000e+00> : vector<1000x128xf32>
    %dot_general3A_54 = tpu.matmul %concatenate3A, %get3A_52, %dot_general3A_53 {dimension_numbers = #tpu.dot_dimension_numbers<[1], [0], [0], [1], [0, 0, 1, 1], [], []>, transpose_lhs_hint = false} : vector<1000x160xf32>, vector<160x128xf32>, vector<1000x128xf32> -> vector<1000x128xf32>
    %swap3A_55 = arith.constant 0 : index
    %swap3A_56 = arith.constant 512 : index
    %swap3A_57 = vector.load %arg5[%swap3A_55, %swap3A_56] : memref<1000x2176xf32, #tpu.memory_space<vmem>>, vector<1000x128xf32>
    tpu.vector_store %arg5[%swap3A_55, %swap3A_56], %dot_general3A_54 {strides = array<i32>} : memref<1000x2176xf32, #tpu.memory_space<vmem>>, vector<1000x128xf32>,
    %get3A_58 = arith.constant 5 : index
    %get3A_59 = arith.constant 0 : index
    %get3A_60 = arith.constant 0 : index
    %get3A_61 = vector.load %arg4[%get3A_58, %get3A_59, %get3A_60] : memref<17x160x128xf32, #tpu.memory_space<vmem>>, vector<1x160x128xf32>
    %get3A_62 = vector.shape_cast %get3A_61 : vector<1x160x128xf32> to vector<160x128xf32>
    %dot_general3A_63 = arith.constant dense<0.000000e+00> : vector<1000x128xf32>
    %dot_general3A_64 = tpu.matmul %concatenate3A, %get3A_62, %dot_general3A_63 {dimension_numbers = #tpu.dot_dimension_numbers<[1], [0], [0], [1], [0, 0, 1, 1], [], []>, transpose_lhs_hint = false} : vector<1000x160xf32>, vector<160x128xf32>, vector<1000x128xf32> -> vector<1000x128xf32>
    %swap3A_65 = arith.constant 0 : index
    %swap3A_66 = arith.constant 640 : index
    %swap3A_67 = vector.load %arg5[%swap3A_65, %swap3A_66] : memref<1000x2176xf32, #tpu.memory_space<vmem>>, vector<1000x128xf32>
    tpu.vector_store %arg5[%swap3A_65, %swap3A_66], %dot_general3A_64 {strides = array<i32>} : memref<1000x2176xf32, #tpu.memory_space<vmem>>, vector<1000x128xf32>,
    %get3A_68 = arith.constant 6 : index
    %get3A_69 = arith.constant 0 : index
    %get3A_70 = arith.constant 0 : index
    %get3A_71 = vector.load %arg4[%get3A_68, %get3A_69, %get3A_70] : memref<17x160x128xf32, #tpu.memory_space<vmem>>, vector<1x160x128xf32>
    %get3A_72 = vector.shape_cast %get3A_71 : vector<1x160x128xf32> to vector<160x128xf32>
    %dot_general3A_73 = arith.constant dense<0.000000e+00> : vector<1000x128xf32>
    %dot_general3A_74 = tpu.matmul %concatenate3A, %get3A_72, %dot_general3A_73 {dimension_numbers = #tpu.dot_dimension_numbers<[1], [0], [0], [1], [0, 0, 1, 1], [], []>, transpose_lhs_hint = false} : vector<1000x160xf32>, vector<160x128xf32>, vector<1000x128xf32> -> vector<1000x128xf32>
    %swap3A_75 = arith.constant 0 : index
    %swap3A_76 = arith.constant 768 : index
    %swap3A_77 = vector.load %arg5[%swap3A_75, %swap3A_76] : memref<1000x2176xf32, #tpu.memory_space<vmem>>, vector<1000x128xf32>
    tpu.vector_store %arg5[%swap3A_75, %swap3A_76], %dot_general3A_74 {strides = array<i32>} : memref<1000x2176xf32, #tpu.memory_space<vmem>>, vector<1000x128xf32>,
    %get3A_78 = arith.constant 7 : index
    %get3A_79 = arith.constant 0 : index
    %get3A_80 = arith.constant 0 : index
    %get3A_81 = vector.load %arg4[%get3A_78, %get3A_79, %get3A_80] : memref<17x160x128xf32, #tpu.memory_space<vmem>>, vector<1x160x128xf32>
    %get3A_82 = vector.shape_cast %get3A_81 : vector<1x160x128xf32> to vector<160x128xf32>
    %dot_general3A_83 = arith.constant dense<0.000000e+00> : vector<1000x128xf32>
    %dot_general3A_84 = tpu.matmul %concatenate3A, %get3A_82, %dot_general3A_83 {dimension_numbers = #tpu.dot_dimension_numbers<[1], [0], [0], [1], [0, 0, 1, 1], [], []>, transpose_lhs_hint = false} : vector<1000x160xf32>, vector<160x128xf32>, vector<1000x128xf32> -> vector<1000x128xf32>
    %swap3A_85 = arith.constant 0 : index
    %swap3A_86 = arith.constant 896 : index
    %swap3A_87 = vector.load %arg5[%swap3A_85, %swap3A_86] : memref<1000x2176xf32, #tpu.memory_space<vmem>>, vector<1000x128xf32>
    tpu.vector_store %arg5[%swap3A_85, %swap3A_86], %dot_general3A_84 {strides = array<i32>} : memref<1000x2176xf32, #tpu.memory_space<vmem>>, vector<1000x128xf32>,
    %get3A_88 = arith.constant 8 : index
    %get3A_89 = arith.constant 0 : index
    %get3A_90 = arith.constant 0 : index
    %get3A_91 = vector.load %arg4[%get3A_88, %get3A_89, %get3A_90] : memref<17x160x128xf32, #tpu.memory_space<vmem>>, vector<1x160x128xf32>
    %get3A_92 = vector.shape_cast %get3A_91 : vector<1x160x128xf32> to vector<160x128xf32>
    %dot_general3A_93 = arith.constant dense<0.000000e+00> : vector<1000x128xf32>
    %dot_general3A_94 = tpu.matmul %concatenate3A, %get3A_92, %dot_general3A_93 {dimension_numbers = #tpu.dot_dimension_numbers<[1], [0], [0], [1], [0, 0, 1, 1], [], []>, transpose_lhs_hint = false} : vector<1000x160xf32>, vector<160x128xf32>, vector<1000x128xf32> -> vector<1000x128xf32>
    %swap3A_95 = arith.constant 0 : index
    %swap3A_96 = arith.constant 1024 : index
    %swap3A_97 = vector.load %arg5[%swap3A_95, %swap3A_96] : memref<1000x2176xf32, #tpu.memory_space<vmem>>, vector<1000x128xf32>
    tpu.vector_store %arg5[%swap3A_95, %swap3A_96], %dot_general3A_94 {strides = array<i32>} : memref<1000x2176xf32, #tpu.memory_space<vmem>>, vector<1000x128xf32>,
    %get3A_98 = arith.constant 9 : index
    %get3A_99 = arith.constant 0 : index
    %get3A_100 = arith.constant 0 : index
    %get3A_101 = vector.load %arg4[%get3A_98, %get3A_99, %get3A_100] : memref<17x160x128xf32, #tpu.memory_space<vmem>>, vector<1x160x128xf32>
    %get3A_102 = vector.shape_cast %get3A_101 : vector<1x160x128xf32> to vector<160x128xf32>
    %dot_general3A_103 = arith.constant dense<0.000000e+00> : vector<1000x128xf32>
    %dot_general3A_104 = tpu.matmul %concatenate3A, %get3A_102, %dot_general3A_103 {dimension_numbers = #tpu.dot_dimension_numbers<[1], [0], [0], [1], [0, 0, 1, 1], [], []>, transpose_lhs_hint = false} : vector<1000x160xf32>, vector<160x128xf32>, vector<1000x128xf32> -> vector<1000x128xf32>
    %swap3A_105 = arith.constant 0 : index
    %swap3A_106 = arith.constant 1152 : index
    %swap3A_107 = vector.load %arg5[%swap3A_105, %swap3A_106] : memref<1000x2176xf32, #tpu.memory_space<vmem>>, vector<1000x128xf32>
    tpu.vector_store %arg5[%swap3A_105, %swap3A_106], %dot_general3A_104 {strides = array<i32>} : memref<1000x2176xf32, #tpu.memory_space<vmem>>, vector<1000x128xf32>,
    %get3A_108 = arith.constant 10 : index
    %get3A_109 = arith.constant 0 : index
    %get3A_110 = arith.constant 0 : index
    %get3A_111 = vector.load %arg4[%get3A_108, %get3A_109, %get3A_110] : memref<17x160x128xf32, #tpu.memory_space<vmem>>, vector<1x160x128xf32>
    %get3A_112 = vector.shape_cast %get3A_111 : vector<1x160x128xf32> to vector<160x128xf32>
    %dot_general3A_113 = arith.constant dense<0.000000e+00> : vector<1000x128xf32>
    %dot_general3A_114 = tpu.matmul %concatenate3A, %get3A_112, %dot_general3A_113 {dimension_numbers = #tpu.dot_dimension_numbers<[1], [0], [0], [1], [0, 0, 1, 1], [], []>, transpose_lhs_hint = false} : vector<1000x160xf32>, vector<160x128xf32>, vector<1000x128xf32> -> vector<1000x128xf32>
    %swap3A_115 = arith.constant 0 : index
    %swap3A_116 = arith.constant 1280 : index
    %swap3A_117 = vector.load %arg5[%swap3A_115, %swap3A_116] : memref<1000x2176xf32, #tpu.memory_space<vmem>>, vector<1000x128xf32>
    tpu.vector_store %arg5[%swap3A_115, %swap3A_116], %dot_general3A_114 {strides = array<i32>} : memref<1000x2176xf32, #tpu.memory_space<vmem>>, vector<1000x128xf32>,
    %get3A_118 = arith.constant 11 : index
    %get3A_119 = arith.constant 0 : index
    %get3A_120 = arith.constant 0 : index
    %get3A_121 = vector.load %arg4[%get3A_118, %get3A_119, %get3A_120] : memref<17x160x128xf32, #tpu.memory_space<vmem>>, vector<1x160x128xf32>
    %get3A_122 = vector.shape_cast %get3A_121 : vector<1x160x128xf32> to vector<160x128xf32>
    %dot_general3A_123 = arith.constant dense<0.000000e+00> : vector<1000x128xf32>
    %dot_general3A_124 = tpu.matmul %concatenate3A, %get3A_122, %dot_general3A_123 {dimension_numbers = #tpu.dot_dimension_numbers<[1], [0], [0], [1], [0, 0, 1, 1], [], []>, transpose_lhs_hint = false} : vector<1000x160xf32>, vector<160x128xf32>, vector<1000x128xf32> -> vector<1000x128xf32>
    %swap3A_125 = arith.constant 0 : index
    %swap3A_126 = arith.constant 1408 : index
    %swap3A_127 = vector.load %arg5[%swap3A_125, %swap3A_126] : memref<1000x2176xf32, #tpu.memory_space<vmem>>, vector<1000x128xf32>
    tpu.vector_store %arg5[%swap3A_125, %swap3A_126], %dot_general3A_124 {strides = array<i32>} : memref<1000x2176xf32, #tpu.memory_space<vmem>>, vector<1000x128xf32>,
    %get3A_128 = arith.constant 12 : index
    %get3A_129 = arith.constant 0 : index
    %get3A_130 = arith.constant 0 : index
    %get3A_131 = vector.load %arg4[%get3A_128, %get3A_129, %get3A_130] : memref<17x160x128xf32, #tpu.memory_space<vmem>>, vector<1x160x128xf32>
    %get3A_132 = vector.shape_cast %get3A_131 : vector<1x160x128xf32> to vector<160x128xf32>
    %dot_general3A_133 = arith.constant dense<0.000000e+00> : vector<1000x128xf32>
    %dot_general3A_134 = tpu.matmul %concatenate3A, %get3A_132, %dot_general3A_133 {dimension_numbers = #tpu.dot_dimension_numbers<[1], [0], [0], [1], [0, 0, 1, 1], [], []>, transpose_lhs_hint = false} : vector<1000x160xf32>, vector<160x128xf32>, vector<1000x128xf32> -> vector<1000x128xf32>
    %swap3A_135 = arith.constant 0 : index
    %swap3A_136 = arith.constant 1536 : index
    %swap3A_137 = vector.load %arg5[%swap3A_135, %swap3A_136] : memref<1000x2176xf32, #tpu.memory_space<vmem>>, vector<1000x128xf32>
    tpu.vector_store %arg5[%swap3A_135, %swap3A_136], %dot_general3A_134 {strides = array<i32>} : memref<1000x2176xf32, #tpu.memory_space<vmem>>, vector<1000x128xf32>,
    %get3A_138 = arith.constant 13 : index
    %get3A_139 = arith.constant 0 : index
    %get3A_140 = arith.constant 0 : index
    %get3A_141 = vector.load %arg4[%get3A_138, %get3A_139, %get3A_140] : memref<17x160x128xf32, #tpu.memory_space<vmem>>, vector<1x160x128xf32>
    %get3A_142 = vector.shape_cast %get3A_141 : vector<1x160x128xf32> to vector<160x128xf32>
    %dot_general3A_143 = arith.constant dense<0.000000e+00> : vector<1000x128xf32>
    %dot_general3A_144 = tpu.matmul %concatenate3A, %get3A_142, %dot_general3A_143 {dimension_numbers = #tpu.dot_dimension_numbers<[1], [0], [0], [1], [0, 0, 1, 1], [], []>, transpose_lhs_hint = false} : vector<1000x160xf32>, vector<160x128xf32>, vector<1000x128xf32> -> vector<1000x128xf32>
    %swap3A_145 = arith.constant 0 : index
    %swap3A_146 = arith.constant 1664 : index
    %swap3A_147 = vector.load %arg5[%swap3A_145, %swap3A_146] : memref<1000x2176xf32, #tpu.memory_space<vmem>>, vector<1000x128xf32>
    tpu.vector_store %arg5[%swap3A_145, %swap3A_146], %dot_general3A_144 {strides = array<i32>} : memref<1000x2176xf32, #tpu.memory_space<vmem>>, vector<1000x128xf32>,
    %get3A_148 = arith.constant 14 : index
    %get3A_149 = arith.constant 0 : index
    %get3A_150 = arith.constant 0 : index
    %get3A_151 = vector.load %arg4[%get3A_148, %get3A_149, %get3A_150] : memref<17x160x128xf32, #tpu.memory_space<vmem>>, vector<1x160x128xf32>
    %get3A_152 = vector.shape_cast %get3A_151 : vector<1x160x128xf32> to vector<160x128xf32>
    %dot_general3A_153 = arith.constant dense<0.000000e+00> : vector<1000x128xf32>
    %dot_general3A_154 = tpu.matmul %concatenate3A, %get3A_152, %dot_general3A_153 {dimension_numbers = #tpu.dot_dimension_numbers<[1], [0], [0], [1], [0, 0, 1, 1], [], []>, transpose_lhs_hint = false} : vector<1000x160xf32>, vector<160x128xf32>, vector<1000x128xf32> -> vector<1000x128xf32>
    %swap3A_155 = arith.constant 0 : index
    %swap3A_156 = arith.constant 1792 : index
    %swap3A_157 = vector.load %arg5[%swap3A_155, %swap3A_156] : memref<1000x2176xf32, #tpu.memory_space<vmem>>, vector<1000x128xf32>
    tpu.vector_store %arg5[%swap3A_155, %swap3A_156], %dot_general3A_154 {strides = array<i32>} : memref<1000x2176xf32, #tpu.memory_space<vmem>>, vector<1000x128xf32>,
    %get3A_158 = arith.constant 15 : index
    %get3A_159 = arith.constant 0 : index
    %get3A_160 = arith.constant 0 : index
    %get3A_161 = vector.load %arg4[%get3A_158, %get3A_159, %get3A_160] : memref<17x160x128xf32, #tpu.memory_space<vmem>>, vector<1x160x128xf32>
    %get3A_162 = vector.shape_cast %get3A_161 : vector<1x160x128xf32> to vector<160x128xf32>
    %dot_general3A_163 = arith.constant dense<0.000000e+00> : vector<1000x128xf32>
    %dot_general3A_164 = tpu.matmul %concatenate3A, %get3A_162, %dot_general3A_163 {dimension_numbers = #tpu.dot_dimension_numbers<[1], [0], [0], [1], [0, 0, 1, 1], [], []>, transpose_lhs_hint = false} : vector<1000x160xf32>, vector<160x128xf32>, vector<1000x128xf32> -> vector<1000x128xf32>
    %swap3A_165 = arith.constant 0 : index
    %swap3A_166 = arith.constant 1920 : index
    %swap3A_167 = vector.load %arg5[%swap3A_165, %swap3A_166] : memref<1000x2176xf32, #tpu.memory_space<vmem>>, vector<1000x128xf32>
    tpu.vector_store %arg5[%swap3A_165, %swap3A_166], %dot_general3A_164 {strides = array<i32>} : memref<1000x2176xf32, #tpu.memory_space<vmem>>, vector<1000x128xf32>,
    %get3A_168 = arith.constant 16 : index
    %get3A_169 = arith.constant 0 : index
    %get3A_170 = arith.constant 0 : index
    %get3A_171 = vector.load %arg4[%get3A_168, %get3A_169, %get3A_170] : memref<17x160x128xf32, #tpu.memory_space<vmem>>, vector<1x160x128xf32>
    %get3A_172 = vector.shape_cast %get3A_171 : vector<1x160x128xf32> to vector<160x128xf32>
    %dot_general3A_173 = arith.constant dense<0.000000e+00> : vector<1000x128xf32>
    %dot_general3A_174 = tpu.matmul %concatenate3A, %get3A_172, %dot_general3A_173 {dimension_numbers = #tpu.dot_dimension_numbers<[1], [0], [0], [1], [0, 0, 1, 1], [], []>, transpose_lhs_hint = false} : vector<1000x160xf32>, vector<160x128xf32>, vector<1000x128xf32> -> vector<1000x128xf32>
    %swap3A_175 = arith.constant 0 : index
    %swap3A_176 = arith.constant 2048 : index
    %swap3A_177 = vector.load %arg5[%swap3A_175, %swap3A_176] : memref<1000x2176xf32, #tpu.memory_space<vmem>>, vector<1000x128xf32>
    tpu.vector_store %arg5[%swap3A_175, %swap3A_176], %dot_general3A_174 {strides = array<i32>} : memref<1000x2176xf32, #tpu.memory_space<vmem>>, vector<1000x128xf32>,
    return
  }
  func.func @transform_0(%arg0: i32) -> (i32, i32) {
    %c0_i32 = arith.constant 0 : i32
    %c0_i32_0 = arith.constant 0 : i32
    return %arg0, %c0_i32 : i32, i32
  }
  func.func @transform_1(%arg0: i32) -> (i32, i32) {
    %c0_i32 = arith.constant 0 : i32
    %c0_i32_0 = arith.constant 0 : i32
    return %arg0, %c0_i32 : i32, i32
  }
  func.func @transform_2(%arg0: i32) -> (i32, i32) {
    %c0_i32 = arith.constant 0 : i32
    %c0_i32_0 = arith.constant 0 : i32
    %c0_i32_1 = arith.constant 0 : i32
    return %c0_i32, %c0_i32_0 : i32, i32
  }
  func.func @transform_3(%arg0: i32) -> (i32, i32, i32) {
    %c0_i32 = arith.constant 0 : i32
    %c0_i32_0 = arith.constant 0 : i32
    %c0_i32_1 = arith.constant 0 : i32
    %c0_i32_2 = arith.constant 0 : i32
    return %c0_i32, %c0_i32_0, %c0_i32_1 : i32, i32, i32
  }
  func.func @transform_4(%arg0: i32) -> (i32, i32) {
    %c0_i32 = arith.constant 0 : i32
    %c0_i32_0 = arith.constant 0 : i32
    return %arg0, %c0_i32 : i32, i32
  }
}

module attributes {stable_mosaic.version = 14 : i64} {
  func.func @_d_body(%arg0: i32, %arg1: memref<2x400x128xf32, #tpu.memory_space<vmem>>, %arg2: memref<400x128xf32, #tpu.memory_space<vmem>>, %arg3: memref<1x128xf32, #tpu.memory_space<vmem>>, %arg4: memref<400x128xf32, #tpu.memory_space<vmem>>, %arg5: memref<8x128xf32, #tpu.memory_space<vmem>>) attributes {dimension_semantics = [#tpu.dimension_semantics<arbitrary>], iteration_bounds = array<i64: 25>, scalar_prefetch = 0 : i64, scratch_operands = 0 : i64, tpu.core_type = #tpu.core_type<tc>, window_params = [{transform_indices = @transform_0, window_bounds = array<i64: 2, 400, 128>}, {transform_indices = @transform_1, window_bounds = array<i64: 400, 128>}, {pipeline_mode = #tpu.pipeline_mode<synchronous>, transform_indices = @transform_2, window_bounds = array<i64: 1, 128>}, {transform_indices = @transform_3, window_bounds = array<i64: 400, 128>}, {transform_indices = @transform_4, window_bounds = array<i64: 8, 128>}]} {
    %get3A = arith.constant 0 : index
    %get3A_0 = arith.constant 0 : index
    %get3A_1 = arith.constant 0 : index
    %get3A_2 = vector.load %arg1[%get3A, %get3A_0, %get3A_1] : memref<2x400x128xf32, #tpu.memory_space<vmem>>, vector<1x400x128xf32>
    %get3A_3 = vector.shape_cast %get3A_2 : vector<1x400x128xf32> to vector<400x128xf32>
    %get3A_4 = arith.constant 1 : index
    %get3A_5 = arith.constant 0 : index
    %get3A_6 = arith.constant 0 : index
    %get3A_7 = vector.load %arg1[%get3A_4, %get3A_5, %get3A_6] : memref<2x400x128xf32, #tpu.memory_space<vmem>>, vector<1x400x128xf32>
    %get3A_8 = vector.shape_cast %get3A_7 : vector<1x400x128xf32> to vector<400x128xf32>
    %add3A = arith.addf %get3A_3, %get3A_8 : vector<400x128xf32>
    %get3A_9 = arith.constant 0 : index
    %get3A_10 = arith.constant 0 : index
    %get3A_11 = vector.load %arg2[%get3A_9, %get3A_10] : memref<400x128xf32, #tpu.memory_space<vmem>>, vector<400x128xf32>
    %add3A_12 = arith.addf %add3A, %get3A_11 : vector<400x128xf32>
    %get3A_13 = arith.constant 0 : index
    %get3A_14 = arith.constant 0 : index
    %get3A_15 = vector.load %arg3[%get3A_13, %get3A_14] : memref<1x128xf32, #tpu.memory_space<vmem>>, vector<1x128xf32>
    %add3A_16 = vector.broadcast %get3A_15 : vector<1x128xf32> to vector<400x128xf32>
    %add3A_17 = arith.addf %add3A_12, %add3A_16 : vector<400x128xf32>
    %max3A = arith.constant 0.000000e+00 : f32
    %max3A_18 = vector.broadcast %max3A : f32 to vector<400x128xf32>
    %max3A_19 = arith.maximumf %add3A_17, %max3A_18 : vector<400x128xf32>
    %swap3A = arith.constant 0 : index
    %swap3A_20 = arith.constant 0 : index
    %swap3A_21 = vector.load %arg4[%swap3A, %swap3A_20] : memref<400x128xf32, #tpu.memory_space<vmem>>, vector<400x128xf32>
    tpu.vector_store %arg4[%swap3A, %swap3A_20], %max3A_19 {strides = array<i32>} : memref<400x128xf32, #tpu.memory_space<vmem>>, vector<400x128xf32>,
    %slice3A = vector.extract_strided_slice %max3A_19 {offsets = [0, 0], sizes = [2, 128], strides = [1, 1]} : vector<400x128xf32> to vector<2x128xf32>
    %swap3A_22 = arith.constant 0 : index
    %swap3A_23 = arith.constant 0 : index
    %swap3A_24 = vector.load %arg5[%swap3A_22, %swap3A_23] : memref<8x128xf32, #tpu.memory_space<vmem>>, vector<2x128xf32>
    tpu.vector_store %arg5[%swap3A_22, %swap3A_23], %slice3A {strides = array<i32>} : memref<8x128xf32, #tpu.memory_space<vmem>>, vector<2x128xf32>,
    %slice3A_25 = vector.extract_strided_slice %max3A_19 {offsets = [100, 0], sizes = [2, 128], strides = [1, 1]} : vector<400x128xf32> to vector<2x128xf32>
    %swap3A_26 = arith.constant 2 : index
    %swap3A_27 = arith.constant 0 : index
    %swap3A_28 = vector.load %arg5[%swap3A_26, %swap3A_27] : memref<8x128xf32, #tpu.memory_space<vmem>>, vector<2x128xf32>
    tpu.vector_store %arg5[%swap3A_26, %swap3A_27], %slice3A_25 {strides = array<i32>} : memref<8x128xf32, #tpu.memory_space<vmem>>, vector<2x128xf32>,
    %slice3A_29 = vector.extract_strided_slice %max3A_19 {offsets = [200, 0], sizes = [2, 128], strides = [1, 1]} : vector<400x128xf32> to vector<2x128xf32>
    %swap3A_30 = arith.constant 4 : index
    %swap3A_31 = arith.constant 0 : index
    %swap3A_32 = vector.load %arg5[%swap3A_30, %swap3A_31] : memref<8x128xf32, #tpu.memory_space<vmem>>, vector<2x128xf32>
    tpu.vector_store %arg5[%swap3A_30, %swap3A_31], %slice3A_29 {strides = array<i32>} : memref<8x128xf32, #tpu.memory_space<vmem>>, vector<2x128xf32>,
    %slice3A_33 = vector.extract_strided_slice %max3A_19 {offsets = [300, 0], sizes = [2, 128], strides = [1, 1]} : vector<400x128xf32> to vector<2x128xf32>
    %swap3A_34 = arith.constant 6 : index
    %swap3A_35 = arith.constant 0 : index
    %swap3A_36 = vector.load %arg5[%swap3A_34, %swap3A_35] : memref<8x128xf32, #tpu.memory_space<vmem>>, vector<2x128xf32>
    tpu.vector_store %arg5[%swap3A_34, %swap3A_35], %slice3A_33 {strides = array<i32>} : memref<8x128xf32, #tpu.memory_space<vmem>>, vector<2x128xf32>,
    return
  }
  func.func @transform_0(%arg0: i32) -> (i32, i32, i32) {
    %c0_i32 = arith.constant 0 : i32
    %c0_i32_0 = arith.constant 0 : i32
    %c0_i32_1 = arith.constant 0 : i32
    return %c0_i32, %arg0, %c0_i32_0 : i32, i32, i32
  }
  func.func @transform_1(%arg0: i32) -> (i32, i32) {
    %c16_i32 = arith.constant 16 : i32
    %c0_i32 = arith.constant 0 : i32
    return %arg0, %c16_i32 : i32, i32
  }
  func.func @transform_2(%arg0: i32) -> (i32, i32) {
    %c0_i32 = arith.constant 0 : i32
    %c0_i32_0 = arith.constant 0 : i32
    %c0_i32_1 = arith.constant 0 : i32
    return %c0_i32, %c0_i32_0 : i32, i32
  }
  func.func @transform_3(%arg0: i32) -> (i32, i32) {
    %c0_i32 = arith.constant 0 : i32
    %c0_i32_0 = arith.constant 0 : i32
    return %arg0, %c0_i32 : i32, i32
  }
  func.func @transform_4(%arg0: i32) -> (i32, i32) {
    %c0_i32 = arith.constant 0 : i32
    %c0_i32_0 = arith.constant 0 : i32
    return %arg0, %c0_i32 : i32, i32
  }
}

module attributes {stable_mosaic.version = 14 : i64} {
  func.func @_f_body(%arg0: memref<2x3328x128xf32, #tpu.memory_space<vmem>>, %arg1: memref<200x128xf32, #tpu.memory_space<vmem>>, %arg2: memref<16x128x128xf32, #tpu.memory_space<vmem>>, %arg3: memref<128x128xf32, #tpu.memory_space<vmem>>, %arg4: memref<1x128xf32, #tpu.memory_space<vmem>>, %arg5: memref<100x16xf32, #tpu.memory_space<vmem>>, %arg6: memref<16x32xf32, #tpu.memory_space<vmem>>, %arg7: memref<100x200xf32, #tpu.memory_space<vmem>>, %arg8: memref<100x200xf32, #tpu.memory_space<vmem>>, %arg9: memref<544x16xf32, #tpu.memory_space<vmem>>, %arg10: memref<1x16xf32, #tpu.memory_space<vmem>>, %arg11: memref<16x1xf32, #tpu.memory_space<vmem>>, %arg12: memref<1x1xf32, #tpu.memory_space<vmem>>, %arg13: memref<100x1xf32, #tpu.memory_space<vmem>>) attributes {dimension_semantics = [], scalar_prefetch = 0 : i64, scratch_operands = 0 : i64, tpu.core_type = #tpu.core_type<tc>} {
    %get3A = arith.constant 0 : index
    %get3A_0 = arith.constant 0 : index
    %get3A_1 = arith.constant 0 : index
    %get3A_2 = vector.load %arg0[%get3A, %get3A_0, %get3A_1] : memref<2x3328x128xf32, #tpu.memory_space<vmem>>, vector<1x3328x128xf32>
    %get3A_3 = vector.shape_cast %get3A_2 : vector<1x3328x128xf32> to vector<3328x128xf32>
    %get3A_4 = arith.constant 1 : index
    %get3A_5 = arith.constant 0 : index
    %get3A_6 = arith.constant 0 : index
    %get3A_7 = vector.load %arg0[%get3A_4, %get3A_5, %get3A_6] : memref<2x3328x128xf32, #tpu.memory_space<vmem>>, vector<1x3328x128xf32>
    %get3A_8 = vector.shape_cast %get3A_7 : vector<1x3328x128xf32> to vector<3328x128xf32>
    %add3A = arith.addf %get3A_3, %get3A_8 : vector<3328x128xf32>
    %broadcast_in_dim3A = arith.constant 0.000000e+00 : f32
    %broadcast_in_dim3A_9 = vector.broadcast %broadcast_in_dim3A : f32 to vector<200x128xf32>
    %slice3A = vector.extract_strided_slice %add3A {offsets = [0, 0], sizes = [200, 128], strides = [1, 1]} : vector<3328x128xf32> to vector<200x128xf32>
    %get3A_10 = arith.constant 0 : index
    %get3A_11 = arith.constant 0 : index
    %get3A_12 = arith.constant 0 : index
    %get3A_13 = vector.load %arg2[%get3A_10, %get3A_11, %get3A_12] : memref<16x128x128xf32, #tpu.memory_space<vmem>>, vector<1x128x128xf32>
    %get3A_14 = vector.shape_cast %get3A_13 : vector<1x128x128xf32> to vector<128x128xf32>
    %dot_general3A = arith.constant dense<0.000000e+00> : vector<200x128xf32>
    %dot_general3A_15 = tpu.matmul %slice3A, %get3A_14, %dot_general3A {dimension_numbers = #tpu.dot_dimension_numbers<[1], [0], [0], [1], [0, 0, 1, 1], [], []>, transpose_lhs_hint = false} : vector<200x128xf32>, vector<128x128xf32>, vector<200x128xf32> -> vector<200x128xf32>
    %add3A_16 = arith.addf %broadcast_in_dim3A_9, %dot_general3A_15 : vector<200x128xf32>
    %slice3A_17 = vector.extract_strided_slice %add3A {offsets = [200, 0], sizes = [200, 128], strides = [1, 1]} : vector<3328x128xf32> to vector<200x128xf32>
    %get3A_18 = arith.constant 1 : index
    %get3A_19 = arith.constant 0 : index
    %get3A_20 = arith.constant 0 : index
    %get3A_21 = vector.load %arg2[%get3A_18, %get3A_19, %get3A_20] : memref<16x128x128xf32, #tpu.memory_space<vmem>>, vector<1x128x128xf32>
    %get3A_22 = vector.shape_cast %get3A_21 : vector<1x128x128xf32> to vector<128x128xf32>
    %dot_general3A_23 = arith.constant dense<0.000000e+00> : vector<200x128xf32>
    %dot_general3A_24 = tpu.matmul %slice3A_17, %get3A_22, %dot_general3A_23 {dimension_numbers = #tpu.dot_dimension_numbers<[1], [0], [0], [1], [0, 0, 1, 1], [], []>, transpose_lhs_hint = false} : vector<200x128xf32>, vector<128x128xf32>, vector<200x128xf32> -> vector<200x128xf32>
    %add3A_25 = arith.addf %add3A_16, %dot_general3A_24 : vector<200x128xf32>
    %slice3A_26 = vector.extract_strided_slice %add3A {offsets = [400, 0], sizes = [200, 128], strides = [1, 1]} : vector<3328x128xf32> to vector<200x128xf32>
    %get3A_27 = arith.constant 2 : index
    %get3A_28 = arith.constant 0 : index
    %get3A_29 = arith.constant 0 : index
    %get3A_30 = vector.load %arg2[%get3A_27, %get3A_28, %get3A_29] : memref<16x128x128xf32, #tpu.memory_space<vmem>>, vector<1x128x128xf32>
    %get3A_31 = vector.shape_cast %get3A_30 : vector<1x128x128xf32> to vector<128x128xf32>
    %dot_general3A_32 = arith.constant dense<0.000000e+00> : vector<200x128xf32>
    %dot_general3A_33 = tpu.matmul %slice3A_26, %get3A_31, %dot_general3A_32 {dimension_numbers = #tpu.dot_dimension_numbers<[1], [0], [0], [1], [0, 0, 1, 1], [], []>, transpose_lhs_hint = false} : vector<200x128xf32>, vector<128x128xf32>, vector<200x128xf32> -> vector<200x128xf32>
    %add3A_34 = arith.addf %add3A_25, %dot_general3A_33 : vector<200x128xf32>
    %slice3A_35 = vector.extract_strided_slice %add3A {offsets = [600, 0], sizes = [200, 128], strides = [1, 1]} : vector<3328x128xf32> to vector<200x128xf32>
    %get3A_36 = arith.constant 3 : index
    %get3A_37 = arith.constant 0 : index
    %get3A_38 = arith.constant 0 : index
    %get3A_39 = vector.load %arg2[%get3A_36, %get3A_37, %get3A_38] : memref<16x128x128xf32, #tpu.memory_space<vmem>>, vector<1x128x128xf32>
    %get3A_40 = vector.shape_cast %get3A_39 : vector<1x128x128xf32> to vector<128x128xf32>
    %dot_general3A_41 = arith.constant dense<0.000000e+00> : vector<200x128xf32>
    %dot_general3A_42 = tpu.matmul %slice3A_35, %get3A_40, %dot_general3A_41 {dimension_numbers = #tpu.dot_dimension_numbers<[1], [0], [0], [1], [0, 0, 1, 1], [], []>, transpose_lhs_hint = false} : vector<200x128xf32>, vector<128x128xf32>, vector<200x128xf32> -> vector<200x128xf32>
    %add3A_43 = arith.addf %add3A_34, %dot_general3A_42 : vector<200x128xf32>
    %slice3A_44 = vector.extract_strided_slice %add3A {offsets = [800, 0], sizes = [200, 128], strides = [1, 1]} : vector<3328x128xf32> to vector<200x128xf32>
    %get3A_45 = arith.constant 4 : index
    %get3A_46 = arith.constant 0 : index
    %get3A_47 = arith.constant 0 : index
    %get3A_48 = vector.load %arg2[%get3A_45, %get3A_46, %get3A_47] : memref<16x128x128xf32, #tpu.memory_space<vmem>>, vector<1x128x128xf32>
    %get3A_49 = vector.shape_cast %get3A_48 : vector<1x128x128xf32> to vector<128x128xf32>
    %dot_general3A_50 = arith.constant dense<0.000000e+00> : vector<200x128xf32>
    %dot_general3A_51 = tpu.matmul %slice3A_44, %get3A_49, %dot_general3A_50 {dimension_numbers = #tpu.dot_dimension_numbers<[1], [0], [0], [1], [0, 0, 1, 1], [], []>, transpose_lhs_hint = false} : vector<200x128xf32>, vector<128x128xf32>, vector<200x128xf32> -> vector<200x128xf32>
    %add3A_52 = arith.addf %add3A_43, %dot_general3A_51 : vector<200x128xf32>
    %slice3A_53 = vector.extract_strided_slice %add3A {offsets = [1000, 0], sizes = [200, 128], strides = [1, 1]} : vector<3328x128xf32> to vector<200x128xf32>
    %get3A_54 = arith.constant 5 : index
    %get3A_55 = arith.constant 0 : index
    %get3A_56 = arith.constant 0 : index
    %get3A_57 = vector.load %arg2[%get3A_54, %get3A_55, %get3A_56] : memref<16x128x128xf32, #tpu.memory_space<vmem>>, vector<1x128x128xf32>
    %get3A_58 = vector.shape_cast %get3A_57 : vector<1x128x128xf32> to vector<128x128xf32>
    %dot_general3A_59 = arith.constant dense<0.000000e+00> : vector<200x128xf32>
    %dot_general3A_60 = tpu.matmul %slice3A_53, %get3A_58, %dot_general3A_59 {dimension_numbers = #tpu.dot_dimension_numbers<[1], [0], [0], [1], [0, 0, 1, 1], [], []>, transpose_lhs_hint = false} : vector<200x128xf32>, vector<128x128xf32>, vector<200x128xf32> -> vector<200x128xf32>
    %add3A_61 = arith.addf %add3A_52, %dot_general3A_60 : vector<200x128xf32>
    %slice3A_62 = vector.extract_strided_slice %add3A {offsets = [1200, 0], sizes = [200, 128], strides = [1, 1]} : vector<3328x128xf32> to vector<200x128xf32>
    %get3A_63 = arith.constant 6 : index
    %get3A_64 = arith.constant 0 : index
    %get3A_65 = arith.constant 0 : index
    %get3A_66 = vector.load %arg2[%get3A_63, %get3A_64, %get3A_65] : memref<16x128x128xf32, #tpu.memory_space<vmem>>, vector<1x128x128xf32>
    %get3A_67 = vector.shape_cast %get3A_66 : vector<1x128x128xf32> to vector<128x128xf32>
    %dot_general3A_68 = arith.constant dense<0.000000e+00> : vector<200x128xf32>
    %dot_general3A_69 = tpu.matmul %slice3A_62, %get3A_67, %dot_general3A_68 {dimension_numbers = #tpu.dot_dimension_numbers<[1], [0], [0], [1], [0, 0, 1, 1], [], []>, transpose_lhs_hint = false} : vector<200x128xf32>, vector<128x128xf32>, vector<200x128xf32> -> vector<200x128xf32>
    %add3A_70 = arith.addf %add3A_61, %dot_general3A_69 : vector<200x128xf32>
    %slice3A_71 = vector.extract_strided_slice %add3A {offsets = [1400, 0], sizes = [200, 128], strides = [1, 1]} : vector<3328x128xf32> to vector<200x128xf32>
    %get3A_72 = arith.constant 7 : index
    %get3A_73 = arith.constant 0 : index
    %get3A_74 = arith.constant 0 : index
    %get3A_75 = vector.load %arg2[%get3A_72, %get3A_73, %get3A_74] : memref<16x128x128xf32, #tpu.memory_space<vmem>>, vector<1x128x128xf32>
    %get3A_76 = vector.shape_cast %get3A_75 : vector<1x128x128xf32> to vector<128x128xf32>
    %dot_general3A_77 = arith.constant dense<0.000000e+00> : vector<200x128xf32>
    %dot_general3A_78 = tpu.matmul %slice3A_71, %get3A_76, %dot_general3A_77 {dimension_numbers = #tpu.dot_dimension_numbers<[1], [0], [0], [1], [0, 0, 1, 1], [], []>, transpose_lhs_hint = false} : vector<200x128xf32>, vector<128x128xf32>, vector<200x128xf32> -> vector<200x128xf32>
    %add3A_79 = arith.addf %add3A_70, %dot_general3A_78 : vector<200x128xf32>
    %slice3A_80 = vector.extract_strided_slice %add3A {offsets = [1600, 0], sizes = [200, 128], strides = [1, 1]} : vector<3328x128xf32> to vector<200x128xf32>
    %get3A_81 = arith.constant 8 : index
    %get3A_82 = arith.constant 0 : index
    %get3A_83 = arith.constant 0 : index
    %get3A_84 = vector.load %arg2[%get3A_81, %get3A_82, %get3A_83] : memref<16x128x128xf32, #tpu.memory_space<vmem>>, vector<1x128x128xf32>
    %get3A_85 = vector.shape_cast %get3A_84 : vector<1x128x128xf32> to vector<128x128xf32>
    %dot_general3A_86 = arith.constant dense<0.000000e+00> : vector<200x128xf32>
    %dot_general3A_87 = tpu.matmul %slice3A_80, %get3A_85, %dot_general3A_86 {dimension_numbers = #tpu.dot_dimension_numbers<[1], [0], [0], [1], [0, 0, 1, 1], [], []>, transpose_lhs_hint = false} : vector<200x128xf32>, vector<128x128xf32>, vector<200x128xf32> -> vector<200x128xf32>
    %add3A_88 = arith.addf %add3A_79, %dot_general3A_87 : vector<200x128xf32>
    %slice3A_89 = vector.extract_strided_slice %add3A {offsets = [1800, 0], sizes = [200, 128], strides = [1, 1]} : vector<3328x128xf32> to vector<200x128xf32>
    %get3A_90 = arith.constant 9 : index
    %get3A_91 = arith.constant 0 : index
    %get3A_92 = arith.constant 0 : index
    %get3A_93 = vector.load %arg2[%get3A_90, %get3A_91, %get3A_92] : memref<16x128x128xf32, #tpu.memory_space<vmem>>, vector<1x128x128xf32>
    %get3A_94 = vector.shape_cast %get3A_93 : vector<1x128x128xf32> to vector<128x128xf32>
    %dot_general3A_95 = arith.constant dense<0.000000e+00> : vector<200x128xf32>
    %dot_general3A_96 = tpu.matmul %slice3A_89, %get3A_94, %dot_general3A_95 {dimension_numbers = #tpu.dot_dimension_numbers<[1], [0], [0], [1], [0, 0, 1, 1], [], []>, transpose_lhs_hint = false} : vector<200x128xf32>, vector<128x128xf32>, vector<200x128xf32> -> vector<200x128xf32>
    %add3A_97 = arith.addf %add3A_88, %dot_general3A_96 : vector<200x128xf32>
    %slice3A_98 = vector.extract_strided_slice %add3A {offsets = [2000, 0], sizes = [200, 128], strides = [1, 1]} : vector<3328x128xf32> to vector<200x128xf32>
    %get3A_99 = arith.constant 10 : index
    %get3A_100 = arith.constant 0 : index
    %get3A_101 = arith.constant 0 : index
    %get3A_102 = vector.load %arg2[%get3A_99, %get3A_100, %get3A_101] : memref<16x128x128xf32, #tpu.memory_space<vmem>>, vector<1x128x128xf32>
    %get3A_103 = vector.shape_cast %get3A_102 : vector<1x128x128xf32> to vector<128x128xf32>
    %dot_general3A_104 = arith.constant dense<0.000000e+00> : vector<200x128xf32>
    %dot_general3A_105 = tpu.matmul %slice3A_98, %get3A_103, %dot_general3A_104 {dimension_numbers = #tpu.dot_dimension_numbers<[1], [0], [0], [1], [0, 0, 1, 1], [], []>, transpose_lhs_hint = false} : vector<200x128xf32>, vector<128x128xf32>, vector<200x128xf32> -> vector<200x128xf32>
    %add3A_106 = arith.addf %add3A_97, %dot_general3A_105 : vector<200x128xf32>
    %slice3A_107 = vector.extract_strided_slice %add3A {offsets = [2200, 0], sizes = [200, 128], strides = [1, 1]} : vector<3328x128xf32> to vector<200x128xf32>
    %get3A_108 = arith.constant 11 : index
    %get3A_109 = arith.constant 0 : index
    %get3A_110 = arith.constant 0 : index
    %get3A_111 = vector.load %arg2[%get3A_108, %get3A_109, %get3A_110] : memref<16x128x128xf32, #tpu.memory_space<vmem>>, vector<1x128x128xf32>
    %get3A_112 = vector.shape_cast %get3A_111 : vector<1x128x128xf32> to vector<128x128xf32>
    %dot_general3A_113 = arith.constant dense<0.000000e+00> : vector<200x128xf32>
    %dot_general3A_114 = tpu.matmul %slice3A_107, %get3A_112, %dot_general3A_113 {dimension_numbers = #tpu.dot_dimension_numbers<[1], [0], [0], [1], [0, 0, 1, 1], [], []>, transpose_lhs_hint = false} : vector<200x128xf32>, vector<128x128xf32>, vector<200x128xf32> -> vector<200x128xf32>
    %add3A_115 = arith.addf %add3A_106, %dot_general3A_114 : vector<200x128xf32>
    %slice3A_116 = vector.extract_strided_slice %add3A {offsets = [2400, 0], sizes = [200, 128], strides = [1, 1]} : vector<3328x128xf32> to vector<200x128xf32>
    %get3A_117 = arith.constant 12 : index
    %get3A_118 = arith.constant 0 : index
    %get3A_119 = arith.constant 0 : index
    %get3A_120 = vector.load %arg2[%get3A_117, %get3A_118, %get3A_119] : memref<16x128x128xf32, #tpu.memory_space<vmem>>, vector<1x128x128xf32>
    %get3A_121 = vector.shape_cast %get3A_120 : vector<1x128x128xf32> to vector<128x128xf32>
    %dot_general3A_122 = arith.constant dense<0.000000e+00> : vector<200x128xf32>
    %dot_general3A_123 = tpu.matmul %slice3A_116, %get3A_121, %dot_general3A_122 {dimension_numbers = #tpu.dot_dimension_numbers<[1], [0], [0], [1], [0, 0, 1, 1], [], []>, transpose_lhs_hint = false} : vector<200x128xf32>, vector<128x128xf32>, vector<200x128xf32> -> vector<200x128xf32>
    %add3A_124 = arith.addf %add3A_115, %dot_general3A_123 : vector<200x128xf32>
    %slice3A_125 = vector.extract_strided_slice %add3A {offsets = [2600, 0], sizes = [200, 128], strides = [1, 1]} : vector<3328x128xf32> to vector<200x128xf32>
    %get3A_126 = arith.constant 13 : index
    %get3A_127 = arith.constant 0 : index
    %get3A_128 = arith.constant 0 : index
    %get3A_129 = vector.load %arg2[%get3A_126, %get3A_127, %get3A_128] : memref<16x128x128xf32, #tpu.memory_space<vmem>>, vector<1x128x128xf32>
    %get3A_130 = vector.shape_cast %get3A_129 : vector<1x128x128xf32> to vector<128x128xf32>
    %dot_general3A_131 = arith.constant dense<0.000000e+00> : vector<200x128xf32>
    %dot_general3A_132 = tpu.matmul %slice3A_125, %get3A_130, %dot_general3A_131 {dimension_numbers = #tpu.dot_dimension_numbers<[1], [0], [0], [1], [0, 0, 1, 1], [], []>, transpose_lhs_hint = false} : vector<200x128xf32>, vector<128x128xf32>, vector<200x128xf32> -> vector<200x128xf32>
    %add3A_133 = arith.addf %add3A_124, %dot_general3A_132 : vector<200x128xf32>
    %slice3A_134 = vector.extract_strided_slice %add3A {offsets = [2800, 0], sizes = [200, 128], strides = [1, 1]} : vector<3328x128xf32> to vector<200x128xf32>
    %get3A_135 = arith.constant 14 : index
    %get3A_136 = arith.constant 0 : index
    %get3A_137 = arith.constant 0 : index
    %get3A_138 = vector.load %arg2[%get3A_135, %get3A_136, %get3A_137] : memref<16x128x128xf32, #tpu.memory_space<vmem>>, vector<1x128x128xf32>
    %get3A_139 = vector.shape_cast %get3A_138 : vector<1x128x128xf32> to vector<128x128xf32>
    %dot_general3A_140 = arith.constant dense<0.000000e+00> : vector<200x128xf32>
    %dot_general3A_141 = tpu.matmul %slice3A_134, %get3A_139, %dot_general3A_140 {dimension_numbers = #tpu.dot_dimension_numbers<[1], [0], [0], [1], [0, 0, 1, 1], [], []>, transpose_lhs_hint = false} : vector<200x128xf32>, vector<128x128xf32>, vector<200x128xf32> -> vector<200x128xf32>
    %add3A_142 = arith.addf %add3A_133, %dot_general3A_141 : vector<200x128xf32>
    %slice3A_143 = vector.extract_strided_slice %add3A {offsets = [3000, 0], sizes = [200, 128], strides = [1, 1]} : vector<3328x128xf32> to vector<200x128xf32>
    %get3A_144 = arith.constant 15 : index
    %get3A_145 = arith.constant 0 : index
    %get3A_146 = arith.constant 0 : index
    %get3A_147 = vector.load %arg2[%get3A_144, %get3A_145, %get3A_146] : memref<16x128x128xf32, #tpu.memory_space<vmem>>, vector<1x128x128xf32>
    %get3A_148 = vector.shape_cast %get3A_147 : vector<1x128x128xf32> to vector<128x128xf32>
    %dot_general3A_149 = arith.constant dense<0.000000e+00> : vector<200x128xf32>
    %dot_general3A_150 = tpu.matmul %slice3A_143, %get3A_148, %dot_general3A_149 {dimension_numbers = #tpu.dot_dimension_numbers<[1], [0], [0], [1], [0, 0, 1, 1], [], []>, transpose_lhs_hint = false} : vector<200x128xf32>, vector<128x128xf32>, vector<200x128xf32> -> vector<200x128xf32>
    %add3A_151 = arith.addf %add3A_142, %dot_general3A_150 : vector<200x128xf32>
    %get3A_152 = arith.constant 0 : index
    %get3A_153 = arith.constant 0 : index
    %get3A_154 = vector.load %arg1[%get3A_152, %get3A_153] : memref<200x128xf32, #tpu.memory_space<vmem>>, vector<200x128xf32>
    %get3A_155 = arith.constant 0 : index
    %get3A_156 = arith.constant 0 : index
    %get3A_157 = vector.load %arg3[%get3A_155, %get3A_156] : memref<128x128xf32, #tpu.memory_space<vmem>>, vector<128x128xf32>
    %dot_general3A_158 = arith.constant dense<0.000000e+00> : vector<200x128xf32>
    %dot_general3A_159 = tpu.matmul %get3A_154, %get3A_157, %dot_general3A_158 {dimension_numbers = #tpu.dot_dimension_numbers<[1], [0], [0], [1], [0, 0, 1, 1], [], []>, transpose_lhs_hint = false} : vector<200x128xf32>, vector<128x128xf32>, vector<200x128xf32> -> vector<200x128xf32>
    %add3A_160 = arith.addf %add3A_151, %dot_general3A_159 : vector<200x128xf32>
    %get3A_161 = arith.constant 0 : index
    %get3A_162 = arith.constant 0 : index
    %get3A_163 = vector.load %arg4[%get3A_161, %get3A_162] : memref<1x128xf32, #tpu.memory_space<vmem>>, vector<1x128xf32>
    %add3A_164 = vector.broadcast %get3A_163 : vector<1x128xf32> to vector<200x128xf32>
    %add3A_165 = arith.addf %add3A_160, %add3A_164 : vector<200x128xf32>
    %max3A = arith.constant 0.000000e+00 : f32
    %max3A_166 = vector.broadcast %max3A : f32 to vector<200x128xf32>
    %max3A_167 = arith.maximumf %add3A_165, %max3A_166 : vector<200x128xf32>
    %concatenate3A = tpu.concatenate %get3A_154, %max3A_167 in 1 : vector<200x128xf32>, vector<200x128xf32> -> vector<200x256xf32>
    %get3A_168 = arith.constant 0 : index
    %get3A_169 = arith.constant 0 : index
    %get3A_170 = vector.load %arg7[%get3A_168, %get3A_169] : memref<100x200xf32, #tpu.memory_space<vmem>>, vector<100x200xf32>
    %dot_general3A_171 = arith.constant dense<0.000000e+00> : vector<100x256xf32>
    %dot_general3A_172 = tpu.matmul %get3A_170, %concatenate3A, %dot_general3A_171 {dimension_numbers = #tpu.dot_dimension_numbers<[1], [0], [0], [1], [0, 0, 1, 1], [], []>, transpose_lhs_hint = false} : vector<100x200xf32>, vector<200x256xf32>, vector<100x256xf32> -> vector<100x256xf32>
    %get3A_173 = arith.constant 0 : index
    %get3A_174 = arith.constant 0 : index
    %get3A_175 = vector.load %arg8[%get3A_173, %get3A_174] : memref<100x200xf32, #tpu.memory_space<vmem>>, vector<100x200xf32>
    %dot_general3A_176 = arith.constant dense<0.000000e+00> : vector<100x256xf32>
    %dot_general3A_177 = tpu.matmul %get3A_175, %concatenate3A, %dot_general3A_176 {dimension_numbers = #tpu.dot_dimension_numbers<[1], [0], [0], [1], [0, 0, 1, 1], [], []>, transpose_lhs_hint = false} : vector<100x200xf32>, vector<200x256xf32>, vector<100x256xf32> -> vector<100x256xf32>
    %get3A_178 = arith.constant 0 : index
    %get3A_179 = arith.constant 0 : index
    %get3A_180 = vector.load %arg5[%get3A_178, %get3A_179] : memref<100x16xf32, #tpu.memory_space<vmem>>, vector<100x16xf32>
    %get3A_181 = arith.constant 0 : index
    %get3A_182 = arith.constant 0 : index
    %get3A_183 = vector.load %arg6[%get3A_181, %get3A_182] : memref<16x32xf32, #tpu.memory_space<vmem>>, vector<16x32xf32>
    %dot_general3A_184 = arith.constant dense<0.000000e+00> : vector<100x32xf32>
    %dot_general3A_185 = tpu.matmul %get3A_180, %get3A_183, %dot_general3A_184 {dimension_numbers = #tpu.dot_dimension_numbers<[1], [0], [0], [1], [0, 0, 1, 1], [], []>, transpose_lhs_hint = false} : vector<100x16xf32>, vector<16x32xf32>, vector<100x32xf32> -> vector<100x32xf32>
    %concatenate3A_186 = tpu.concatenate %dot_general3A_172, %dot_general3A_177, %dot_general3A_185 in 1 : vector<100x256xf32>, vector<100x256xf32>, vector<100x32xf32> -> vector<100x544xf32>
    %get3A_187 = arith.constant 0 : index
    %get3A_188 = arith.constant 0 : index
    %get3A_189 = vector.load %arg9[%get3A_187, %get3A_188] : memref<544x16xf32, #tpu.memory_space<vmem>>, vector<544x16xf32>
    %dot_general3A_190 = arith.constant dense<0.000000e+00> : vector<100x16xf32>
    %dot_general3A_191 = tpu.matmul %concatenate3A_186, %get3A_189, %dot_general3A_190 {dimension_numbers = #tpu.dot_dimension_numbers<[1], [0], [0], [1], [0, 0, 1, 1], [], []>, transpose_lhs_hint = false} : vector<100x544xf32>, vector<544x16xf32>, vector<100x16xf32> -> vector<100x16xf32>
    %get3A_192 = arith.constant 0 : index
    %get3A_193 = arith.constant 0 : index
    %get3A_194 = vector.load %arg10[%get3A_192, %get3A_193] : memref<1x16xf32, #tpu.memory_space<vmem>>, vector<1x16xf32>
    %add3A_195 = vector.broadcast %get3A_194 : vector<1x16xf32> to vector<100x16xf32>
    %add3A_196 = arith.addf %dot_general3A_191, %add3A_195 : vector<100x16xf32>
    %max3A_197 = arith.constant 0.000000e+00 : f32
    %max3A_198 = vector.broadcast %max3A_197 : f32 to vector<100x16xf32>
    %max3A_199 = arith.maximumf %add3A_196, %max3A_198 : vector<100x16xf32>
    %get3A_200 = arith.constant 0 : index
    %get3A_201 = arith.constant 0 : index
    %get3A_202 = vector.load %arg11[%get3A_200, %get3A_201] : memref<16x1xf32, #tpu.memory_space<vmem>>, vector<16x1xf32>
    %dot_general3A_203 = arith.constant dense<0.000000e+00> : vector<100x1xf32>
    %dot_general3A_204 = tpu.matmul %max3A_199, %get3A_202, %dot_general3A_203 {dimension_numbers = #tpu.dot_dimension_numbers<[1], [0], [0], [1], [0, 0, 1, 1], [], []>, transpose_lhs_hint = false} : vector<100x16xf32>, vector<16x1xf32>, vector<100x1xf32> -> vector<100x1xf32>
    %get3A_205 = arith.constant 0 : index
    %get3A_206 = arith.constant 0 : index
    %get3A_207 = vector.load %arg12[%get3A_205, %get3A_206] : memref<1x1xf32, #tpu.memory_space<vmem>>, vector<1x1xf32>
    %add3A_208 = vector.broadcast %get3A_207 : vector<1x1xf32> to vector<100x1xf32>
    %add3A_209 = arith.addf %dot_general3A_204, %add3A_208 : vector<100x1xf32>
    %swap3A = arith.constant 0 : index
    %swap3A_210 = arith.constant 0 : index
    %swap3A_211 = vector.load %arg13[%swap3A, %swap3A_210] : memref<100x1xf32, #tpu.memory_space<vmem>>, vector<100x1xf32>
    tpu.vector_store %arg13[%swap3A, %swap3A_210], %add3A_209 {strides = array<i32>} : memref<100x1xf32, #tpu.memory_space<vmem>>, vector<100x1xf32>,
    return
  }
}

</mosaic_0001>

<sc_bundles>
// kernel: kernel.11.cloned.1.call-start
scs
__scs_entry_jumppad:
0x0: {  	(pc) =	sbr.rel $0x88, $3  }
0x1: {  	(tag) =	ssettag $0x0;
	lr =	simm.s32 $0x1  }
0x2: {  	[smem:$0x3F90] =	sst lr;
	_ =	strace $0xD0000000  }
0x3: {  	_ = 	snop  }
0x4: {  	_ = 	snop  }
0x5: {  	_ = 	snop  }
0x6: {  	_ = 	snop  }
0x7: {  	_ = 	snop  }
__scs_overlays_trampoline_lowered:
0x8: {  	[smem:$0x3F9F] =	sst s0  }
0x9: {  	[smem:$0x3FA0] =	sst s1  }
0xa: {  	[smem:$0x3FA1] =	sst s2  }
0xb: {  	[smem:$0x3FA2] =	sst s3  }
0xc: {  	[smem:$0x3FA3] =	sst s4  }
0xd: {  	[smem:$0x3FA4] =	sst s5  }
0xe: {  	[smem:$0x3FA5] =	sst s6  }
0xf: {  	[smem:$0x3FA6] =	sst s7  }
0x10: {  	[smem:$0x3FA7] =	sst s8  }
0x11: {  	[smem:$0x3FA8] =	sst s9;
	s0 =	simm.s32 @!p0 $0x0  }
0x12: {  	s1 =	sld [smem:$0x3F8E];
	s0 =	simm.s32 @p0 $0x1  }
0x13: {  	[smem:$0x3FA9] =	sst s0;
	s0 =	simm.s32 @!p1 $0x0  }
0x14: {  	s2 =	sld [smem:$0x3F8D];
	s0 =	simm.s32 @p1 $0x1  }
0x15: {  	[smem:$0x3FAA] =	sst s0;
	s0 =	simm.s32 @!p2 $0x0  }
0x16: {  	s3 =	sld [smem:$0x3FDB];
	s0 =	simm.s32 @p2 $0x1  }
0x17: {  	s4 =	simm.s32 $0x1BF5;
	[smem:$0x3FAC] =	sst s0  }
0x18: {  	s0 =	sld [smem:$0x3F8F];
	_ =	swait.ge [sflag:s4], $0x0  }
0x19: {  	s7 =	sld [smem:$0x3F90]  }
0x1a: {  	s8 =	sadd.s32 $0xFFFFE003, lr  }
0x1b: {  	s9 =	sadd.s32 $0xFFFFFEF7, lr;
	s5 =	simm.s32 $0xFFFFFFFF;
	p2 =	slt.u32 s8, $0xFFFFF086  }
0x1c: {  	p1 =	slt.u32 s9, $0xF7A;
	s5 =	simm.s32 @!p2 $0x0  }
0x1d: {  	s5 =	simm.s32 @p1 $0x1;
	p0 =	seq.s32 s7, s2  }
0x1e: {  	s7 =	smul.u32 @!p0 $0xF7A, s2;
	p2 =	seq.s32 @!p0 s5, $0x0  }
0x1f: {  	s9 =	smul.u32 $0xF7A, s1;
	s8 =	simm.s32 @!p0 $0x1BF5;
	p2 =	por !p2, p0  }
0x20: {  	[sflag:s8] =	ssyncset.s32 @!p0 $0xFFFFF086;
	s6 =	sadd.s32 @!p0 s3, s7;
	s7 =	simm.s32 @!p0 $0x108  }
0x21: {  	s3 =	sadd.s32 s3, s9;
	s6 =	sadd.s32 @!p0 $0x88, s6;
	s7 =	simm.s32 @p2 $0x1082  }
0x22: {  	[simem:s7], [sflag:s8] =	dma.local @!p0 [hbm:s6], $0xF7A  }
0x23: {  	s9 =	sor.u32 $0xD0000000, s2;
	s6 =	simm.s32 $0x108;
	_ =	swait.ge @!p0 [sflag:s8], $0x0  }
0x24: {  	s3 =	sadd.s32 $0x88, s3;
	s6 =	simm.s32 @!p1 $0x1082;
	[sflag:s4] =	ssyncset.s32 $0xFFFFF086  }
0x25: {  	[simem:s6], [sflag:s4] =	dma.local [hbm:s3], $0xF7A  }
0x26: {  	[smem:$0x3F90] =	sst s1;
	(tag) =	ssettag s2;
	_ =	strace s9  }
0x27: {  	s1 =	sld [smem:$0x3FA0]  }
0x28: {  	s2 =	sld [smem:$0x3FA1]  }
0x29: {  	s4 =	sld [smem:$0x3FA3]  }
0x2a: {  	p0 =	seq.s32 s5, $0x0;
	s5 =	sld [smem:$0x3FA4]  }
0x2b: {  	s6 =	sld [smem:$0x3FA5]  }
0x2c: {  	s7 =	sld [smem:$0x3FA6]  }
0x2d: {  	s3 =	simm.s32 $0x108;
	s8 =	sld [smem:$0x3FA7]  }
0x2e: {  	s3 =	simm.s32 @!p0 $0x1082;
	s9 =	sld [smem:$0x3FA8]  }
0x2f: {  	lr =	sadd.s32 s0, s3;
	s0 =	sld [smem:$0x3F9F]  }
0x30: {  	s3 =	sld [smem:$0x3FA2]  }
0x31: {  	[smem:$0x3FAB] =	sst s10  }
0x32: {  	s10 =	sld [smem:$0x3FA9];
	_ =	sdelay $0x3  }
0x33: {  	p0 =	seq.s32 s10, $0x1;
	s10 =	sld [smem:$0x3FAB];
	_ =	sdelay $0x3  }
0x34: {  	[smem:$0x3FAB] =	sst s10  }
0x35: {  	s10 =	sld [smem:$0x3FAA];
	_ =	sdelay $0x3  }
0x36: {  	p1 =	seq.s32 s10, $0x1;
	s10 =	sld [smem:$0x3FAB];
	_ =	sdelay $0x3  }
0x37: {  	[smem:$0x3FAB] =	sst s10  }
0x38: {  	s10 =	sld [smem:$0x3FAC]  }
0x39: {  	_ = 	snop;
	(pc) =	sbr.ind lr, $3  }
0x3a: {  	_ = 	snop  }
0x3b: {  	_ = 	snop  }
0x3c: {  	p2 =	seq.s32 s10, $0x1;
	s10 =	sld [smem:$0x3FAB]  }
0x3d: {  	_ =	shalt  }
0x3e: {  	_ =	shalt  }
0x3f: {  	_ =	shalt  }
0x40: {  	_ =	shalt  }
0x41: {  	_ =	shalt  }
0x42: {  	_ =	shalt  }
0x43: {  	_ =	shalt  }
0x44: {  	_ =	shalt  }
0x45: {  	_ =	shalt  }
0x46: {  	_ =	shalt  }
0x47: {  	_ =	shalt  }
0x48: {  	_ =	shalt  }
0x49: {  	_ =	shalt  }
0x4a: {  	_ =	shalt  }
0x4b: {  	_ =	shalt  }
0x4c: {  	_ =	shalt  }
0x4d: {  	_ =	shalt  }
0x4e: {  	_ =	shalt  }
0x4f: {  	_ =	shalt  }
0x50: {  	_ =	shalt  }
0x51: {  	_ =	shalt  }
0x52: {  	_ =	shalt  }
0x53: {  	_ =	shalt  }
0x54: {  	_ =	shalt  }
0x55: {  	_ =	shalt  }
0x56: {  	_ =	shalt  }
0x57: {  	_ =	shalt  }
0x58: {  	_ =	shalt  }
0x59: {  	_ =	shalt  }
0x5a: {  	_ =	shalt  }
0x5b: {  	_ =	shalt  }
0x5c: {  	_ =	shalt  }
0x5d: {  	_ =	shalt  }
0x5e: {  	_ =	shalt  }
0x5f: {  	_ =	shalt  }
0x60: {  	_ =	shalt  }
0x61: {  	_ =	shalt  }
0x62: {  	_ =	shalt  }
0x63: {  	_ =	shalt  }
0x64: {  	_ =	shalt  }
0x65: {  	_ =	shalt  }
0x66: {  	_ =	shalt  }
0x67: {  	_ =	shalt  }
0x68: {  	_ =	shalt  }
0x69: {  	_ =	shalt  }
0x6a: {  	_ =	shalt  }
0x6b: {  	_ =	shalt  }
0x6c: {  	_ =	shalt  }
0x6d: {  	_ =	shalt  }
0x6e: {  	_ =	shalt  }
0x6f: {  	_ =	shalt  }
0x70: {  	_ =	shalt  }
0x71: {  	_ =	shalt  }
0x72: {  	_ =	shalt  }
0x73: {  	_ =	shalt  }
0x74: {  	_ =	shalt  }
0x75: {  	_ =	shalt  }
0x76: {  	_ =	shalt  }
0x77: {  	_ =	shalt  }
0x78: {  	_ =	shalt  }
0x79: {  	_ =	shalt  }
0x7a: {  	_ =	shalt  }
0x7b: {  	_ =	shalt  }
0x7c: {  	_ =	shalt  }
0x7d: {  	_ =	shalt  }
0x7e: {  	_ =	shalt  }
0x7f: {  	_ =	shalt  }
0x80: {  	_ =	shalt  }
0x81: {  	_ =	shalt  }
0x82: {  	_ =	shalt  }
0x83: {  	_ =	shalt  }
0x84: {  	_ =	shalt  }
0x85: {  	_ =	shalt  }
0x86: {  	_ =	shalt  }
0x87: {  	_ =	shalt  }
.Lfunc_end0:
.L_simem_size_0:
called_computation.1_lowered:
.L_overlay_start_0:
0x88: {  	s2 =	sld [smem:$0x3FD9]  }
0x89: {  	s3 =	sld [smem:$0x3FFE];
	_ =	sdelay $0x1  }
0x8a: {  	s1 =	srdreg.scid  }
0x8b: {  	s0 =	sand.u32 $0x1, s1  }
0x8c: {  	s16 =	sshll.u32 s0, $0xA;
	s2 =	sadd.s32 s3, s2  }
0x8d: {  	s2 =	sadd.s32 s2, s16  }
0x8e: {  	[smem:$0x3FB7] =	sst s2  }
0x8f: {  	_ = 	snop  }
0x90: {  	(tm) =	ssettm $0x1  }
0x91: {  	s17 =	sld [smem:$0x3FFB];
	_ =	sdelay $0x3  }
0x92: {  	_ =	strace s17  }
0x93: {  	s2 =	sld [smem:$0x3FFC];
	_ =	sdelay $0x3  }
0x94: {  	_ =	strace s2  }
0x95: {  	s2 =	sld [smem:$0x3FFD];
	_ =	sdelay $0x3  }
0x96: {  	_ =	strace s2  }
0x97: {  	_ =	strace $0x8FFFFFFF  }
0x98: {  	s18 =	sld [smem:$0x3FDB];
	_ =	sdelay $0x1  }
0x99: {  	s19 =	simm.s32 $_scs_section_size  }
0x9a: {  	s4 =	simm.s32 $_size__tile_overlayer_lowered;
	s5 =	simm.s32 $_tile_overlayer_lowered  }
0x9b: {  	s22 =	simm.s32 $0x1BFF;
	s21 =	sshll.u32 s5, $0x1;
	s2 =	sadd.s32 s19, s18  }
0x9c: {  	s6 =	simm.s32 $0x0;
	s20 =	sshll.u32 s4, $0x1;
	s4 =	sadd.s32 s21, s2  }
0x9d: {  	[timem:s6], [sflag:s22] =	dma.local [hbm:s4], s20  }
0x9e: {  	_ =	swait.ge [sflag:s22], s20  }
0x9f: {  	s3 =	ssub.s32 $0x0, s20;
	[sflag:s22] =	ssyncset.done $0x0  }
0xa0: {  	[sflag:s22] =	ssyncadd.s32 s3;
	_ =	sdelay $0x1  }
0xa1: {  	s23 =	simm.s32 $0x1B8B  }
0xa2: {  	_ =	swait.ge [sflag:s23], $0x1  }
0xa3: {  	[sflag:s23] =	ssyncset.done $0x0  }
0xa4: {  	s25 =	simm.s32 $0x1B8E;
	s24 =	sld [smem:$0x3FFE];
	[sflag:s23] =	ssyncadd.s32 $0xFFFFFFFF  }
0xa5: {  	s26 =	simm.s32 $execute0_lowered;
	[smem:$0x3FD2] =	sst s25  }
0xa6: {  	s4 =	sshll.u32 s26, $0x1;
	_ =	strace $0x80000049;
	[dreg:$0x1] =	wrdreg $0xFFFFFFFF  }
0xa7: {  	s28 =	simm.s32 $_size_execute0_lowered;
	s2 =	sadd.s32 s2, s4;
	[dreg:$0x0] =	wrdreg $0x0  }
0xa8: {  	s4 =	sshll.u32 s28, $0x1;
	[dreg:$0x2] =	wrdreg s2  }
0xa9: {  	[dreg:$0x3] =	wrdreg s4  }
0xaa: {  	[dreg:$0x4] =	wrdreg $0xC0  }
0xab: {  	_ =	task [dreg:s6], $0x5FFFF  }
0xac: {  	[dreg:$0x1] =	wrdreg $0xFFFFFFFF  }
0xad: {  	[dreg:$0x0] =	wrdreg $0x60  }
0xae: {  	[dreg:$0x2] =	wrdreg s24  }
0xaf: {  	[dreg:$0x3] =	wrdreg $0xA9000  }
0xb0: {  	[dreg:$0x4] =	wrdreg $0x9  }
0xb1: {  	_ =	task.clear_ibuf [dreg:s6], $0x5FFFF;
	_ =	strace $0x90000049  }
0xb2: {  	s29 =	simm.s32 $0x9;
	_ =	strace $0x8000004B  }
0xb3: {  	_ =	swait.ge [sflag:s29], $0x1  }
0xb4: {  	[sflag:s29] =	ssyncadd.s32 $0xFFFFFFFF  }
0xb5: {  	_ =	strace $0x9000004B  }
0xb6: {  	_ =	sfence  }
0xb7: {  	s30 =	sld [smem:$0x0];
	_ =	sdelay $0x2  }
0xb8: {  	s31 =	sshll.u32 s1, $0xD;
	s1 =	sshrl.u32 s1, $0x2  }
0xb9: {  	s3 =	sand.u32 $0x4000, s31;
	s1 =	sadd.s32 s1, s30  }
0xba: {  	s0 =	sor.u32 s3, s0;
	s1 =	sshll.u32 s1, $0x11  }
0xbb: {  	s0 =	sor.u32 s1, s0  }
0xbc: {  	s0 =	sadd.s32 $0x8F2B, s0  }
0xbd: {  	[sflag:s0] =	ssyncadd.remote.s32 $0x1  }
0xbe: {  	_ =	sfence.sel $0xFFFF  }
0xbf: {  	[dreg:$0x0] =	wrdreg $0xFFFFFFFF;
	(pc) =	sbr.abs _section_cstart, $3  }
0xc0: {  	[dreg:$0x1] =	wrdreg $0xFFFFFFFF  }
0xc1: {  	_ =	task.clear_ibuf [dreg:s6], $0x2FFFF;
	_ =	strace $0x9FFFFFFF  }
0xc2: {  	(tm) =	ssettm $0x7FFFFFFF  }
0xc3: {  	_ =	shalt  }
tec
execute0_lowered:
.L_overlay_start_1:
0x0: {  	(tag) =	ssettag $0x1  }
0x1: {  	s1 =	srdreg.scid  }
0x2: {  	s0 =	stileid.u32;
	s7 =	rddreg [dreg:$0x0]  }
0x3: {  	s2 =	rddreg [dreg:$0x1];
	s3 =	simm.s32 $0x0;
	s18 =	simm.s32 $0x2800  }
0x4: {  	s19 =	simm.s32 $0x80;
	s20 =	simm.s32 $0x2880;
	s21 =	simm.s32 $0x6900  }
0x5: {  	s22 =	simm.s32 $0x3;
	s23 =	simm.s32 $0x1;
	s5 =	smul.u32 $0x4F000, s0  }
0x6: {  	s26 =	simm.s32 $0x2;
	s28 =	simm.s32 $0x0;
	s16 =	smul.u32 $0xA00, s0  }
0x7: {  	s12 =	sand.u32 $0x1, s1;
	s30 =	sshll.u32 s0, $0x1;
	s25 =	smul.u32 $0x2780, s0  }
0x8: {  	[smem:$0x7FF] =	sst s3;
	s4 =	sor.u32 s12, s30;
	s8 =	smul.u32 $0x27800, s12  }
0x9: {  	_ =	strace $0x8000004A;
	s9 =	ssub.s32 $0x2, s12;
	s17 =	smul.u32 $0x500, s12  }
0xa: {  	s11 =	smul.u32 $0x500, s4;
	s4 =	sadd.s32 $0x2E2000, s7;
	s6 =	sshrl.u32 s5, $0x2  }
0xb: {  	s5 =	sadd.s32 $0xD800, s7;
	s10 =	sshrl.u32 s9, $0x1;
	s6 =	sadd.s32 s6, s2  }
0xc: {  	s14 =	sadd.s32 s8, s7;
	s15 =	ssub.s32 s9, s10;
	s13 =	sadd.s32 s11, s7  }
0xd: {  	s31 =	sadd.s32 $0x4000, s6;
	s8 =	sadd.s32 $0x8000, s6;
	s9 =	sadd.s32 $0xC000, s6  }
0xe: {  	s10 =	sadd.s32 $0x10000, s6;
	s11 =	sadd.s32 s5, s11;
	s24 =	sadd.s32 $0x57A200, s14  }
0xf: {  	s14 =	smax.u32 s15, $0x1;
	s15 =	sadd.s32 s17, s16;
	s16 =	simm.s32 $0x2900  }
0x10: {  	s17 =	simm.s32 $0x5;
	[dreg:$0x3] =	wrdreg s31;
	s12 =	sadd.s32 $0x2B800, s13  }
0x11: {  	v0 =	vimm.f32 $0.0e+00;
	s13 =	sadd.s32 $0x10, s11;
	s24 =	sadd.s32 s25, s24;
	s25 =	simm.s32 $0x4  }
.LBB2_1:
0x12: {  	s29 =	simm.s32 $0x0;
	s30 =	simm.s32 $0x200  }
.LBB2_2:
0x13: {  	p0 =	sne.s32 s30, $0xFE00;
	[tilespmem:s29+$0x2970] =	vst v0  }
0x14: {  	[tilespmem:s29+$0x2900] =	vst v0  }
0x15: {  	[tilespmem:s29+$0x2910] =	vst v0  }
.Ltmp0:
0x16: {  	[tilespmem:s29+$0x2920] =	vst v0;
	(pc) =	sbr.rel @p0 .LBB2_2-.Ltmp0, $4  }
0x17: {  	[tilespmem:s29+$0x2930] =	vst v0  }
0x18: {  	[tilespmem:s29+$0x2940] =	vst v0  }
0x19: {  	[tilespmem:s29+$0x2950] =	vst v0  }
0x1a: {  	[tilespmem:s29+$0x2960] =	vst v0;
	s29 =	sshra.s32 s30, $0x2;
	s30 =	sadd.s32 $0x200, s30  }
0x1b: {  	[tilespmem:s29+$0x2970] =	vst v0  }
0x1c: {  	[tilespmem:s29+$0x2900] =	vst v0  }
0x1d: {  	[tilespmem:s29+$0x2910] =	vst v0  }
0x1e: {  	[tilespmem:s29+$0x2920] =	vst v0  }
0x1f: {  	[tilespmem:s29+$0x2930] =	vst v0  }
0x20: {  	[tilespmem:s29+$0x2940] =	vst v0  }
0x21: {  	[tilespmem:s29+$0x2950] =	vst v0  }
0x22: {  	[tilespmem:s29+$0x2960] =	vst v0  }
0x23: {  	[spmem:s6] =	stream.linear.scatter [tilespmem:s16], [sflag:$0x5], $0x4000, $0x38;
	[tilespmem:$0x1E500] =	vst v63  }
0x24: {  	_ =	swait.ge [sflag:s17], $0x4000  }
0x25: {  	[sflag:s17] =	ssyncset.done $0x0  }
0x26: {  	s0 =	rddreg [dreg:$0x3];
	[sflag:s17] =	ssyncadd.s32 $0xFFFFC000  }
0x27: {  	[spmem:s0] =	stream.linear.scatter [tilespmem:s16], [sflag:$0x5], $0x4000, $0x38;
	[tilespmem:$0x1E500] =	vst v63  }
0x28: {  	_ =	swait.ge [sflag:s17], $0x4000  }
0x29: {  	[sflag:s17] =	ssyncset.done $0x0  }
0x2a: {  	[sflag:s17] =	ssyncadd.s32 $0xFFFFC000  }
0x2b: {  	[spmem:s8] =	stream.linear.scatter [tilespmem:s16], [sflag:$0x5], $0x4000, $0x38;
	[tilespmem:$0x1E500] =	vst v63  }
0x2c: {  	_ =	swait.ge [sflag:s17], $0x4000  }
0x2d: {  	[sflag:s17] =	ssyncset.done $0x0  }
0x2e: {  	[sflag:s17] =	ssyncadd.s32 $0xFFFFC000  }
0x2f: {  	[spmem:s9] =	stream.linear.scatter [tilespmem:s16], [sflag:$0x5], $0x4000, $0x38;
	[tilespmem:$0x1E500] =	vst v63  }
0x30: {  	_ =	swait.ge [sflag:s17], $0x4000  }
0x31: {  	[sflag:s17] =	ssyncset.done $0x0  }
0x32: {  	[sflag:s17] =	ssyncadd.s32 $0xFFFFC000  }
0x33: {  	[spmem:s10] =	stream.linear.scatter [tilespmem:s16], [sflag:$0x5], $0x3C00, $0x38;
	[tilespmem:$0x1E500] =	vst v63  }
0x34: {  	_ =	swait.ge [sflag:s17], $0x3C00  }
0x35: {  	[sflag:s17] =	ssyncset.done $0x0  }
0x36: {  	[sflag:s17] =	ssyncadd.s32 $0xFFFFC400  }
0x37: {  	[tilespmem:s3], [sflag:$0x5] =	stream.linear.gather [hbm4b:s12+s3], $0x2800, $0x38;
	[tilespmem:$0x1E500] =	vst v63  }
0x38: {  	_ =	swait.ge [sflag:s17], $0x2800  }
0x39: {  	[sflag:s17] =	ssyncset.done $0x0  }
0x3a: {  	[sflag:s17] =	ssyncadd.s32 $0xFFFFD800  }
0x3b: {  	[tilespmem:s18], [sflag:$0x3] =	stream.linear.gather [hbm4b:s11+s3], $0x80, $0x38;
	[tilespmem:$0x1E500] =	vst v63  }
0x3c: {  	_ = 	snop  }
0x3d: {  	[tilespmem:s16], [sflag:$0x1] =	stream.indirect.gather [hbm4b:s4+s19], $0x80, s3, s19, $0xb8;
	[tilespmem:$0x1E500] =	vst v63  }
0x3e: {  	_ = 	snop  }
0x3f: {  	[tilespmem:s20], [sflag:$0x4] =	stream.linear.gather [hbm4b:s13+s3], $0x80, $0x38;
	[tilespmem:$0x1E500] =	vst v63  }
0x40: {  	_ = 	snop  }
0x41: {  	[tilespmem:s21], [sflag:$0x2] =	stream.indirect.gather [hbm4b:s4+s19], $0x80, s19, s19, $0xb8;
	[tilespmem:$0x1E500] =	vst v63  }
0x42: {  	[bflag:$0x0] =	sbarrier.arrive $0xFFFF  }
0x43: {  	_ =	swait.ge [sflag:s22], $0x80  }
0x44: {  	[sflag:s22] =	ssyncset.done $0x0  }
0x45: {  	[sflag:s22] =	ssyncadd.s32 $0xFFFFFF80  }
0x46: {  	_ =	swait.ge [sflag:s23], $0x4000  }
0x47: {  	[sflag:s23] =	ssyncset.done $0x0  }
0x48: {  	s29 =	sadd.s32 $0x30, s15;
	s30 =	simm.s32 $0x20;
	[sflag:s23] =	ssyncadd.s32 $0xFFFFC000  }
0x49: {  	[spmem:s2] =	stream.indirect.scatter.add.f32 [tilespmem:s16], [sflag:$0x5], $0x80, s18, s19, $0xb8;
	[tilespmem:$0x1E500] =	vst v63  }
0x4a: {  	s31 =	sadd.s32 $0xFFFFFFF0, s29;
	s30 =	sand.u32 $0x60, s30;
	_ =	swait.ge [sflag:s17], $0x4000  }
0x4b: {  	s31 =	sand.u32 $0xFFFFF80, s31;
	s30 =	sadd.s32 s5, s30;
	[sflag:s17] =	ssyncset.done $0x0  }
0x4c: {  	s30 =	sadd.s32 s31, s30;
	[sflag:s17] =	ssyncadd.s32 $0xFFFFC000  }
0x4d: {  	[tilespmem:s18], [sflag:$0x3] =	stream.linear.gather [hbm4b:s30+s3], $0x80, $0x38;
	[tilespmem:$0x1E500] =	vst v63  }
0x4e: {  	s30 =	simm.s32 $0x100  }
0x4f: {  	[tilespmem:s16], [sflag:$0x1] =	stream.indirect.gather [hbm4b:s4+s19], $0x80, s30, s19, $0xb8;
	[tilespmem:$0x1E500] =	vst v63  }
0x50: {  	_ =	swait.ge [sflag:s25], $0x80  }
0x51: {  	[sflag:s25] =	ssyncset.done $0x0  }
0x52: {  	[sflag:s25] =	ssyncadd.s32 $0xFFFFFF80  }
0x53: {  	_ =	swait.ge [sflag:s26], $0x4000  }
0x54: {  	[sflag:s26] =	ssyncset.done $0x0  }
0x55: {  	s30 =	simm.s32 $0x30;
	[sflag:s26] =	ssyncadd.s32 $0xFFFFC000  }
0x56: {  	[spmem:s2] =	stream.indirect.scatter.add.f32 [tilespmem:s21], [sflag:$0x5], $0x80, s20, s19, $0xb8;
	[tilespmem:$0x1E500] =	vst v63  }
0x57: {  	s30 =	sand.u32 $0x70, s30;
	_ =	swait.ge [sflag:s17], $0x4000  }
0x58: {  	s29 =	sand.u32 $0xFFFFF80, s29;
	s30 =	sadd.s32 s5, s30;
	[sflag:s17] =	ssyncset.done $0x0  }
0x59: {  	s29 =	sadd.s32 s29, s30;
	[sflag:s17] =	ssyncadd.s32 $0xFFFFC000  }
0x5a: {  	[tilespmem:s20], [sflag:$0x4] =	stream.linear.gather [hbm4b:s29+s3], $0x80, $0x38;
	[tilespmem:$0x1E500] =	vst v63  }
0x5b: {  	s31 =	simm.s32 $0x180;
	s30 =	simm.s32 $0x200;
	s29 =	simm.s32 $0x50  }
.LBB2_4:
0x5c: {  	[tilespmem:s21], [sflag:$0x2] =	stream.indirect.gather [hbm4b:s4+s19], $0x80, s31, s19, $0xb8;
	[tilespmem:$0x1E500] =	vst v63  }
0x5d: {  	s31 =	smov.u32 s29  }
0x5e: {  	p0 =	sne.s32 s29, $0x4F0;
	s29 =	sadd.s32 $0x20, s29;
	_ =	swait.ge [sflag:s22], $0x80  }
0x5f: {  	[sflag:s22] =	ssyncset.done $0x0  }
0x60: {  	[sflag:s22] =	ssyncadd.s32 $0xFFFFFF80  }
0x61: {  	_ =	swait.ge [sflag:s23], $0x4000  }
0x62: {  	[sflag:s23] =	ssyncset.done $0x0  }
0x63: {  	s1 =	sadd.s32 s31, s15;
	s0 =	sadd.s32 $0xFFFFFFF0, s31;
	[sflag:s23] =	ssyncadd.s32 $0xFFFFC000  }
0x64: {  	[spmem:s2] =	stream.indirect.scatter.add.f32 [tilespmem:s16], [sflag:$0x5], $0x80, s18, s19, $0xb8;
	[tilespmem:$0x1E500] =	vst v63  }
0x65: {  	s7 =	sadd.s32 $0xFFFFFFF0, s1;
	s0 =	sand.u32 $0x60, s0;
	_ =	swait.ge [sflag:s17], $0x4000  }
0x66: {  	s7 =	sand.u32 $0xFFFFF80, s7;
	s0 =	sadd.s32 s5, s0;
	[sflag:s17] =	ssyncset.done $0x0  }
0x67: {  	s1 =	sand.u32 $0xFFFFF80, s1;
	s0 =	sadd.s32 s7, s0;
	[sflag:s17] =	ssyncadd.s32 $0xFFFFC000  }
0x68: {  	[tilespmem:s18], [sflag:$0x3] =	stream.linear.gather [hbm4b:s0+s3], $0x80, $0x38;
	[tilespmem:$0x1E500] =	vst v63  }
0x69: {  	_ = 	snop  }
0x6a: {  	[tilespmem:s16], [sflag:$0x1] =	stream.indirect.gather [hbm4b:s4+s19], $0x80, s30, s19, $0xb8;
	[tilespmem:$0x1E500] =	vst v63  }
0x6b: {  	_ =	swait.ge [sflag:s25], $0x80  }
0x6c: {  	[sflag:s25] =	ssyncset.done $0x0  }
0x6d: {  	[sflag:s25] =	ssyncadd.s32 $0xFFFFFF80  }
0x6e: {  	_ =	swait.ge [sflag:s26], $0x4000  }
0x6f: {  	[sflag:s26] =	ssyncset.done $0x0  }
0x70: {  	[sflag:s26] =	ssyncadd.s32 $0xFFFFC000  }
0x71: {  	[spmem:s2] =	stream.indirect.scatter.add.f32 [tilespmem:s21], [sflag:$0x5], $0x80, s20, s19, $0xb8;
	[tilespmem:$0x1E500] =	vst v63  }
.Ltmp1:
0x72: {  	s0 =	sand.u32 $0x70, s31;
	_ =	swait.ge [sflag:s17], $0x4000;
	(pc) =	sbr.rel @p0 .LBB2_4-.Ltmp1, $4  }
0x73: {  	s0 =	sadd.s32 s5, s0;
	[sflag:s17] =	ssyncset.done $0x0  }
0x74: {  	s0 =	sadd.s32 s1, s0;
	[sflag:s17] =	ssyncadd.s32 $0xFFFFC000  }
0x75: {  	[tilespmem:s20], [sflag:$0x4] =	stream.linear.gather [hbm4b:s0+s3], $0x80, $0x38;
	[tilespmem:$0x1E500] =	vst v63  }
0x76: {  	s31 =	sadd.s32 $0x80, s30;
	s30 =	sadd.s32 $0x100, s30  }
0x77: {  	[tilespmem:s21], [sflag:$0x2] =	stream.indirect.gather [hbm4b:s4+s19], $0x80, s31, s19, $0xb8;
	[tilespmem:$0x1E500] =	vst v63  }
0x78: {  	_ =	swait.ge [sflag:s22], $0x80  }
0x79: {  	[sflag:s22] =	ssyncset.done $0x0  }
0x7a: {  	[sflag:s22] =	ssyncadd.s32 $0xFFFFFF80  }
0x7b: {  	_ =	swait.ge [sflag:s23], $0x4000  }
0x7c: {  	[sflag:s23] =	ssyncset.done $0x0  }
0x7d: {  	[sflag:s23] =	ssyncadd.s32 $0xFFFFC000  }
0x7e: {  	[spmem:s2] =	stream.indirect.scatter.add.f32 [tilespmem:s16], [sflag:$0x5], $0x80, s18, s19, $0xb8;
	[tilespmem:$0x1E500] =	vst v63  }
0x7f: {  	_ =	swait.ge [sflag:s17], $0x4000  }
0x80: {  	[sflag:s17] =	ssyncset.done $0x0  }
0x81: {  	[sflag:s17] =	ssyncadd.s32 $0xFFFFC000  }
0x82: {  	_ =	swait.ge [sflag:s25], $0x80  }
0x83: {  	[sflag:s25] =	ssyncset.done $0x0  }
0x84: {  	[sflag:s25] =	ssyncadd.s32 $0xFFFFFF80  }
0x85: {  	_ =	swait.ge [sflag:s26], $0x4000  }
0x86: {  	[sflag:s26] =	ssyncset.done $0x0  }
0x87: {  	[sflag:s26] =	ssyncadd.s32 $0xFFFFC000  }
0x88: {  	[spmem:s2] =	stream.indirect.scatter.add.f32 [tilespmem:s21], [sflag:$0x5], $0x80, s20, s19, $0xb8;
	[tilespmem:$0x1E500] =	vst v63  }
0x89: {  	s0 =	stileid.u32;
	_ =	swait.ge [sflag:s17], $0x4000  }
0x8a: {  	s1 =	sshrl.u32 s6, $0x3;
	s28 =	sadd.s32 $0x1, s28;
	[sflag:s17] =	ssyncset.done $0x0  }
0x8b: {  	s0 =	sshll.u32 s0, $0x6;
	p0 =	sne.s32 s28, s14;
	[sflag:s17] =	ssyncadd.s32 $0xFFFFC000  }
.Ltmp2:
0x8c: {  	s0 =	sor.u32 $0x1C05, s0;
	[bflag:$0x0] =	sbarrier.arrive $0xFFFF;
	(pc) =	sbr.rel @p0 .LBB2_1-.Ltmp2, $4  }
0x8d: {  	[hbm:s24], [sflag:s0] =	dma.local [spmem:s1], $0x2780  }
0x8e: {  	_ =	swait.ge [sflag:s17], $0x2780  }
0x8f: {  	[sflag:s17] =	ssyncset.done $0x0  }
0x90: {  	[sflag:s17] =	ssyncadd.s32 $0xFFFFD880  }
0x91: {  	_ =	sfence.sel $0x180000  }
0x92: {  	[bflag:$0x0] =	sbarrier.arrive $0xFFFF  }
0x93: {  	_ =	strace $0x9000004A  }
0x94: {  	s0 =	stileid.u32;
	[bflag:$0x2] =	sbarrier.arrive $0xFFFF  }
0x95: {  	p0 =	sne.s32 s0, $0x0;
	s0 =	rddreg [dreg:$0x2]  }
0x96: {  	s0 =	sadd.s32 @!p0 $0x100000, s0  }
0x97: {  	[sflag:s0] =	ssyncadd.tile.s32 @!p0 $0x1;
	_ =	shalt  }
.Lfunc_end2:
_tile_overlayer_lowered:
.L_overlay_start_2:
0x98: {  	(tag) =	ssettag $0x2  }
0x99: {  	s0 =	rddreg [dreg:$0x0];
	s2 =	stileid.u32  }
0x9a: {  	s1 =	rddreg [dreg:$0x1];
	p0 =	sne.s32 s2, $0x0  }
0x9b: {  	s3 =	rddreg [dreg:$0x2];
	[bflag:$0x3] =	sbarrier.arrive $0xFFFF;
	s2 =	simm.s32 @!p0 $0x1C05  }
0x9c: {  	[timem:s3], [sflag:s2] =	dma.local @!p0 [hbm:s0], s1  }
0x9d: {  	s0 =	simm.s32 @!p0 $0x5  }
0x9e: {  	_ =	swait.ge @!p0 [sflag:s0], s1  }
0x9f: {  	s1 =	ssub.s32 @!p0 $0x0, s1;
	[sflag:s0] =	ssyncset.done @!p0 $0x0  }
0xa0: {  	[sflag:s0] =	ssyncadd.s32 @!p0 s1  }
0xa1: {  	[bflag:$0x3] =	sbarrier.arrive $0xFFFF  }
0xa2: {  	_ =	shalt  }

// kernel: kernel.14.cloned.1.call-start
scs
__scs_entry_jumppad:
0x0: {  	(pc) =	sbr.rel $0x88, $3  }
0x1: {  	(tag) =	ssettag $0x0;
	lr =	simm.s32 $0x1  }
0x2: {  	[smem:$0x3F90] =	sst lr;
	_ =	strace $0xD0000000  }
0x3: {  	_ = 	snop  }
0x4: {  	_ = 	snop  }
0x5: {  	_ = 	snop  }
0x6: {  	_ = 	snop  }
0x7: {  	_ = 	snop  }
__scs_overlays_trampoline_lowered:
0x8: {  	[smem:$0x3F9F] =	sst s0  }
0x9: {  	[smem:$0x3FA0] =	sst s1  }
0xa: {  	[smem:$0x3FA1] =	sst s2  }
0xb: {  	[smem:$0x3FA2] =	sst s3  }
0xc: {  	[smem:$0x3FA3] =	sst s4  }
0xd: {  	[smem:$0x3FA4] =	sst s5  }
0xe: {  	[smem:$0x3FA5] =	sst s6  }
0xf: {  	[smem:$0x3FA6] =	sst s7  }
0x10: {  	[smem:$0x3FA7] =	sst s8  }
0x11: {  	[smem:$0x3FA8] =	sst s9;
	s0 =	simm.s32 @!p0 $0x0  }
0x12: {  	s1 =	sld [smem:$0x3F8E];
	s0 =	simm.s32 @p0 $0x1  }
0x13: {  	[smem:$0x3FA9] =	sst s0;
	s0 =	simm.s32 @!p1 $0x0  }
0x14: {  	s2 =	sld [smem:$0x3F8D];
	s0 =	simm.s32 @p1 $0x1  }
0x15: {  	[smem:$0x3FAA] =	sst s0;
	s0 =	simm.s32 @!p2 $0x0  }
0x16: {  	s3 =	sld [smem:$0x3FDB];
	s0 =	simm.s32 @p2 $0x1  }
0x17: {  	s4 =	simm.s32 $0x1BF5;
	[smem:$0x3FAC] =	sst s0  }
0x18: {  	s0 =	sld [smem:$0x3F8F];
	_ =	swait.ge [sflag:s4], $0x0  }
0x19: {  	s7 =	sld [smem:$0x3F90]  }
0x1a: {  	s8 =	sadd.s32 $0xFFFFE003, lr  }
0x1b: {  	s9 =	sadd.s32 $0xFFFFFEF7, lr;
	s5 =	simm.s32 $0xFFFFFFFF;
	p2 =	slt.u32 s8, $0xFFFFF086  }
0x1c: {  	p1 =	slt.u32 s9, $0xF7A;
	s5 =	simm.s32 @!p2 $0x0  }
0x1d: {  	s5 =	simm.s32 @p1 $0x1;
	p0 =	seq.s32 s7, s2  }
0x1e: {  	s7 =	smul.u32 @!p0 $0xF7A, s2;
	p2 =	seq.s32 @!p0 s5, $0x0  }
0x1f: {  	s9 =	smul.u32 $0xF7A, s1;
	s8 =	simm.s32 @!p0 $0x1BF5;
	p2 =	por !p2, p0  }
0x20: {  	[sflag:s8] =	ssyncset.s32 @!p0 $0xFFFFF086;
	s6 =	sadd.s32 @!p0 s3, s7;
	s7 =	simm.s32 @!p0 $0x108  }
0x21: {  	s3 =	sadd.s32 s3, s9;
	s6 =	sadd.s32 @!p0 $0x88, s6;
	s7 =	simm.s32 @p2 $0x1082  }
0x22: {  	[simem:s7], [sflag:s8] =	dma.local @!p0 [hbm:s6], $0xF7A  }
0x23: {  	s9 =	sor.u32 $0xD0000000, s2;
	s6 =	simm.s32 $0x108;
	_ =	swait.ge @!p0 [sflag:s8], $0x0  }
0x24: {  	s3 =	sadd.s32 $0x88, s3;
	s6 =	simm.s32 @!p1 $0x1082;
	[sflag:s4] =	ssyncset.s32 $0xFFFFF086  }
0x25: {  	[simem:s6], [sflag:s4] =	dma.local [hbm:s3], $0xF7A  }
0x26: {  	[smem:$0x3F90] =	sst s1;
	(tag) =	ssettag s2;
	_ =	strace s9  }
0x27: {  	s1 =	sld [smem:$0x3FA0]  }
0x28: {  	s2 =	sld [smem:$0x3FA1]  }
0x29: {  	s4 =	sld [smem:$0x3FA3]  }
0x2a: {  	p0 =	seq.s32 s5, $0x0;
	s5 =	sld [smem:$0x3FA4]  }
0x2b: {  	s6 =	sld [smem:$0x3FA5]  }
0x2c: {  	s7 =	sld [smem:$0x3FA6]  }
0x2d: {  	s3 =	simm.s32 $0x108;
	s8 =	sld [smem:$0x3FA7]  }
0x2e: {  	s3 =	simm.s32 @!p0 $0x1082;
	s9 =	sld [smem:$0x3FA8]  }
0x2f: {  	lr =	sadd.s32 s0, s3;
	s0 =	sld [smem:$0x3F9F]  }
0x30: {  	s3 =	sld [smem:$0x3FA2]  }
0x31: {  	[smem:$0x3FAB] =	sst s10  }
0x32: {  	s10 =	sld [smem:$0x3FA9];
	_ =	sdelay $0x3  }
0x33: {  	p0 =	seq.s32 s10, $0x1;
	s10 =	sld [smem:$0x3FAB];
	_ =	sdelay $0x3  }
0x34: {  	[smem:$0x3FAB] =	sst s10  }
0x35: {  	s10 =	sld [smem:$0x3FAA];
	_ =	sdelay $0x3  }
0x36: {  	p1 =	seq.s32 s10, $0x1;
	s10 =	sld [smem:$0x3FAB];
	_ =	sdelay $0x3  }
0x37: {  	[smem:$0x3FAB] =	sst s10  }
0x38: {  	s10 =	sld [smem:$0x3FAC]  }
0x39: {  	_ = 	snop;
	(pc) =	sbr.ind lr, $3  }
0x3a: {  	_ = 	snop  }
0x3b: {  	_ = 	snop  }
0x3c: {  	p2 =	seq.s32 s10, $0x1;
	s10 =	sld [smem:$0x3FAB]  }
0x3d: {  	_ =	shalt  }
0x3e: {  	_ =	shalt  }
0x3f: {  	_ =	shalt  }
0x40: {  	_ =	shalt  }
0x41: {  	_ =	shalt  }
0x42: {  	_ =	shalt  }
0x43: {  	_ =	shalt  }
0x44: {  	_ =	shalt  }
0x45: {  	_ =	shalt  }
0x46: {  	_ =	shalt  }
0x47: {  	_ =	shalt  }
0x48: {  	_ =	shalt  }
0x49: {  	_ =	shalt  }
0x4a: {  	_ =	shalt  }
0x4b: {  	_ =	shalt  }
0x4c: {  	_ =	shalt  }
0x4d: {  	_ =	shalt  }
0x4e: {  	_ =	shalt  }
0x4f: {  	_ =	shalt  }
0x50: {  	_ =	shalt  }
0x51: {  	_ =	shalt  }
0x52: {  	_ =	shalt  }
0x53: {  	_ =	shalt  }
0x54: {  	_ =	shalt  }
0x55: {  	_ =	shalt  }
0x56: {  	_ =	shalt  }
0x57: {  	_ =	shalt  }
0x58: {  	_ =	shalt  }
0x59: {  	_ =	shalt  }
0x5a: {  	_ =	shalt  }
0x5b: {  	_ =	shalt  }
0x5c: {  	_ =	shalt  }
0x5d: {  	_ =	shalt  }
0x5e: {  	_ =	shalt  }
0x5f: {  	_ =	shalt  }
0x60: {  	_ =	shalt  }
0x61: {  	_ =	shalt  }
0x62: {  	_ =	shalt  }
0x63: {  	_ =	shalt  }
0x64: {  	_ =	shalt  }
0x65: {  	_ =	shalt  }
0x66: {  	_ =	shalt  }
0x67: {  	_ =	shalt  }
0x68: {  	_ =	shalt  }
0x69: {  	_ =	shalt  }
0x6a: {  	_ =	shalt  }
0x6b: {  	_ =	shalt  }
0x6c: {  	_ =	shalt  }
0x6d: {  	_ =	shalt  }
0x6e: {  	_ =	shalt  }
0x6f: {  	_ =	shalt  }
0x70: {  	_ =	shalt  }
0x71: {  	_ =	shalt  }
0x72: {  	_ =	shalt  }
0x73: {  	_ =	shalt  }
0x74: {  	_ =	shalt  }
0x75: {  	_ =	shalt  }
0x76: {  	_ =	shalt  }
0x77: {  	_ =	shalt  }
0x78: {  	_ =	shalt  }
0x79: {  	_ =	shalt  }
0x7a: {  	_ =	shalt  }
0x7b: {  	_ =	shalt  }
0x7c: {  	_ =	shalt  }
0x7d: {  	_ =	shalt  }
0x7e: {  	_ =	shalt  }
0x7f: {  	_ =	shalt  }
0x80: {  	_ =	shalt  }
0x81: {  	_ =	shalt  }
0x82: {  	_ =	shalt  }
0x83: {  	_ =	shalt  }
0x84: {  	_ =	shalt  }
0x85: {  	_ =	shalt  }
0x86: {  	_ =	shalt  }
0x87: {  	_ =	shalt  }
.Lfunc_end0:
.L_simem_size_0:
called_computation.2_lowered:
.L_overlay_start_0:
0x88: {  	s2 =	sld [smem:$0x3FD9]  }
0x89: {  	s3 =	sld [smem:$0x3FFE];
	_ =	sdelay $0x1  }
0x8a: {  	s1 =	srdreg.scid  }
0x8b: {  	s0 =	sand.u32 $0x1, s1  }
0x8c: {  	s16 =	sshll.u32 s0, $0xA;
	s2 =	sadd.s32 s3, s2  }
0x8d: {  	s2 =	sadd.s32 s2, s16  }
0x8e: {  	[smem:$0x3FB7] =	sst s2  }
0x8f: {  	_ = 	snop  }
0x90: {  	(tm) =	ssettm $0x1  }
0x91: {  	s17 =	sld [smem:$0x3FFB];
	_ =	sdelay $0x3  }
0x92: {  	_ =	strace s17  }
0x93: {  	s2 =	sld [smem:$0x3FFC];
	_ =	sdelay $0x3  }
0x94: {  	_ =	strace s2  }
0x95: {  	s2 =	sld [smem:$0x3FFD];
	_ =	sdelay $0x3  }
0x96: {  	_ =	strace s2  }
0x97: {  	_ =	strace $0x8FFFFFFF  }
0x98: {  	s18 =	sld [smem:$0x3FDB];
	_ =	sdelay $0x1  }
0x99: {  	s19 =	simm.s32 $_scs_section_size  }
0x9a: {  	s4 =	simm.s32 $_size__tile_overlayer_lowered;
	s5 =	simm.s32 $_tile_overlayer_lowered  }
0x9b: {  	s22 =	simm.s32 $0x1BFF;
	s21 =	sshll.u32 s5, $0x1;
	s2 =	sadd.s32 s19, s18  }
0x9c: {  	s6 =	simm.s32 $0x0;
	s20 =	sshll.u32 s4, $0x1;
	s4 =	sadd.s32 s21, s2  }
0x9d: {  	[timem:s6], [sflag:s22] =	dma.local [hbm:s4], s20  }
0x9e: {  	_ =	swait.ge [sflag:s22], s20  }
0x9f: {  	s3 =	ssub.s32 $0x0, s20;
	[sflag:s22] =	ssyncset.done $0x0  }
0xa0: {  	[sflag:s22] =	ssyncadd.s32 s3;
	_ =	sdelay $0x1  }
0xa1: {  	s23 =	simm.s32 $0x1B8B  }
0xa2: {  	_ =	swait.ge [sflag:s23], $0x1  }
0xa3: {  	[sflag:s23] =	ssyncset.done $0x0  }
0xa4: {  	s25 =	simm.s32 $0x1B8E;
	s24 =	sld [smem:$0x3FFE];
	[sflag:s23] =	ssyncadd.s32 $0xFFFFFFFF  }
0xa5: {  	s26 =	simm.s32 $execute0_lowered;
	[smem:$0x3FD2] =	sst s25  }
0xa6: {  	s4 =	sshll.u32 s26, $0x1;
	_ =	strace $0x8000004C;
	[dreg:$0x1] =	wrdreg $0xFFFFFFFF  }
0xa7: {  	s28 =	simm.s32 $_size_execute0_lowered;
	s2 =	sadd.s32 s2, s4;
	[dreg:$0x0] =	wrdreg $0x0  }
0xa8: {  	s4 =	sshll.u32 s28, $0x1;
	[dreg:$0x2] =	wrdreg s2  }
0xa9: {  	[dreg:$0x3] =	wrdreg s4  }
0xaa: {  	[dreg:$0x4] =	wrdreg $0xC0  }
0xab: {  	_ =	task [dreg:s6], $0x5FFFF  }
0xac: {  	[dreg:$0x1] =	wrdreg $0xFFFFFFFF  }
0xad: {  	[dreg:$0x0] =	wrdreg $0x60  }
0xae: {  	[dreg:$0x2] =	wrdreg s24  }
0xaf: {  	[dreg:$0x3] =	wrdreg $0x41800  }
0xb0: {  	[dreg:$0x4] =	wrdreg $0x9  }
0xb1: {  	_ =	task.clear_ibuf [dreg:s6], $0x5FFFF;
	_ =	strace $0x9000004C  }
0xb2: {  	s29 =	simm.s32 $0x9;
	_ =	strace $0x8000004E  }
0xb3: {  	_ =	swait.ge [sflag:s29], $0x1  }
0xb4: {  	[sflag:s29] =	ssyncadd.s32 $0xFFFFFFFF  }
0xb5: {  	_ =	strace $0x9000004E  }
0xb6: {  	_ =	sfence  }
0xb7: {  	s30 =	sld [smem:$0x0];
	_ =	sdelay $0x2  }
0xb8: {  	s31 =	sshll.u32 s1, $0xD;
	s1 =	sshrl.u32 s1, $0x2  }
0xb9: {  	s3 =	sand.u32 $0x4000, s31;
	s1 =	sadd.s32 s1, s30  }
0xba: {  	s0 =	sor.u32 s3, s0;
	s1 =	sshll.u32 s1, $0x11  }
0xbb: {  	s0 =	sor.u32 s1, s0  }
0xbc: {  	s0 =	sadd.s32 $0x8F2B, s0  }
0xbd: {  	[sflag:s0] =	ssyncadd.remote.s32 $0x1  }
0xbe: {  	_ =	sfence.sel $0xFFFF  }
0xbf: {  	[dreg:$0x0] =	wrdreg $0xFFFFFFFF;
	(pc) =	sbr.abs _section_cstart, $3  }
0xc0: {  	[dreg:$0x1] =	wrdreg $0xFFFFFFFF  }
0xc1: {  	_ =	task.clear_ibuf [dreg:s6], $0x2FFFF;
	_ =	strace $0x9FFFFFFF  }
0xc2: {  	(tm) =	ssettm $0x7FFFFFFF  }
0xc3: {  	_ =	shalt  }
tec
execute0_lowered:
.L_overlay_start_1:
0x0: {  	(tag) =	ssettag $0x1  }
0x1: {  	s5 =	rddreg [dreg:$0x0]  }
0x2: {  	s1 =	rddreg [dreg:$0x1]  }
0x3: {  	s0 =	rddreg [dreg:$0x2];
	s3 =	simm.s32 $0x0  }
0x4: {  	s4 =	srdreg.scid;
	s2 =	stileid.u32;
	s12 =	simm.s32 $0x2  }
0x5: {  	s13 =	simm.s32 $0x100;
	s17 =	simm.s32 $0x80;
	s18 =	simm.s32 $0x1  }
0x6: {  	s19 =	simm.s32 $0x0;
	[smem:$0x7FF] =	sst s3;
	s6 =	sand.u32 $0x1, s4  }
0x7: {  	s7 =	sshrl.u32 s2, $0x2;
	s30 =	sshll.u32 s2, $0x8;
	s31 =	smul.u32 $0x1A000, s2  }
0x8: {  	s15 =	smul.u32 $0xD00, s2;
	s16 =	sshll.u32 s2, $0x6;
	s8 =	sshll.u32 s6, $0x7  }
0x9: {  	s4 =	sand.u32 $0x300, s30;
	s9 =	smul.u32 $0x14400, s7;
	_ =	strace $0x8000004D  }
0xa: {  	s7 =	sshll.u32 s7, $0xA;
	s10 =	smul.u32 $0xD000, s6;
	s6 =	ssub.s32 $0x2, s6  }
0xb: {  	s8 =	sor.u32 s8, s4;
	s4 =	sadd.s32 $0x3800, s5;
	s11 =	sshrl.u32 s6, $0x1  }
0xc: {  	s9 =	sor.u32 s9, s8;
	s7 =	sor.u32 s7, s8;
	s8 =	sshrl.u32 s31, $0x2  }
0xd: {  	s10 =	sadd.s32 s10, s5;
	s11 =	ssub.s32 s6, s11;
	s9 =	sshrl.u32 s9, $0x3  }
.Ltmp0:
0xe: {  	s7 =	sshrl.u32 s7, $0x3;
	s14 =	sadd.s32 $0x49E00, s10;
	(pc) =	sbr.rel .LBB2_1-.Ltmp0, $4  }
0xf: {  	s10 =	smax.u32 s11, $0x1;
	s11 =	simm.s32 $0x180;
	s9 =	sadd.s32 s9, s5  }
0x10: {  	s7 =	sadd.s32 s7, s5;
	s5 =	sadd.s32 s8, s1;
	s14 =	sadd.s32 s15, s14  }
0x11: {  	s15 =	sor.u32 $0x1C02, s16;
	s6 =	sadd.s32 $0x4000, s5;
	s7 =	sadd.s32 $0x49C00, s7  }
0x12: {  	v0 =	vimm.f32 $0.0e+00;
	s8 =	sadd.s32 $0x35800, s9;
	s9 =	sadd.s32 $0x3FA00, s9;
	s16 =	sshrl.u32 s5, $0x3  }
.LBB2_7:
0x13: {  	s20 =	sadd.s32 s22, s8;
	[sflag:s12] =	ssyncadd.s32 @p0 $0xFFFFC000  }
0x14: {  	[tilespmem:s3], [sflag:$0x2] =	stream.linear.gather [hbm4b:s20+s3], $0x80, $0x38;
	[tilespmem:$0xA980] =	vst v63  }
0x15: {  	_ =	swait.ge [sflag:s12], $0x80  }
0x16: {  	[sflag:s12] =	ssyncset.done $0x0  }
0x17: {  	s31 =	sadd.s32 s22, s9;
	[sflag:s12] =	ssyncadd.s32 $0xFFFFFF80  }
0x18: {  	[tilespmem:s17], [sflag:$0x2] =	stream.linear.gather [hbm4b:s31+s3], $0x80, $0x38;
	[tilespmem:$0xA980] =	vst v63  }
0x19: {  	_ =	swait.ge [sflag:s12], $0x80  }
0x1a: {  	[sflag:s12] =	ssyncset.done $0x0  }
0x1b: {  	[sflag:s12] =	ssyncadd.s32 $0xFFFFFF80  }
0x1c: {  	[tilespmem:s11], [sflag:$0x1] =	stream.indirect.gather [hbm4b:s4+s17], $0x80, s3, s17, $0xb8;
	[tilespmem:$0xA980] =	vst v63  }
0x1d: {  	_ =	swait.ge [sflag:s18], $0x4000  }
0x1e: {  	[sflag:s18] =	ssyncset.done $0x0  }
0x1f: {  	[sflag:s18] =	ssyncadd.s32 $0xFFFFC000  }
0x20: {  	[spmem:s1] =	stream.indirect.scatter.add.f32 [tilespmem:s11], [sflag:$0x2], $0x80, s17, s17, $0xb8;
	[tilespmem:$0xA980] =	vst v63  }
0x21: {  	_ =	swait.ge [sflag:s12], $0x4000  }
0x22: {  	[sflag:s12] =	ssyncset.done $0x0  }
0x23: {  	[sflag:s12] =	ssyncadd.s32 $0xFFFFC000  }
.LBB2_8:
0x24: {  	s19 =	sadd.s32 $0x1, s19  }
0x25: {  	p0 =	sne.s32 s19, s10  }
.Ltmp1:
0x26: {  	[bflag:$0x0] =	sbarrier.arrive $0xFFFF;
	(pc) =	sbr.rel @!p0 .LBB2_9-.Ltmp1, $4  }
0x27: {  	[hbm:s14], [sflag:s15] =	dma.local [spmem:s16], $0xD00  }
0x28: {  	_ =	swait.ge [sflag:s12], $0xD00  }
0x29: {  	[sflag:s12] =	ssyncset.done $0x0  }
0x2a: {  	[sflag:s12] =	ssyncadd.s32 $0xFFFFF300  }
.LBB2_1:
0x2b: {  	s20 =	simm.s32 $0x0;
	s21 =	simm.s32 $0x200  }
.LBB2_2:
0x2c: {  	p0 =	sne.s32 s21, $0xFE00;
	[tilespmem:s20+$0x1F0] =	vst v0  }
0x2d: {  	[tilespmem:s20+$0x180] =	vst v0  }
0x2e: {  	[tilespmem:s20+$0x190] =	vst v0  }
.Ltmp2:
0x2f: {  	[tilespmem:s20+$0x1A0] =	vst v0;
	(pc) =	sbr.rel @p0 .LBB2_2-.Ltmp2, $4  }
0x30: {  	[tilespmem:s20+$0x1B0] =	vst v0  }
0x31: {  	[tilespmem:s20+$0x1C0] =	vst v0  }
0x32: {  	[tilespmem:s20+$0x1D0] =	vst v0  }
0x33: {  	[tilespmem:s20+$0x1E0] =	vst v0;
	s20 =	sshra.s32 s21, $0x2;
	s21 =	sadd.s32 $0x200, s21  }
0x34: {  	[tilespmem:s20+$0x1F0] =	vst v0  }
0x35: {  	[tilespmem:s20+$0x180] =	vst v0  }
0x36: {  	[tilespmem:s20+$0x190] =	vst v0  }
0x37: {  	[tilespmem:s20+$0x1A0] =	vst v0  }
0x38: {  	[tilespmem:s20+$0x1B0] =	vst v0  }
0x39: {  	[tilespmem:s20+$0x1C0] =	vst v0  }
0x3a: {  	[tilespmem:s20+$0x1D0] =	vst v0  }
0x3b: {  	[tilespmem:s20+$0x1E0] =	vst v0  }
0x3c: {  	[spmem:s5] =	stream.linear.scatter [tilespmem:s11], [sflag:$0x2], $0x4000, $0x38;
	[tilespmem:$0xA980] =	vst v63  }
0x3d: {  	_ =	swait.ge [sflag:s12], $0x4000  }
0x3e: {  	[sflag:s12] =	ssyncset.done $0x0  }
0x3f: {  	[sflag:s12] =	ssyncadd.s32 $0xFFFFC000  }
0x40: {  	[spmem:s6] =	stream.linear.scatter [tilespmem:s11], [sflag:$0x2], $0x2800, $0x38;
	[tilespmem:$0xA980] =	vst v63  }
0x41: {  	_ =	swait.ge [sflag:s12], $0x2800  }
0x42: {  	[sflag:s12] =	ssyncset.done $0x0  }
0x43: {  	[sflag:s12] =	ssyncadd.s32 $0xFFFFD800  }
0x44: {  	[tilespmem:s13], [sflag:$0x2] =	stream.linear.gather [hbm4b:s7+s3], $0x80, $0x38;
	[tilespmem:$0xA980] =	vst v63  }
0x45: {  	_ =	swait.ge [sflag:s12], $0x80  }
0x46: {  	[sflag:s12] =	ssyncset.done $0x0  }
0x47: {  	[sflag:s12] =	ssyncadd.s32 $0xFFFFFF80  }
0x48: {  	[bflag:$0x0] =	sbarrier.arrive $0xFFFF  }
0x49: {  	v1 =	vld [tilespmem:$0x100];
	_ =	sdelay $0x4  }
0x4a: {  	(v2sf) =	vpush v1, $0x0;
	_ =	sdelay $0xe  }
0x4b: {  	s31 =	spop (v2sf)  }
0x4c: {  	s20 =	sadd.s32 $0x7F, s31  }
0x4d: {  	s20 =	sshrl.u32 s20, $0x7  }
0x4e: {  	p0 =	seq.s32 s20, $0x0  }
.Ltmp3:
0x4f: {  	_ = 	snop;
	(pc) =	sbr.rel @p0 .LBB2_8-.Ltmp3, $1  }
0x50: {  	_ =	sdelay $0x3  }
0x51: {  	p1 =	sne.s32 s20, $0x1  }
.Ltmp4:
0x52: {  	_ = 	snop;
	(pc) =	sbr.rel @!p1 .LBB2_7-.Ltmp4, $3  }
0x53: {  	_ =	sdelay $0x1  }
0x54: {  	s21 =	simm.s32 $0x0  }
0x55: {  	s20 =	sadd.s32 $0xFFFFFFFF, s20;
	p0 =	por $0x0, $0x0;
	s22 =	sand.u32 $0x1FFFFF80, s21  }
0x56: {  	s21 =	sadd.s32 s22, s8  }
0x57: {  	[tilespmem:s3], [sflag:$0x2] =	stream.linear.gather [hbm4b:s21+s3], $0x80, $0x38;
	[tilespmem:$0xA980] =	vst v63  }
0x58: {  	_ =	swait.ge [sflag:s12], $0x80  }
0x59: {  	[sflag:s12] =	ssyncset.done $0x0  }
0x5a: {  	s31 =	sadd.s32 s22, s9;
	[sflag:s12] =	ssyncadd.s32 $0xFFFFFF80  }
0x5b: {  	[tilespmem:s17], [sflag:$0x2] =	stream.linear.gather [hbm4b:s31+s3], $0x80, $0x38;
	[tilespmem:$0xA980] =	vst v63  }
0x5c: {  	_ =	swait.ge [sflag:s12], $0x80  }
0x5d: {  	[sflag:s12] =	ssyncset.done $0x0  }
0x5e: {  	[sflag:s12] =	ssyncadd.s32 $0xFFFFFF80  }
0x5f: {  	[tilespmem:s11], [sflag:$0x1] =	stream.indirect.gather [hbm4b:s4+s17], $0x80, s3, s17, $0xb8;
	[tilespmem:$0xA980] =	vst v63  }
0x60: {  	p1 =	sne.s32 s20, $0x1;
	_ =	swait.ge [sflag:s18], $0x4000  }
.Ltmp5:
0x61: {  	[sflag:s18] =	ssyncset.done $0x0;
	(pc) =	sbr.rel @!p1 .LBB2_7-.Ltmp5, $4  }
0x62: {  	[sflag:s18] =	ssyncadd.s32 $0xFFFFC000  }
0x63: {  	[spmem:s1] =	stream.indirect.scatter.add.f32 [tilespmem:s11], [sflag:$0x2], $0x80, s17, s17, $0xb8;
	[tilespmem:$0xA980] =	vst v63  }
0x64: {  	s20 =	sadd.s32 $0xFFFFFFFF, s20;
	s21 =	simm.s32 $0x80;
	_ =	swait.ge [sflag:s12], $0x4000  }
0x65: {  	p0 =	por $0x1, $0x1;
	s22 =	sand.u32 $0x1FFFFF80, s21;
	[sflag:s12] =	ssyncset.done $0x0  }
.LBB2_6:
0x66: {  	p1 =	sne.s32 s20, $0x1;
	s23 =	sadd.s32 s22, s8;
	[sflag:s12] =	ssyncadd.s32 $0xFFFFC000  }
0x67: {  	[tilespmem:s3], [sflag:$0x2] =	stream.linear.gather [hbm4b:s23+s3], $0x80, $0x38;
	[tilespmem:$0xA980] =	vst v63  }
0x68: {  	s20 =	sadd.s32 $0xFFFFFFFF, s20;
	_ =	swait.ge [sflag:s12], $0x80  }
0x69: {  	[sflag:s12] =	ssyncset.done $0x0  }
0x6a: {  	s22 =	sadd.s32 s22, s9;
	[sflag:s12] =	ssyncadd.s32 $0xFFFFFF80  }
0x6b: {  	[tilespmem:s17], [sflag:$0x2] =	stream.linear.gather [hbm4b:s22+s3], $0x80, $0x38;
	[tilespmem:$0xA980] =	vst v63  }
0x6c: {  	_ =	swait.ge [sflag:s12], $0x80  }
0x6d: {  	[sflag:s12] =	ssyncset.done $0x0  }
0x6e: {  	[sflag:s12] =	ssyncadd.s32 $0xFFFFFF80  }
0x6f: {  	[tilespmem:s11], [sflag:$0x1] =	stream.indirect.gather [hbm4b:s4+s17], $0x80, s3, s17, $0xb8;
	[tilespmem:$0xA980] =	vst v63  }
0x70: {  	_ =	swait.ge [sflag:s18], $0x4000  }
.Ltmp6:
0x71: {  	[sflag:s18] =	ssyncset.done $0x0;
	(pc) =	sbr.rel @p1 .LBB2_6-.Ltmp6, $4  }
0x72: {  	[sflag:s18] =	ssyncadd.s32 $0xFFFFC000  }
0x73: {  	[spmem:s1] =	stream.indirect.scatter.add.f32 [tilespmem:s11], [sflag:$0x2], $0x80, s17, s17, $0xb8;
	[tilespmem:$0xA980] =	vst v63  }
0x74: {  	s21 =	sadd.s32 $0x80, s21;
	_ =	swait.ge [sflag:s12], $0x4000  }
0x75: {  	s22 =	sand.u32 $0x1FFFFF80, s21;
	[sflag:s12] =	ssyncset.done $0x0  }
.Ltmp7:
0x76: {  	_ = 	snop;
	(pc) =	sbr.rel .LBB2_7-.Ltmp7, $1  }
0x77: {  	_ =	sdelay $0x3  }
.LBB2_9:
0x78: {  	_ =	sfence.sel $0x180000  }
0x79: {  	[bflag:$0x0] =	sbarrier.arrive $0xFFFF  }
0x7a: {  	p0 =	sne.s32 s2, $0x0;
	_ =	strace $0x9000004D  }
0x7b: {  	s0 =	sadd.s32 @!p0 $0x100000, s0;
	[bflag:$0x2] =	sbarrier.arrive $0xFFFF  }
0x7c: {  	[sflag:s0] =	ssyncadd.tile.s32 @!p0 $0x1;
	_ =	shalt  }
.Lfunc_end2:
_tile_overlayer_lowered:
.L_overlay_start_2:
0x7d: {  	(tag) =	ssettag $0x2  }
0x7e: {  	s0 =	rddreg [dreg:$0x0];
	s2 =	stileid.u32  }
0x7f: {  	s1 =	rddreg [dreg:$0x1];
	p0 =	sne.s32 s2, $0x0  }
0x80: {  	s3 =	rddreg [dreg:$0x2];
	[bflag:$0x3] =	sbarrier.arrive $0xFFFF;
	s2 =	simm.s32 @!p0 $0x1C02  }
0x81: {  	[timem:s3], [sflag:s2] =	dma.local @!p0 [hbm:s0], s1  }
0x82: {  	s0 =	simm.s32 @!p0 $0x2  }
0x83: {  	_ =	swait.ge @!p0 [sflag:s0], s1  }
0x84: {  	s1 =	ssub.s32 @!p0 $0x0, s1;
	[sflag:s0] =	ssyncset.done @!p0 $0x0  }
0x85: {  	[sflag:s0] =	ssyncadd.s32 @!p0 s1  }
0x86: {  	[bflag:$0x3] =	sbarrier.arrive $0xFFFF  }
0x87: {  	_ =	shalt  }

// kernel: kernel.8.cloned.1.call-start
scs
__scs_entry_jumppad:
0x0: {  	(pc) =	sbr.rel $0x88, $3  }
0x1: {  	(tag) =	ssettag $0x0;
	lr =	simm.s32 $0x1  }
0x2: {  	[smem:$0x3F90] =	sst lr;
	_ =	strace $0xD0000000  }
0x3: {  	_ = 	snop  }
0x4: {  	_ = 	snop  }
0x5: {  	_ = 	snop  }
0x6: {  	_ = 	snop  }
0x7: {  	_ = 	snop  }
__scs_overlays_trampoline_lowered:
0x8: {  	[smem:$0x3F9F] =	sst s0  }
0x9: {  	[smem:$0x3FA0] =	sst s1  }
0xa: {  	[smem:$0x3FA1] =	sst s2  }
0xb: {  	[smem:$0x3FA2] =	sst s3  }
0xc: {  	[smem:$0x3FA3] =	sst s4  }
0xd: {  	[smem:$0x3FA4] =	sst s5  }
0xe: {  	[smem:$0x3FA5] =	sst s6  }
0xf: {  	[smem:$0x3FA6] =	sst s7  }
0x10: {  	[smem:$0x3FA7] =	sst s8  }
0x11: {  	[smem:$0x3FA8] =	sst s9;
	s0 =	simm.s32 @!p0 $0x0  }
0x12: {  	s1 =	sld [smem:$0x3F8E];
	s0 =	simm.s32 @p0 $0x1  }
0x13: {  	[smem:$0x3FA9] =	sst s0;
	s0 =	simm.s32 @!p1 $0x0  }
0x14: {  	s2 =	sld [smem:$0x3F8D];
	s0 =	simm.s32 @p1 $0x1  }
0x15: {  	[smem:$0x3FAA] =	sst s0;
	s0 =	simm.s32 @!p2 $0x0  }
0x16: {  	s3 =	sld [smem:$0x3FDB];
	s0 =	simm.s32 @p2 $0x1  }
0x17: {  	s4 =	simm.s32 $0x1BF5;
	[smem:$0x3FAC] =	sst s0  }
0x18: {  	s0 =	sld [smem:$0x3F8F];
	_ =	swait.ge [sflag:s4], $0x0  }
0x19: {  	s7 =	sld [smem:$0x3F90]  }
0x1a: {  	s8 =	sadd.s32 $0xFFFFE003, lr  }
0x1b: {  	s9 =	sadd.s32 $0xFFFFFEF7, lr;
	s5 =	simm.s32 $0xFFFFFFFF;
	p2 =	slt.u32 s8, $0xFFFFF086  }
0x1c: {  	p1 =	slt.u32 s9, $0xF7A;
	s5 =	simm.s32 @!p2 $0x0  }
0x1d: {  	s5 =	simm.s32 @p1 $0x1;
	p0 =	seq.s32 s7, s2  }
0x1e: {  	s7 =	smul.u32 @!p0 $0xF7A, s2;
	p2 =	seq.s32 @!p0 s5, $0x0  }
0x1f: {  	s9 =	smul.u32 $0xF7A, s1;
	s8 =	simm.s32 @!p0 $0x1BF5;
	p2 =	por !p2, p0  }
0x20: {  	[sflag:s8] =	ssyncset.s32 @!p0 $0xFFFFF086;
	s6 =	sadd.s32 @!p0 s3, s7;
	s7 =	simm.s32 @!p0 $0x108  }
0x21: {  	s3 =	sadd.s32 s3, s9;
	s6 =	sadd.s32 @!p0 $0x88, s6;
	s7 =	simm.s32 @p2 $0x1082  }
0x22: {  	[simem:s7], [sflag:s8] =	dma.local @!p0 [hbm:s6], $0xF7A  }
0x23: {  	s9 =	sor.u32 $0xD0000000, s2;
	s6 =	simm.s32 $0x108;
	_ =	swait.ge @!p0 [sflag:s8], $0x0  }
0x24: {  	s3 =	sadd.s32 $0x88, s3;
	s6 =	simm.s32 @!p1 $0x1082;
	[sflag:s4] =	ssyncset.s32 $0xFFFFF086  }
0x25: {  	[simem:s6], [sflag:s4] =	dma.local [hbm:s3], $0xF7A  }
0x26: {  	[smem:$0x3F90] =	sst s1;
	(tag) =	ssettag s2;
	_ =	strace s9  }
0x27: {  	s1 =	sld [smem:$0x3FA0]  }
0x28: {  	s2 =	sld [smem:$0x3FA1]  }
0x29: {  	s4 =	sld [smem:$0x3FA3]  }
0x2a: {  	p0 =	seq.s32 s5, $0x0;
	s5 =	sld [smem:$0x3FA4]  }
0x2b: {  	s6 =	sld [smem:$0x3FA5]  }
0x2c: {  	s7 =	sld [smem:$0x3FA6]  }
0x2d: {  	s3 =	simm.s32 $0x108;
	s8 =	sld [smem:$0x3FA7]  }
0x2e: {  	s3 =	simm.s32 @!p0 $0x1082;
	s9 =	sld [smem:$0x3FA8]  }
0x2f: {  	lr =	sadd.s32 s0, s3;
	s0 =	sld [smem:$0x3F9F]  }
0x30: {  	s3 =	sld [smem:$0x3FA2]  }
0x31: {  	[smem:$0x3FAB] =	sst s10  }
0x32: {  	s10 =	sld [smem:$0x3FA9];
	_ =	sdelay $0x3  }
0x33: {  	p0 =	seq.s32 s10, $0x1;
	s10 =	sld [smem:$0x3FAB];
	_ =	sdelay $0x3  }
0x34: {  	[smem:$0x3FAB] =	sst s10  }
0x35: {  	s10 =	sld [smem:$0x3FAA];
	_ =	sdelay $0x3  }
0x36: {  	p1 =	seq.s32 s10, $0x1;
	s10 =	sld [smem:$0x3FAB];
	_ =	sdelay $0x3  }
0x37: {  	[smem:$0x3FAB] =	sst s10  }
0x38: {  	s10 =	sld [smem:$0x3FAC]  }
0x39: {  	_ = 	snop;
	(pc) =	sbr.ind lr, $3  }
0x3a: {  	_ = 	snop  }
0x3b: {  	_ = 	snop  }
0x3c: {  	p2 =	seq.s32 s10, $0x1;
	s10 =	sld [smem:$0x3FAB]  }
0x3d: {  	_ =	shalt  }
0x3e: {  	_ =	shalt  }
0x3f: {  	_ =	shalt  }
0x40: {  	_ =	shalt  }
0x41: {  	_ =	shalt  }
0x42: {  	_ =	shalt  }
0x43: {  	_ =	shalt  }
0x44: {  	_ =	shalt  }
0x45: {  	_ =	shalt  }
0x46: {  	_ =	shalt  }
0x47: {  	_ =	shalt  }
0x48: {  	_ =	shalt  }
0x49: {  	_ =	shalt  }
0x4a: {  	_ =	shalt  }
0x4b: {  	_ =	shalt  }
0x4c: {  	_ =	shalt  }
0x4d: {  	_ =	shalt  }
0x4e: {  	_ =	shalt  }
0x4f: {  	_ =	shalt  }
0x50: {  	_ =	shalt  }
0x51: {  	_ =	shalt  }
0x52: {  	_ =	shalt  }
0x53: {  	_ =	shalt  }
0x54: {  	_ =	shalt  }
0x55: {  	_ =	shalt  }
0x56: {  	_ =	shalt  }
0x57: {  	_ =	shalt  }
0x58: {  	_ =	shalt  }
0x59: {  	_ =	shalt  }
0x5a: {  	_ =	shalt  }
0x5b: {  	_ =	shalt  }
0x5c: {  	_ =	shalt  }
0x5d: {  	_ =	shalt  }
0x5e: {  	_ =	shalt  }
0x5f: {  	_ =	shalt  }
0x60: {  	_ =	shalt  }
0x61: {  	_ =	shalt  }
0x62: {  	_ =	shalt  }
0x63: {  	_ =	shalt  }
0x64: {  	_ =	shalt  }
0x65: {  	_ =	shalt  }
0x66: {  	_ =	shalt  }
0x67: {  	_ =	shalt  }
0x68: {  	_ =	shalt  }
0x69: {  	_ =	shalt  }
0x6a: {  	_ =	shalt  }
0x6b: {  	_ =	shalt  }
0x6c: {  	_ =	shalt  }
0x6d: {  	_ =	shalt  }
0x6e: {  	_ =	shalt  }
0x6f: {  	_ =	shalt  }
0x70: {  	_ =	shalt  }
0x71: {  	_ =	shalt  }
0x72: {  	_ =	shalt  }
0x73: {  	_ =	shalt  }
0x74: {  	_ =	shalt  }
0x75: {  	_ =	shalt  }
0x76: {  	_ =	shalt  }
0x77: {  	_ =	shalt  }
0x78: {  	_ =	shalt  }
0x79: {  	_ =	shalt  }
0x7a: {  	_ =	shalt  }
0x7b: {  	_ =	shalt  }
0x7c: {  	_ =	shalt  }
0x7d: {  	_ =	shalt  }
0x7e: {  	_ =	shalt  }
0x7f: {  	_ =	shalt  }
0x80: {  	_ =	shalt  }
0x81: {  	_ =	shalt  }
0x82: {  	_ =	shalt  }
0x83: {  	_ =	shalt  }
0x84: {  	_ =	shalt  }
0x85: {  	_ =	shalt  }
0x86: {  	_ =	shalt  }
0x87: {  	_ =	shalt  }
.Lfunc_end0:
.L_simem_size_0:
called_computation_lowered:
.L_overlay_start_0:
0x88: {  	s2 =	sld [smem:$0x3FD9]  }
0x89: {  	s3 =	sld [smem:$0x3FFE];
	_ =	sdelay $0x1  }
0x8a: {  	s1 =	srdreg.scid  }
0x8b: {  	s0 =	sand.u32 $0x1, s1  }
0x8c: {  	s16 =	sshll.u32 s0, $0xA;
	s2 =	sadd.s32 s3, s2  }
0x8d: {  	s2 =	sadd.s32 s2, s16  }
0x8e: {  	[smem:$0x3FB7] =	sst s2  }
0x8f: {  	_ = 	snop  }
0x90: {  	(tm) =	ssettm $0x1  }
0x91: {  	s17 =	sld [smem:$0x3FFB];
	_ =	sdelay $0x3  }
0x92: {  	_ =	strace s17  }
0x93: {  	s2 =	sld [smem:$0x3FFC];
	_ =	sdelay $0x3  }
0x94: {  	_ =	strace s2  }
0x95: {  	s2 =	sld [smem:$0x3FFD];
	_ =	sdelay $0x3  }
0x96: {  	_ =	strace s2  }
0x97: {  	_ =	strace $0x8FFFFFFF  }
0x98: {  	s18 =	sld [smem:$0x3FDB];
	_ =	sdelay $0x1  }
0x99: {  	s19 =	simm.s32 $_scs_section_size  }
0x9a: {  	s4 =	simm.s32 $_size__tile_overlayer_lowered;
	s5 =	simm.s32 $_tile_overlayer_lowered  }
0x9b: {  	s22 =	simm.s32 $0x1BFF;
	s21 =	sshll.u32 s5, $0x1;
	s2 =	sadd.s32 s19, s18  }
0x9c: {  	s6 =	simm.s32 $0x0;
	s20 =	sshll.u32 s4, $0x1;
	s4 =	sadd.s32 s21, s2  }
0x9d: {  	[timem:s6], [sflag:s22] =	dma.local [hbm:s4], s20  }
0x9e: {  	_ =	swait.ge [sflag:s22], s20  }
0x9f: {  	s3 =	ssub.s32 $0x0, s20;
	[sflag:s22] =	ssyncset.done $0x0  }
0xa0: {  	[sflag:s22] =	ssyncadd.s32 s3;
	_ =	sdelay $0x1  }
0xa1: {  	s23 =	simm.s32 $0x1B8B  }
0xa2: {  	_ =	swait.ge [sflag:s23], $0x1  }
0xa3: {  	[sflag:s23] =	ssyncset.done $0x0  }
0xa4: {  	s25 =	simm.s32 $0x1B8E;
	s24 =	sld [smem:$0x3FFE];
	[sflag:s23] =	ssyncadd.s32 $0xFFFFFFFF  }
0xa5: {  	s26 =	simm.s32 $execute0_lowered;
	[smem:$0x3FD2] =	sst s25  }
0xa6: {  	s4 =	sshll.u32 s26, $0x1;
	_ =	strace $0x80000046;
	[dreg:$0x1] =	wrdreg $0xFFFFFFFF  }
0xa7: {  	s28 =	simm.s32 $_size_execute0_lowered;
	s2 =	sadd.s32 s2, s4;
	[dreg:$0x0] =	wrdreg $0x0  }
0xa8: {  	s4 =	sshll.u32 s28, $0x1;
	[dreg:$0x2] =	wrdreg s2  }
0xa9: {  	[dreg:$0x3] =	wrdreg s4  }
0xaa: {  	[dreg:$0x4] =	wrdreg $0xC0  }
0xab: {  	_ =	task [dreg:s6], $0x5FFFF  }
0xac: {  	[dreg:$0x1] =	wrdreg $0xFFFFFFFF  }
0xad: {  	[dreg:$0x0] =	wrdreg $0x60  }
0xae: {  	[dreg:$0x2] =	wrdreg s24  }
0xaf: {  	[dreg:$0x3] =	wrdreg $0x9  }
0xb0: {  	_ =	task.clear_ibuf [dreg:s6], $0x4FFFF;
	_ =	strace $0x90000046  }
0xb1: {  	s29 =	simm.s32 $0x9;
	_ =	strace $0x80000048  }
0xb2: {  	_ =	swait.ge [sflag:s29], $0x1  }
0xb3: {  	[sflag:s29] =	ssyncadd.s32 $0xFFFFFFFF  }
0xb4: {  	_ =	strace $0x90000048  }
0xb5: {  	_ =	sfence  }
0xb6: {  	s30 =	sld [smem:$0x0];
	_ =	sdelay $0x2  }
0xb7: {  	s31 =	sshll.u32 s1, $0xD;
	s1 =	sshrl.u32 s1, $0x2  }
0xb8: {  	s3 =	sand.u32 $0x4000, s31;
	s1 =	sadd.s32 s1, s30  }
0xb9: {  	s0 =	sor.u32 s3, s0;
	s1 =	sshll.u32 s1, $0x11  }
0xba: {  	s0 =	sor.u32 s1, s0  }
0xbb: {  	s0 =	sadd.s32 $0x8F2B, s0  }
0xbc: {  	[sflag:s0] =	ssyncadd.remote.s32 $0x1  }
0xbd: {  	_ =	sfence.sel $0xFFFF  }
0xbe: {  	[dreg:$0x0] =	wrdreg $0xFFFFFFFF;
	(pc) =	sbr.abs _section_cstart, $3  }
0xbf: {  	[dreg:$0x1] =	wrdreg $0xFFFFFFFF  }
0xc0: {  	_ =	task.clear_ibuf [dreg:s6], $0x2FFFF;
	_ =	strace $0x9FFFFFFF  }
0xc1: {  	(tm) =	ssettm $0x7FFFFFFF  }
tec
execute0_lowered:
.L_overlay_start_1:
0x0: {  	(tag) =	ssettag $0x1  }
0x1: {  	s0 =	srdreg.scid  }
0x2: {  	s5 =	stileid.u32;
	s1 =	rddreg [dreg:$0x0]  }
0x3: {  	s15 =	simm.s32 $0xA180;
	s0 =	sand.u32 $0x1, s0;
	s2 =	sshll.u32 s5, $0x1  }
0x4: {  	s5 =	sshrl.u32 s5, $0x2;
	s3 =	sor.u32 s0, s2;
	s2 =	simm.s32 $0x0  }
0x5: {  	s6 =	smul.u32 $0x14400, s5;
	s5 =	sshll.u32 s5, $0xA;
	s0 =	ssub.s32 $0x2, s0  }
0x6: {  	s4 =	smul.u32 $0x500, s3;
	[smem:$0x7FF] =	sst s2;
	s24 =	sshrl.u32 s0, $0x1  }
0x7: {  	s3 =	sshll.u32 s3, $0x7;
	_ =	strace $0x80000047;
	s0 =	ssub.s32 s0, s24  }
0x8: {  	s3 =	sand.u32 $0x380, s3;
	s7 =	sadd.s32 s4, s1;
	s0 =	smax.u32 s0, $0x1  }
0x9: {  	v0 =	vimm.s32 $0xECA86420;
	vm0 =	vcmask $0xB08;
	vm1 =	vcmask $0x1310;
	s23 =	sor.u32 s6, s3;
	s25 =	sadd.s32 $0x17800, s7;
	[dreg:$0x9] =	wrdreg s0  }
0xa: {  	vm2 =	vcmask $0x1B18;
	vm4 =	vcmask $0x300;
	vm5 =	vcmask $0x2320;
	s3 =	sor.u32 s5, s3;
	s26 =	sadd.s32 $0x21800, s7;
	[dreg:$0x2] =	wrdreg s25  }
0xb: {  	vm6 =	vcmask $0x2B28;
	vm7 =	vcmask $0x3330;
	vm8 =	vcmask $0x3B38;
	s4 =	sshrl.u32 s23, $0x3;
	s28 =	sadd.s32 $0x3800, s7;
	[dreg:$0x3] =	wrdreg s26  }
0xc: {  	v3 =	vlaneseq.u32;
	vm9 =	vmmov $0xff;
	vm10 =	vcmask $0x704;
	s29 =	sadd.s32 $0x2B800, s7;
	s8 =	sadd.s32 s4, s1;
	[dreg:$0x4] =	wrdreg s28  }
0xd: {  	vm11 =	vcmask $0xF0C;
	vm12 =	vcmask $0x1714;
	vm13 =	vcmask $0x1F1C;
	s3 =	sshrl.u32 s3, $0x3;
	[dreg:$0x5] =	wrdreg s29;
	s30 =	sadd.s32 $0x35800, s8  }
0xe: {  	vm14 =	vcmask $0x2724;
	vm15 =	vcmask $0x2F2C;
	v0 =	vunpack.c.l.s4.s8 v0;
	s1 =	sadd.s32 s3, s1;
	s31 =	sadd.s32 $0x3FA00, s8;
	[dreg:$0x6] =	wrdreg s30  }
0xf: {  	vm3 =	vcmask $0x3734;
	s20 =	simm.s32 $0x7800;
	v2 =	vimm.s32 $0x0;
	v4 =	vimm.s32 $0xC80;
	s1 =	sadd.s32 $0x49C00, s1;
	[dreg:$0x7] =	wrdreg s31  }
0x10: {  	v1 =	vmul.u32 $0x2, v3;
	v3 =	vor.u32 $0x2900, v3;
	v0 =	vunpack.c.0.s8.s32 v0;
	s3 =	simm.s32 $0x0;
	[dreg:$0x8] =	wrdreg s1;
	s1 =	simm.s32 $0x1  }
.LBB2_1:
0x11: {  	[dreg:$0xa] =	wrdreg s3  }
0x12: {  	s0 =	rddreg [dreg:$0x2]  }
0x13: {  	[tilespmem:s2], [sflag:$0x1] =	stream.linear.gather [hbm4b:s0+s2], $0x2800, $0x38;
	[tilespmem:$0xCB80] =	vst v63  }
0x14: {  	_ =	swait.ge [sflag:s1], $0x2800  }
0x15: {  	[sflag:s1] =	ssyncset.done $0x0  }
0x16: {  	s29 =	simm.s32 $0x2800;
	s28 =	rddreg [dreg:$0x3];
	[sflag:s1] =	ssyncadd.s32 $0xFFFFD800  }
0x17: {  	[tilespmem:s29], [sflag:$0x1] =	stream.linear.gather [hbm4b:s28+s2], $0x2800, $0x38;
	[tilespmem:$0xCB80] =	vst v63  }
0x18: {  	_ =	swait.ge [sflag:s1], $0x2800  }
0x19: {  	[sflag:s1] =	ssyncset.done $0x0  }
0x1a: {  	s31 =	simm.s32 $0x5000;
	s30 =	rddreg [dreg:$0x4];
	[sflag:s1] =	ssyncadd.s32 $0xFFFFD800  }
0x1b: {  	[tilespmem:s31], [sflag:$0x1] =	stream.linear.gather [hbm4b:s30+s2], $0x2800, $0x38;
	[tilespmem:$0xCB80] =	vst v63  }
0x1c: {  	_ =	swait.ge [sflag:s1], $0x2800  }
0x1d: {  	[sflag:s1] =	ssyncset.done $0x0  }
0x1e: {  	s22 =	simm.s32 $0x0;
	s0 =	simm.s32 $0x0;
	[sflag:s1] =	ssyncadd.s32 $0xFFFFD800  }
.LBB2_2:
0x1f: {  	s21 =	sshra.s32 s0, $0x2  }
0x20: {  	v5 =	vld [tilespmem:s21+$0x5000];
	_ =	sdelay $0x4  }
0x21: {  	(v2sf) =	vpush v5, $0xD;
	_ =	sdelay $0x1  }
0x22: {  	(v2sf) =	vpush v5, $0xC;
	_ =	sdelay $0x1  }
0x23: {  	(v2sf) =	vpush v5, $0xE;
	_ =	sdelay $0x1  }
0x24: {  	(v2sf) =	vpush v5, $0xF;
	_ =	sdelay $0x1  }
0x25: {  	(v2sf) =	vpush v5, $0x9;
	_ =	sdelay $0x1  }
0x26: {  	(v2sf) =	vpush v5, $0x8;
	_ =	sdelay $0x1  }
0x27: {  	(v2sf) =	vpush v5, $0xA;
	_ =	sdelay $0x1  }
0x28: {  	(v2sf) =	vpush v5, $0xB  }
0x29: {  	s6 =	spop (v2sf)  }
0x2a: {  	[dreg:$0xb] =	wrdreg s0;
	(v2sf) =	vpush v5, $0x0;
	s1 =	smulhi.u32 $0x51EB851F, s6;
	s0 =	sshra.s32 s6, $0x1F  }
0x2b: {  	s23 =	spop (v2sf);
	s0 =	smul.u32 $0x51EB851F, s0  }
0x2c: {  	(v2sf) =	vpush v5, $0x1;
	s24 =	smulhi.u32 $0x51EB851F, s23;
	s23 =	sshra.s32 s23, $0x1F  }
0x2d: {  	s7 =	spop (v2sf);
	(v2sf) =	vpush v5, $0x2;
	s25 =	smul.u32 $0x51EB851F, s23  }
0x2e: {  	s28 =	smulhi.u32 $0x51EB851F, s7;
	s23 =	sshra.s32 s7, $0x1F;
	(v2sf) =	vpush v5, $0x3  }
0x2f: {  	s8 =	spop (v2sf);
	s29 =	smul.u32 $0x51EB851F, s23;
	(v2sf) =	vpush v5, $0x4  }
0x30: {  	s30 =	smulhi.u32 $0x51EB851F, s8;
	s23 =	sshra.s32 s8, $0x1F;
	(v2sf) =	vpush v5, $0x5  }
0x31: {  	s9 =	spop (v2sf);
	s31 =	smul.u32 $0x51EB851F, s23;
	(v2sf) =	vpush v5, $0x6  }
0x32: {  	s12 =	smulhi.u32 $0x51EB851F, s9;
	s26 =	sshra.s32 s9, $0x1F;
	(v2sf) =	vpush v5, $0x7  }
0x33: {  	s16 =	spop (v2sf);
	s10 =	smul.u32 $0x51EB851F, s26  }
0x34: {  	s23 =	sadd.s32 s0, s1;
	s13 =	smulhi.u32 $0x51EB851F, s16;
	s18 =	sshra.s32 s16, $0x1F  }
0x35: {  	s1 =	sshrl.u32 s23, $0x1F;
	s17 =	spop (v2sf);
	s18 =	smul.u32 $0x51EB851F, s18  }
0x36: {  	s26 =	sadd.s32 s25, s24;
	s3 =	smulhi.u32 $0x51EB851F, s17;
	s19 =	sshra.s32 s17, $0x1F  }
0x37: {  	s24 =	sadd.s32 s29, s28;
	s11 =	spop (v2sf);
	s2 =	smul.u32 $0x51EB851F, s19  }
0x38: {  	s16 =	sshrl.u32 s26, $0x1F;
	s17 =	smulhi.u32 $0x51EB851F, s11;
	s14 =	sshra.s32 s11, $0x1F  }
0x39: {  	s4 =	sshrl.u32 s24, $0x1F;
	s19 =	smul.u32 $0x51EB851F, s14;
	s9 =	spop (v2sf)  }
0x3a: {  	s25 =	sadd.s32 s31, s30;
	s31 =	smulhi.u32 $0x51EB851F, s9;
	s6 =	sshra.s32 s9, $0x1F  }
0x3b: {  	s28 =	sadd.s32 s10, s12;
	s10 =	spop (v2sf);
	s6 =	smul.u32 $0x51EB851F, s6  }
0x3c: {  	s12 =	smulhi.u32 $0x51EB851F, s10;
	s7 =	sshra.s32 s10, $0x1F;
	s8 =	spop (v2sf)  }
0x3d: {  	s0 =	sadd.s32 s18, s13;
	s7 =	smul.u32 $0x51EB851F, s7;
	s11 =	spop (v2sf)  }
0x3e: {  	s18 =	smulhi.u32 $0x51EB851F, s8;
	s8 =	sshra.s32 s8, $0x1F;
	s9 =	spop (v2sf)  }
0x3f: {  	s29 =	sadd.s32 s2, s3;
	s14 =	smul.u32 $0x51EB851F, s8;
	s8 =	spop (v2sf)  }
0x40: {  	s10 =	smulhi.u32 $0x51EB851F, s11;
	s13 =	sshra.s32 s11, $0x1F;
	s2 =	spop (v2sf)  }
0x41: {  	s30 =	sadd.s32 s19, s17;
	s13 =	smul.u32 $0x51EB851F, s13;
	s19 =	spop (v2sf)  }
0x42: {  	s5 =	sshrl.u32 s25, $0x1F;
	s11 =	smulhi.u32 $0x51EB851F, s19;
	s17 =	sshra.s32 s19, $0x1F  }
0x43: {  	s6 =	sadd.s32 s6, s31;
	s7 =	sadd.s32 s7, s12;
	s17 =	smul.u32 $0x51EB851F, s17  }
0x44: {  	v7 =	vmov s16;
	s12 =	sshrl.u32 s28, $0x1F;
	s3 =	sadd.s32 s14, s18;
	s18 =	sshrl.u32 s6, $0x1F  }
0x45: {  	v7 =	vsel vm0, s1, v7;
	s14 =	sshra.s32 s6, $0x5;
	s1 =	sshra.s32 s8, $0x1F;
	s31 =	sadd.s32 s17, s11  }
0x46: {  	s10 =	sadd.s32 s13, s10;
	s13 =	smulhi.u32 $0x51EB851F, s9;
	s19 =	sshra.s32 s31, $0x1F  }
0x47: {  	s6 =	sshra.s32 s6, $0x1F;
	s9 =	sshra.s32 s9, $0x1F;
	v8 =	vmov s18;
	s1 =	smul.u32 $0x51EB851F, s1;
	v6 =	vmov s19  }
0x48: {  	s18 =	sshra.s32 s7, $0x5;
	s9 =	smul.u32 $0x51EB851F, s9;
	v8 =	vnsel vm4, $0x0, v8;
	s17 =	sshrl.u32 s7, $0x1F;
	v6 =	vsel vm4, s14, v6  }
0x49: {  	s11 =	sshrl.u32 s29, $0x1F;
	v8 =	vsel vm0, s17, v8;
	s17 =	smulhi.u32 $0x51EB851F, s2;
	s2 =	sshra.s32 s2, $0x1F;
	v6 =	vsel vm10, s6, v6  }
0x4a: {  	v7 =	vsel vm1, s4, v7;
	s7 =	sshra.s32 s7, $0x1F;
	s19 =	sshrl.u32 s0, $0x1F;
	s2 =	smul.u32 $0x51EB851F, s2;
	v6 =	vsel vm0, s18, v6  }
0x4b: {  	v7 =	vsel vm2, s5, v7;
	s0 =	sshra.s32 s0, $0x5;
	s6 =	sshrl.u32 s3, $0x1F;
	s18 =	sshra.s32 s3, $0x5;
	v6 =	vsel vm11, s7, v6  }
0x4c: {  	s14 =	smulhi.u32 $0x51EB851F, s8;
	s8 =	sshrl.u32 s10, $0x1F;
	v9 =	vmov s19;
	v8 =	vsel vm1, s6, v8;
	s3 =	sshra.s32 s3, $0x1F;
	v6 =	vsel vm1, s18, v6  }
0x4d: {  	s19 =	sadd.s32 s9, s13;
	s13 =	sshra.s32 s26, $0x5;
	v10 =	vmov s0;
	v8 =	vsel vm2, s8, v8;
	s8 =	sshra.s32 s10, $0x5;
	v6 =	vsel vm12, s3, v6  }
0x4e: {  	v9 =	vsel vm0, s12, v9;
	s2 =	sadd.s32 s2, s17;
	v45 =	vmov s13;
	s17 =	sshra.s32 s28, $0x5;
	s10 =	sshra.s32 s10, $0x1F;
	v6 =	vsel vm2, s8, v6  }
0x4f: {  	s16 =	sshrl.u32 s30, $0x1F;
	s12 =	sshra.s32 s19, $0x5;
	v9 =	vsel vm1, s11, v9;
	v10 =	vsel vm0, s17, v10;
	s7 =	sshrl.u32 s19, $0x1F;
	v6 =	vsel vm13, s10, v6  }
0x50: {  	s1 =	sadd.s32 s1, s14;
	s14 =	sshra.s32 s19, $0x1F;
	v9 =	vsel vm2, s16, v9;
	s16 =	sshra.s32 s23, $0x5;
	v8 =	vsel vm5, s7, v8;
	v6 =	vsel vm5, s12, v6  }
0x51: {  	s9 =	sshrl.u32 s1, $0x1F;
	s23 =	sshra.s32 s29, $0x5;
	v7 =	vcombine.low v9, v7;
	s18 =	sshra.s32 s1, $0x5;
	v9 =	vsel vm0, s16, v45;
	v6 =	vsel vm14, s14, v6  }
0x52: {  	s28 =	sshra.s32 s30, $0x5;
	s19 =	sshra.s32 s24, $0x5;
	s24 =	sshra.s32 s1, $0x1F;
	v10 =	vsel vm1, s23, v10;
	v8 =	vsel vm6, s9, v8;
	v6 =	vsel vm6, s18, v6  }
0x53: {  	s26 =	sshra.s32 s25, $0x5;
	s11 =	sshrl.u32 s2, $0x1F;
	s29 =	sshra.s32 s2, $0x5;
	v9 =	vsel vm1, s19, v9;
	v10 =	vsel vm2, s28, v10;
	v6 =	vsel vm15, s24, v6  }
0x54: {  	s30 =	sshrl.u32 s31, $0x1F;
	s2 =	sshra.s32 s2, $0x1F;
	v8 =	vsel vm7, s11, v8;
	v9 =	vsel vm2, s26, v9;
	v6 =	vsel vm7, s29, v6  }
0x55: {  	s3 =	sshra.s32 s31, $0x5;
	v8 =	vsel vm8, s30, v8;
	v9 =	vcombine.low v10, v9;
	v6 =	vsel vm3, s2, v6  }
0x56: {  	v7 =	vperm.xlane v7, v0;
	v8 =	vperm.xlane v8, v1;
	v6 =	vsel vm8, s3, v6  }
0x57: {  	v9 =	vperm.xlane v9, v0;
	v6 =	vperm.xlane v6, v1;
	_ =	sdelay $0x1  }
0x58: {  	v7 =	vsel vm9, v8, v7;
	v6 =	vsel vm9, v6, v9  }
0x59: {  	v6 =	vadd.s32 v7, v6  }
0x5a: {  	v6 =	vmul.u32 $0x64, v6;
	_ =	sdelay $0x1  }
0x5b: {  	vm10 =	vmmov vm3;
	v6 =	vsub.s32 v5, v6  }
0x5c: {  	vm3 =	vmmov vm9;
	vm9 =	vlt.s32 v6, $0x0;
	v7 =	vadd.s32 $0x64, v6  }
0x5d: {  	v6 =	vsel vm9, v7, v6  }
0x5e: {  	vm9 =	vlt.s32 v6, $0x2  }
0x5f: {  	v7 =	vsel vm9, $0x1, v2  }
0x60: {  	(xrf0) =	vadd.scan.msk.s32 $0xffff, v7;
	_ =	sdelay $0x2  }
0x61: {  	v46 =	vmov s22;
	v47 =	vld [tilespmem:s21+$0x2800]  }
0x62: {  	v8 =	vadd.s32 $0xFFFFFFFF, v46;
	v7 =	vld [tilespmem:s21+$0x0]  }
0x63: {  	v8 =	vbroadcast v8, $0x0  }
0x64: {  	v48, _, _ =	vpop (xrf0)  }
0x65: {  	v5 =	vmul.u32 $0x147B, v5;
	v8 =	vadd.s32 v48, v8  }
0x66: {  	v8 =	vsel vm9, v8, v3  }
0x67: {  	v12 =	vmul.u32 $0xC8, v47;
	v5 =	vshrl.u32 v5, $0x12;
	v11 =	vmul.u32 $0x11, v7  }
0x68: {  	v5 =	vand.u32 $0x3FFE, v5  }
0x69: {  	v5 =	vadd.s32 v12, v5;
	v9 =	vadd.s32 v47, v11  }
0x6a: {  	v5 =	vadd.s32 v6, v5;
	[tilespmem:s21+$0x0] =	vst v9  }
0x6b: {  	[tilespmem:v8+s15+$0x0] =	vst.idx.msk $0xffff, v5  }
0x6c: {  	[tilespmem:v8+s20+$0x0] =	vst.idx.msk $0xffff, v7  }
0x6d: {  	v5 =	vld [tilespmem:s21+$0x5010];
	_ =	sdelay $0x3  }
0x6e: {  	(v2sf) =	vpush v48, $0xF  }
0x6f: {  	(v2sf) =	vpush v5, $0xD;
	_ =	sdelay $0x1  }
0x70: {  	(v2sf) =	vpush v5, $0xC;
	_ =	sdelay $0x1  }
0x71: {  	(v2sf) =	vpush v5, $0xE;
	_ =	sdelay $0x1  }
0x72: {  	(v2sf) =	vpush v5, $0xF;
	_ =	sdelay $0x1  }
0x73: {  	(v2sf) =	vpush v5, $0x9;
	_ =	sdelay $0x1  }
0x74: {  	(v2sf) =	vpush v5, $0x8;
	_ =	sdelay $0x1  }
0x75: {  	(v2sf) =	vpush v5, $0xA;
	_ =	sdelay $0x1  }
0x76: {  	s23 =	spop (v2sf);
	(v2sf) =	vpush v5, $0xB  }
0x77: {  	s4 =	spop (v2sf)  }
0x78: {  	(v2sf) =	vpush v5, $0x0;
	s5 =	smulhi.u32 $0x51EB851F, s4;
	s0 =	sshra.s32 s4, $0x1F  }
0x79: {  	s6 =	spop (v2sf);
	s0 =	smul.u32 $0x51EB851F, s0  }
0x7a: {  	(v2sf) =	vpush v5, $0x1;
	s7 =	smulhi.u32 $0x51EB851F, s6;
	s2 =	sshra.s32 s6, $0x1F  }
0x7b: {  	s8 =	spop (v2sf);
	s2 =	smul.u32 $0x51EB851F, s2  }
0x7c: {  	(v2sf) =	vpush v5, $0x2;
	s9 =	smulhi.u32 $0x51EB851F, s8;
	s4 =	sshra.s32 s8, $0x1F  }
0x7d: {  	(v2sf) =	vpush v5, $0x3;
	s10 =	spop (v2sf);
	s4 =	smul.u32 $0x51EB851F, s4  }
0x7e: {  	(v2sf) =	vpush v5, $0x4;
	s11 =	smulhi.u32 $0x51EB851F, s10;
	s6 =	sshra.s32 s10, $0x1F  }
0x7f: {  	(v2sf) =	vpush v5, $0x5;
	s14 =	spop (v2sf);
	s6 =	smul.u32 $0x51EB851F, s6  }
0x80: {  	(v2sf) =	vpush v5, $0x6;
	s16 =	smulhi.u32 $0x51EB851F, s14;
	s8 =	sshra.s32 s14, $0x1F  }
0x81: {  	s17 =	spop (v2sf);
	(v2sf) =	vpush v5, $0x7;
	s8 =	smul.u32 $0x51EB851F, s8  }
0x82: {  	s18 =	smulhi.u32 $0x51EB851F, s17;
	s10 =	sshra.s32 s17, $0x1F  }
0x83: {  	s31 =	spop (v2sf);
	s10 =	smul.u32 $0x51EB851F, s10  }
0x84: {  	s13 =	smulhi.u32 $0x51EB851F, s31;
	s29 =	sshra.s32 s31, $0x1F  }
0x85: {  	s24 =	sadd.s32 s0, s5;
	s31 =	spop (v2sf);
	s30 =	smul.u32 $0x51EB851F, s29  }
0x86: {  	s12 =	sshrl.u32 s24, $0x1F;
	s14 =	smulhi.u32 $0x51EB851F, s31;
	s1 =	sshra.s32 s31, $0x1F  }
0x87: {  	s28 =	sadd.s32 s2, s7;
	s31 =	spop (v2sf);
	s19 =	smul.u32 $0x51EB851F, s1  }
0x88: {  	s26 =	sadd.s32 s4, s9;
	s4 =	smulhi.u32 $0x51EB851F, s31;
	s1 =	sshra.s32 s31, $0x1F  }
0x89: {  	s3 =	sshrl.u32 s28, $0x1F;
	s7 =	spop (v2sf);
	s5 =	smul.u32 $0x51EB851F, s1  }
0x8a: {  	s25 =	sadd.s32 s6, s11;
	s29 =	sadd.s32 s8, s16;
	s6 =	smulhi.u32 $0x51EB851F, s7  }
0x8b: {  	s16 =	sshra.s32 s7, $0x1F;
	s1 =	sadd.s32 s10, s18;
	s17 =	spop (v2sf)  }
0x8c: {  	s7 =	smul.u32 $0x51EB851F, s16;
	s8 =	sshra.s32 s17, $0x1F;
	s18 =	spop (v2sf)  }
0x8d: {  	s30 =	sadd.s32 s30, s13;
	s0 =	smul.u32 $0x51EB851F, s8;
	s8 =	spop (v2sf)  }
0x8e: {  	s9 =	smulhi.u32 $0x51EB851F, s17;
	s10 =	sshra.s32 s18, $0x1F;
	s13 =	spop (v2sf)  }
0x8f: {  	s31 =	sadd.s32 s19, s14;
	s19 =	smul.u32 $0x51EB851F, s10;
	s10 =	spop (v2sf)  }
0x90: {  	s16 =	sshrl.u32 s26, $0x1F;
	s11 =	smulhi.u32 $0x51EB851F, s18;
	s17 =	spop (v2sf)  }
0x91: {  	v7 =	vmov s3;
	s3 =	sshrl.u32 s1, $0x1F;
	s18 =	smulhi.u32 $0x51EB851F, s17;
	s14 =	sshra.s32 s17, $0x1F  }
0x92: {  	s1 =	sshra.s32 s1, $0x5;
	s9 =	sadd.s32 s0, s9;
	s14 =	smul.u32 $0x51EB851F, s14  }
0x93: {  	v7 =	vsel vm0, s12, v7;
	s4 =	sadd.s32 s5, s4;
	s6 =	sadd.s32 s7, s6;
	s12 =	sshrl.u32 s9, $0x1F  }
0x94: {  	s5 =	smulhi.u32 $0x51EB851F, s8;
	s8 =	sshra.s32 s8, $0x1F;
	s0 =	sadd.s32 s14, s18  }
0x95: {  	s8 =	smul.u32 $0x51EB851F, s8;
	s7 =	sshra.s32 s13, $0x1F;
	s14 =	sshra.s32 s0, $0x1F  }
0x96: {  	s2 =	sadd.s32 s19, s11;
	s11 =	smulhi.u32 $0x51EB851F, s13;
	s19 =	sshra.s32 s4, $0x5;
	v6 =	vmov s14  }
0x97: {  	vm9 =	vcmask $0x704;
	s13 =	sshrl.u32 s30, $0x1F;
	s17 =	sshrl.u32 s4, $0x1F;
	s4 =	sshra.s32 s4, $0x1F;
	v6 =	vsel vm4, s19, v6  }
0x98: {  	v7 =	vsel vm1, s16, v7;
	s16 =	sshrl.u32 s2, $0x1F;
	v49 =	vmov s17;
	s17 =	sshra.s32 s6, $0x5;
	s18 =	sshrl.u32 s29, $0x1F;
	v6 =	vsel vm9, s4, v6  }
0x99: {  	v50 =	vmov s3;
	s4 =	smul.u32 $0x51EB851F, s7;
	s7 =	sshrl.u32 s6, $0x1F;
	s6 =	sshra.s32 s6, $0x1F;
	v6 =	vsel vm0, s17, v6  }
0x9a: {  	v52 =	vmov s1;
	v9 =	vsel vm0, s18, v50;
	s17 =	sshra.s32 s10, $0x1F;
	v6 =	vsel vm11, s6, v6;
	s6 =	smulhi.u32 $0x51EB851F, s10;
	s10 =	sshra.s32 s9, $0x5  }
0x9b: {  	v8 =	vnsel vm4, $0x0, v49;
	s14 =	sshrl.u32 s25, $0x1F;
	v9 =	vsel vm1, s13, v9;
	s13 =	sshra.s32 s28, $0x5;
	s9 =	sshra.s32 s9, $0x1F;
	v6 =	vsel vm1, s10, v6  }
0x9c: {  	s19 =	sshrl.u32 s31, $0x1F;
	v7 =	vsel vm2, s14, v7;
	s14 =	sadd.s32 s8, s5;
	v8 =	vsel vm0, s7, v8;
	s10 =	sshra.s32 s2, $0x5;
	v6 =	vsel vm12, s9, v6  }
0x9d: {  	s8 =	sshrl.u32 s14, $0x1F;
	v9 =	vsel vm2, s19, v9;
	s19 =	sshra.s32 s26, $0x5;
	v8 =	vsel vm1, s12, v8;
	s2 =	sshra.s32 s2, $0x1F;
	v6 =	vsel vm2, s10, v6  }
0x9e: {  	v51 =	vmov s13;
	s17 =	smul.u32 $0x51EB851F, s17;
	s4 =	sadd.s32 s4, s11;
	s12 =	sshra.s32 s14, $0x5;
	v8 =	vsel vm2, s16, v8;
	v6 =	vsel vm13, s2, v6  }
0x9f: {  	v7 =	vcombine.low v9, v7;
	s14 =	sshra.s32 s14, $0x1F;
	s11 =	sshrl.u32 s4, $0x1F;
	s16 =	sshra.s32 s24, $0x5;
	v8 =	vsel vm5, s8, v8;
	v6 =	vsel vm5, s12, v6  }
0xa0: {  	s18 =	sshra.s32 s4, $0x5;
	s5 =	sadd.s32 s17, s6;
	s17 =	sshra.s32 s29, $0x5;
	v9 =	vsel vm0, s16, v51;
	v8 =	vsel vm6, s11, v8;
	v6 =	vsel vm14, s14, v6  }
0xa1: {  	s24 =	sshra.s32 s30, $0x5;
	s26 =	sshra.s32 s4, $0x1F;
	s6 =	sshrl.u32 s5, $0x1F;
	v10 =	vsel vm0, s17, v52;
	v9 =	vsel vm1, s19, v9;
	v6 =	vsel vm6, s18, v6  }
0xa2: {  	s28 =	sshra.s32 s25, $0x5;
	s29 =	sshra.s32 s31, $0x5;
	s30 =	sshra.s32 s5, $0x5;
	v8 =	vsel vm7, s6, v8;
	v10 =	vsel vm1, s24, v10;
	v6 =	vsel vm15, s26, v6  }
0xa3: {  	s31 =	sshrl.u32 s0, $0x1F;
	s3 =	sshra.s32 s5, $0x1F;
	v9 =	vsel vm2, s28, v9;
	v10 =	vsel vm2, s29, v10;
	v6 =	vsel vm7, s30, v6  }
0xa4: {  	s0 =	sshra.s32 s0, $0x5;
	v8 =	vsel vm8, s31, v8;
	v9 =	vcombine.low v10, v9;
	v6 =	vsel vm10, s3, v6  }
0xa5: {  	v7 =	vperm.xlane v7, v0;
	v8 =	vperm.xlane v8, v1;
	v6 =	vsel vm8, s0, v6  }
0xa6: {  	v9 =	vperm.xlane v9, v0;
	v6 =	vperm.xlane v6, v1;
	_ =	sdelay $0x1  }
0xa7: {  	v7 =	vsel vm3, v8, v7;
	v6 =	vsel vm3, v6, v9  }
0xa8: {  	v6 =	vadd.s32 v7, v6  }
0xa9: {  	v6 =	vmul.u32 $0x64, v6;
	_ =	sdelay $0x1  }
0xaa: {  	v6 =	vsub.s32 v5, v6  }
0xab: {  	vm9 =	vlt.s32 v6, $0x0;
	v7 =	vadd.s32 $0x64, v6  }
0xac: {  	v6 =	vsel vm9, v7, v6  }
0xad: {  	vm9 =	vlt.s32 v6, $0x2  }
0xae: {  	v7 =	vsel vm9, $0x1, v2  }
0xaf: {  	(xrf0) =	vadd.scan.msk.s32 $0xffff, v7;
	_ =	sdelay $0x1  }
0xb0: {  	s22 =	sadd.s32 s22, s23  }
0xb1: {  	v54 =	vld [tilespmem:s21+$0x2810];
	v53 =	vmov s22  }
0xb2: {  	v8 =	vadd.s32 $0xFFFFFFFF, v53;
	v7 =	vld [tilespmem:s21+$0x10]  }
0xb3: {  	v8 =	vbroadcast v8, $0x0  }
0xb4: {  	v55, _, _ =	vpop (xrf0)  }
0xb5: {  	v5 =	vmul.u32 $0x147B, v5;
	v8 =	vadd.s32 v55, v8  }
0xb6: {  	v8 =	vsel vm9, v8, v3  }
0xb7: {  	v57 =	vmul.u32 $0xC8, v54;
	v5 =	vshrl.u32 v5, $0x12;
	v56 =	vmul.u32 $0x11, v7  }
0xb8: {  	v5 =	vand.u32 $0x3FFE, v5  }
0xb9: {  	v5 =	vadd.s32 v57, v5;
	v9 =	vadd.s32 v54, v56  }
0xba: {  	v5 =	vadd.s32 v6, v5;
	[tilespmem:s21+$0x10] =	vst v9  }
0xbb: {  	[tilespmem:v8+s15+$0x0] =	vst.idx.msk $0xffff, v5  }
0xbc: {  	[tilespmem:v8+s20+$0x0] =	vst.idx.msk $0xffff, v7  }
0xbd: {  	v5 =	vld [tilespmem:s21+$0x5020];
	_ =	sdelay $0x3  }
0xbe: {  	(v2sf) =	vpush v55, $0xF  }
0xbf: {  	(v2sf) =	vpush v5, $0xD;
	_ =	sdelay $0x1  }
0xc0: {  	(v2sf) =	vpush v5, $0xC;
	_ =	sdelay $0x1  }
0xc1: {  	(v2sf) =	vpush v5, $0xE;
	_ =	sdelay $0x1  }
0xc2: {  	(v2sf) =	vpush v5, $0xF;
	_ =	sdelay $0x1  }
0xc3: {  	(v2sf) =	vpush v5, $0x9;
	_ =	sdelay $0x1  }
0xc4: {  	(v2sf) =	vpush v5, $0x8;
	_ =	sdelay $0x1  }
0xc5: {  	(v2sf) =	vpush v5, $0xA;
	_ =	sdelay $0x1  }
0xc6: {  	s23 =	spop (v2sf);
	(v2sf) =	vpush v5, $0xB  }
0xc7: {  	s4 =	spop (v2sf)  }
0xc8: {  	(v2sf) =	vpush v5, $0x0;
	s5 =	smulhi.u32 $0x51EB851F, s4;
	s0 =	sshra.s32 s4, $0x1F  }
0xc9: {  	s6 =	spop (v2sf);
	s0 =	smul.u32 $0x51EB851F, s0  }
0xca: {  	(v2sf) =	vpush v5, $0x1;
	s7 =	smulhi.u32 $0x51EB851F, s6;
	s2 =	sshra.s32 s6, $0x1F  }
0xcb: {  	s8 =	spop (v2sf);
	s2 =	smul.u32 $0x51EB851F, s2  }
0xcc: {  	(v2sf) =	vpush v5, $0x2;
	s9 =	smulhi.u32 $0x51EB851F, s8;
	s4 =	sshra.s32 s8, $0x1F  }
0xcd: {  	(v2sf) =	vpush v5, $0x3;
	s10 =	spop (v2sf);
	s4 =	smul.u32 $0x51EB851F, s4  }
0xce: {  	(v2sf) =	vpush v5, $0x4;
	s11 =	smulhi.u32 $0x51EB851F, s10;
	s6 =	sshra.s32 s10, $0x1F  }
0xcf: {  	(v2sf) =	vpush v5, $0x5;
	s14 =	spop (v2sf);
	s6 =	smul.u32 $0x51EB851F, s6  }
0xd0: {  	(v2sf) =	vpush v5, $0x6;
	s16 =	smulhi.u32 $0x51EB851F, s14;
	s8 =	sshra.s32 s14, $0x1F  }
0xd1: {  	s17 =	spop (v2sf);
	(v2sf) =	vpush v5, $0x7;
	s8 =	smul.u32 $0x51EB851F, s8  }
0xd2: {  	s18 =	smulhi.u32 $0x51EB851F, s17;
	s10 =	sshra.s32 s17, $0x1F  }
0xd3: {  	s31 =	spop (v2sf);
	s10 =	smul.u32 $0x51EB851F, s10  }
0xd4: {  	s13 =	smulhi.u32 $0x51EB851F, s31;
	s29 =	sshra.s32 s31, $0x1F  }
0xd5: {  	s24 =	sadd.s32 s0, s5;
	s31 =	spop (v2sf);
	s30 =	smul.u32 $0x51EB851F, s29  }
0xd6: {  	s12 =	sshrl.u32 s24, $0x1F;
	s14 =	smulhi.u32 $0x51EB851F, s31;
	s0 =	sshra.s32 s31, $0x1F  }
0xd7: {  	s28 =	sadd.s32 s2, s7;
	s31 =	spop (v2sf);
	s19 =	smul.u32 $0x51EB851F, s0  }
0xd8: {  	s26 =	sadd.s32 s4, s9;
	s4 =	smulhi.u32 $0x51EB851F, s31;
	s0 =	sshra.s32 s31, $0x1F  }
0xd9: {  	s3 =	sshrl.u32 s28, $0x1F;
	s7 =	spop (v2sf);
	s5 =	smul.u32 $0x51EB851F, s0  }
0xda: {  	s25 =	sadd.s32 s6, s11;
	s29 =	sadd.s32 s8, s16;
	s6 =	smulhi.u32 $0x51EB851F, s7  }
0xdb: {  	s16 =	sshra.s32 s7, $0x1F;
	s0 =	sadd.s32 s10, s18;
	s17 =	spop (v2sf)  }
0xdc: {  	s7 =	smul.u32 $0x51EB851F, s16;
	s8 =	sshra.s32 s17, $0x1F;
	s18 =	spop (v2sf)  }
0xdd: {  	s30 =	sadd.s32 s30, s13;
	s1 =	smul.u32 $0x51EB851F, s8;
	s8 =	spop (v2sf)  }
0xde: {  	s9 =	smulhi.u32 $0x51EB851F, s17;
	s10 =	sshra.s32 s18, $0x1F;
	s13 =	spop (v2sf)  }
0xdf: {  	s31 =	sadd.s32 s19, s14;
	s19 =	smul.u32 $0x51EB851F, s10;
	s10 =	spop (v2sf)  }
0xe0: {  	s16 =	sshrl.u32 s26, $0x1F;
	s11 =	smulhi.u32 $0x51EB851F, s18;
	s17 =	spop (v2sf)  }
0xe1: {  	v7 =	vmov s3;
	s3 =	sshrl.u32 s0, $0x1F;
	s18 =	smulhi.u32 $0x51EB851F, s17;
	s14 =	sshra.s32 s17, $0x1F  }
0xe2: {  	s0 =	sshra.s32 s0, $0x5;
	s9 =	sadd.s32 s1, s9;
	s14 =	smul.u32 $0x51EB851F, s14  }
0xe3: {  	v7 =	vsel vm0, s12, v7;
	s4 =	sadd.s32 s5, s4;
	s6 =	sadd.s32 s7, s6;
	s12 =	sshrl.u32 s9, $0x1F  }
0xe4: {  	s5 =	smulhi.u32 $0x51EB851F, s8;
	s8 =	sshra.s32 s8, $0x1F;
	s1 =	sadd.s32 s14, s18  }
0xe5: {  	s8 =	smul.u32 $0x51EB851F, s8;
	s7 =	sshra.s32 s13, $0x1F;
	s14 =	sshra.s32 s1, $0x1F  }
0xe6: {  	s2 =	sadd.s32 s19, s11;
	s11 =	smulhi.u32 $0x51EB851F, s13;
	s19 =	sshra.s32 s4, $0x5;
	v6 =	vmov s14  }
0xe7: {  	vm9 =	vcmask $0x704;
	s13 =	sshrl.u32 s30, $0x1F;
	s17 =	sshrl.u32 s4, $0x1F;
	s4 =	sshra.s32 s4, $0x1F;
	v6 =	vsel vm4, s19, v6  }
0xe8: {  	v7 =	vsel vm1, s16, v7;
	s16 =	sshrl.u32 s2, $0x1F;
	v58 =	vmov s17;
	s17 =	sshra.s32 s6, $0x5;
	s18 =	sshrl.u32 s29, $0x1F;
	v6 =	vsel vm9, s4, v6  }
0xe9: {  	v59 =	vmov s3;
	s4 =	smul.u32 $0x51EB851F, s7;
	s7 =	sshrl.u32 s6, $0x1F;
	s6 =	sshra.s32 s6, $0x1F;
	v6 =	vsel vm0, s17, v6  }
0xea: {  	v61 =	vmov s0;
	v9 =	vsel vm0, s18, v59;
	s17 =	sshra.s32 s10, $0x1F;
	v6 =	vsel vm11, s6, v6;
	s6 =	smulhi.u32 $0x51EB851F, s10;
	s10 =	sshra.s32 s9, $0x5  }
0xeb: {  	v8 =	vnsel vm4, $0x0, v58;
	s14 =	sshrl.u32 s25, $0x1F;
	v9 =	vsel vm1, s13, v9;
	s13 =	sshra.s32 s28, $0x5;
	s9 =	sshra.s32 s9, $0x1F;
	v6 =	vsel vm1, s10, v6  }
0xec: {  	s19 =	sshrl.u32 s31, $0x1F;
	v7 =	vsel vm2, s14, v7;
	s14 =	sadd.s32 s8, s5;
	v8 =	vsel vm0, s7, v8;
	s10 =	sshra.s32 s2, $0x5;
	v6 =	vsel vm12, s9, v6  }
0xed: {  	s8 =	sshrl.u32 s14, $0x1F;
	v9 =	vsel vm2, s19, v9;
	s19 =	sshra.s32 s26, $0x5;
	v8 =	vsel vm1, s12, v8;
	s2 =	sshra.s32 s2, $0x1F;
	v6 =	vsel vm2, s10, v6  }
0xee: {  	v60 =	vmov s13;
	s17 =	smul.u32 $0x51EB851F, s17;
	s4 =	sadd.s32 s4, s11;
	s12 =	sshra.s32 s14, $0x5;
	v8 =	vsel vm2, s16, v8;
	v6 =	vsel vm13, s2, v6  }
0xef: {  	v7 =	vcombine.low v9, v7;
	s14 =	sshra.s32 s14, $0x1F;
	s11 =	sshrl.u32 s4, $0x1F;
	s16 =	sshra.s32 s24, $0x5;
	v8 =	vsel vm5, s8, v8;
	v6 =	vsel vm5, s12, v6  }
0xf0: {  	s18 =	sshra.s32 s4, $0x5;
	s5 =	sadd.s32 s17, s6;
	s17 =	sshra.s32 s29, $0x5;
	v9 =	vsel vm0, s16, v60;
	v8 =	vsel vm6, s11, v8;
	v6 =	vsel vm14, s14, v6  }
0xf1: {  	s24 =	sshra.s32 s30, $0x5;
	s26 =	sshra.s32 s4, $0x1F;
	s6 =	sshrl.u32 s5, $0x1F;
	v10 =	vsel vm0, s17, v61;
	v9 =	vsel vm1, s19, v9;
	v6 =	vsel vm6, s18, v6  }
0xf2: {  	s28 =	sshra.s32 s25, $0x5;
	s29 =	sshra.s32 s31, $0x5;
	s30 =	sshra.s32 s5, $0x5;
	v8 =	vsel vm7, s6, v8;
	v10 =	vsel vm1, s24, v10;
	v6 =	vsel vm15, s26, v6  }
0xf3: {  	s31 =	sshrl.u32 s1, $0x1F;
	v9 =	vsel vm2, s28, v9;
	s2 =	sshra.s32 s5, $0x1F;
	v10 =	vsel vm2, s29, v10;
	v6 =	vsel vm7, s30, v6  }
0xf4: {  	s3 =	sshra.s32 s1, $0x5;
	v8 =	vsel vm8, s31, v8;
	v9 =	vcombine.low v10, v9;
	v6 =	vsel vm10, s2, v6  }
0xf5: {  	v7 =	vperm.xlane v7, v0;
	v8 =	vperm.xlane v8, v1;
	v6 =	vsel vm8, s3, v6  }
0xf6: {  	v9 =	vperm.xlane v9, v0;
	v6 =	vperm.xlane v6, v1;
	_ =	sdelay $0x1  }
0xf7: {  	v7 =	vsel vm3, v8, v7;
	v6 =	vsel vm3, v6, v9  }
0xf8: {  	v6 =	vadd.s32 v7, v6  }
0xf9: {  	v6 =	vmul.u32 $0x64, v6;
	_ =	sdelay $0x1  }
0xfa: {  	v6 =	vsub.s32 v5, v6  }
0xfb: {  	vm9 =	vlt.s32 v6, $0x0;
	v7 =	vadd.s32 $0x64, v6  }
0xfc: {  	v6 =	vsel vm9, v7, v6  }
0xfd: {  	vm9 =	vlt.s32 v6, $0x2  }
0xfe: {  	v7 =	vsel vm9, $0x1, v2  }
0xff: {  	(xrf0) =	vadd.scan.msk.s32 $0xffff, v7;
	_ =	sdelay $0x1  }
0x100: {  	s22 =	sadd.s32 s22, s23  }
0x101: {  	v63 =	vld [tilespmem:s21+$0x2820];
	v62 =	vmov s22  }
0x102: {  	v8 =	vadd.s32 $0xFFFFFFFF, v62;
	v7 =	vld [tilespmem:s21+$0x20]  }
0x103: {  	v8 =	vbroadcast v8, $0x0  }
0x104: {  	v16, _, _ =	vpop (xrf0)  }
0x105: {  	v5 =	vmul.u32 $0x147B, v5;
	v8 =	vadd.s32 v16, v8  }
0x106: {  	v8 =	vsel vm9, v8, v3  }
0x107: {  	v18 =	vmul.u32 $0xC8, v63;
	v5 =	vshrl.u32 v5, $0x12;
	v17 =	vmul.u32 $0x11, v7  }
0x108: {  	v5 =	vand.u32 $0x3FFE, v5  }
0x109: {  	v5 =	vadd.s32 v18, v5;
	v9 =	vadd.s32 v63, v17  }
0x10a: {  	v5 =	vadd.s32 v6, v5;
	[tilespmem:s21+$0x20] =	vst v9  }
0x10b: {  	[tilespmem:v8+s15+$0x0] =	vst.idx.msk $0xffff, v5  }
0x10c: {  	[tilespmem:v8+s20+$0x0] =	vst.idx.msk $0xffff, v7  }
0x10d: {  	v5 =	vld [tilespmem:s21+$0x5030];
	_ =	sdelay $0x3  }
0x10e: {  	(v2sf) =	vpush v16, $0xF  }
0x10f: {  	(v2sf) =	vpush v5, $0xD;
	_ =	sdelay $0x1  }
0x110: {  	(v2sf) =	vpush v5, $0xC;
	_ =	sdelay $0x1  }
0x111: {  	(v2sf) =	vpush v5, $0xE;
	_ =	sdelay $0x1  }
0x112: {  	(v2sf) =	vpush v5, $0xF;
	_ =	sdelay $0x1  }
0x113: {  	(v2sf) =	vpush v5, $0x9;
	_ =	sdelay $0x1  }
0x114: {  	(v2sf) =	vpush v5, $0x8;
	_ =	sdelay $0x1  }
0x115: {  	(v2sf) =	vpush v5, $0xA;
	_ =	sdelay $0x1  }
0x116: {  	s23 =	spop (v2sf);
	(v2sf) =	vpush v5, $0xB  }
0x117: {  	s4 =	spop (v2sf)  }
0x118: {  	(v2sf) =	vpush v5, $0x0;
	s5 =	smulhi.u32 $0x51EB851F, s4;
	s0 =	sshra.s32 s4, $0x1F  }
0x119: {  	s6 =	spop (v2sf);
	s0 =	smul.u32 $0x51EB851F, s0  }
0x11a: {  	(v2sf) =	vpush v5, $0x1;
	s7 =	smulhi.u32 $0x51EB851F, s6;
	s2 =	sshra.s32 s6, $0x1F  }
0x11b: {  	s8 =	spop (v2sf);
	s2 =	smul.u32 $0x51EB851F, s2  }
0x11c: {  	(v2sf) =	vpush v5, $0x2;
	s9 =	smulhi.u32 $0x51EB851F, s8;
	s4 =	sshra.s32 s8, $0x1F  }
0x11d: {  	(v2sf) =	vpush v5, $0x3;
	s10 =	spop (v2sf);
	s4 =	smul.u32 $0x51EB851F, s4  }
0x11e: {  	(v2sf) =	vpush v5, $0x4;
	s11 =	smulhi.u32 $0x51EB851F, s10;
	s6 =	sshra.s32 s10, $0x1F  }
0x11f: {  	(v2sf) =	vpush v5, $0x5;
	s14 =	spop (v2sf);
	s6 =	smul.u32 $0x51EB851F, s6  }
0x120: {  	(v2sf) =	vpush v5, $0x6;
	s16 =	smulhi.u32 $0x51EB851F, s14;
	s8 =	sshra.s32 s14, $0x1F  }
0x121: {  	s17 =	spop (v2sf);
	(v2sf) =	vpush v5, $0x7;
	s8 =	smul.u32 $0x51EB851F, s8  }
0x122: {  	s18 =	smulhi.u32 $0x51EB851F, s17;
	s10 =	sshra.s32 s17, $0x1F  }
0x123: {  	s31 =	spop (v2sf);
	s10 =	smul.u32 $0x51EB851F, s10  }
0x124: {  	s13 =	smulhi.u32 $0x51EB851F, s31;
	s29 =	sshra.s32 s31, $0x1F  }
0x125: {  	s24 =	sadd.s32 s0, s5;
	s31 =	spop (v2sf);
	s30 =	smul.u32 $0x51EB851F, s29  }
0x126: {  	s12 =	sshrl.u32 s24, $0x1F;
	s14 =	smulhi.u32 $0x51EB851F, s31;
	s0 =	sshra.s32 s31, $0x1F  }
0x127: {  	s28 =	sadd.s32 s2, s7;
	s31 =	spop (v2sf);
	s19 =	smul.u32 $0x51EB851F, s0  }
0x128: {  	s26 =	sadd.s32 s4, s9;
	s4 =	smulhi.u32 $0x51EB851F, s31;
	s0 =	sshra.s32 s31, $0x1F  }
0x129: {  	s3 =	sshrl.u32 s28, $0x1F;
	s7 =	spop (v2sf);
	s5 =	smul.u32 $0x51EB851F, s0  }
0x12a: {  	s25 =	sadd.s32 s6, s11;
	s29 =	sadd.s32 s8, s16;
	s6 =	smulhi.u32 $0x51EB851F, s7  }
0x12b: {  	s16 =	sshra.s32 s7, $0x1F;
	s0 =	sadd.s32 s10, s18;
	s17 =	spop (v2sf)  }
0x12c: {  	s7 =	smul.u32 $0x51EB851F, s16;
	s8 =	sshra.s32 s17, $0x1F;
	s18 =	spop (v2sf)  }
0x12d: {  	s30 =	sadd.s32 s30, s13;
	s1 =	smul.u32 $0x51EB851F, s8;
	s8 =	spop (v2sf)  }
0x12e: {  	s9 =	smulhi.u32 $0x51EB851F, s17;
	s10 =	sshra.s32 s18, $0x1F;
	s13 =	spop (v2sf)  }
0x12f: {  	s31 =	sadd.s32 s19, s14;
	s19 =	smul.u32 $0x51EB851F, s10;
	s10 =	spop (v2sf)  }
0x130: {  	s16 =	sshrl.u32 s26, $0x1F;
	s11 =	smulhi.u32 $0x51EB851F, s18;
	s17 =	spop (v2sf)  }
0x131: {  	v7 =	vmov s3;
	s3 =	sshrl.u32 s0, $0x1F;
	s18 =	smulhi.u32 $0x51EB851F, s17;
	s14 =	sshra.s32 s17, $0x1F  }
0x132: {  	s0 =	sshra.s32 s0, $0x5;
	s9 =	sadd.s32 s1, s9;
	s14 =	smul.u32 $0x51EB851F, s14  }
0x133: {  	v7 =	vsel vm0, s12, v7;
	s4 =	sadd.s32 s5, s4;
	s6 =	sadd.s32 s7, s6;
	s12 =	sshrl.u32 s9, $0x1F  }
0x134: {  	s5 =	smulhi.u32 $0x51EB851F, s8;
	s8 =	sshra.s32 s8, $0x1F;
	s1 =	sadd.s32 s14, s18  }
0x135: {  	s8 =	smul.u32 $0x51EB851F, s8;
	s7 =	sshra.s32 s13, $0x1F;
	s14 =	sshra.s32 s1, $0x1F  }
0x136: {  	s2 =	sadd.s32 s19, s11;
	s11 =	smulhi.u32 $0x51EB851F, s13;
	s19 =	sshra.s32 s4, $0x5;
	v6 =	vmov s14  }
0x137: {  	vm9 =	vcmask $0x704;
	s13 =	sshrl.u32 s30, $0x1F;
	s17 =	sshrl.u32 s4, $0x1F;
	s4 =	sshra.s32 s4, $0x1F;
	v6 =	vsel vm4, s19, v6  }
0x138: {  	v7 =	vsel vm1, s16, v7;
	s16 =	sshrl.u32 s2, $0x1F;
	v19 =	vmov s17;
	s17 =	sshra.s32 s6, $0x5;
	s18 =	sshrl.u32 s29, $0x1F;
	v6 =	vsel vm9, s4, v6  }
0x139: {  	v20 =	vmov s3;
	s4 =	smul.u32 $0x51EB851F, s7;
	s7 =	sshrl.u32 s6, $0x1F;
	s6 =	sshra.s32 s6, $0x1F;
	v6 =	vsel vm0, s17, v6  }
0x13a: {  	v22 =	vmov s0;
	v9 =	vsel vm0, s18, v20;
	s17 =	sshra.s32 s10, $0x1F;
	v6 =	vsel vm11, s6, v6;
	s6 =	smulhi.u32 $0x51EB851F, s10;
	s10 =	sshra.s32 s9, $0x5  }
0x13b: {  	v8 =	vnsel vm4, $0x0, v19;
	s14 =	sshrl.u32 s25, $0x1F;
	v9 =	vsel vm1, s13, v9;
	s13 =	sshra.s32 s28, $0x5;
	s9 =	sshra.s32 s9, $0x1F;
	v6 =	vsel vm1, s10, v6  }
0x13c: {  	s19 =	sshrl.u32 s31, $0x1F;
	v7 =	vsel vm2, s14, v7;
	s14 =	sadd.s32 s8, s5;
	v8 =	vsel vm0, s7, v8;
	s10 =	sshra.s32 s2, $0x5;
	v6 =	vsel vm12, s9, v6  }
0x13d: {  	s8 =	sshrl.u32 s14, $0x1F;
	v9 =	vsel vm2, s19, v9;
	s19 =	sshra.s32 s26, $0x5;
	v8 =	vsel vm1, s12, v8;
	s2 =	sshra.s32 s2, $0x1F;
	v6 =	vsel vm2, s10, v6  }
0x13e: {  	v21 =	vmov s13;
	s17 =	smul.u32 $0x51EB851F, s17;
	s4 =	sadd.s32 s4, s11;
	s12 =	sshra.s32 s14, $0x5;
	v8 =	vsel vm2, s16, v8;
	v6 =	vsel vm13, s2, v6  }
0x13f: {  	v7 =	vcombine.low v9, v7;
	s14 =	sshra.s32 s14, $0x1F;
	s11 =	sshrl.u32 s4, $0x1F;
	s16 =	sshra.s32 s24, $0x5;
	v8 =	vsel vm5, s8, v8;
	v6 =	vsel vm5, s12, v6  }
0x140: {  	s18 =	sshra.s32 s4, $0x5;
	s5 =	sadd.s32 s17, s6;
	s17 =	sshra.s32 s29, $0x5;
	v9 =	vsel vm0, s16, v21;
	v8 =	vsel vm6, s11, v8;
	v6 =	vsel vm14, s14, v6  }
0x141: {  	s24 =	sshra.s32 s30, $0x5;
	s26 =	sshra.s32 s4, $0x1F;
	s6 =	sshrl.u32 s5, $0x1F;
	v10 =	vsel vm0, s17, v22;
	v9 =	vsel vm1, s19, v9;
	v6 =	vsel vm6, s18, v6  }
0x142: {  	s28 =	sshra.s32 s25, $0x5;
	s29 =	sshra.s32 s31, $0x5;
	s30 =	sshra.s32 s5, $0x5;
	v8 =	vsel vm7, s6, v8;
	v10 =	vsel vm1, s24, v10;
	v6 =	vsel vm15, s26, v6  }
0x143: {  	s31 =	sshrl.u32 s1, $0x1F;
	v9 =	vsel vm2, s28, v9;
	s2 =	sshra.s32 s5, $0x1F;
	v10 =	vsel vm2, s29, v10;
	v6 =	vsel vm7, s30, v6  }
0x144: {  	s3 =	sshra.s32 s1, $0x5;
	v8 =	vsel vm8, s31, v8;
	v9 =	vcombine.low v10, v9;
	v6 =	vsel vm10, s2, v6  }
0x145: {  	v7 =	vperm.xlane v7, v0;
	v8 =	vperm.xlane v8, v1;
	v6 =	vsel vm8, s3, v6  }
0x146: {  	v9 =	vperm.xlane v9, v0;
	v6 =	vperm.xlane v6, v1;
	_ =	sdelay $0x1  }
0x147: {  	v7 =	vsel vm3, v8, v7;
	v6 =	vsel vm3, v6, v9  }
0x148: {  	v6 =	vadd.s32 v7, v6  }
0x149: {  	v6 =	vmul.u32 $0x64, v6;
	_ =	sdelay $0x1  }
0x14a: {  	v6 =	vsub.s32 v5, v6  }
0x14b: {  	vm9 =	vlt.s32 v6, $0x0;
	v7 =	vadd.s32 $0x64, v6  }
0x14c: {  	v6 =	vsel vm9, v7, v6  }
0x14d: {  	vm9 =	vlt.s32 v6, $0x2  }
0x14e: {  	v7 =	vsel vm9, $0x1, v2  }
0x14f: {  	(xrf0) =	vadd.scan.msk.s32 $0xffff, v7;
	_ =	sdelay $0x1  }
0x150: {  	s22 =	sadd.s32 s22, s23  }
0x151: {  	v24 =	vld [tilespmem:s21+$0x2830];
	v23 =	vmov s22  }
0x152: {  	v8 =	vadd.s32 $0xFFFFFFFF, v23;
	v7 =	vld [tilespmem:s21+$0x30]  }
0x153: {  	v8 =	vbroadcast v8, $0x0  }
0x154: {  	v25, _, _ =	vpop (xrf0)  }
0x155: {  	v5 =	vmul.u32 $0x147B, v5;
	v8 =	vadd.s32 v25, v8  }
0x156: {  	v8 =	vsel vm9, v8, v3  }
0x157: {  	v27 =	vmul.u32 $0xC8, v24;
	v5 =	vshrl.u32 v5, $0x12;
	v26 =	vmul.u32 $0x11, v7  }
0x158: {  	v5 =	vand.u32 $0x3FFE, v5  }
0x159: {  	v5 =	vadd.s32 v27, v5;
	v9 =	vadd.s32 v24, v26  }
0x15a: {  	v5 =	vadd.s32 v6, v5;
	[tilespmem:s21+$0x30] =	vst v9  }
0x15b: {  	[tilespmem:v8+s15+$0x0] =	vst.idx.msk $0xffff, v5  }
0x15c: {  	[tilespmem:v8+s20+$0x0] =	vst.idx.msk $0xffff, v7  }
0x15d: {  	v5 =	vld [tilespmem:s21+$0x5040];
	_ =	sdelay $0x3  }
0x15e: {  	(v2sf) =	vpush v25, $0xF  }
0x15f: {  	(v2sf) =	vpush v5, $0xD;
	_ =	sdelay $0x1  }
0x160: {  	(v2sf) =	vpush v5, $0xC;
	_ =	sdelay $0x1  }
0x161: {  	(v2sf) =	vpush v5, $0xE;
	_ =	sdelay $0x1  }
0x162: {  	(v2sf) =	vpush v5, $0xF;
	_ =	sdelay $0x1  }
0x163: {  	(v2sf) =	vpush v5, $0x9;
	_ =	sdelay $0x1  }
0x164: {  	(v2sf) =	vpush v5, $0x8;
	_ =	sdelay $0x1  }
0x165: {  	(v2sf) =	vpush v5, $0xA;
	_ =	sdelay $0x1  }
0x166: {  	s23 =	spop (v2sf);
	(v2sf) =	vpush v5, $0xB  }
0x167: {  	s4 =	spop (v2sf)  }
0x168: {  	(v2sf) =	vpush v5, $0x0;
	s5 =	smulhi.u32 $0x51EB851F, s4;
	s0 =	sshra.s32 s4, $0x1F  }
0x169: {  	s6 =	spop (v2sf);
	s0 =	smul.u32 $0x51EB851F, s0  }
0x16a: {  	(v2sf) =	vpush v5, $0x1;
	s7 =	smulhi.u32 $0x51EB851F, s6;
	s2 =	sshra.s32 s6, $0x1F  }
0x16b: {  	s8 =	spop (v2sf);
	s2 =	smul.u32 $0x51EB851F, s2  }
0x16c: {  	(v2sf) =	vpush v5, $0x2;
	s9 =	smulhi.u32 $0x51EB851F, s8;
	s4 =	sshra.s32 s8, $0x1F  }
0x16d: {  	(v2sf) =	vpush v5, $0x3;
	s10 =	spop (v2sf);
	s4 =	smul.u32 $0x51EB851F, s4  }
0x16e: {  	(v2sf) =	vpush v5, $0x4;
	s11 =	smulhi.u32 $0x51EB851F, s10;
	s6 =	sshra.s32 s10, $0x1F  }
0x16f: {  	(v2sf) =	vpush v5, $0x5;
	s14 =	spop (v2sf);
	s6 =	smul.u32 $0x51EB851F, s6  }
0x170: {  	(v2sf) =	vpush v5, $0x6;
	s16 =	smulhi.u32 $0x51EB851F, s14;
	s8 =	sshra.s32 s14, $0x1F  }
0x171: {  	s17 =	spop (v2sf);
	(v2sf) =	vpush v5, $0x7;
	s8 =	smul.u32 $0x51EB851F, s8  }
0x172: {  	s18 =	smulhi.u32 $0x51EB851F, s17;
	s10 =	sshra.s32 s17, $0x1F  }
0x173: {  	s31 =	spop (v2sf);
	s10 =	smul.u32 $0x51EB851F, s10  }
0x174: {  	s13 =	smulhi.u32 $0x51EB851F, s31;
	s29 =	sshra.s32 s31, $0x1F  }
0x175: {  	s24 =	sadd.s32 s0, s5;
	s31 =	spop (v2sf);
	s30 =	smul.u32 $0x51EB851F, s29  }
0x176: {  	s12 =	sshrl.u32 s24, $0x1F;
	s14 =	smulhi.u32 $0x51EB851F, s31;
	s0 =	sshra.s32 s31, $0x1F  }
0x177: {  	s28 =	sadd.s32 s2, s7;
	s31 =	spop (v2sf);
	s19 =	smul.u32 $0x51EB851F, s0  }
0x178: {  	s26 =	sadd.s32 s4, s9;
	s4 =	smulhi.u32 $0x51EB851F, s31;
	s0 =	sshra.s32 s31, $0x1F  }
0x179: {  	s3 =	sshrl.u32 s28, $0x1F;
	s7 =	spop (v2sf);
	s5 =	smul.u32 $0x51EB851F, s0  }
0x17a: {  	s25 =	sadd.s32 s6, s11;
	s29 =	sadd.s32 s8, s16;
	s6 =	smulhi.u32 $0x51EB851F, s7  }
0x17b: {  	s16 =	sshra.s32 s7, $0x1F;
	s0 =	sadd.s32 s10, s18;
	s17 =	spop (v2sf)  }
0x17c: {  	s7 =	smul.u32 $0x51EB851F, s16;
	s8 =	sshra.s32 s17, $0x1F;
	s18 =	spop (v2sf)  }
0x17d: {  	s30 =	sadd.s32 s30, s13;
	s1 =	smul.u32 $0x51EB851F, s8;
	s8 =	spop (v2sf)  }
0x17e: {  	s9 =	smulhi.u32 $0x51EB851F, s17;
	s10 =	sshra.s32 s18, $0x1F;
	s13 =	spop (v2sf)  }
0x17f: {  	s31 =	sadd.s32 s19, s14;
	s19 =	smul.u32 $0x51EB851F, s10;
	s10 =	spop (v2sf)  }
0x180: {  	s16 =	sshrl.u32 s26, $0x1F;
	s11 =	smulhi.u32 $0x51EB851F, s18;
	s17 =	spop (v2sf)  }
0x181: {  	v7 =	vmov s3;
	s3 =	sshrl.u32 s0, $0x1F;
	s18 =	smulhi.u32 $0x51EB851F, s17;
	s14 =	sshra.s32 s17, $0x1F  }
0x182: {  	s0 =	sshra.s32 s0, $0x5;
	s9 =	sadd.s32 s1, s9;
	s14 =	smul.u32 $0x51EB851F, s14  }
0x183: {  	v7 =	vsel vm0, s12, v7;
	s4 =	sadd.s32 s5, s4;
	s6 =	sadd.s32 s7, s6;
	s12 =	sshrl.u32 s9, $0x1F  }
0x184: {  	s5 =	smulhi.u32 $0x51EB851F, s8;
	s8 =	sshra.s32 s8, $0x1F;
	s1 =	sadd.s32 s14, s18  }
0x185: {  	s8 =	smul.u32 $0x51EB851F, s8;
	s7 =	sshra.s32 s13, $0x1F;
	s14 =	sshra.s32 s1, $0x1F  }
0x186: {  	s2 =	sadd.s32 s19, s11;
	s11 =	smulhi.u32 $0x51EB851F, s13;
	s19 =	sshra.s32 s4, $0x5;
	v6 =	vmov s14  }
0x187: {  	vm9 =	vcmask $0x704;
	s13 =	sshrl.u32 s30, $0x1F;
	s17 =	sshrl.u32 s4, $0x1F;
	s4 =	sshra.s32 s4, $0x1F;
	v6 =	vsel vm4, s19, v6  }
0x188: {  	v7 =	vsel vm1, s16, v7;
	s16 =	sshrl.u32 s2, $0x1F;
	v28 =	vmov s17;
	s17 =	sshra.s32 s6, $0x5;
	s18 =	sshrl.u32 s29, $0x1F;
	v6 =	vsel vm9, s4, v6  }
0x189: {  	v29 =	vmov s3;
	s4 =	smul.u32 $0x51EB851F, s7;
	s7 =	sshrl.u32 s6, $0x1F;
	s6 =	sshra.s32 s6, $0x1F;
	v6 =	vsel vm0, s17, v6  }
0x18a: {  	v31 =	vmov s0;
	v9 =	vsel vm0, s18, v29;
	s17 =	sshra.s32 s10, $0x1F;
	v6 =	vsel vm11, s6, v6;
	s6 =	smulhi.u32 $0x51EB851F, s10;
	s10 =	sshra.s32 s9, $0x5  }
0x18b: {  	v8 =	vnsel vm4, $0x0, v28;
	s14 =	sshrl.u32 s25, $0x1F;
	v9 =	vsel vm1, s13, v9;
	s13 =	sshra.s32 s28, $0x5;
	s9 =	sshra.s32 s9, $0x1F;
	v6 =	vsel vm1, s10, v6  }
0x18c: {  	s19 =	sshrl.u32 s31, $0x1F;
	v7 =	vsel vm2, s14, v7;
	s14 =	sadd.s32 s8, s5;
	v8 =	vsel vm0, s7, v8;
	s10 =	sshra.s32 s2, $0x5;
	v6 =	vsel vm12, s9, v6  }
0x18d: {  	s8 =	sshrl.u32 s14, $0x1F;
	v9 =	vsel vm2, s19, v9;
	s19 =	sshra.s32 s26, $0x5;
	v8 =	vsel vm1, s12, v8;
	s2 =	sshra.s32 s2, $0x1F;
	v6 =	vsel vm2, s10, v6  }
0x18e: {  	v30 =	vmov s13;
	s17 =	smul.u32 $0x51EB851F, s17;
	s4 =	sadd.s32 s4, s11;
	s12 =	sshra.s32 s14, $0x5;
	v8 =	vsel vm2, s16, v8;
	v6 =	vsel vm13, s2, v6  }
0x18f: {  	v7 =	vcombine.low v9, v7;
	s14 =	sshra.s32 s14, $0x1F;
	s11 =	sshrl.u32 s4, $0x1F;
	s16 =	sshra.s32 s24, $0x5;
	v8 =	vsel vm5, s8, v8;
	v6 =	vsel vm5, s12, v6  }
0x190: {  	s18 =	sshra.s32 s4, $0x5;
	s5 =	sadd.s32 s17, s6;
	s17 =	sshra.s32 s29, $0x5;
	v9 =	vsel vm0, s16, v30;
	v8 =	vsel vm6, s11, v8;
	v6 =	vsel vm14, s14, v6  }
0x191: {  	s24 =	sshra.s32 s30, $0x5;
	s26 =	sshra.s32 s4, $0x1F;
	s6 =	sshrl.u32 s5, $0x1F;
	v10 =	vsel vm0, s17, v31;
	v9 =	vsel vm1, s19, v9;
	v6 =	vsel vm6, s18, v6  }
0x192: {  	s28 =	sshra.s32 s25, $0x5;
	s29 =	sshra.s32 s31, $0x5;
	s30 =	sshra.s32 s5, $0x5;
	v8 =	vsel vm7, s6, v8;
	v10 =	vsel vm1, s24, v10;
	v6 =	vsel vm15, s26, v6  }
0x193: {  	s31 =	sshrl.u32 s1, $0x1F;
	v9 =	vsel vm2, s28, v9;
	s2 =	sshra.s32 s5, $0x1F;
	v10 =	vsel vm2, s29, v10;
	v6 =	vsel vm7, s30, v6  }
0x194: {  	s3 =	sshra.s32 s1, $0x5;
	v8 =	vsel vm8, s31, v8;
	v9 =	vcombine.low v10, v9;
	v6 =	vsel vm10, s2, v6  }
0x195: {  	v7 =	vperm.xlane v7, v0;
	v8 =	vperm.xlane v8, v1;
	v6 =	vsel vm8, s3, v6  }
0x196: {  	v9 =	vperm.xlane v9, v0;
	v6 =	vperm.xlane v6, v1;
	_ =	sdelay $0x1  }
0x197: {  	v7 =	vsel vm3, v8, v7;
	v6 =	vsel vm3, v6, v9  }
0x198: {  	v6 =	vadd.s32 v7, v6  }
0x199: {  	v6 =	vmul.u32 $0x64, v6;
	_ =	sdelay $0x1  }
0x19a: {  	v6 =	vsub.s32 v5, v6  }
0x19b: {  	vm9 =	vlt.s32 v6, $0x0;
	v7 =	vadd.s32 $0x64, v6  }
0x19c: {  	v6 =	vsel vm9, v7, v6  }
0x19d: {  	vm9 =	vlt.s32 v6, $0x2  }
0x19e: {  	v7 =	vsel vm9, $0x1, v2  }
0x19f: {  	(xrf0) =	vadd.scan.msk.s32 $0xffff, v7;
	_ =	sdelay $0x1  }
0x1a0: {  	s22 =	sadd.s32 s22, s23  }
0x1a1: {  	v33 =	vld [tilespmem:s21+$0x2840];
	v32 =	vmov s22  }
0x1a2: {  	v8 =	vadd.s32 $0xFFFFFFFF, v32;
	v7 =	vld [tilespmem:s21+$0x40]  }
0x1a3: {  	v8 =	vbroadcast v8, $0x0  }
0x1a4: {  	v34, _, _ =	vpop (xrf0)  }
0x1a5: {  	v5 =	vmul.u32 $0x147B, v5;
	v8 =	vadd.s32 v34, v8  }
0x1a6: {  	v8 =	vsel vm9, v8, v3  }
0x1a7: {  	v36 =	vmul.u32 $0xC8, v33;
	v5 =	vshrl.u32 v5, $0x12;
	v35 =	vmul.u32 $0x11, v7  }
0x1a8: {  	v5 =	vand.u32 $0x3FFE, v5  }
0x1a9: {  	v5 =	vadd.s32 v36, v5;
	v9 =	vadd.s32 v33, v35  }
0x1aa: {  	v5 =	vadd.s32 v6, v5;
	[tilespmem:s21+$0x40] =	vst v9  }
0x1ab: {  	[tilespmem:v8+s15+$0x0] =	vst.idx.msk $0xffff, v5  }
0x1ac: {  	[tilespmem:v8+s20+$0x0] =	vst.idx.msk $0xffff, v7  }
0x1ad: {  	v5 =	vld [tilespmem:s21+$0x5050];
	_ =	sdelay $0x3  }
0x1ae: {  	(v2sf) =	vpush v34, $0xF  }
0x1af: {  	(v2sf) =	vpush v5, $0xD;
	_ =	sdelay $0x1  }
0x1b0: {  	(v2sf) =	vpush v5, $0xC;
	_ =	sdelay $0x1  }
0x1b1: {  	(v2sf) =	vpush v5, $0xE;
	_ =	sdelay $0x1  }
0x1b2: {  	(v2sf) =	vpush v5, $0xF;
	_ =	sdelay $0x1  }
0x1b3: {  	(v2sf) =	vpush v5, $0x9;
	_ =	sdelay $0x1  }
0x1b4: {  	(v2sf) =	vpush v5, $0x8;
	_ =	sdelay $0x1  }
0x1b5: {  	(v2sf) =	vpush v5, $0xA;
	_ =	sdelay $0x1  }
0x1b6: {  	s23 =	spop (v2sf);
	(v2sf) =	vpush v5, $0xB  }
0x1b7: {  	s4 =	spop (v2sf)  }
0x1b8: {  	(v2sf) =	vpush v5, $0x0;
	s5 =	smulhi.u32 $0x51EB851F, s4;
	s0 =	sshra.s32 s4, $0x1F  }
0x1b9: {  	s6 =	spop (v2sf);
	s0 =	smul.u32 $0x51EB851F, s0  }
0x1ba: {  	(v2sf) =	vpush v5, $0x1;
	s7 =	smulhi.u32 $0x51EB851F, s6;
	s2 =	sshra.s32 s6, $0x1F  }
0x1bb: {  	s8 =	spop (v2sf);
	s2 =	smul.u32 $0x51EB851F, s2  }
0x1bc: {  	(v2sf) =	vpush v5, $0x2;
	s9 =	smulhi.u32 $0x51EB851F, s8;
	s4 =	sshra.s32 s8, $0x1F  }
0x1bd: {  	(v2sf) =	vpush v5, $0x3;
	s10 =	spop (v2sf);
	s4 =	smul.u32 $0x51EB851F, s4  }
0x1be: {  	(v2sf) =	vpush v5, $0x4;
	s11 =	smulhi.u32 $0x51EB851F, s10;
	s6 =	sshra.s32 s10, $0x1F  }
0x1bf: {  	(v2sf) =	vpush v5, $0x5;
	s14 =	spop (v2sf);
	s6 =	smul.u32 $0x51EB851F, s6  }
0x1c0: {  	(v2sf) =	vpush v5, $0x6;
	s16 =	smulhi.u32 $0x51EB851F, s14;
	s8 =	sshra.s32 s14, $0x1F  }
0x1c1: {  	s17 =	spop (v2sf);
	(v2sf) =	vpush v5, $0x7;
	s8 =	smul.u32 $0x51EB851F, s8  }
0x1c2: {  	s18 =	smulhi.u32 $0x51EB851F, s17;
	s10 =	sshra.s32 s17, $0x1F  }
0x1c3: {  	s31 =	spop (v2sf);
	s10 =	smul.u32 $0x51EB851F, s10  }
0x1c4: {  	s13 =	smulhi.u32 $0x51EB851F, s31;
	s29 =	sshra.s32 s31, $0x1F  }
0x1c5: {  	s24 =	sadd.s32 s0, s5;
	s31 =	spop (v2sf);
	s30 =	smul.u32 $0x51EB851F, s29  }
0x1c6: {  	s12 =	sshrl.u32 s24, $0x1F;
	s14 =	smulhi.u32 $0x51EB851F, s31;
	s0 =	sshra.s32 s31, $0x1F  }
0x1c7: {  	s28 =	sadd.s32 s2, s7;
	s31 =	spop (v2sf);
	s19 =	smul.u32 $0x51EB851F, s0  }
0x1c8: {  	s26 =	sadd.s32 s4, s9;
	s4 =	smulhi.u32 $0x51EB851F, s31;
	s0 =	sshra.s32 s31, $0x1F  }
0x1c9: {  	s3 =	sshrl.u32 s28, $0x1F;
	s7 =	spop (v2sf);
	s5 =	smul.u32 $0x51EB851F, s0  }
0x1ca: {  	s25 =	sadd.s32 s6, s11;
	s29 =	sadd.s32 s8, s16;
	s6 =	smulhi.u32 $0x51EB851F, s7  }
0x1cb: {  	s16 =	sshra.s32 s7, $0x1F;
	s0 =	sadd.s32 s10, s18;
	s17 =	spop (v2sf)  }
0x1cc: {  	s7 =	smul.u32 $0x51EB851F, s16;
	s8 =	sshra.s32 s17, $0x1F;
	s18 =	spop (v2sf)  }
0x1cd: {  	s30 =	sadd.s32 s30, s13;
	s1 =	smul.u32 $0x51EB851F, s8;
	s8 =	spop (v2sf)  }
0x1ce: {  	s9 =	smulhi.u32 $0x51EB851F, s17;
	s10 =	sshra.s32 s18, $0x1F;
	s13 =	spop (v2sf)  }
0x1cf: {  	s31 =	sadd.s32 s19, s14;
	s19 =	smul.u32 $0x51EB851F, s10;
	s10 =	spop (v2sf)  }
0x1d0: {  	s16 =	sshrl.u32 s26, $0x1F;
	s11 =	smulhi.u32 $0x51EB851F, s18;
	s17 =	spop (v2sf)  }
0x1d1: {  	v7 =	vmov s3;
	s3 =	sshrl.u32 s0, $0x1F;
	s18 =	smulhi.u32 $0x51EB851F, s17;
	s14 =	sshra.s32 s17, $0x1F  }
0x1d2: {  	s0 =	sshra.s32 s0, $0x5;
	s9 =	sadd.s32 s1, s9;
	s14 =	smul.u32 $0x51EB851F, s14  }
0x1d3: {  	v7 =	vsel vm0, s12, v7;
	s4 =	sadd.s32 s5, s4;
	s6 =	sadd.s32 s7, s6;
	s12 =	sshrl.u32 s9, $0x1F  }
0x1d4: {  	s5 =	smulhi.u32 $0x51EB851F, s8;
	s8 =	sshra.s32 s8, $0x1F;
	s1 =	sadd.s32 s14, s18  }
0x1d5: {  	s8 =	smul.u32 $0x51EB851F, s8;
	s7 =	sshra.s32 s13, $0x1F;
	s14 =	sshra.s32 s1, $0x1F  }
0x1d6: {  	s2 =	sadd.s32 s19, s11;
	s11 =	smulhi.u32 $0x51EB851F, s13;
	s19 =	sshra.s32 s4, $0x5;
	v6 =	vmov s14  }
0x1d7: {  	vm9 =	vcmask $0x704;
	s13 =	sshrl.u32 s30, $0x1F;
	s17 =	sshrl.u32 s4, $0x1F;
	s4 =	sshra.s32 s4, $0x1F;
	v6 =	vsel vm4, s19, v6  }
0x1d8: {  	v7 =	vsel vm1, s16, v7;
	s16 =	sshrl.u32 s2, $0x1F;
	v37 =	vmov s17;
	s17 =	sshra.s32 s6, $0x5;
	s18 =	sshrl.u32 s29, $0x1F;
	v6 =	vsel vm9, s4, v6  }
0x1d9: {  	v38 =	vmov s3;
	s4 =	smul.u32 $0x51EB851F, s7;
	s7 =	sshrl.u32 s6, $0x1F;
	s6 =	sshra.s32 s6, $0x1F;
	v6 =	vsel vm0, s17, v6  }
0x1da: {  	v40 =	vmov s0;
	v9 =	vsel vm0, s18, v38;
	s17 =	sshra.s32 s10, $0x1F;
	v6 =	vsel vm11, s6, v6;
	s6 =	smulhi.u32 $0x51EB851F, s10;
	s10 =	sshra.s32 s9, $0x5  }
0x1db: {  	v8 =	vnsel vm4, $0x0, v37;
	s14 =	sshrl.u32 s25, $0x1F;
	v9 =	vsel vm1, s13, v9;
	s13 =	sshra.s32 s28, $0x5;
	s9 =	sshra.s32 s9, $0x1F;
	v6 =	vsel vm1, s10, v6  }
0x1dc: {  	s19 =	sshrl.u32 s31, $0x1F;
	v7 =	vsel vm2, s14, v7;
	s14 =	sadd.s32 s8, s5;
	v8 =	vsel vm0, s7, v8;
	s10 =	sshra.s32 s2, $0x5;
	v6 =	vsel vm12, s9, v6  }
0x1dd: {  	s8 =	sshrl.u32 s14, $0x1F;
	v9 =	vsel vm2, s19, v9;
	s19 =	sshra.s32 s26, $0x5;
	v8 =	vsel vm1, s12, v8;
	s2 =	sshra.s32 s2, $0x1F;
	v6 =	vsel vm2, s10, v6  }
0x1de: {  	v39 =	vmov s13;
	s17 =	smul.u32 $0x51EB851F, s17;
	s4 =	sadd.s32 s4, s11;
	s12 =	sshra.s32 s14, $0x5;
	v8 =	vsel vm2, s16, v8;
	v6 =	vsel vm13, s2, v6  }
0x1df: {  	v7 =	vcombine.low v9, v7;
	s14 =	sshra.s32 s14, $0x1F;
	s11 =	sshrl.u32 s4, $0x1F;
	s16 =	sshra.s32 s24, $0x5;
	v8 =	vsel vm5, s8, v8;
	v6 =	vsel vm5, s12, v6  }
0x1e0: {  	s18 =	sshra.s32 s4, $0x5;
	s5 =	sadd.s32 s17, s6;
	s17 =	sshra.s32 s29, $0x5;
	v9 =	vsel vm0, s16, v39;
	v8 =	vsel vm6, s11, v8;
	v6 =	vsel vm14, s14, v6  }
0x1e1: {  	s24 =	sshra.s32 s30, $0x5;
	s26 =	sshra.s32 s4, $0x1F;
	s6 =	sshrl.u32 s5, $0x1F;
	v10 =	vsel vm0, s17, v40;
	v9 =	vsel vm1, s19, v9;
	v6 =	vsel vm6, s18, v6  }
0x1e2: {  	s28 =	sshra.s32 s25, $0x5;
	s29 =	sshra.s32 s31, $0x5;
	s30 =	sshra.s32 s5, $0x5;
	v8 =	vsel vm7, s6, v8;
	v10 =	vsel vm1, s24, v10;
	v6 =	vsel vm15, s26, v6  }
0x1e3: {  	s31 =	sshrl.u32 s1, $0x1F;
	v9 =	vsel vm2, s28, v9;
	s2 =	sshra.s32 s5, $0x1F;
	v10 =	vsel vm2, s29, v10;
	v6 =	vsel vm7, s30, v6  }
0x1e4: {  	s3 =	sshra.s32 s1, $0x5;
	v8 =	vsel vm8, s31, v8;
	v9 =	vcombine.low v10, v9;
	v6 =	vsel vm10, s2, v6  }
0x1e5: {  	v7 =	vperm.xlane v7, v0;
	v8 =	vperm.xlane v8, v1;
	v6 =	vsel vm8, s3, v6  }
0x1e6: {  	v9 =	vperm.xlane v9, v0;
	v6 =	vperm.xlane v6, v1;
	_ =	sdelay $0x1  }
0x1e7: {  	v7 =	vsel vm3, v8, v7;
	v6 =	vsel vm3, v6, v9  }
0x1e8: {  	v6 =	vadd.s32 v7, v6  }
0x1e9: {  	v6 =	vmul.u32 $0x64, v6;
	_ =	sdelay $0x1  }
0x1ea: {  	v6 =	vsub.s32 v5, v6  }
0x1eb: {  	vm9 =	vlt.s32 v6, $0x0;
	v7 =	vadd.s32 $0x64, v6  }
0x1ec: {  	v6 =	vsel vm9, v7, v6  }
0x1ed: {  	vm9 =	vlt.s32 v6, $0x2  }
0x1ee: {  	v7 =	vsel vm9, $0x1, v2  }
0x1ef: {  	(xrf0) =	vadd.scan.msk.s32 $0xffff, v7;
	_ =	sdelay $0x1  }
0x1f0: {  	s22 =	sadd.s32 s22, s23  }
0x1f1: {  	v42 =	vld [tilespmem:s21+$0x2850];
	v41 =	vmov s22  }
0x1f2: {  	v8 =	vadd.s32 $0xFFFFFFFF, v41;
	v7 =	vld [tilespmem:s21+$0x50]  }
0x1f3: {  	v8 =	vbroadcast v8, $0x0  }
0x1f4: {  	v43, _, _ =	vpop (xrf0)  }
0x1f5: {  	v5 =	vmul.u32 $0x147B, v5;
	v8 =	vadd.s32 v43, v8  }
0x1f6: {  	v8 =	vsel vm9, v8, v3  }
0x1f7: {  	v45 =	vmul.u32 $0xC8, v42;
	v5 =	vshrl.u32 v5, $0x12;
	v44 =	vmul.u32 $0x11, v7  }
0x1f8: {  	v5 =	vand.u32 $0x3FFE, v5  }
0x1f9: {  	v5 =	vadd.s32 v45, v5;
	v9 =	vadd.s32 v42, v44  }
0x1fa: {  	v5 =	vadd.s32 v6, v5;
	[tilespmem:s21+$0x50] =	vst v9  }
0x1fb: {  	[tilespmem:v8+s15+$0x0] =	vst.idx.msk $0xffff, v5  }
0x1fc: {  	[tilespmem:v8+s20+$0x0] =	vst.idx.msk $0xffff, v7  }
0x1fd: {  	v5 =	vld [tilespmem:s21+$0x5060];
	_ =	sdelay $0x3  }
0x1fe: {  	(v2sf) =	vpush v43, $0xF  }
0x1ff: {  	(v2sf) =	vpush v5, $0xD;
	_ =	sdelay $0x1  }
0x200: {  	(v2sf) =	vpush v5, $0xC;
	_ =	sdelay $0x1  }
0x201: {  	(v2sf) =	vpush v5, $0xE;
	_ =	sdelay $0x1  }
0x202: {  	(v2sf) =	vpush v5, $0xF;
	_ =	sdelay $0x1  }
0x203: {  	(v2sf) =	vpush v5, $0x9;
	_ =	sdelay $0x1  }
0x204: {  	(v2sf) =	vpush v5, $0x8;
	_ =	sdelay $0x1  }
0x205: {  	(v2sf) =	vpush v5, $0xA;
	_ =	sdelay $0x1  }
0x206: {  	s23 =	spop (v2sf);
	(v2sf) =	vpush v5, $0xB  }
0x207: {  	s4 =	spop (v2sf)  }
0x208: {  	(v2sf) =	vpush v5, $0x0;
	s5 =	smulhi.u32 $0x51EB851F, s4;
	s0 =	sshra.s32 s4, $0x1F  }
0x209: {  	s6 =	spop (v2sf);
	s0 =	smul.u32 $0x51EB851F, s0  }
0x20a: {  	(v2sf) =	vpush v5, $0x1;
	s7 =	smulhi.u32 $0x51EB851F, s6;
	s2 =	sshra.s32 s6, $0x1F  }
0x20b: {  	s8 =	spop (v2sf);
	s2 =	smul.u32 $0x51EB851F, s2  }
0x20c: {  	(v2sf) =	vpush v5, $0x2;
	s9 =	smulhi.u32 $0x51EB851F, s8;
	s4 =	sshra.s32 s8, $0x1F  }
0x20d: {  	(v2sf) =	vpush v5, $0x3;
	s10 =	spop (v2sf);
	s4 =	smul.u32 $0x51EB851F, s4  }
0x20e: {  	(v2sf) =	vpush v5, $0x4;
	s11 =	smulhi.u32 $0x51EB851F, s10;
	s6 =	sshra.s32 s10, $0x1F  }
0x20f: {  	(v2sf) =	vpush v5, $0x5;
	s14 =	spop (v2sf);
	s6 =	smul.u32 $0x51EB851F, s6  }
0x210: {  	(v2sf) =	vpush v5, $0x6;
	s16 =	smulhi.u32 $0x51EB851F, s14;
	s8 =	sshra.s32 s14, $0x1F  }
0x211: {  	s17 =	spop (v2sf);
	(v2sf) =	vpush v5, $0x7;
	s8 =	smul.u32 $0x51EB851F, s8  }
0x212: {  	s18 =	smulhi.u32 $0x51EB851F, s17;
	s10 =	sshra.s32 s17, $0x1F  }
0x213: {  	s31 =	spop (v2sf);
	s10 =	smul.u32 $0x51EB851F, s10  }
0x214: {  	s13 =	smulhi.u32 $0x51EB851F, s31;
	s29 =	sshra.s32 s31, $0x1F  }
0x215: {  	s24 =	sadd.s32 s0, s5;
	s31 =	spop (v2sf);
	s30 =	smul.u32 $0x51EB851F, s29  }
0x216: {  	s12 =	sshrl.u32 s24, $0x1F;
	s14 =	smulhi.u32 $0x51EB851F, s31;
	s0 =	sshra.s32 s31, $0x1F  }
0x217: {  	s28 =	sadd.s32 s2, s7;
	s31 =	spop (v2sf);
	s19 =	smul.u32 $0x51EB851F, s0  }
0x218: {  	s26 =	sadd.s32 s4, s9;
	s4 =	smulhi.u32 $0x51EB851F, s31;
	s0 =	sshra.s32 s31, $0x1F  }
0x219: {  	s3 =	sshrl.u32 s28, $0x1F;
	s7 =	spop (v2sf);
	s5 =	smul.u32 $0x51EB851F, s0  }
0x21a: {  	s25 =	sadd.s32 s6, s11;
	s29 =	sadd.s32 s8, s16;
	s6 =	smulhi.u32 $0x51EB851F, s7  }
0x21b: {  	s16 =	sshra.s32 s7, $0x1F;
	s0 =	sadd.s32 s10, s18;
	s17 =	spop (v2sf)  }
0x21c: {  	s7 =	smul.u32 $0x51EB851F, s16;
	s8 =	sshra.s32 s17, $0x1F;
	s18 =	spop (v2sf)  }
0x21d: {  	s30 =	sadd.s32 s30, s13;
	s1 =	smul.u32 $0x51EB851F, s8;
	s8 =	spop (v2sf)  }
0x21e: {  	s9 =	smulhi.u32 $0x51EB851F, s17;
	s10 =	sshra.s32 s18, $0x1F;
	s13 =	spop (v2sf)  }
0x21f: {  	s31 =	sadd.s32 s19, s14;
	s19 =	smul.u32 $0x51EB851F, s10;
	s10 =	spop (v2sf)  }
0x220: {  	s16 =	sshrl.u32 s26, $0x1F;
	s11 =	smulhi.u32 $0x51EB851F, s18;
	s17 =	spop (v2sf)  }
0x221: {  	v7 =	vmov s3;
	s3 =	sshrl.u32 s0, $0x1F;
	s18 =	smulhi.u32 $0x51EB851F, s17;
	s14 =	sshra.s32 s17, $0x1F  }
0x222: {  	s0 =	sshra.s32 s0, $0x5;
	s9 =	sadd.s32 s1, s9;
	s14 =	smul.u32 $0x51EB851F, s14  }
0x223: {  	v7 =	vsel vm0, s12, v7;
	s4 =	sadd.s32 s5, s4;
	s6 =	sadd.s32 s7, s6;
	s12 =	sshrl.u32 s9, $0x1F  }
0x224: {  	s5 =	smulhi.u32 $0x51EB851F, s8;
	s8 =	sshra.s32 s8, $0x1F;
	s1 =	sadd.s32 s14, s18  }
0x225: {  	s8 =	smul.u32 $0x51EB851F, s8;
	s7 =	sshra.s32 s13, $0x1F;
	s14 =	sshra.s32 s1, $0x1F  }
0x226: {  	s2 =	sadd.s32 s19, s11;
	s11 =	smulhi.u32 $0x51EB851F, s13;
	s19 =	sshra.s32 s4, $0x5;
	v6 =	vmov s14  }
0x227: {  	vm9 =	vcmask $0x704;
	v7 =	vsel vm1, s16, v7;
	s13 =	sshrl.u32 s30, $0x1F;
	s17 =	sshrl.u32 s4, $0x1F;
	s4 =	sshra.s32 s4, $0x1F;
	v6 =	vsel vm4, s19, v6  }
0x228: {  	v47 =	vmov s3;
	s16 =	sshrl.u32 s2, $0x1F;
	s3 =	sadd.s32 s8, s5;
	v46 =	vmov s17;
	s17 =	sshra.s32 s6, $0x5;
	v6 =	vsel vm9, s4, v6  }
0x229: {  	s4 =	smul.u32 $0x51EB851F, s7;
	s7 =	sshrl.u32 s6, $0x1F;
	s6 =	sshra.s32 s6, $0x1F;
	v6 =	vsel vm0, s17, v6  }
0x22a: {  	v49 =	vmov s0;
	v8 =	vnsel vm4, $0x0, v46;
	s18 =	sshrl.u32 s29, $0x1F;
	s14 =	sshrl.u32 s25, $0x1F;
	s17 =	sshra.s32 s9, $0x5;
	v6 =	vsel vm11, s6, v6  }
0x22b: {  	s8 =	sshrl.u32 s3, $0x1F;
	v9 =	vsel vm0, s18, v47;
	v7 =	vsel vm2, s14, v7;
	s14 =	sshra.s32 s10, $0x1F;
	v6 =	vsel vm1, s17, v6;
	s17 =	sshra.s32 s9, $0x1F  }
0x22c: {  	v9 =	vsel vm1, s13, v9;
	s19 =	sshrl.u32 s31, $0x1F;
	s14 =	smul.u32 $0x51EB851F, s14;
	v8 =	vsel vm0, s7, v8;
	s9 =	sshra.s32 s2, $0x5;
	v6 =	vsel vm12, s17, v6  }
0x22d: {  	s13 =	sshra.s32 s3, $0x1F;
	v9 =	vsel vm2, s19, v9;
	s6 =	smulhi.u32 $0x51EB851F, s10;
	v8 =	vsel vm1, s12, v8;
	s2 =	sshra.s32 s2, $0x1F;
	v6 =	vsel vm2, s9, v6  }
0x22e: {  	v7 =	vcombine.low v9, v7;
	s4 =	sadd.s32 s4, s11;
	s11 =	sshra.s32 s3, $0x5;
	s12 =	sshra.s32 s28, $0x5;
	v8 =	vsel vm2, s16, v8;
	v6 =	vsel vm13, s2, v6  }
0x22f: {  	s19 =	sshra.s32 s30, $0x5;
	s10 =	sshrl.u32 s4, $0x1F;
	v48 =	vmov s12;
	s16 =	sshra.s32 s29, $0x5;
	v8 =	vsel vm5, s8, v8;
	v6 =	vsel vm5, s11, v6  }
0x230: {  	s5 =	sadd.s32 s14, s6;
	s14 =	sshra.s32 s24, $0x5;
	s17 =	sshra.s32 s4, $0x5;
	v10 =	vsel vm0, s16, v49;
	v8 =	vsel vm6, s10, v8;
	v6 =	vsel vm14, s13, v6  }
0x231: {  	s18 =	sshra.s32 s26, $0x5;
	s24 =	sshra.s32 s4, $0x1F;
	s6 =	sshrl.u32 s5, $0x1F;
	v9 =	vsel vm0, s14, v48;
	v10 =	vsel vm1, s19, v10;
	v6 =	vsel vm6, s17, v6  }
0x232: {  	s26 =	sshra.s32 s25, $0x5;
	s28 =	sshra.s32 s31, $0x5;
	s29 =	sshra.s32 s5, $0x5;
	v8 =	vsel vm7, s6, v8;
	v9 =	vsel vm1, s18, v9;
	v6 =	vsel vm15, s24, v6  }
0x233: {  	s30 =	sshrl.u32 s1, $0x1F;
	s31 =	sshra.s32 s5, $0x1F;
	v10 =	vsel vm2, s28, v10;
	v9 =	vsel vm2, s26, v9;
	v6 =	vsel vm7, s29, v6  }
0x234: {  	s1 =	sshra.s32 s1, $0x5;
	v8 =	vsel vm8, s30, v8;
	v9 =	vcombine.low v10, v9;
	v6 =	vsel vm10, s31, v6  }
0x235: {  	v7 =	vperm.xlane v7, v0;
	v8 =	vperm.xlane v8, v1;
	v6 =	vsel vm8, s1, v6  }
0x236: {  	v9 =	vperm.xlane v9, v0;
	v6 =	vperm.xlane v6, v1;
	_ =	sdelay $0x1  }
0x237: {  	v7 =	vsel vm3, v8, v7;
	v6 =	vsel vm3, v6, v9  }
0x238: {  	v6 =	vadd.s32 v7, v6  }
0x239: {  	v6 =	vmul.u32 $0x64, v6;
	_ =	sdelay $0x1  }
0x23a: {  	v6 =	vsub.s32 v5, v6  }
0x23b: {  	vm9 =	vlt.s32 v6, $0x0;
	v7 =	vadd.s32 $0x64, v6  }
0x23c: {  	v6 =	vsel vm9, v7, v6  }
0x23d: {  	vm9 =	vlt.s32 v6, $0x2  }
0x23e: {  	v7 =	vsel vm9, $0x1, v2  }
0x23f: {  	(xrf0) =	vadd.scan.msk.s32 $0xffff, v7;
	_ =	sdelay $0x1  }
0x240: {  	s22 =	sadd.s32 s22, s23  }
0x241: {  	v51 =	vld [tilespmem:s21+$0x2860];
	v50 =	vmov s22  }
0x242: {  	v8 =	vadd.s32 $0xFFFFFFFF, v50;
	v7 =	vld [tilespmem:s21+$0x60]  }
0x243: {  	v8 =	vbroadcast v8, $0x0  }
0x244: {  	v52, _, _ =	vpop (xrf0)  }
0x245: {  	v5 =	vmul.u32 $0x147B, v5;
	v8 =	vadd.s32 v52, v8  }
0x246: {  	v8 =	vsel vm9, v8, v3  }
0x247: {  	v54 =	vmul.u32 $0xC8, v51;
	v5 =	vshrl.u32 v5, $0x12;
	v53 =	vmul.u32 $0x11, v7  }
0x248: {  	v5 =	vand.u32 $0x3FFE, v5  }
0x249: {  	v5 =	vadd.s32 v54, v5;
	v9 =	vadd.s32 v51, v53  }
0x24a: {  	v5 =	vadd.s32 v6, v5;
	[tilespmem:s21+$0x60] =	vst v9  }
0x24b: {  	[tilespmem:v8+s15+$0x0] =	vst.idx.msk $0xffff, v5  }
0x24c: {  	[tilespmem:v8+s20+$0x0] =	vst.idx.msk $0xffff, v7  }
0x24d: {  	v5 =	vld [tilespmem:s21+$0x5070];
	_ =	sdelay $0x3  }
0x24e: {  	(v2sf) =	vpush v52, $0xF  }
0x24f: {  	(v2sf) =	vpush v5, $0xD;
	_ =	sdelay $0x1  }
0x250: {  	(v2sf) =	vpush v5, $0xC;
	_ =	sdelay $0x1  }
0x251: {  	(v2sf) =	vpush v5, $0xE;
	_ =	sdelay $0x1  }
0x252: {  	(v2sf) =	vpush v5, $0xF;
	_ =	sdelay $0x1  }
0x253: {  	(v2sf) =	vpush v5, $0x9;
	_ =	sdelay $0x1  }
0x254: {  	(v2sf) =	vpush v5, $0x8;
	_ =	sdelay $0x1  }
0x255: {  	(v2sf) =	vpush v5, $0xA  }
0x256: {  	(v2sf) =	vpush v5, $0xB  }
0x257: {  	s23 =	spop (v2sf);
	(v2sf) =	vpush v5, $0x0  }
0x258: {  	s2 =	spop (v2sf)  }
0x259: {  	(v2sf) =	vpush v5, $0x1;
	s3 =	smulhi.u32 $0x51EB851F, s2;
	s0 =	sshra.s32 s2, $0x1F  }
0x25a: {  	s4 =	spop (v2sf);
	s0 =	smul.u32 $0x51EB851F, s0  }
0x25b: {  	s5 =	smulhi.u32 $0x51EB851F, s4;
	s2 =	sshra.s32 s4, $0x1F  }
0x25c: {  	(v2sf) =	vpush v5, $0x2;
	s6 =	spop (v2sf);
	s2 =	smul.u32 $0x51EB851F, s2  }
0x25d: {  	s7 =	smulhi.u32 $0x51EB851F, s6;
	s4 =	sshra.s32 s6, $0x1F  }
0x25e: {  	(v2sf) =	vpush v5, $0x3;
	s17 =	spop (v2sf);
	s4 =	smul.u32 $0x51EB851F, s4  }
0x25f: {  	(v2sf) =	vpush v5, $0x4;
	s18 =	smulhi.u32 $0x51EB851F, s17;
	s6 =	sshra.s32 s17, $0x1F  }
0x260: {  	(v2sf) =	vpush v5, $0x5;
	s20 =	spop (v2sf);
	s6 =	smul.u32 $0x51EB851F, s6  }
0x261: {  	(v2sf) =	vpush v5, $0x6;
	s10 =	smulhi.u32 $0x51EB851F, s20;
	s8 =	sshra.s32 s20, $0x1F  }
0x262: {  	(v2sf) =	vpush v5, $0x7;
	s24 =	spop (v2sf);
	s8 =	smul.u32 $0x51EB851F, s8  }
0x263: {  	s13 =	smulhi.u32 $0x51EB851F, s24;
	s9 =	sshra.s32 s24, $0x1F  }
0x264: {  	s25 =	spop (v2sf);
	s9 =	smul.u32 $0x51EB851F, s9  }
0x265: {  	s26 =	spop (v2sf);
	s17 =	smulhi.u32 $0x51EB851F, s25;
	s11 =	sshra.s32 s25, $0x1F  }
0x266: {  	s29 =	spop (v2sf);
	s11 =	smul.u32 $0x51EB851F, s11  }
0x267: {  	s28 =	smulhi.u32 $0x51EB851F, s26;
	s12 =	sshra.s32 s26, $0x1F;
	s26 =	sadd.s32 s0, s3  }
0x268: {  	s3 =	sadd.s32 s4, s7;
	s30 =	spop (v2sf);
	s12 =	smul.u32 $0x51EB851F, s12  }
0x269: {  	s24 =	smulhi.u32 $0x51EB851F, s29;
	s14 =	sshra.s32 s29, $0x1F;
	s29 =	sadd.s32 s2, s5  }
0x26a: {  	s4 =	sshrl.u32 s26, $0x1F;
	s2 =	sadd.s32 s6, s18;
	s1 =	smul.u32 $0x51EB851F, s14  }
0x26b: {  	s31 =	spop (v2sf);
	s14 =	smulhi.u32 $0x51EB851F, s30;
	s30 =	sshra.s32 s30, $0x1F  }
0x26c: {  	s7 =	sshrl.u32 s29, $0x1F;
	s0 =	sadd.s32 s11, s17;
	s5 =	smul.u32 $0x51EB851F, s30  }
0x26d: {  	s19 =	spop (v2sf);
	s6 =	smulhi.u32 $0x51EB851F, s31;
	s31 =	sshra.s32 s31, $0x1F  }
0x26e: {  	s30 =	sadd.s32 s8, s10;
	s28 =	sadd.s32 s12, s28;
	s15 =	spop (v2sf)  }
0x26f: {  	s8 =	smul.u32 $0x51EB851F, s31;
	s31 =	sadd.s32 s9, s13;
	s20 =	spop (v2sf)  }
0x270: {  	s9 =	smulhi.u32 $0x51EB851F, s19;
	s13 =	sshra.s32 s19, $0x1F;
	s25 =	spop (v2sf)  }
0x271: {  	s11 =	sadd.s32 s1, s24;
	s10 =	smul.u32 $0x51EB851F, s13;
	s17 =	spop (v2sf)  }
0x272: {  	s5 =	sadd.s32 s5, s14;
	s18 =	smulhi.u32 $0x51EB851F, s17;
	s1 =	sshra.s32 s17, $0x1F  }
0x273: {  	s14 =	sshrl.u32 s3, $0x1F;
	s13 =	sshrl.u32 s31, $0x1F;
	s1 =	smul.u32 $0x51EB851F, s1  }
0x274: {  	s24 =	sshrl.u32 s11, $0x1F;
	s3 =	sshra.s32 s3, $0x5;
	s6 =	sadd.s32 s8, s6  }
0x275: {  	s8 =	sshrl.u32 s2, $0x1F;
	s9 =	sadd.s32 s10, s9;
	s1 =	sadd.s32 s1, s18  }
0x276: {  	vm9 =	vcmask $0x704;
	v7 =	vmov s7;
	s16 =	smulhi.u32 $0x51EB851F, s15;
	s15 =	sshra.s32 s15, $0x1F;
	s19 =	sshra.s32 s1, $0x1F  }
0x277: {  	v7 =	vsel vm0, s4, v7;
	v55 =	vmov s24;
	s15 =	smul.u32 $0x51EB851F, s15;
	s24 =	sshra.s32 s20, $0x1F;
	s18 =	sshra.s32 s11, $0x5;
	v6 =	vmov s19  }
0x278: {  	v7 =	vsel vm1, s14, v7;
	v56 =	vmov s13;
	s10 =	sshrl.u32 s30, $0x1F;
	s7 =	smul.u32 $0x51EB851F, s24;
	s19 =	sshra.s32 s11, $0x1F;
	v6 =	vsel vm4, s18, v6  }
0x279: {  	v7 =	vsel vm2, s8, v7;
	v9 =	vsel vm0, s10, v56;
	s10 =	sshra.s32 s29, $0x5;
	s8 =	smulhi.u32 $0x51EB851F, s25;
	s18 =	sshra.s32 s5, $0x5;
	v6 =	vsel vm9, s19, v6  }
0x27a: {  	s24 =	sshra.s32 s25, $0x1F;
	s17 =	sshrl.u32 s5, $0x1F;
	s5 =	sshra.s32 s5, $0x1F;
	v6 =	vsel vm0, s18, v6  }
0x27b: {  	s25 =	sshra.s32 s6, $0x5;
	s12 =	sadd.s32 s15, s16;
	s15 =	sshrl.u32 s0, $0x1F;
	v6 =	vsel vm11, s5, v6  }
0x27c: {  	v8 =	vnsel vm4, $0x0, v55;
	v9 =	vsel vm1, s15, v9;
	s11 =	sshrl.u32 s28, $0x1F;
	s19 =	sshrl.u32 s6, $0x1F;
	s6 =	sshra.s32 s6, $0x1F;
	v6 =	vsel vm1, s25, v6  }
0x27d: {  	s14 =	sshra.s32 s26, $0x5;
	v57 =	vmov s10;
	v9 =	vsel vm2, s11, v9;
	s18 =	smul.u32 $0x51EB851F, s24;
	s24 =	sshra.s32 s9, $0x5;
	v6 =	vsel vm12, s6, v6  }
0x27e: {  	s4 =	smulhi.u32 $0x51EB851F, s20;
	v8 =	vsel vm0, s17, v8;
	s11 =	sshra.s32 s31, $0x5;
	v7 =	vcombine.low v9, v7;
	s25 =	sshra.s32 s9, $0x1F;
	v6 =	vsel vm2, s24, v6  }
0x27f: {  	s16 =	sshra.s32 s30, $0x5;
	s17 =	sshrl.u32 s9, $0x1F;
	v58 =	vmov s11;
	v9 =	vsel vm0, s14, v57;
	s9 =	sshra.s32 s12, $0x5;
	v6 =	vsel vm13, s25, v6  }
0x280: {  	s2 =	sshra.s32 s2, $0x5;
	s4 =	sadd.s32 s7, s4;
	s13 =	sshra.s32 s12, $0x1F;
	v8 =	vsel vm1, s19, v8;
	v10 =	vsel vm0, s16, v58;
	v6 =	vsel vm5, s9, v6  }
0x281: {  	s0 =	sshra.s32 s0, $0x5;
	s19 =	sshrl.u32 s12, $0x1F;
	v9 =	vsel vm1, s3, v9;
	v8 =	vsel vm2, s17, v8;
	s17 =	sshra.s32 s4, $0x5;
	v6 =	vsel vm14, s13, v6  }
0x282: {  	s7 =	sshrl.u32 s4, $0x1F;
	s4 =	sshra.s32 s4, $0x1F;
	v10 =	vsel vm1, s0, v10;
	v8 =	vsel vm5, s19, v8;
	s5 =	sadd.s32 s18, s8;
	v6 =	vsel vm6, s17, v6  }
0x283: {  	v9 =	vsel vm2, s2, v9;
	s18 =	sshra.s32 s28, $0x5;
	v8 =	vsel vm6, s7, v8;
	s8 =	sshrl.u32 s5, $0x1F;
	s19 =	sshra.s32 s5, $0x5;
	v6 =	vsel vm15, s4, v6  }
0x284: {  	v10 =	vsel vm2, s18, v10;
	v8 =	vsel vm7, s8, v8;
	s24 =	sshrl.u32 s1, $0x1F;
	s25 =	sshra.s32 s5, $0x1F;
	v6 =	vsel vm7, s19, v6  }
0x285: {  	s26 =	sshra.s32 s1, $0x5;
	v9 =	vcombine.low v10, v9;
	v8 =	vsel vm8, s24, v8;
	v6 =	vsel vm10, s25, v6  }
0x286: {  	v7 =	vperm.xlane v7, v0;
	v8 =	vperm.xlane v8, v1;
	v6 =	vsel vm8, s26, v6  }
0x287: {  	v9 =	vperm.xlane v9, v0;
	v6 =	vperm.xlane v6, v1;
	_ =	sdelay $0x1  }
0x288: {  	v7 =	vsel vm3, v8, v7;
	v6 =	vsel vm3, v6, v9  }
0x289: {  	v6 =	vadd.s32 v7, v6  }
0x28a: {  	v6 =	vmul.u32 $0x64, v6;
	_ =	sdelay $0x1  }
0x28b: {  	v6 =	vsub.s32 v5, v6  }
0x28c: {  	vm9 =	vlt.s32 v6, $0x0;
	v7 =	vadd.s32 $0x64, v6  }
0x28d: {  	v6 =	vsel vm9, v7, v6  }
0x28e: {  	vm9 =	vlt.s32 v6, $0x2  }
0x28f: {  	v7 =	vsel vm9, $0x1, v2  }
0x290: {  	(xrf0) =	vadd.scan.msk.s32 $0xffff, v7;
	_ =	sdelay $0x5  }
0x291: {  	v7, _, _ =	vpop (xrf0)  }
0x292: {  	(v2sf) =	vpush v7, $0xF;
	_ =	sdelay $0x3  }
0x293: {  	s28 =	sadd.s32 s22, s23  }
0x294: {  	v59 =	vld [tilespmem:s21+$0x70];
	v60 =	vmov s28  }
0x295: {  	v61 =	vld [tilespmem:s21+$0x2870];
	v9 =	vadd.s32 $0xFFFFFFFF, v60  }
0x296: {  	v9 =	vbroadcast v9, $0x0;
	_ =	sdelay $0x1  }
0x297: {  	v5 =	vmul.u32 $0x147B, v5;
	v7 =	vadd.s32 v7, v9  }
0x298: {  	s30 =	rddreg [dreg:$0xb];
	v7 =	vsel vm9, v7, v3  }
0x299: {  	v62 =	vmul.u32 $0x11, v59;
	v63 =	vmul.u32 $0xC8, v61;
	p0 =	sne.s32 s30, $0x9E00;
	v5 =	vshrl.u32 v5, $0x12  }
.Ltmp0:
0x29a: {  	v5 =	vand.u32 $0x3FFE, v5;
	(pc) =	sbr.rel @p0 .LBB2_2-.Ltmp0, $4  }
0x29b: {  	v5 =	vadd.s32 v63, v5;
	v9 =	vadd.s32 v61, v62  }
0x29c: {  	s15 =	simm.s32 $0xA180;
	v5 =	vadd.s32 v6, v5;
	[tilespmem:s21+$0x70] =	vst v9  }
0x29d: {  	s20 =	simm.s32 $0x7800;
	s31 =	rddreg [dreg:$0xb];
	[tilespmem:v7+s15+$0x0] =	vst.idx.msk $0xffff, v5;
	s29 =	spop (v2sf)  }
0x29e: {  	s0 =	sadd.s32 $0x200, s31;
	vm9 =	vmmov vm3;
	vm3 =	vmmov vm10;
	vm10 =	vcmask $0x704;
	[tilespmem:v7+s20+$0x0] =	vst.idx.msk $0xffff, v59;
	s22 =	sadd.s32 s28, s29  }
0x29f: {  	[tilespmem:s22+$0x7800] =	vst v2  }
0x2a0: {  	[tilespmem:s22+$0xA180] =	vst v4  }
0x2a1: {  	[tilespmem:s22+$0x7810] =	vst v2  }
0x2a2: {  	[tilespmem:s22+$0xA190] =	vst v4  }
0x2a3: {  	[tilespmem:s22+$0x7820] =	vst v2  }
0x2a4: {  	[tilespmem:s22+$0xA1A0] =	vst v4  }
0x2a5: {  	[tilespmem:s22+$0x7830] =	vst v2  }
0x2a6: {  	[tilespmem:s22+$0xA1B0] =	vst v4  }
0x2a7: {  	[tilespmem:s22+$0x7840] =	vst v2  }
0x2a8: {  	[tilespmem:s22+$0xA1C0] =	vst v4  }
0x2a9: {  	[tilespmem:s22+$0x7850] =	vst v2  }
0x2aa: {  	[tilespmem:s22+$0xA1D0] =	vst v4  }
0x2ab: {  	[tilespmem:s22+$0x7860] =	vst v2  }
0x2ac: {  	[tilespmem:s22+$0xA1E0] =	vst v4  }
0x2ad: {  	[tilespmem:s22+$0x7870] =	vst v2  }
0x2ae: {  	[tilespmem:s22+$0xA1F0] =	vst v4;
	v5 =	vmov s22  }
0x2af: {  	s2 =	simm.s32 $0x0;
	s0 =	rddreg [dreg:$0x5];
	s1 =	simm.s32 $0x1;
	[tilespmem:$0xCB00] =	vst v5  }
0x2b0: {  	[hbm4b:s0+s2] =	stream.linear.scatter [tilespmem:s2], [sflag:$0x1], $0x2800, $0x38;
	[tilespmem:$0xCB80] =	vst v63  }
0x2b1: {  	_ =	swait.ge [sflag:s1], $0x2800  }
0x2b2: {  	s3 =	simm.s32 $0x80;
	[sflag:s1] =	ssyncset.done $0x0  }
0x2b3: {  	s4 =	simm.s32 $0x400;
	s25 =	rddreg [dreg:$0x6];
	[sflag:s1] =	ssyncadd.s32 $0xFFFFD800  }
0x2b4: {  	[hbm4b:s25+s3] =	stream.strided.scatter [tilespmem:s20], [sflag:$0x1], $0x2880, s4, s3, $0x38;
	[tilespmem:$0xCB80] =	vst v63  }
0x2b5: {  	_ =	swait.ge [sflag:s1], $0x2880  }
0x2b6: {  	[sflag:s1] =	ssyncset.done $0x0  }
0x2b7: {  	s26 =	rddreg [dreg:$0x7];
	[sflag:s1] =	ssyncadd.s32 $0xFFFFD780  }
0x2b8: {  	[hbm4b:s26+s3] =	stream.strided.scatter [tilespmem:s15], [sflag:$0x1], $0x2880, s4, s3, $0x38;
	[tilespmem:$0xCB80] =	vst v63  }
0x2b9: {  	_ =	swait.ge [sflag:s1], $0x2880  }
0x2ba: {  	[sflag:s1] =	ssyncset.done $0x0  }
0x2bb: {  	s29 =	simm.s32 $0xCB00;
	s28 =	rddreg [dreg:$0x8];
	[sflag:s1] =	ssyncadd.s32 $0xFFFFD780  }
0x2bc: {  	[hbm4b:s28+s2] =	stream.linear.scatter [tilespmem:s29], [sflag:$0x1], $0x80, $0x38;
	[tilespmem:$0xCB80] =	vst v63  }
0x2bd: {  	_ =	swait.ge [sflag:s1], $0x80  }
0x2be: {  	s30 =	rddreg [dreg:$0xa]  }
0x2bf: {  	s31 =	rddreg [dreg:$0x9];
	s3 =	sadd.s32 $0x1, s30  }
0x2c0: {  	p0 =	sne.s32 s3, s31  }
.Ltmp1:
0x2c1: {  	_ = 	snop;
	(pc) =	sbr.rel @p0 .LBB2_1-.Ltmp1, $3  }
0x2c2: {  	_ =	sdelay $0x1  }
0x2c3: {  	[sflag:s1] =	ssyncset.done $0x0  }
0x2c4: {  	[sflag:s1] =	ssyncadd.s32 $0xFFFFFF80  }
0x2c5: {  	_ =	sfence.sel $0x180000  }
0x2c6: {  	[bflag:$0x0] =	sbarrier.arrive $0xFFFF  }
0x2c7: {  	_ =	strace $0x90000047  }
0x2c8: {  	s0 =	stileid.u32;
	[bflag:$0x2] =	sbarrier.arrive $0xFFFF  }
0x2c9: {  	p0 =	sne.s32 s0, $0x0;
	s0 =	rddreg [dreg:$0x1]  }
0x2ca: {  	s0 =	sadd.s32 @!p0 $0x100000, s0  }
0x2cb: {  	[sflag:s0] =	ssyncadd.tile.s32 @!p0 $0x1;
	_ =	shalt  }
.Lfunc_end2:
_tile_overlayer_lowered:
.L_overlay_start_2:
0x2cc: {  	(tag) =	ssettag $0x2  }
0x2cd: {  	s0 =	rddreg [dreg:$0x0];
	s2 =	stileid.u32  }
0x2ce: {  	s1 =	rddreg [dreg:$0x1];
	p0 =	sne.s32 s2, $0x0  }
0x2cf: {  	s3 =	rddreg [dreg:$0x2];
	[bflag:$0x3] =	sbarrier.arrive $0xFFFF;
	s2 =	simm.s32 @!p0 $0x1C01  }
0x2d0: {  	[timem:s3], [sflag:s2] =	dma.local @!p0 [hbm:s0], s1  }
0x2d1: {  	s0 =	simm.s32 @!p0 $0x1  }
0x2d2: {  	_ =	swait.ge @!p0 [sflag:s0], s1  }
0x2d3: {  	s1 =	ssub.s32 @!p0 $0x0, s1;
	[sflag:s0] =	ssyncset.done @!p0 $0x0  }
0x2d4: {  	[sflag:s0] =	ssyncadd.s32 @!p0 s1  }
0x2d5: {  	[bflag:$0x3] =	sbarrier.arrive $0xFFFF  }
0x2d6: {  	_ =	shalt  }

</sc_bundles>
